<compile_context>
chip_gen: v7x
topology: tpu7x:2x2x1
jax: 0.10.2.dev20260603
libtpu: 0.0.44.dev20260713+nightly
codegen_flags: <defaults>
</compile_context>

<pallas_src>
import functools

import jax
import jax.numpy as jnp
from jax import lax
from jax.experimental import pallas as pl
from jax.experimental.pallas import tpu as pltpu
from jax.experimental.pallas import tpu_sc as plsc

E = 800000
G = 64
NW = 32
CH = E // NW
CHP = CH + 8
K = 16
INV_TEMP = 20.0
MARGIN = 0.2
PAIR_W = 0.3
NEG_BIG = -1e30
NEG_INF = float("-inf")
TINY = 1.1754943508222875e-38

BR = 256
SUB = 16
ROWS = E // 128
NB = -(-ROWS // BR)



_mesh = plsc.VectorSubcoreMesh(core_axis_name="c", subcore_axis_name="s")

NSTAT = 7
WSTAT = NSTAT * G * K


@functools.partial(
    pl.kernel,
    out_type=jax.ShapeDtypeStruct((NW * WSTAT,), jnp.float32),
    mesh=_mesh,
    compiler_params=pltpu.CompilerParams(needs_layout_passes=False),
    scratch_types=[
        pltpu.VMEM((CHP,), jnp.float32),
        pltpu.VMEM((CHP,), jnp.float32),
        pltpu.VMEM((CHP,), jnp.int32),
        pltpu.VMEM((80,), jnp.int32),
        pltpu.VMEM((WSTAT,), jnp.float32),
    ],
)
def _sc_part(logits_hbm, targets_hbm, eb_hbm, o_st, lg_v, tg_v, eb_v, lb_v, v_st):
    c = lax.axis_index("c")
    s = lax.axis_index("s")
    wid = s * 2 + c
    base = wid * CH
    pltpu.sync_copy(logits_hbm.at[pl.ds(base, CH)], lg_v.at[pl.ds(0, CH)])
    pltpu.sync_copy(targets_hbm.at[pl.ds(base, CH)], tg_v.at[pl.ds(0, CH)])
    pltpu.sync_copy(eb_hbm.at[pl.ds(base, CH)], eb_v.at[pl.ds(0, CH)])

    lane = lax.iota(jnp.int32, 16)

    for r in range(4):
        gvec = lane + r * 16

        def bs_body(i, carry):
            lo, hi = carry
            active = lo < hi
            mid = lax.div(lo + hi, 2)
            vals = plsc.load_gather(eb_v, [mid])
            right = vals < gvec
            lo2 = jnp.where(active & right, mid + 1, lo)
            hi2 = jnp.where(active & (~right), mid, hi)
            return lo2, hi2

        lo, hi = lax.fori_loop(
            0, 15, bs_body,
            (jnp.zeros((16,), jnp.int32), jnp.full((16,), CH, jnp.int32)))
        lb_v[pl.ds(r * 16, 16)] = lo
    lb_v[pl.ds(64, 16)] = jnp.full((16,), CH, jnp.int32)

    def graph_body(g, _):
        gfull = jnp.full((16,), g, jnp.int32)
        start_v = plsc.load_gather(lb_v, [gfull])
        end_v = plsc.load_gather(lb_v, [gfull + 1])
        start = lax.reduce_max(start_v, (0,))
        end = lax.reduce_max(end_v, (0,))
        i0 = lax.div(start, 16)
        i1 = lax.div(end + 15, 16)

        def pass1(i, carry):
            m_a, m_p, top = carry
            off = i * 16
            vraw = lg_v[pl.ds(off, 16)]
            trg = tg_v[pl.ds(off, 16)]
            gidx = off + lane
            valid = (gidx >= start) & (gidx < end)
            posm = valid & (trg > 0.5)
            sc_v = vraw * INV_TEMP
            sv = jnp.where(valid, sc_v, NEG_BIG)
            m_a2 = jnp.maximum(m_a, sv)
            pv = jnp.where(posm, sc_v, NEG_BIG)
            m_p2 = jnp.maximum(m_p, pv)

            negv = jnp.where(valid & (~posm), vraw, NEG_INF)
            kth = lax.reduce_min(top, (0,))

            def merge(t):
                asc = plsc.sort_key_val(negv, negv)[0]
                bit = jnp.maximum(t, asc)
                return plsc.sort_key_val(bit, bit, descending=True)[0]

            top2 = lax.cond(jnp.any(negv > kth), merge, lambda t: t, top)
            return (m_a2, m_p2, top2)

        init1 = (jnp.full((16,), NEG_BIG, jnp.float32),
                 jnp.full((16,), NEG_BIG, jnp.float32),
                 jnp.full((16,), NEG_INF, jnp.float32))
        m_a, m_p, top = lax.fori_loop(i0, i1, pass1, init1)
        M = lax.reduce_max(m_a, (0,))
        MP = lax.reduce_max(m_p, (0,))

        def pass2(i, carry):
            s_a, s_p, pc = carry
            off = i * 16
            vraw = lg_v[pl.ds(off, 16)]
            trg = tg_v[pl.ds(off, 16)]
            gidx = off + lane
            valid = (gidx >= start) & (gidx < end)
            posm = valid & (trg > 0.5)
            sc_v = vraw * INV_TEMP
            e_a = jnp.exp(sc_v - M)
            s_a2 = s_a + jnp.where(valid, e_a, 0.0)
            e_p = jnp.exp(sc_v - MP)
            s_p2 = s_p + jnp.where(posm, e_p, 0.0)
            pc2 = pc + jnp.where(posm, 1.0, 0.0)
            return (s_a2, s_p2, pc2)

        init2 = (jnp.zeros((16,), jnp.float32),
                 jnp.zeros((16,), jnp.float32),
                 jnp.zeros((16,), jnp.float32))
        s_a, s_p, pc = lax.fori_loop(i0, i1, pass2, init2)
        m_a = jnp.full((16,), M, jnp.float32)
        m_p = jnp.full((16,), MP, jnp.float32)

        slot = g * 16 + lane
        plsc.store_scatter(v_st, [slot + 0 * G * K], m_a)
        plsc.store_scatter(v_st, [slot + 1 * G * K], s_a)
        plsc.store_scatter(v_st, [slot + 2 * G * K], m_p)
        plsc.store_scatter(v_st, [slot + 3 * G * K], s_p)
        plsc.store_scatter(v_st, [slot + 4 * G * K], pc)
        nf = (end - start).astype(jnp.float32)
        cnt_vec = jnp.where(lane == 0, nf, 0.0)
        plsc.store_scatter(v_st, [slot + 5 * G * K], cnt_vec)
        plsc.store_scatter(v_st, [slot + 6 * G * K], top)
        return 0

    lax.fori_loop(0, G, graph_body, 0)

    pltpu.sync_copy(v_st, o_st.at[pl.ds(wid * WSTAT, WSTAT)])



def _softplus(x):
    return jnp.maximum(x, 0.0) + jnp.log(1.0 + jnp.exp(-jnp.abs(x)))


def _tc_body(lg_ref, tg_ref, eb_ref,
             ma_ref, sa_ref, mp_ref, sp_ref, pc_ref, ct_ref, hnc_ref,
             out_ref,
             rep_ref, pos_ref, nv_ref, accum_ref, listw_ref):
    pid = pl.program_id(0)

    @pl.when(pid == 0)
    def _init():
        m_ = ma_ref[...]
        s_ = sa_ref[...]
        M = jnp.max(m_, axis=1, keepdims=True)
        S = jnp.sum(s_ * jnp.exp(m_ - M), axis=1, keepdims=True)
        mp_ = mp_ref[...]
        sp_ = sp_ref[...]
        Mp = jnp.max(mp_, axis=1, keepdims=True)
        Sp = jnp.sum(sp_ * jnp.exp(mp_ - Mp), axis=1, keepdims=True)
        Pos = jnp.sum(pc_ref[...], axis=1, keepdims=True)
        Cnt = jnp.sum(ct_ref[...], axis=1, keepdims=True)
        log_denom = jnp.where(Cnt > 0, M + jnp.log(jnp.maximum(S, TINY)), 0.0)
        log_num = Mp + jnp.log(jnp.maximum(Sp, TINY))
        has_pos = Pos > 0
        log_num_safe = jnp.where(has_pos, log_num, log_denom)
        listwise_sum = jnp.sum(-(log_num_safe - log_denom))
        listwise_den = jnp.maximum(jnp.sum(has_pos.astype(jnp.float32)), 1.0)
        listw_ref[0] = listwise_sum / listwise_den

        cand = hnc_ref[...]
        iota1 = lax.broadcasted_iota(jnp.int32, (G, NW * K), 1)
        nv = jnp.zeros((G, 1), jnp.float32)
        for j in range(K):
            mj = jnp.max(cand, axis=1, keepdims=True)
            first = jnp.min(jnp.where(cand == mj, iota1, NW * K),
                            axis=1, keepdims=True)
            cand = jnp.where(iota1 == first, NEG_INF, cand)
            vj = mj > -1e37
            nv += vj.astype(jnp.float32)
            eff = jnp.where(vj, jnp.exp(mj + MARGIN), 0.0)
            rep_ref[:, j] = lax.broadcast_in_dim(eff, (G, SUB, 128), (0, 1))
        pos_ref[...] = Pos
        nv_ref[...] = nv
        accum_ref[...] = jnp.zeros((G, 1), jnp.float32)

    v = lg_ref[...]
    inb = (pid * BR + lax.broadcasted_iota(jnp.int32, (BR, 128), 0)) < ROWS
    posm = (tg_ref[...] > 0.5) & inb
    eb = jnp.where(inb, eb_ref[...], G - 1)
    g_lo = jnp.min(eb)
    g_hi = jnp.max(eb)
    giota = lax.broadcasted_iota(jnp.int32, (G, 1), 0)

    negexp = jnp.exp(-v)

    def qprod(eq):
        p = eq[0:2] * eq[2:4]
        return p[0] * p[1]

    def g_body(g, contrib):
        ej = rep_ref[g]
        msk = posm & (eb == g)
        ssum = jnp.float32(0.0)
        for t in range(BR // SUB):
            ft = negexp[t * SUB:(t + 1) * SUB, :]
            f3 = lax.broadcast_in_dim(ft, (K, SUB, 128), (1, 2))
            e = 1.0 + ej * f3
            acc = (jnp.log(qprod(e[0:4])) + jnp.log(qprod(e[4:8]))
                   + jnp.log(qprod(e[8:12])) + jnp.log(qprod(e[12:16])))
            ssum += jnp.sum(
                jnp.where(msk[t * SUB:(t + 1) * SUB, :], acc, 0.0))
        return contrib + jnp.where(giota == g, ssum, 0.0)

    contrib = lax.fori_loop(g_lo, g_hi + 1, g_body,
                            jnp.zeros((G, 1), jnp.float32))
    accum_ref[...] += contrib

    @pl.when(pid == NB - 1)
    def _fin():
        Pos = pos_ref[...]
        nv = nv_ref[...]
        pair_sum = accum_ref[...]
        pair_cnt = Pos * nv
        cond = (Pos > 0) & (nv > 0)
        mean_g = jnp.where(cond, pair_sum / jnp.maximum(pair_cnt, 1.0), 0.0)
        pgraphs = jnp.sum(cond.astype(jnp.float32))
        pairwise = jnp.sum(mean_g) / jnp.maximum(pgraphs, 1.0)
        out_ref[...] = jnp.full((1, 1), listw_ref[0] + PAIR_W * pairwise,
                                jnp.float32)


_tc_part = pl.pallas_call(
    _tc_body,
    grid=(NB,),
    in_specs=(
        [pl.BlockSpec((BR, 128), lambda i: (i, 0))] * 3
        + [pl.BlockSpec((G, NW * K), lambda i: (0, 0))] * 7
    ),
    out_specs=pl.BlockSpec((1, 1), lambda i: (0, 0)),
    out_shape=jax.ShapeDtypeStruct((1, 1), jnp.float32),
    scratch_shapes=[
        pltpu.VMEM((G, K, SUB, 128), jnp.float32),
        pltpu.VMEM((G, 1), jnp.float32),
        pltpu.VMEM((G, 1), jnp.float32),
        pltpu.VMEM((G, 1), jnp.float32),
        pltpu.SMEM((1,), jnp.float32),
    ],
)


def kernel(logits, targets, edge_batch, num_graphs):
    eb = edge_batch.astype(jnp.int32)
    st = _sc_part(logits, targets, eb).reshape(NW, NSTAT, G, K)
    st = jnp.transpose(st, (1, 2, 0, 3)).reshape(NSTAT, G, NW * K)
    ma, sa, mp, sp, pc, ct, hnc = (st[i] for i in range(NSTAT))

    out = _tc_part(logits.reshape(ROWS, 128), targets.reshape(ROWS, 128),
                   eb.reshape(ROWS, 128), ma, sa, mp, sp, pc, ct, hnc)
    return out.reshape(())

# --- scband reference (transcript-rebuilt; emitter-appended) ---
"""Pipeline reference for scband-retriever-listwise-hard-neg-loss-41016937677180 (READ-ONLY COPY).

The authoritative reference and input builder live on the scoring server;
editing this copy changes nothing except your own understanding.
"""

import jax, jax.numpy as jnp
import numpy as np

TEMPERATURE = 0.05
LISTWISE_WEIGHT = 1.0
HARD_NEG_K = 16
PAIRWISE_MARGIN = 0.2
PAIRWISE_WEIGHT = 0.3


def _masked_segment_logsumexp(values, mask, index, num_segments):
    masked_vals = jnp.where(mask, values, -jnp.inf)
    max_per = jax.ops.segment_max(masked_vals, index, num_segments=num_segments)
    safe_max = jnp.where(jnp.isfinite(max_per), max_per, 0.0)
    term = jnp.where(mask, jnp.exp(values - safe_max[index]), 0.0)
    exp_sum = jax.ops.segment_sum(term, index, num_segments=num_segments)
    tiny = jnp.finfo(values.dtype).tiny
    return max_per + jnp.log(jnp.maximum(exp_sum, tiny))


def _forward(logits, targets, edge_batch, num_graphs):
    G = 64
    ng = jnp.asarray(num_graphs, jnp.int32)
    eb = jnp.minimum(edge_batch.astype(jnp.int32), ng - 1)
    E = logits.shape[0]
    scaled = logits / TEMPERATURE
    all_mask = jnp.ones((E,), dtype=bool)
    log_denom = _masked_segment_logsumexp(scaled, all_mask, eb, G)
    edge_cnt = jnp.bincount(eb, length=G)
    has_edge = edge_cnt > 0
    log_denom = jnp.where(has_edge, log_denom, 0.0)
    pos_mask = targets > 0.5
    log_num = _masked_segment_logsumexp(scaled, pos_mask, eb, G)
    pos_cnt = jax.ops.segment_sum(pos_mask.astype(scaled.dtype), eb, num_segments=G)
    has_pos = pos_cnt > 0
    log_num_safe = jnp.where(has_pos, log_num, log_denom)
    listwise_per = -(log_num_safe - log_denom)
    listwise_sum = listwise_per.sum()
    listwise_den = jnp.maximum(has_pos.astype(scaled.dtype).sum(), 1.0)
    listwise_loss = listwise_sum / listwise_den

    # Hard-negative pairwise term (edge_batch is sorted / non-decreasing)
    k = HARD_NEG_K
    neg_mask = ~pos_mask
    neg_scores = jnp.where(neg_mask, logits, -jnp.inf)
    # per-segment descending sort of negative logits: primary key eb, secondary key -score
    order = jnp.lexsort((-neg_scores, eb))
    eb_s = eb[order]
    scores_s = neg_scores[order]
    counts = jnp.bincount(eb, length=G)
    ptr = jnp.concatenate([jnp.zeros((1,), counts.dtype), jnp.cumsum(counts)])[:-1]
    rank = jnp.arange(E, dtype=jnp.int32) - ptr[eb_s].astype(jnp.int32)
    valid = (rank < k) & jnp.isfinite(scores_s)
    rank_c = jnp.clip(rank, 0, k - 1)
    hn = jnp.zeros((G, k), logits.dtype).at[eb_s, rank_c].add(jnp.where(valid, scores_s, 0.0))
    hn_valid = (jnp.zeros((G, k), logits.dtype).at[eb_s, rank_c].add(valid.astype(logits.dtype)) > 0)
    n_valid = hn_valid.sum(axis=1).astype(logits.dtype)
    hn_e = hn[eb]                       # [E, k] hard-neg logits per edge's graph
    vmask_e = hn_valid[eb].astype(logits.dtype)
    sp = jax.nn.softplus(PAIRWISE_MARGIN + hn_e - logits[:, None])
    sp = sp * vmask_e * pos_mask[:, None].astype(logits.dtype)
    pair_sum = jax.ops.segment_sum(sp.sum(axis=1), eb, num_segments=G)
    pair_cnt = pos_cnt * n_valid
    cond = (pos_cnt > 0) & (n_valid > 0)
    mean_g = jnp.where(cond, pair_sum / jnp.maximum(pair_cnt, 1.0), 0.0)
    pairwise_graphs = cond.astype(logits.dtype).sum()
    pairwise_loss = mean_g.sum() / jnp.maximum(pairwise_graphs, 1.0)

    total = LISTWISE_WEIGHT * listwise_loss + PAIRWISE_WEIGHT * pairwise_loss
    return total


def setup_inputs(seed: int = 0) -> dict:
    key = jax.random.key(seed)
    k1, k2, k3 = jax.random.split(key, 3)
    E = 800000
    G = 64
    logits = jax.random.normal(k1, (E,), dtype=jnp.float32)
    targets = jax.random.uniform(k2, (E,), dtype=jnp.float32)
    edge_batch = jnp.sort(jax.random.randint(k3, (E,), 0, G)).astype(jnp.int32)
    return {"logits": logits, "targets": targets, "edge_batch": edge_batch, "num_graphs": G}


def reference(logits, targets, edge_batch, num_graphs):
    return _forward(logits, targets, edge_batch, num_graphs)

if __name__ == "__main__":
    import jax
    _d = setup_inputs()
    print(jax.jit(kernel)(*tuple(_d.values())))

</pallas_src>

<mosaic_0001>
#map = affine_map<(d0, d1) -> (0)>
module attributes {stable_mosaic.version = 14 : i64} {
  func.func @_sc_part(%arg0: i32, %arg1: i32, %arg2: memref<800000xf32, #tpu.memory_space<hbm>>, %arg3: memref<800000xf32, #tpu.memory_space<hbm>>, %arg4: memref<800000xi32, #tpu.memory_space<hbm>>, %arg5: memref<229376xf32, #tpu.memory_space<hbm>>, %arg6: memref<25008xf32, #tpu.memory_space<vmem>>, %arg7: memref<25008xf32, #tpu.memory_space<vmem>>, %arg8: memref<25008xi32, #tpu.memory_space<vmem>>, %arg9: memref<80xi32, #tpu.memory_space<vmem>>, %arg10: memref<7168xf32, #tpu.memory_space<vmem>>) attributes {dimension_semantics = [#tpu.dimension_semantics<core_parallel>, #tpu.dimension_semantics<subcore_parallel>], iteration_bounds = array<i64: 2, 16>, scalar_prefetch = 0 : i64, scratch_operands = 5 : i64, tpu.core_type = #tpu.core_type<sc_vector_subcore>, window_params = [{transform_indices = #map}, {transform_indices = #map}, {transform_indices = #map}, {transform_indices = #map}]} {
    %mul3A = arith.constant 2 : i32
    %mul3A_0 = arith.muli %arg1, %mul3A : i32
    %add3A = arith.addi %mul3A_0, %arg0 : i32
    %mul3A_1 = arith.constant 25000 : i32
    %mul3A_2 = arith.muli %add3A, %mul3A_1 : i32
    "tpu.region"() ({
      %run_scoped3A = tpu.sem_alloc : memref<!tpu.dma_semaphore, #tpu.memory_space<semaphore_mem>>
      %dma_start3A = arith.constant 0 : i32
      %dma_start3A_73 = tpu.memref_slice %arg6[%dma_start3A] : memref<25008xf32, #tpu.memory_space<vmem>> -> memref<25000xf32, #tpu.memory_space<vmem>>
      %dma_start3A_74 = tpu.memref_slice %arg2[%mul3A_2] : memref<800000xf32, #tpu.memory_space<hbm>> -> memref<25000xf32, #tpu.memory_space<hbm>>
      %dma_start3A_75 = arith.constant 0 : i32
      %dma_start3A_76 = tpu.memref_slice %arg6[%dma_start3A_75] : memref<25008xf32, #tpu.memory_space<vmem>> -> memref<25000xf32, #tpu.memory_space<vmem>>
      %dma_start3A_77 = tpu.memref_slice %arg2[%mul3A_2] : memref<800000xf32, #tpu.memory_space<hbm>> -> memref<25000xf32, #tpu.memory_space<hbm>>
      tpu.enqueue_dma source(%dma_start3A_77 : memref<25000xf32, #tpu.memory_space<hbm>>) target(%dma_start3A_76 : memref<25000xf32, #tpu.memory_space<vmem>>) target_semaphore(%run_scoped3A : memref<!tpu.dma_semaphore, #tpu.memory_space<semaphore_mem>>)
      %dma_wait3A = arith.constant 0 : i32
      %dma_wait3A_78 = tpu.memref_slice %arg6[%dma_wait3A] : memref<25008xf32, #tpu.memory_space<vmem>> -> memref<25000xf32, #tpu.memory_space<vmem>>
      %dma_wait3A_79 = tpu.memref_slice %arg2[%mul3A_2] : memref<800000xf32, #tpu.memory_space<hbm>> -> memref<25000xf32, #tpu.memory_space<hbm>>
      %dma_wait3A_80 = arith.constant 0 : i32
      %dma_wait3A_81 = tpu.memref_slice %arg6[%dma_wait3A_80] : memref<25008xf32, #tpu.memory_space<vmem>> -> memref<25000xf32, #tpu.memory_space<vmem>>
      %dma_wait3A_82 = tpu.memref_slice %arg2[%mul3A_2] : memref<800000xf32, #tpu.memory_space<hbm>> -> memref<25000xf32, #tpu.memory_space<hbm>>
      tpu.wait_dma2 semaphore(%run_scoped3A : memref<!tpu.dma_semaphore, #tpu.memory_space<semaphore_mem>>) src(%dma_wait3A_82 : memref<25000xf32, #tpu.memory_space<hbm>>) dst(%dma_wait3A_81 : memref<25000xf32, #tpu.memory_space<vmem>>)
      tpu.yield
    }) : () -> ()
    "tpu.region"() ({
      %run_scoped3A = tpu.sem_alloc : memref<!tpu.dma_semaphore, #tpu.memory_space<semaphore_mem>>
      %dma_start3A = arith.constant 0 : i32
      %dma_start3A_73 = tpu.memref_slice %arg7[%dma_start3A] : memref<25008xf32, #tpu.memory_space<vmem>> -> memref<25000xf32, #tpu.memory_space<vmem>>
      %dma_start3A_74 = tpu.memref_slice %arg3[%mul3A_2] : memref<800000xf32, #tpu.memory_space<hbm>> -> memref<25000xf32, #tpu.memory_space<hbm>>
      %dma_start3A_75 = arith.constant 0 : i32
      %dma_start3A_76 = tpu.memref_slice %arg7[%dma_start3A_75] : memref<25008xf32, #tpu.memory_space<vmem>> -> memref<25000xf32, #tpu.memory_space<vmem>>
      %dma_start3A_77 = tpu.memref_slice %arg3[%mul3A_2] : memref<800000xf32, #tpu.memory_space<hbm>> -> memref<25000xf32, #tpu.memory_space<hbm>>
      tpu.enqueue_dma source(%dma_start3A_77 : memref<25000xf32, #tpu.memory_space<hbm>>) target(%dma_start3A_76 : memref<25000xf32, #tpu.memory_space<vmem>>) target_semaphore(%run_scoped3A : memref<!tpu.dma_semaphore, #tpu.memory_space<semaphore_mem>>)
      %dma_wait3A = arith.constant 0 : i32
      %dma_wait3A_78 = tpu.memref_slice %arg7[%dma_wait3A] : memref<25008xf32, #tpu.memory_space<vmem>> -> memref<25000xf32, #tpu.memory_space<vmem>>
      %dma_wait3A_79 = tpu.memref_slice %arg3[%mul3A_2] : memref<800000xf32, #tpu.memory_space<hbm>> -> memref<25000xf32, #tpu.memory_space<hbm>>
      %dma_wait3A_80 = arith.constant 0 : i32
      %dma_wait3A_81 = tpu.memref_slice %arg7[%dma_wait3A_80] : memref<25008xf32, #tpu.memory_space<vmem>> -> memref<25000xf32, #tpu.memory_space<vmem>>
      %dma_wait3A_82 = tpu.memref_slice %arg3[%mul3A_2] : memref<800000xf32, #tpu.memory_space<hbm>> -> memref<25000xf32, #tpu.memory_space<hbm>>
      tpu.wait_dma2 semaphore(%run_scoped3A : memref<!tpu.dma_semaphore, #tpu.memory_space<semaphore_mem>>) src(%dma_wait3A_82 : memref<25000xf32, #tpu.memory_space<hbm>>) dst(%dma_wait3A_81 : memref<25000xf32, #tpu.memory_space<vmem>>)
      tpu.yield
    }) : () -> ()
    "tpu.region"() ({
      %run_scoped3A = tpu.sem_alloc : memref<!tpu.dma_semaphore, #tpu.memory_space<semaphore_mem>>
      %dma_start3A = arith.constant 0 : i32
      %dma_start3A_73 = tpu.memref_slice %arg8[%dma_start3A] : memref<25008xi32, #tpu.memory_space<vmem>> -> memref<25000xi32, #tpu.memory_space<vmem>>
      %dma_start3A_74 = tpu.memref_slice %arg4[%mul3A_2] : memref<800000xi32, #tpu.memory_space<hbm>> -> memref<25000xi32, #tpu.memory_space<hbm>>
      %dma_start3A_75 = arith.constant 0 : i32
      %dma_start3A_76 = tpu.memref_slice %arg8[%dma_start3A_75] : memref<25008xi32, #tpu.memory_space<vmem>> -> memref<25000xi32, #tpu.memory_space<vmem>>
      %dma_start3A_77 = tpu.memref_slice %arg4[%mul3A_2] : memref<800000xi32, #tpu.memory_space<hbm>> -> memref<25000xi32, #tpu.memory_space<hbm>>
      tpu.enqueue_dma source(%dma_start3A_77 : memref<25000xi32, #tpu.memory_space<hbm>>) target(%dma_start3A_76 : memref<25000xi32, #tpu.memory_space<vmem>>) target_semaphore(%run_scoped3A : memref<!tpu.dma_semaphore, #tpu.memory_space<semaphore_mem>>)
      %dma_wait3A = arith.constant 0 : i32
      %dma_wait3A_78 = tpu.memref_slice %arg8[%dma_wait3A] : memref<25008xi32, #tpu.memory_space<vmem>> -> memref<25000xi32, #tpu.memory_space<vmem>>
      %dma_wait3A_79 = tpu.memref_slice %arg4[%mul3A_2] : memref<800000xi32, #tpu.memory_space<hbm>> -> memref<25000xi32, #tpu.memory_space<hbm>>
      %dma_wait3A_80 = arith.constant 0 : i32
      %dma_wait3A_81 = tpu.memref_slice %arg8[%dma_wait3A_80] : memref<25008xi32, #tpu.memory_space<vmem>> -> memref<25000xi32, #tpu.memory_space<vmem>>
      %dma_wait3A_82 = tpu.memref_slice %arg4[%mul3A_2] : memref<800000xi32, #tpu.memory_space<hbm>> -> memref<25000xi32, #tpu.memory_space<hbm>>
      tpu.wait_dma2 semaphore(%run_scoped3A : memref<!tpu.dma_semaphore, #tpu.memory_space<semaphore_mem>>) src(%dma_wait3A_82 : memref<25000xi32, #tpu.memory_space<hbm>>) dst(%dma_wait3A_81 : memref<25000xi32, #tpu.memory_space<vmem>>)
      tpu.yield
    }) : () -> ()
    %iota3A = tpu.iota {dimensions = array<i32: 0>} : vector<16xi32>
    %add3A_3 = arith.constant 0 : i32
    %add3A_4 = vector.broadcast %add3A_3 : i32 to vector<16xi32>
    %add3A_5 = arith.addi %iota3A, %add3A_4 : vector<16xi32>
    %broadcast_in_dim3A = arith.constant 0 : i32
    %broadcast_in_dim3A_6 = vector.broadcast %broadcast_in_dim3A : i32 to vector<16xi32>
    %broadcast_in_dim3A_7 = arith.constant 25000 : i32
    %broadcast_in_dim3A_8 = vector.broadcast %broadcast_in_dim3A_7 : i32 to vector<16xi32>
    %scan3A = arith.constant 0 : i32
    %scan3A_9 = arith.constant 15 : i32
    %scan3A_10 = arith.addi %scan3A, %scan3A_9 : i32
    %scan3A_11 = arith.constant 1 : i32
    %scan3A_12:2 = scf.for %scan3A_73 = %scan3A to %scan3A_10 step %scan3A_11 iter_args(%scan3A_74 = %broadcast_in_dim3A_6, %scan3A_75 = %broadcast_in_dim3A_8) -> (vector<16xi32>, vector<16xi32>)  : i32 {
      %lt3A = arith.cmpi slt, %scan3A_74, %scan3A_75 : vector<16xi32>
      %add3A_76 = arith.addi %scan3A_74, %scan3A_75 : vector<16xi32>
      %div3A = arith.constant 2 : i32
      %div3A_77 = vector.broadcast %div3A : i32 to vector<16xi32>
      %div3A_78 = arith.divsi %add3A_76, %div3A_77 : vector<16xi32>
      %gather3A = tpu.vector_load_idx %arg8[%div3A_78] : memref<25008xi32, #tpu.memory_space<vmem>>[vector<16xi32>], vector<16xi32>,
      %lt3A_79 = arith.cmpi slt, %gather3A, %add3A_5 : vector<16xi32>
      %and3A = arith.andi %lt3A, %lt3A_79 : vector<16xi1>
      %add3A_80 = arith.constant 1 : i32
      %add3A_81 = vector.broadcast %add3A_80 : i32 to vector<16xi32>
      %add3A_82 = arith.addi %div3A_78, %add3A_81 : vector<16xi32>
      %select_n3A = arith.select %and3A, %add3A_82, %scan3A_74 : vector<16xi1>, vector<16xi32>
      %not3A = arith.constant dense<true> : vector<16xi1>
      %not3A_83 = arith.xori %lt3A_79, %not3A : vector<16xi1>
      %and3A_84 = arith.andi %lt3A, %not3A_83 : vector<16xi1>
      %select_n3A_85 = arith.select %and3A_84, %div3A_78, %scan3A_75 : vector<16xi1>, vector<16xi32>
      scf.yield %select_n3A, %select_n3A_85 : vector<16xi32>, vector<16xi32>
    }
    %scan3A_13 = arith.constant 15 : i32
    %swap3A = arith.constant 0 : index
    %swap3A_14 = tpu.vector_load %arg9[%swap3A] {strides = array<i32>} : memref<80xi32, #tpu.memory_space<vmem>>, vector<16xi32>,
    tpu.vector_store %arg9[%swap3A], %scan3A_12#0 {strides = array<i32>} : memref<80xi32, #tpu.memory_space<vmem>>, vector<16xi32>,
    %add3A_15 = arith.constant 16 : i32
    %add3A_16 = vector.broadcast %add3A_15 : i32 to vector<16xi32>
    %add3A_17 = arith.addi %iota3A, %add3A_16 : vector<16xi32>
    %broadcast_in_dim3A_18 = arith.constant 0 : i32
    %broadcast_in_dim3A_19 = vector.broadcast %broadcast_in_dim3A_18 : i32 to vector<16xi32>
    %broadcast_in_dim3A_20 = arith.constant 25000 : i32
    %broadcast_in_dim3A_21 = vector.broadcast %broadcast_in_dim3A_20 : i32 to vector<16xi32>
    %scan3A_22 = arith.constant 0 : i32
    %scan3A_23 = arith.constant 15 : i32
    %scan3A_24 = arith.addi %scan3A_22, %scan3A_23 : i32
    %scan3A_25 = arith.constant 1 : i32
    %scan3A_26:2 = scf.for %scan3A_73 = %scan3A_22 to %scan3A_24 step %scan3A_25 iter_args(%scan3A_74 = %broadcast_in_dim3A_19, %scan3A_75 = %broadcast_in_dim3A_21) -> (vector<16xi32>, vector<16xi32>)  : i32 {
      %lt3A = arith.cmpi slt, %scan3A_74, %scan3A_75 : vector<16xi32>
      %add3A_76 = arith.addi %scan3A_74, %scan3A_75 : vector<16xi32>
      %div3A = arith.constant 2 : i32
      %div3A_77 = vector.broadcast %div3A : i32 to vector<16xi32>
      %div3A_78 = arith.divsi %add3A_76, %div3A_77 : vector<16xi32>
      %gather3A = tpu.vector_load_idx %arg8[%div3A_78] : memref<25008xi32, #tpu.memory_space<vmem>>[vector<16xi32>], vector<16xi32>,
      %lt3A_79 = arith.cmpi slt, %gather3A, %add3A_17 : vector<16xi32>
      %and3A = arith.andi %lt3A, %lt3A_79 : vector<16xi1>
      %add3A_80 = arith.constant 1 : i32
      %add3A_81 = vector.broadcast %add3A_80 : i32 to vector<16xi32>
      %add3A_82 = arith.addi %div3A_78, %add3A_81 : vector<16xi32>
      %select_n3A = arith.select %and3A, %add3A_82, %scan3A_74 : vector<16xi1>, vector<16xi32>
      %not3A = arith.constant dense<true> : vector<16xi1>
      %not3A_83 = arith.xori %lt3A_79, %not3A : vector<16xi1>
      %and3A_84 = arith.andi %lt3A, %not3A_83 : vector<16xi1>
      %select_n3A_85 = arith.select %and3A_84, %div3A_78, %scan3A_75 : vector<16xi1>, vector<16xi32>
      scf.yield %select_n3A, %select_n3A_85 : vector<16xi32>, vector<16xi32>
    }
    %scan3A_27 = arith.constant 15 : i32
    %swap3A_28 = arith.constant 16 : index
    %swap3A_29 = tpu.vector_load %arg9[%swap3A_28] {strides = array<i32>} : memref<80xi32, #tpu.memory_space<vmem>>, vector<16xi32>,
    tpu.vector_store %arg9[%swap3A_28], %scan3A_26#0 {strides = array<i32>} : memref<80xi32, #tpu.memory_space<vmem>>, vector<16xi32>,
    %add3A_30 = arith.constant 32 : i32
    %add3A_31 = vector.broadcast %add3A_30 : i32 to vector<16xi32>
    %add3A_32 = arith.addi %iota3A, %add3A_31 : vector<16xi32>
    %broadcast_in_dim3A_33 = arith.constant 0 : i32
    %broadcast_in_dim3A_34 = vector.broadcast %broadcast_in_dim3A_33 : i32 to vector<16xi32>
    %broadcast_in_dim3A_35 = arith.constant 25000 : i32
    %broadcast_in_dim3A_36 = vector.broadcast %broadcast_in_dim3A_35 : i32 to vector<16xi32>
    %scan3A_37 = arith.constant 0 : i32
    %scan3A_38 = arith.constant 15 : i32
    %scan3A_39 = arith.addi %scan3A_37, %scan3A_38 : i32
    %scan3A_40 = arith.constant 1 : i32
    %scan3A_41:2 = scf.for %scan3A_73 = %scan3A_37 to %scan3A_39 step %scan3A_40 iter_args(%scan3A_74 = %broadcast_in_dim3A_34, %scan3A_75 = %broadcast_in_dim3A_36) -> (vector<16xi32>, vector<16xi32>)  : i32 {
      %lt3A = arith.cmpi slt, %scan3A_74, %scan3A_75 : vector<16xi32>
      %add3A_76 = arith.addi %scan3A_74, %scan3A_75 : vector<16xi32>
      %div3A = arith.constant 2 : i32
      %div3A_77 = vector.broadcast %div3A : i32 to vector<16xi32>
      %div3A_78 = arith.divsi %add3A_76, %div3A_77 : vector<16xi32>
      %gather3A = tpu.vector_load_idx %arg8[%div3A_78] : memref<25008xi32, #tpu.memory_space<vmem>>[vector<16xi32>], vector<16xi32>,
      %lt3A_79 = arith.cmpi slt, %gather3A, %add3A_32 : vector<16xi32>
      %and3A = arith.andi %lt3A, %lt3A_79 : vector<16xi1>
      %add3A_80 = arith.constant 1 : i32
      %add3A_81 = vector.broadcast %add3A_80 : i32 to vector<16xi32>
      %add3A_82 = arith.addi %div3A_78, %add3A_81 : vector<16xi32>
      %select_n3A = arith.select %and3A, %add3A_82, %scan3A_74 : vector<16xi1>, vector<16xi32>
      %not3A = arith.constant dense<true> : vector<16xi1>
      %not3A_83 = arith.xori %lt3A_79, %not3A : vector<16xi1>
      %and3A_84 = arith.andi %lt3A, %not3A_83 : vector<16xi1>
      %select_n3A_85 = arith.select %and3A_84, %div3A_78, %scan3A_75 : vector<16xi1>, vector<16xi32>
      scf.yield %select_n3A, %select_n3A_85 : vector<16xi32>, vector<16xi32>
    }
    %scan3A_42 = arith.constant 15 : i32
    %swap3A_43 = arith.constant 32 : index
    %swap3A_44 = tpu.vector_load %arg9[%swap3A_43] {strides = array<i32>} : memref<80xi32, #tpu.memory_space<vmem>>, vector<16xi32>,
    tpu.vector_store %arg9[%swap3A_43], %scan3A_41#0 {strides = array<i32>} : memref<80xi32, #tpu.memory_space<vmem>>, vector<16xi32>,
    %add3A_45 = arith.constant 48 : i32
    %add3A_46 = vector.broadcast %add3A_45 : i32 to vector<16xi32>
    %add3A_47 = arith.addi %iota3A, %add3A_46 : vector<16xi32>
    %broadcast_in_dim3A_48 = arith.constant 0 : i32
    %broadcast_in_dim3A_49 = vector.broadcast %broadcast_in_dim3A_48 : i32 to vector<16xi32>
    %broadcast_in_dim3A_50 = arith.constant 25000 : i32
    %broadcast_in_dim3A_51 = vector.broadcast %broadcast_in_dim3A_50 : i32 to vector<16xi32>
    %scan3A_52 = arith.constant 0 : i32
    %scan3A_53 = arith.constant 15 : i32
    %scan3A_54 = arith.addi %scan3A_52, %scan3A_53 : i32
    %scan3A_55 = arith.constant 1 : i32
    %scan3A_56:2 = scf.for %scan3A_73 = %scan3A_52 to %scan3A_54 step %scan3A_55 iter_args(%scan3A_74 = %broadcast_in_dim3A_49, %scan3A_75 = %broadcast_in_dim3A_51) -> (vector<16xi32>, vector<16xi32>)  : i32 {
      %lt3A = arith.cmpi slt, %scan3A_74, %scan3A_75 : vector<16xi32>
      %add3A_76 = arith.addi %scan3A_74, %scan3A_75 : vector<16xi32>
      %div3A = arith.constant 2 : i32
      %div3A_77 = vector.broadcast %div3A : i32 to vector<16xi32>
      %div3A_78 = arith.divsi %add3A_76, %div3A_77 : vector<16xi32>
      %gather3A = tpu.vector_load_idx %arg8[%div3A_78] : memref<25008xi32, #tpu.memory_space<vmem>>[vector<16xi32>], vector<16xi32>,
      %lt3A_79 = arith.cmpi slt, %gather3A, %add3A_47 : vector<16xi32>
      %and3A = arith.andi %lt3A, %lt3A_79 : vector<16xi1>
      %add3A_80 = arith.constant 1 : i32
      %add3A_81 = vector.broadcast %add3A_80 : i32 to vector<16xi32>
      %add3A_82 = arith.addi %div3A_78, %add3A_81 : vector<16xi32>
      %select_n3A = arith.select %and3A, %add3A_82, %scan3A_74 : vector<16xi1>, vector<16xi32>
      %not3A = arith.constant dense<true> : vector<16xi1>
      %not3A_83 = arith.xori %lt3A_79, %not3A : vector<16xi1>
      %and3A_84 = arith.andi %lt3A, %not3A_83 : vector<16xi1>
      %select_n3A_85 = arith.select %and3A_84, %div3A_78, %scan3A_75 : vector<16xi1>, vector<16xi32>
      scf.yield %select_n3A, %select_n3A_85 : vector<16xi32>, vector<16xi32>
    }
    %scan3A_57 = arith.constant 15 : i32
    %swap3A_58 = arith.constant 48 : index
    %swap3A_59 = tpu.vector_load %arg9[%swap3A_58] {strides = array<i32>} : memref<80xi32, #tpu.memory_space<vmem>>, vector<16xi32>,
    tpu.vector_store %arg9[%swap3A_58], %scan3A_56#0 {strides = array<i32>} : memref<80xi32, #tpu.memory_space<vmem>>, vector<16xi32>,
    %broadcast_in_dim3A_60 = arith.constant 25000 : i32
    %broadcast_in_dim3A_61 = vector.broadcast %broadcast_in_dim3A_60 : i32 to vector<16xi32>
    %swap3A_62 = arith.constant 64 : index
    %swap3A_63 = tpu.vector_load %arg9[%swap3A_62] {strides = array<i32>} : memref<80xi32, #tpu.memory_space<vmem>>, vector<16xi32>,
    tpu.vector_store %arg9[%swap3A_62], %broadcast_in_dim3A_61 {strides = array<i32>} : memref<80xi32, #tpu.memory_space<vmem>>, vector<16xi32>,
    %scan3A_64 = arith.constant 0 : i32
    %scan3A_65 = arith.constant 0 : i32
    %scan3A_66 = arith.constant 64 : i32
    %scan3A_67 = arith.addi %scan3A_65, %scan3A_66 : i32
    %scan3A_68 = arith.constant 1 : i32
    %scan3A_69 = scf.for %scan3A_73 = %scan3A_65 to %scan3A_67 step %scan3A_68 iter_args(%scan3A_74 = %scan3A_64) -> (i32)  : i32 {
      %broadcast_in_dim3A_75 = vector.broadcast %scan3A_73 : i32 to vector<16xi32>
      %gather3A = tpu.vector_load_idx %arg9[%broadcast_in_dim3A_75] : memref<80xi32, #tpu.memory_space<vmem>>[vector<16xi32>], vector<16xi32>,
      %add3A_76 = arith.constant 1 : i32
      %add3A_77 = vector.broadcast %add3A_76 : i32 to vector<16xi32>
      %add3A_78 = arith.addi %broadcast_in_dim3A_75, %add3A_77 : vector<16xi32>
      %gather3A_79 = tpu.vector_load_idx %arg9[%add3A_78] : memref<80xi32, #tpu.memory_space<vmem>>[vector<16xi32>], vector<16xi32>,
      %reduce_max3A = arith.constant true
      %reduce_max3A_80 = vector.broadcast %reduce_max3A : i1 to vector<16xi1>
      %reduce_max3A_81 = arith.constant -2147483648 : i32
      %reduce_max3A_82 = vector.broadcast %reduce_max3A_81 : i32 to vector<16xi32>
      %reduce_max3A_83 = arith.xori %gather3A, %reduce_max3A_82 : vector<16xi32>
      %reduce_max3A_84 = tpu.scan <max>, %reduce_max3A_83 masked %reduce_max3A_80 : vector<16xi32>, vector<16xi1> -> vector<16xi32>
      %reduce_max3A_85 = arith.xori %reduce_max3A_84, %reduce_max3A_82 : vector<16xi32>
      %reduce_max3A_86 = vector.extract %reduce_max3A_85[15] : i32 from vector<16xi32>
      %reduce_max3A_87 = arith.constant true
      %reduce_max3A_88 = vector.broadcast %reduce_max3A_87 : i1 to vector<16xi1>
      %reduce_max3A_89 = arith.constant -2147483648 : i32
      %reduce_max3A_90 = vector.broadcast %reduce_max3A_89 : i32 to vector<16xi32>
      %reduce_max3A_91 = arith.xori %gather3A_79, %reduce_max3A_90 : vector<16xi32>
      %reduce_max3A_92 = tpu.scan <max>, %reduce_max3A_91 masked %reduce_max3A_88 : vector<16xi32>, vector<16xi1> -> vector<16xi32>
      %reduce_max3A_93 = arith.xori %reduce_max3A_92, %reduce_max3A_90 : vector<16xi32>
      %reduce_max3A_94 = vector.extract %reduce_max3A_93[15] : i32 from vector<16xi32>
      %div3A = arith.constant 16 : i32
      %div3A_95 = arith.divsi %reduce_max3A_86, %div3A : i32
      %add3A_96 = arith.constant 15 : i32
      %add3A_97 = arith.addi %reduce_max3A_94, %add3A_96 : i32
      %div3A_98 = arith.constant 16 : i32
      %div3A_99 = arith.divsi %add3A_97, %div3A_98 : i32
      %broadcast_in_dim3A_100 = arith.constant -1.000000e+30 : f32
      %broadcast_in_dim3A_101 = vector.broadcast %broadcast_in_dim3A_100 : f32 to vector<16xf32>
      %broadcast_in_dim3A_102 = arith.constant -1.000000e+30 : f32
      %broadcast_in_dim3A_103 = vector.broadcast %broadcast_in_dim3A_102 : f32 to vector<16xf32>
      %broadcast_in_dim3A_104 = arith.constant 0xFF800000 : f32
      %broadcast_in_dim3A_105 = vector.broadcast %broadcast_in_dim3A_104 : f32 to vector<16xf32>
      %while3A = arith.subi %div3A_99, %div3A_95 : i32
      %while3A_106 = arith.addi %div3A_95, %while3A : i32
      %while3A_107 = arith.constant 1 : i32
      %while3A_108 = arith.divsi %while3A, %while3A_107 : i32
      %while3A_109 = arith.muli %while3A_108, %while3A_107 : i32
      %while3A_110 = arith.addi %div3A_95, %while3A_109 : i32
      %while3A_111 = arith.constant 1 : i32
      %while3A_112:3 = scf.for %while3A_171 = %div3A_95 to %while3A_110 step %while3A_111 iter_args(%while3A_172 = %broadcast_in_dim3A_101, %while3A_173 = %broadcast_in_dim3A_103, %while3A_174 = %broadcast_in_dim3A_105) -> (vector<16xf32>, vector<16xf32>, vector<16xf32>)  : i32 {
        %mul3A_175 = arith.constant 16 : i32
        %mul3A_176 = arith.muli %while3A_171, %mul3A_175 : i32
        %get3A = arith.index_cast %mul3A_176 : i32 to index
        %get3A_177 = tpu.vector_load %arg6[%get3A] {strides = array<i32>} : memref<25008xf32, #tpu.memory_space<vmem>>, vector<16xf32>,
        %get3A_178 = arith.index_cast %mul3A_176 : i32 to index
        %get3A_179 = tpu.vector_load %arg7[%get3A_178] {strides = array<i32>} : memref<25008xf32, #tpu.memory_space<vmem>>, vector<16xf32>,
        %add3A_180 = vector.broadcast %mul3A_176 : i32 to vector<16xi32>
        %add3A_181 = arith.addi %add3A_180, %iota3A : vector<16xi32>
        %ge3A = vector.broadcast %reduce_max3A_86 : i32 to vector<16xi32>
        %ge3A_182 = arith.cmpi sge, %add3A_181, %ge3A : vector<16xi32>
        %lt3A = vector.broadcast %reduce_max3A_94 : i32 to vector<16xi32>
        %lt3A_183 = arith.cmpi slt, %add3A_181, %lt3A : vector<16xi32>
        %and3A = arith.andi %ge3A_182, %lt3A_183 : vector<16xi1>
        %gt3A = arith.constant 5.000000e-01 : f32
        %gt3A_184 = vector.broadcast %gt3A : f32 to vector<16xf32>
        %gt3A_185 = arith.cmpf ogt, %get3A_179, %gt3A_184 : vector<16xf32>
        %and3A_186 = arith.andi %and3A, %gt3A_185 : vector<16xi1>
        %mul3A_187 = arith.constant 2.000000e+01 : f32
        %mul3A_188 = vector.broadcast %mul3A_187 : f32 to vector<16xf32>
        %mul3A_189 = arith.mulf %get3A_177, %mul3A_188 : vector<16xf32>
        %jit3A_190 = arith.constant -1.000000e+30 : f32
        %broadcast_in_dim3A_191 = vector.broadcast %jit3A_190 : f32 to vector<16xf32>
        %select_n3A_192 = arith.select %and3A, %mul3A_189, %broadcast_in_dim3A_191 : vector<16xi1>, vector<16xf32>
        %max3A = arith.maximumf %while3A_172, %select_n3A_192 : vector<16xf32>
        %jit3A_193 = arith.constant -1.000000e+30 : f32
        %broadcast_in_dim3A_194 = vector.broadcast %jit3A_193 : f32 to vector<16xf32>
        %select_n3A_195 = arith.select %and3A_186, %mul3A_189, %broadcast_in_dim3A_194 : vector<16xi1>, vector<16xf32>
        %max3A_196 = arith.maximumf %while3A_173, %select_n3A_195 : vector<16xf32>
        %not3A = arith.constant dense<true> : vector<16xi1>
        %not3A_197 = arith.xori %and3A_186, %not3A : vector<16xi1>
        %and3A_198 = arith.andi %and3A, %not3A_197 : vector<16xi1>
        %jit3A_199 = arith.constant 0xFF800000 : f32
        %broadcast_in_dim3A_200 = vector.broadcast %jit3A_199 : f32 to vector<16xf32>
        %select_n3A_201 = arith.select %and3A_198, %get3A_177, %broadcast_in_dim3A_200 : vector<16xi1>, vector<16xf32>
        %reduce_min3A = arith.constant true
        %reduce_min3A_202 = vector.broadcast %reduce_min3A : i1 to vector<16xi1>
        %reduce_min3A_203 = tpu.scan <min>, %while3A_174 masked %reduce_min3A_202 : vector<16xf32>, vector<16xi1> -> vector<16xf32>
        %reduce_min3A_204 = vector.extract %reduce_min3A_203[15] : f32 from vector<16xf32>
        %gt3A_205 = vector.broadcast %reduce_min3A_204 : f32 to vector<16xf32>
        %gt3A_206 = arith.cmpf ogt, %select_n3A_201, %gt3A_205 : vector<16xf32>
        %reduce_or3A = arith.constant 1.000000e+00 : f32
        %reduce_or3A_207 = arith.constant 0.000000e+00 : f32
        %reduce_or3A_208 = vector.broadcast %reduce_or3A : f32 to vector<16xf32>
        %reduce_or3A_209 = vector.broadcast %reduce_or3A_207 : f32 to vector<16xf32>
        %reduce_or3A_210 = arith.select %gt3A_206, %reduce_or3A_208, %reduce_or3A_209 : vector<16xi1>, vector<16xf32>
        %reduce_or3A_211 = arith.constant true
        %reduce_or3A_212 = vector.broadcast %reduce_or3A_211 : i1 to vector<16xi1>
        %reduce_or3A_213 = tpu.scan <max>, %reduce_or3A_210 masked %reduce_or3A_212 : vector<16xf32>, vector<16xi1> -> vector<16xf32>
        %reduce_or3A_214 = vector.extract %reduce_or3A_213[15] : f32 from vector<16xf32>
        %reduce_or3A_215 = arith.constant 0.000000e+00 : f32
        %reduce_or3A_216 = arith.cmpf ogt, %reduce_or3A_214, %reduce_or3A_215 : f32
        %convert_element_type3A_217 = arith.extui %reduce_or3A_216 : i1 to i32
        %cond3A = arith.constant 0 : i32
        %cond3A_218 = arith.cmpi ne, %convert_element_type3A_217, %cond3A : i32
        %cond3A_219 = scf.if %cond3A_218 -> (vector<16xf32>) {
          %masked_sort3A = arith.constant dense<true> : vector<16xi1>
          %masked_sort3A_220, %masked_sort3A_221, %masked_sort3A_222 = tpu.sort %select_n3A_201, %select_n3A_201 masked %masked_sort3A : (vector<16xf32>, vector<16xf32>, vector<16xi1>) -> (vector<16xi1>, vector<16xf32>, vector<16xf32>)
          %max3A_223 = arith.maximumf %while3A_174, %masked_sort3A_221 : vector<16xf32>
          %masked_sort3A_224 = arith.constant dense<true> : vector<16xi1>
          %masked_sort3A_225, %masked_sort3A_226, %masked_sort3A_227 = tpu.sort %max3A_223, %max3A_223 masked %masked_sort3A_224 {descending = true} : (vector<16xf32>, vector<16xf32>, vector<16xi1>) -> (vector<16xi1>, vector<16xf32>, vector<16xf32>)
          scf.yield %masked_sort3A_226 : vector<16xf32>
        } else {
          scf.yield %while3A_174 : vector<16xf32>
        }
        scf.yield %max3A, %max3A_196, %cond3A_219 : vector<16xf32>, vector<16xf32>, vector<16xf32>
      }
      %while3A_113 = arith.constant 1 : i32
      %while3A_114:3 = scf.for %while3A_171 = %while3A_110 to %while3A_106 step %while3A_113 iter_args(%while3A_172 = %while3A_112#0, %while3A_173 = %while3A_112#1, %while3A_174 = %while3A_112#2) -> (vector<16xf32>, vector<16xf32>, vector<16xf32>)  : i32 {
        %mul3A_175 = arith.constant 16 : i32
        %mul3A_176 = arith.muli %while3A_171, %mul3A_175 : i32
        %get3A = arith.index_cast %mul3A_176 : i32 to index
        %get3A_177 = tpu.vector_load %arg6[%get3A] {strides = array<i32>} : memref<25008xf32, #tpu.memory_space<vmem>>, vector<16xf32>,
        %get3A_178 = arith.index_cast %mul3A_176 : i32 to index
        %get3A_179 = tpu.vector_load %arg7[%get3A_178] {strides = array<i32>} : memref<25008xf32, #tpu.memory_space<vmem>>, vector<16xf32>,
        %add3A_180 = vector.broadcast %mul3A_176 : i32 to vector<16xi32>
        %add3A_181 = arith.addi %add3A_180, %iota3A : vector<16xi32>
        %ge3A = vector.broadcast %reduce_max3A_86 : i32 to vector<16xi32>
        %ge3A_182 = arith.cmpi sge, %add3A_181, %ge3A : vector<16xi32>
        %lt3A = vector.broadcast %reduce_max3A_94 : i32 to vector<16xi32>
        %lt3A_183 = arith.cmpi slt, %add3A_181, %lt3A : vector<16xi32>
        %and3A = arith.andi %ge3A_182, %lt3A_183 : vector<16xi1>
        %gt3A = arith.constant 5.000000e-01 : f32
        %gt3A_184 = vector.broadcast %gt3A : f32 to vector<16xf32>
        %gt3A_185 = arith.cmpf ogt, %get3A_179, %gt3A_184 : vector<16xf32>
        %and3A_186 = arith.andi %and3A, %gt3A_185 : vector<16xi1>
        %mul3A_187 = arith.constant 2.000000e+01 : f32
        %mul3A_188 = vector.broadcast %mul3A_187 : f32 to vector<16xf32>
        %mul3A_189 = arith.mulf %get3A_177, %mul3A_188 : vector<16xf32>
        %jit3A_190 = arith.constant -1.000000e+30 : f32
        %broadcast_in_dim3A_191 = vector.broadcast %jit3A_190 : f32 to vector<16xf32>
        %select_n3A_192 = arith.select %and3A, %mul3A_189, %broadcast_in_dim3A_191 : vector<16xi1>, vector<16xf32>
        %max3A = arith.maximumf %while3A_172, %select_n3A_192 : vector<16xf32>
        %jit3A_193 = arith.constant -1.000000e+30 : f32
        %broadcast_in_dim3A_194 = vector.broadcast %jit3A_193 : f32 to vector<16xf32>
        %select_n3A_195 = arith.select %and3A_186, %mul3A_189, %broadcast_in_dim3A_194 : vector<16xi1>, vector<16xf32>
        %max3A_196 = arith.maximumf %while3A_173, %select_n3A_195 : vector<16xf32>
        %not3A = arith.constant dense<true> : vector<16xi1>
        %not3A_197 = arith.xori %and3A_186, %not3A : vector<16xi1>
        %and3A_198 = arith.andi %and3A, %not3A_197 : vector<16xi1>
        %jit3A_199 = arith.constant 0xFF800000 : f32
        %broadcast_in_dim3A_200 = vector.broadcast %jit3A_199 : f32 to vector<16xf32>
        %select_n3A_201 = arith.select %and3A_198, %get3A_177, %broadcast_in_dim3A_200 : vector<16xi1>, vector<16xf32>
        %reduce_min3A = arith.constant true
        %reduce_min3A_202 = vector.broadcast %reduce_min3A : i1 to vector<16xi1>
        %reduce_min3A_203 = tpu.scan <min>, %while3A_174 masked %reduce_min3A_202 : vector<16xf32>, vector<16xi1> -> vector<16xf32>
        %reduce_min3A_204 = vector.extract %reduce_min3A_203[15] : f32 from vector<16xf32>
        %gt3A_205 = vector.broadcast %reduce_min3A_204 : f32 to vector<16xf32>
        %gt3A_206 = arith.cmpf ogt, %select_n3A_201, %gt3A_205 : vector<16xf32>
        %reduce_or3A = arith.constant 1.000000e+00 : f32
        %reduce_or3A_207 = arith.constant 0.000000e+00 : f32
        %reduce_or3A_208 = vector.broadcast %reduce_or3A : f32 to vector<16xf32>
        %reduce_or3A_209 = vector.broadcast %reduce_or3A_207 : f32 to vector<16xf32>
        %reduce_or3A_210 = arith.select %gt3A_206, %reduce_or3A_208, %reduce_or3A_209 : vector<16xi1>, vector<16xf32>
        %reduce_or3A_211 = arith.constant true
        %reduce_or3A_212 = vector.broadcast %reduce_or3A_211 : i1 to vector<16xi1>
        %reduce_or3A_213 = tpu.scan <max>, %reduce_or3A_210 masked %reduce_or3A_212 : vector<16xf32>, vector<16xi1> -> vector<16xf32>
        %reduce_or3A_214 = vector.extract %reduce_or3A_213[15] : f32 from vector<16xf32>
        %reduce_or3A_215 = arith.constant 0.000000e+00 : f32
        %reduce_or3A_216 = arith.cmpf ogt, %reduce_or3A_214, %reduce_or3A_215 : f32
        %convert_element_type3A_217 = arith.extui %reduce_or3A_216 : i1 to i32
        %cond3A = arith.constant 0 : i32
        %cond3A_218 = arith.cmpi ne, %convert_element_type3A_217, %cond3A : i32
        %cond3A_219 = scf.if %cond3A_218 -> (vector<16xf32>) {
          %masked_sort3A = arith.constant dense<true> : vector<16xi1>
          %masked_sort3A_220, %masked_sort3A_221, %masked_sort3A_222 = tpu.sort %select_n3A_201, %select_n3A_201 masked %masked_sort3A : (vector<16xf32>, vector<16xf32>, vector<16xi1>) -> (vector<16xi1>, vector<16xf32>, vector<16xf32>)
          %max3A_223 = arith.maximumf %while3A_174, %masked_sort3A_221 : vector<16xf32>
          %masked_sort3A_224 = arith.constant dense<true> : vector<16xi1>
          %masked_sort3A_225, %masked_sort3A_226, %masked_sort3A_227 = tpu.sort %max3A_223, %max3A_223 masked %masked_sort3A_224 {descending = true} : (vector<16xf32>, vector<16xf32>, vector<16xi1>) -> (vector<16xi1>, vector<16xf32>, vector<16xf32>)
          scf.yield %masked_sort3A_226 : vector<16xf32>
        } else {
          scf.yield %while3A_174 : vector<16xf32>
        }
        scf.yield %max3A, %max3A_196, %cond3A_219 : vector<16xf32>, vector<16xf32>, vector<16xf32>
      }
      %reduce_max3A_115 = arith.constant true
      %reduce_max3A_116 = vector.broadcast %reduce_max3A_115 : i1 to vector<16xi1>
      %reduce_max3A_117 = tpu.scan <max>, %while3A_114#0 masked %reduce_max3A_116 : vector<16xf32>, vector<16xi1> -> vector<16xf32>
      %reduce_max3A_118 = vector.extract %reduce_max3A_117[15] : f32 from vector<16xf32>
      %reduce_max3A_119 = arith.constant true
      %reduce_max3A_120 = vector.broadcast %reduce_max3A_119 : i1 to vector<16xi1>
      %reduce_max3A_121 = tpu.scan <max>, %while3A_114#1 masked %reduce_max3A_120 : vector<16xf32>, vector<16xi1> -> vector<16xf32>
      %reduce_max3A_122 = vector.extract %reduce_max3A_121[15] : f32 from vector<16xf32>
      %broadcast_in_dim3A_123 = arith.constant 0.000000e+00 : f32
      %broadcast_in_dim3A_124 = vector.broadcast %broadcast_in_dim3A_123 : f32 to vector<16xf32>
      %broadcast_in_dim3A_125 = arith.constant 0.000000e+00 : f32
      %broadcast_in_dim3A_126 = vector.broadcast %broadcast_in_dim3A_125 : f32 to vector<16xf32>
      %broadcast_in_dim3A_127 = arith.constant 0.000000e+00 : f32
      %broadcast_in_dim3A_128 = vector.broadcast %broadcast_in_dim3A_127 : f32 to vector<16xf32>
      %while3A_129 = arith.subi %div3A_99, %div3A_95 : i32
      %while3A_130 = arith.addi %div3A_95, %while3A_129 : i32
      %while3A_131 = arith.constant 1 : i32
      %while3A_132 = arith.divsi %while3A_129, %while3A_131 : i32
      %while3A_133 = arith.muli %while3A_132, %while3A_131 : i32
      %while3A_134 = arith.addi %div3A_95, %while3A_133 : i32
      %while3A_135 = arith.constant 1 : i32
      %while3A_136:3 = scf.for %while3A_171 = %div3A_95 to %while3A_134 step %while3A_135 iter_args(%while3A_172 = %broadcast_in_dim3A_124, %while3A_173 = %broadcast_in_dim3A_126, %while3A_174 = %broadcast_in_dim3A_128) -> (vector<16xf32>, vector<16xf32>, vector<16xf32>)  : i32 {
        %mul3A_175 = arith.constant 16 : i32
        %mul3A_176 = arith.muli %while3A_171, %mul3A_175 : i32
        %get3A = arith.index_cast %mul3A_176 : i32 to index
        %get3A_177 = tpu.vector_load %arg6[%get3A] {strides = array<i32>} : memref<25008xf32, #tpu.memory_space<vmem>>, vector<16xf32>,
        %get3A_178 = arith.index_cast %mul3A_176 : i32 to index
        %get3A_179 = tpu.vector_load %arg7[%get3A_178] {strides = array<i32>} : memref<25008xf32, #tpu.memory_space<vmem>>, vector<16xf32>,
        %add3A_180 = vector.broadcast %mul3A_176 : i32 to vector<16xi32>
        %add3A_181 = arith.addi %add3A_180, %iota3A : vector<16xi32>
        %ge3A = vector.broadcast %reduce_max3A_86 : i32 to vector<16xi32>
        %ge3A_182 = arith.cmpi sge, %add3A_181, %ge3A : vector<16xi32>
        %lt3A = vector.broadcast %reduce_max3A_94 : i32 to vector<16xi32>
        %lt3A_183 = arith.cmpi slt, %add3A_181, %lt3A : vector<16xi32>
        %and3A = arith.andi %ge3A_182, %lt3A_183 : vector<16xi1>
        %gt3A = arith.constant 5.000000e-01 : f32
        %gt3A_184 = vector.broadcast %gt3A : f32 to vector<16xf32>
        %gt3A_185 = arith.cmpf ogt, %get3A_179, %gt3A_184 : vector<16xf32>
        %and3A_186 = arith.andi %and3A, %gt3A_185 : vector<16xi1>
        %mul3A_187 = arith.constant 2.000000e+01 : f32
        %mul3A_188 = vector.broadcast %mul3A_187 : f32 to vector<16xf32>
        %mul3A_189 = arith.mulf %get3A_177, %mul3A_188 : vector<16xf32>
        %sub3A_190 = vector.broadcast %reduce_max3A_118 : f32 to vector<16xf32>
        %sub3A_191 = arith.subf %mul3A_189, %sub3A_190 : vector<16xf32>
        %exp3A = math.exp %sub3A_191 : vector<16xf32>
        %jit3A_192 = arith.constant 0.000000e+00 : f32
        %broadcast_in_dim3A_193 = vector.broadcast %jit3A_192 : f32 to vector<16xf32>
        %select_n3A_194 = arith.select %and3A, %exp3A, %broadcast_in_dim3A_193 : vector<16xi1>, vector<16xf32>
        %add3A_195 = arith.addf %while3A_172, %select_n3A_194 : vector<16xf32>
        %sub3A_196 = vector.broadcast %reduce_max3A_122 : f32 to vector<16xf32>
        %sub3A_197 = arith.subf %mul3A_189, %sub3A_196 : vector<16xf32>
        %exp3A_198 = math.exp %sub3A_197 : vector<16xf32>
        %jit3A_199 = arith.constant 0.000000e+00 : f32
        %broadcast_in_dim3A_200 = vector.broadcast %jit3A_199 : f32 to vector<16xf32>
        %select_n3A_201 = arith.select %and3A_186, %exp3A_198, %broadcast_in_dim3A_200 : vector<16xi1>, vector<16xf32>
        %add3A_202 = arith.addf %while3A_173, %select_n3A_201 : vector<16xf32>
        %jit3A_203 = arith.constant 1.000000e+00 : f32
        %jit3A_204 = arith.constant 0.000000e+00 : f32
        %broadcast_in_dim3A_205 = vector.broadcast %jit3A_203 : f32 to vector<16xf32>
        %broadcast_in_dim3A_206 = vector.broadcast %jit3A_204 : f32 to vector<16xf32>
        %select_n3A_207 = arith.select %and3A_186, %broadcast_in_dim3A_205, %broadcast_in_dim3A_206 : vector<16xi1>, vector<16xf32>
        %add3A_208 = arith.addf %while3A_174, %select_n3A_207 : vector<16xf32>
        scf.yield %add3A_195, %add3A_202, %add3A_208 : vector<16xf32>, vector<16xf32>, vector<16xf32>
      }
      %while3A_137 = arith.constant 1 : i32
      %while3A_138:3 = scf.for %while3A_171 = %while3A_134 to %while3A_130 step %while3A_137 iter_args(%while3A_172 = %while3A_136#0, %while3A_173 = %while3A_136#1, %while3A_174 = %while3A_136#2) -> (vector<16xf32>, vector<16xf32>, vector<16xf32>)  : i32 {
        %mul3A_175 = arith.constant 16 : i32
        %mul3A_176 = arith.muli %while3A_171, %mul3A_175 : i32
        %get3A = arith.index_cast %mul3A_176 : i32 to index
        %get3A_177 = tpu.vector_load %arg6[%get3A] {strides = array<i32>} : memref<25008xf32, #tpu.memory_space<vmem>>, vector<16xf32>,
        %get3A_178 = arith.index_cast %mul3A_176 : i32 to index
        %get3A_179 = tpu.vector_load %arg7[%get3A_178] {strides = array<i32>} : memref<25008xf32, #tpu.memory_space<vmem>>, vector<16xf32>,
        %add3A_180 = vector.broadcast %mul3A_176 : i32 to vector<16xi32>
        %add3A_181 = arith.addi %add3A_180, %iota3A : vector<16xi32>
        %ge3A = vector.broadcast %reduce_max3A_86 : i32 to vector<16xi32>
        %ge3A_182 = arith.cmpi sge, %add3A_181, %ge3A : vector<16xi32>
        %lt3A = vector.broadcast %reduce_max3A_94 : i32 to vector<16xi32>
        %lt3A_183 = arith.cmpi slt, %add3A_181, %lt3A : vector<16xi32>
        %and3A = arith.andi %ge3A_182, %lt3A_183 : vector<16xi1>
        %gt3A = arith.constant 5.000000e-01 : f32
        %gt3A_184 = vector.broadcast %gt3A : f32 to vector<16xf32>
        %gt3A_185 = arith.cmpf ogt, %get3A_179, %gt3A_184 : vector<16xf32>
        %and3A_186 = arith.andi %and3A, %gt3A_185 : vector<16xi1>
        %mul3A_187 = arith.constant 2.000000e+01 : f32
        %mul3A_188 = vector.broadcast %mul3A_187 : f32 to vector<16xf32>
        %mul3A_189 = arith.mulf %get3A_177, %mul3A_188 : vector<16xf32>
        %sub3A_190 = vector.broadcast %reduce_max3A_118 : f32 to vector<16xf32>
        %sub3A_191 = arith.subf %mul3A_189, %sub3A_190 : vector<16xf32>
        %exp3A = math.exp %sub3A_191 : vector<16xf32>
        %jit3A_192 = arith.constant 0.000000e+00 : f32
        %broadcast_in_dim3A_193 = vector.broadcast %jit3A_192 : f32 to vector<16xf32>
        %select_n3A_194 = arith.select %and3A, %exp3A, %broadcast_in_dim3A_193 : vector<16xi1>, vector<16xf32>
        %add3A_195 = arith.addf %while3A_172, %select_n3A_194 : vector<16xf32>
        %sub3A_196 = vector.broadcast %reduce_max3A_122 : f32 to vector<16xf32>
        %sub3A_197 = arith.subf %mul3A_189, %sub3A_196 : vector<16xf32>
        %exp3A_198 = math.exp %sub3A_197 : vector<16xf32>
        %jit3A_199 = arith.constant 0.000000e+00 : f32
        %broadcast_in_dim3A_200 = vector.broadcast %jit3A_199 : f32 to vector<16xf32>
        %select_n3A_201 = arith.select %and3A_186, %exp3A_198, %broadcast_in_dim3A_200 : vector<16xi1>, vector<16xf32>
        %add3A_202 = arith.addf %while3A_173, %select_n3A_201 : vector<16xf32>
        %jit3A_203 = arith.constant 1.000000e+00 : f32
        %jit3A_204 = arith.constant 0.000000e+00 : f32
        %broadcast_in_dim3A_205 = vector.broadcast %jit3A_203 : f32 to vector<16xf32>
        %broadcast_in_dim3A_206 = vector.broadcast %jit3A_204 : f32 to vector<16xf32>
        %select_n3A_207 = arith.select %and3A_186, %broadcast_in_dim3A_205, %broadcast_in_dim3A_206 : vector<16xi1>, vector<16xf32>
        %add3A_208 = arith.addf %while3A_174, %select_n3A_207 : vector<16xf32>
        scf.yield %add3A_195, %add3A_202, %add3A_208 : vector<16xf32>, vector<16xf32>, vector<16xf32>
      }
      %broadcast_in_dim3A_139 = vector.broadcast %reduce_max3A_118 : f32 to vector<16xf32>
      %broadcast_in_dim3A_140 = vector.broadcast %reduce_max3A_122 : f32 to vector<16xf32>
      %mul3A_141 = arith.constant 16 : i32
      %mul3A_142 = arith.muli %scan3A_73, %mul3A_141 : i32
      %add3A_143 = vector.broadcast %mul3A_142 : i32 to vector<16xi32>
      %add3A_144 = arith.addi %add3A_143, %iota3A : vector<16xi32>
      %add3A_145 = arith.constant 0 : i32
      %add3A_146 = vector.broadcast %add3A_145 : i32 to vector<16xi32>
      %add3A_147 = arith.addi %add3A_144, %add3A_146 : vector<16xi32>
      tpu.vector_store_idx %arg10[%add3A_147], %broadcast_in_dim3A_139 : memref<7168xf32, #tpu.memory_space<vmem>>[vector<16xi32>], vector<16xf32>,
      %add3A_148 = arith.constant 1024 : i32
      %add3A_149 = vector.broadcast %add3A_148 : i32 to vector<16xi32>
      %add3A_150 = arith.addi %add3A_144, %add3A_149 : vector<16xi32>
      tpu.vector_store_idx %arg10[%add3A_150], %while3A_138#0 : memref<7168xf32, #tpu.memory_space<vmem>>[vector<16xi32>], vector<16xf32>,
      %add3A_151 = arith.constant 2048 : i32
      %add3A_152 = vector.broadcast %add3A_151 : i32 to vector<16xi32>
      %add3A_153 = arith.addi %add3A_144, %add3A_152 : vector<16xi32>
      tpu.vector_store_idx %arg10[%add3A_153], %broadcast_in_dim3A_140 : memref<7168xf32, #tpu.memory_space<vmem>>[vector<16xi32>], vector<16xf32>,
      %add3A_154 = arith.constant 3072 : i32
      %add3A_155 = vector.broadcast %add3A_154 : i32 to vector<16xi32>
      %add3A_156 = arith.addi %add3A_144, %add3A_155 : vector<16xi32>
      tpu.vector_store_idx %arg10[%add3A_156], %while3A_138#1 : memref<7168xf32, #tpu.memory_space<vmem>>[vector<16xi32>], vector<16xf32>,
      %add3A_157 = arith.constant 4096 : i32
      %add3A_158 = vector.broadcast %add3A_157 : i32 to vector<16xi32>
      %add3A_159 = arith.addi %add3A_144, %add3A_158 : vector<16xi32>
      tpu.vector_store_idx %arg10[%add3A_159], %while3A_138#2 : memref<7168xf32, #tpu.memory_space<vmem>>[vector<16xi32>], vector<16xf32>,
      %sub3A = arith.subi %reduce_max3A_94, %reduce_max3A_86 : i32
      %convert_element_type3A = arith.sitofp %sub3A : i32 to f32
      %eq3A = arith.constant 0 : i32
      %eq3A_160 = vector.broadcast %eq3A : i32 to vector<16xi32>
      %eq3A_161 = arith.cmpi eq, %iota3A, %eq3A_160 : vector<16xi32>
      %jit3A = arith.constant 0.000000e+00 : f32
      %broadcast_in_dim3A_162 = vector.broadcast %convert_element_type3A : f32 to vector<16xf32>
      %broadcast_in_dim3A_163 = vector.broadcast %jit3A : f32 to vector<16xf32>
      %select_n3A = arith.select %eq3A_161, %broadcast_in_dim3A_162, %broadcast_in_dim3A_163 : vector<16xi1>, vector<16xf32>
      %add3A_164 = arith.constant 5120 : i32
      %add3A_165 = vector.broadcast %add3A_164 : i32 to vector<16xi32>
      %add3A_166 = arith.addi %add3A_144, %add3A_165 : vector<16xi32>
      tpu.vector_store_idx %arg10[%add3A_166], %select_n3A : memref<7168xf32, #tpu.memory_space<vmem>>[vector<16xi32>], vector<16xf32>,
      %add3A_167 = arith.constant 6144 : i32
      %add3A_168 = vector.broadcast %add3A_167 : i32 to vector<16xi32>
      %add3A_169 = arith.addi %add3A_144, %add3A_168 : vector<16xi32>
      tpu.vector_store_idx %arg10[%add3A_169], %while3A_114#2 : memref<7168xf32, #tpu.memory_space<vmem>>[vector<16xi32>], vector<16xf32>,
      %scan3A_170 = arith.constant 0 : i32
      scf.yield %scan3A_170 : i32
    }
    %scan3A_70 = arith.constant 64 : i32
    %mul3A_71 = arith.constant 7168 : i32
    %mul3A_72 = arith.muli %add3A, %mul3A_71 : i32
    "tpu.region"() ({
      %run_scoped3A = tpu.sem_alloc : memref<!tpu.dma_semaphore, #tpu.memory_space<semaphore_mem>>
      %dma_start3A = tpu.memref_slice %arg5[%mul3A_72] : memref<229376xf32, #tpu.memory_space<hbm>> -> memref<7168xf32, #tpu.memory_space<hbm>>
      %dma_start3A_73 = tpu.memref_slice %arg5[%mul3A_72] : memref<229376xf32, #tpu.memory_space<hbm>> -> memref<7168xf32, #tpu.memory_space<hbm>>
      tpu.enqueue_dma source(%arg10 : memref<7168xf32, #tpu.memory_space<vmem>>) target(%dma_start3A_73 : memref<7168xf32, #tpu.memory_space<hbm>>) target_semaphore(%run_scoped3A : memref<!tpu.dma_semaphore, #tpu.memory_space<semaphore_mem>>)
      %dma_wait3A = tpu.memref_slice %arg5[%mul3A_72] : memref<229376xf32, #tpu.memory_space<hbm>> -> memref<7168xf32, #tpu.memory_space<hbm>>
      %dma_wait3A_74 = tpu.memref_slice %arg5[%mul3A_72] : memref<229376xf32, #tpu.memory_space<hbm>> -> memref<7168xf32, #tpu.memory_space<hbm>>
      tpu.wait_dma2 semaphore(%run_scoped3A : memref<!tpu.dma_semaphore, #tpu.memory_space<semaphore_mem>>) src(%arg10 : memref<7168xf32, #tpu.memory_space<vmem>>) dst(%dma_wait3A_74 : memref<7168xf32, #tpu.memory_space<hbm>>)
      tpu.yield
    }) : () -> ()
    return
  }
}

module attributes {stable_mosaic.version = 14 : i64} {
  func.func @_tc_body(%arg0: i32, %arg1: memref<256x128xf32, #tpu.memory_space<vmem>>, %arg2: memref<256x128xf32, #tpu.memory_space<vmem>>, %arg3: memref<256x128xi32, #tpu.memory_space<vmem>>, %arg4: memref<64x512xf32, #tpu.memory_space<vmem>>, %arg5: memref<64x512xf32, #tpu.memory_space<vmem>>, %arg6: memref<64x512xf32, #tpu.memory_space<vmem>>, %arg7: memref<64x512xf32, #tpu.memory_space<vmem>>, %arg8: memref<64x512xf32, #tpu.memory_space<vmem>>, %arg9: memref<64x512xf32, #tpu.memory_space<vmem>>, %arg10: memref<64x512xf32, #tpu.memory_space<vmem>>, %arg11: memref<1x1xf32, #tpu.memory_space<vmem>>, %arg12: memref<64x16x16x128xf32, #tpu.memory_space<vmem>>, %arg13: memref<64x1xf32, #tpu.memory_space<vmem>>, %arg14: memref<64x1xf32, #tpu.memory_space<vmem>>, %arg15: memref<64x1xf32, #tpu.memory_space<vmem>>, %arg16: memref<1xf32, #tpu.memory_space<smem>>) attributes {dimension_semantics = [#tpu.dimension_semantics<arbitrary>], iteration_bounds = array<i64: 25>, scalar_prefetch = 0 : i64, scratch_operands = 5 : i64, tpu.core_type = #tpu.core_type<tc>, window_params = [{transform_indices = @transform_0, window_bounds = array<i64: 256, 128>}, {transform_indices = @transform_1, window_bounds = array<i64: 256, 128>}, {transform_indices = @transform_2, window_bounds = array<i64: 256, 128>}, {pipeline_mode = #tpu.pipeline_mode<synchronous>, transform_indices = @transform_3, window_bounds = array<i64: 64, 512>}, {pipeline_mode = #tpu.pipeline_mode<synchronous>, transform_indices = @transform_4, window_bounds = array<i64: 64, 512>}, {pipeline_mode = #tpu.pipeline_mode<synchronous>, transform_indices = @transform_5, window_bounds = array<i64: 64, 512>}, {pipeline_mode = #tpu.pipeline_mode<synchronous>, transform_indices = @transform_6, window_bounds = array<i64: 64, 512>}, {pipeline_mode = #tpu.pipeline_mode<synchronous>, transform_indices = @transform_7, window_bounds = array<i64: 64, 512>}, {pipeline_mode = #tpu.pipeline_mode<synchronous>, transform_indices = @transform_8, window_bounds = array<i64: 64, 512>}, {pipeline_mode = #tpu.pipeline_mode<synchronous>, transform_indices = @transform_9, window_bounds = array<i64: 64, 512>}, {pipeline_mode = #tpu.pipeline_mode<synchronous>, transform_indices = @transform_10, window_bounds = array<i64: 1, 1>}]} {
    %eq3A = arith.constant 0 : i32
    %eq3A_0 = arith.cmpi eq, %arg0, %eq3A : i32
    %convert_element_type3A = arith.extui %eq3A_0 : i1 to i32
    %cond3A = arith.constant 0 : i32
    %cond3A_1 = arith.cmpi ne, %convert_element_type3A, %cond3A : i32
    scf.if %cond3A_1 {
      %get3A_51 = arith.constant 0 : index
      %get3A_52 = arith.constant 0 : index
      %get3A_53 = vector.load %arg4[%get3A_51, %get3A_52] : memref<64x512xf32, #tpu.memory_space<vmem>>, vector<64x512xf32>
      %get3A_54 = arith.constant 0 : index
      %get3A_55 = arith.constant 0 : index
      %get3A_56 = vector.load %arg5[%get3A_54, %get3A_55] : memref<64x512xf32, #tpu.memory_space<vmem>>, vector<64x512xf32>
      %reduce_max3A_57 = arith.constant dense<0xFF800000> : vector<64xf32>
      %reduce_max3A_58 = vector.multi_reduction <maximumf>, %get3A_53, %reduce_max3A_57 [1] : vector<64x512xf32> to vector<64xf32>
      %broadcast_in_dim3A_59 = vector.shape_cast %reduce_max3A_58 : vector<64xf32> to vector<64x1xf32>
      %sub3A = vector.broadcast %broadcast_in_dim3A_59 : vector<64x1xf32> to vector<64x512xf32>
      %sub3A_60 = arith.subf %get3A_53, %sub3A : vector<64x512xf32>
      %exp3A_61 = math.exp %sub3A_60 : vector<64x512xf32>
      %mul3A_62 = arith.mulf %get3A_56, %exp3A_61 : vector<64x512xf32>
      %reduce_sum3A = arith.constant dense<0.000000e+00> : vector<64xf32>
      %reduce_sum3A_63 = vector.multi_reduction <add>, %mul3A_62, %reduce_sum3A [1] : vector<64x512xf32> to vector<64xf32>
      %broadcast_in_dim3A_64 = vector.shape_cast %reduce_sum3A_63 : vector<64xf32> to vector<64x1xf32>
      %get3A_65 = arith.constant 0 : index
      %get3A_66 = arith.constant 0 : index
      %get3A_67 = vector.load %arg6[%get3A_65, %get3A_66] : memref<64x512xf32, #tpu.memory_space<vmem>>, vector<64x512xf32>
      %get3A_68 = arith.constant 0 : index
      %get3A_69 = arith.constant 0 : index
      %get3A_70 = vector.load %arg7[%get3A_68, %get3A_69] : memref<64x512xf32, #tpu.memory_space<vmem>>, vector<64x512xf32>
      %reduce_max3A_71 = arith.constant dense<0xFF800000> : vector<64xf32>
      %reduce_max3A_72 = vector.multi_reduction <maximumf>, %get3A_67, %reduce_max3A_71 [1] : vector<64x512xf32> to vector<64xf32>
      %broadcast_in_dim3A_73 = vector.shape_cast %reduce_max3A_72 : vector<64xf32> to vector<64x1xf32>
      %sub3A_74 = vector.broadcast %broadcast_in_dim3A_73 : vector<64x1xf32> to vector<64x512xf32>
      %sub3A_75 = arith.subf %get3A_67, %sub3A_74 : vector<64x512xf32>
      %exp3A_76 = math.exp %sub3A_75 : vector<64x512xf32>
      %mul3A_77 = arith.mulf %get3A_70, %exp3A_76 : vector<64x512xf32>
      %reduce_sum3A_78 = arith.constant dense<0.000000e+00> : vector<64xf32>
      %reduce_sum3A_79 = vector.multi_reduction <add>, %mul3A_77, %reduce_sum3A_78 [1] : vector<64x512xf32> to vector<64xf32>
      %broadcast_in_dim3A_80 = vector.shape_cast %reduce_sum3A_79 : vector<64xf32> to vector<64x1xf32>
      %get3A_81 = arith.constant 0 : index
      %get3A_82 = arith.constant 0 : index
      %get3A_83 = vector.load %arg8[%get3A_81, %get3A_82] : memref<64x512xf32, #tpu.memory_space<vmem>>, vector<64x512xf32>
      %reduce_sum3A_84 = arith.constant dense<0.000000e+00> : vector<64xf32>
      %reduce_sum3A_85 = vector.multi_reduction <add>, %get3A_83, %reduce_sum3A_84 [1] : vector<64x512xf32> to vector<64xf32>
      %broadcast_in_dim3A_86 = vector.shape_cast %reduce_sum3A_85 : vector<64xf32> to vector<64x1xf32>
      %get3A_87 = arith.constant 0 : index
      %get3A_88 = arith.constant 0 : index
      %get3A_89 = vector.load %arg9[%get3A_87, %get3A_88] : memref<64x512xf32, #tpu.memory_space<vmem>>, vector<64x512xf32>
      %reduce_sum3A_90 = arith.constant dense<0.000000e+00> : vector<64xf32>
      %reduce_sum3A_91 = vector.multi_reduction <add>, %get3A_89, %reduce_sum3A_90 [1] : vector<64x512xf32> to vector<64xf32>
      %broadcast_in_dim3A_92 = vector.shape_cast %reduce_sum3A_91 : vector<64xf32> to vector<64x1xf32>
      %gt3A_93 = arith.constant 0.000000e+00 : f32
      %gt3A_94 = vector.broadcast %gt3A_93 : f32 to vector<64x1xf32>
      %gt3A_95 = arith.cmpf ogt, %broadcast_in_dim3A_92, %gt3A_94 : vector<64x1xf32>
      %max3A = arith.constant 1.17549435E-38 : f32
      %max3A_96 = vector.broadcast %max3A : f32 to vector<64x1xf32>
      %max3A_97 = arith.maximumf %broadcast_in_dim3A_64, %max3A_96 : vector<64x1xf32>
      %log3A = math.log %max3A_97 : vector<64x1xf32>
      %add3A_98 = arith.addf %broadcast_in_dim3A_59, %log3A : vector<64x1xf32>
      %jit3A_99 = arith.constant 0.000000e+00 : f32
      %broadcast_in_dim3A_100 = vector.broadcast %jit3A_99 : f32 to vector<64x1xf32>
      %select_n3A_101 = arith.select %gt3A_95, %add3A_98, %broadcast_in_dim3A_100 : vector<64x1xi1>, vector<64x1xf32>
      %max3A_102 = arith.constant 1.17549435E-38 : f32
      %max3A_103 = vector.broadcast %max3A_102 : f32 to vector<64x1xf32>
      %max3A_104 = arith.maximumf %broadcast_in_dim3A_80, %max3A_103 : vector<64x1xf32>
      %log3A_105 = math.log %max3A_104 : vector<64x1xf32>
      %add3A_106 = arith.addf %broadcast_in_dim3A_73, %log3A_105 : vector<64x1xf32>
      %gt3A_107 = arith.constant 0.000000e+00 : f32
      %gt3A_108 = vector.broadcast %gt3A_107 : f32 to vector<64x1xf32>
      %gt3A_109 = arith.cmpf ogt, %broadcast_in_dim3A_86, %gt3A_108 : vector<64x1xf32>
      %select_n3A_110 = arith.select %gt3A_109, %add3A_106, %select_n3A_101 : vector<64x1xi1>, vector<64x1xf32>
      %sub3A_111 = arith.subf %select_n3A_110, %select_n3A_101 : vector<64x1xf32>
      %neg3A_112 = arith.constant 0.000000e+00 : f32
      %neg3A_113 = vector.broadcast %neg3A_112 : f32 to vector<64x1xf32>
      %neg3A_114 = arith.subf %neg3A_113, %sub3A_111 : vector<64x1xf32>
      %reduce_sum3A_115 = vector.shape_cast %neg3A_114 : vector<64x1xf32> to vector<1x64x1xf32>
      %reduce_sum3A_116 = arith.constant dense<0.000000e+00> : vector<1xf32>
      %reduce_sum3A_117 = vector.multi_reduction <add>, %reduce_sum3A_115, %reduce_sum3A_116 [1, 2] : vector<1x64x1xf32> to vector<1xf32>
      %reduce_sum3A_118 = vector.shape_cast %reduce_sum3A_117 : vector<1xf32> to vector<1x1x1xf32>
      %reduce_sum3A_119 = vector.extract %reduce_sum3A_118[0, 0, 0] : f32 from vector<1x1x1xf32>
      %convert_element_type3A_120 = arith.extui %gt3A_109 : vector<64x1xi1> to vector<64x1xi32>
      %convert_element_type3A_121 = arith.sitofp %convert_element_type3A_120 : vector<64x1xi32> to vector<64x1xf32>
      %reduce_sum3A_122 = vector.shape_cast %convert_element_type3A_121 : vector<64x1xf32> to vector<1x64x1xf32>
      %reduce_sum3A_123 = arith.constant dense<0.000000e+00> : vector<1xf32>
      %reduce_sum3A_124 = vector.multi_reduction <add>, %reduce_sum3A_122, %reduce_sum3A_123 [1, 2] : vector<1x64x1xf32> to vector<1xf32>
      %reduce_sum3A_125 = vector.shape_cast %reduce_sum3A_124 : vector<1xf32> to vector<1x1x1xf32>
      %reduce_sum3A_126 = vector.extract %reduce_sum3A_125[0, 0, 0] : f32 from vector<1x1x1xf32>
      %max3A_127 = arith.constant 1.000000e+00 : f32
      %max3A_128 = arith.maximumf %reduce_sum3A_126, %max3A_127 : f32
      %div3A = arith.divf %reduce_sum3A_119, %max3A_128 : f32
      %swap3A_129 = arith.constant 0 : index
      %swap3A_130 = memref.load %arg16[%swap3A_129] : memref<1xf32, #tpu.memory_space<smem>>
      memref.store %div3A, %arg16[%swap3A_129] : memref<1xf32, #tpu.memory_space<smem>>
      %get3A_131 = arith.constant 0 : index
      %get3A_132 = arith.constant 0 : index
      %get3A_133 = vector.load %arg10[%get3A_131, %get3A_132] : memref<64x512xf32, #tpu.memory_space<vmem>>, vector<64x512xf32>
      %iota3A_134 = tpu.iota {dimensions = array<i32: 1>} : vector<64x512xi32>
      %broadcast_in_dim3A_135 = arith.constant 0.000000e+00 : f32
      %broadcast_in_dim3A_136 = vector.broadcast %broadcast_in_dim3A_135 : f32 to vector<64x1xf32>
      %reduce_max3A_137 = arith.constant dense<0xFF800000> : vector<64xf32>
      %reduce_max3A_138 = vector.multi_reduction <maximumf>, %get3A_133, %reduce_max3A_137 [1] : vector<64x512xf32> to vector<64xf32>
      %broadcast_in_dim3A_139 = vector.shape_cast %reduce_max3A_138 : vector<64xf32> to vector<64x1xf32>
      %eq3A_140 = vector.broadcast %broadcast_in_dim3A_139 : vector<64x1xf32> to vector<64x512xf32>
      %eq3A_141 = arith.cmpf oeq, %get3A_133, %eq3A_140 : vector<64x512xf32>
      %jit3A_142 = arith.constant 512 : i32
      %broadcast_in_dim3A_143 = vector.broadcast %jit3A_142 : i32 to vector<64x512xi32>
      %select_n3A_144 = arith.select %eq3A_141, %iota3A_134, %broadcast_in_dim3A_143 : vector<64x512xi1>, vector<64x512xi32>
      %reduce_min3A_145 = arith.constant dense<2147483647> : vector<64xi32>
      %reduce_min3A_146 = vector.multi_reduction <minsi>, %select_n3A_144, %reduce_min3A_145 [1] : vector<64x512xi32> to vector<64xi32>
      %broadcast_in_dim3A_147 = vector.shape_cast %reduce_min3A_146 : vector<64xi32> to vector<64x1xi32>
      %eq3A_148 = vector.broadcast %broadcast_in_dim3A_147 : vector<64x1xi32> to vector<64x512xi32>
      %eq3A_149 = arith.cmpi eq, %iota3A_134, %eq3A_148 : vector<64x512xi32>
      %jit3A_150 = arith.constant 0xFF800000 : f32
      %broadcast_in_dim3A_151 = vector.broadcast %jit3A_150 : f32 to vector<64x512xf32>
      %select_n3A_152 = arith.select %eq3A_149, %broadcast_in_dim3A_151, %get3A_133 : vector<64x512xi1>, vector<64x512xf32>
      %gt3A_153 = arith.constant -9.99999993E+36 : f32
      %gt3A_154 = vector.broadcast %gt3A_153 : f32 to vector<64x1xf32>
      %gt3A_155 = arith.cmpf ogt, %broadcast_in_dim3A_139, %gt3A_154 : vector<64x1xf32>
      %convert_element_type3A_156 = arith.extui %gt3A_155 : vector<64x1xi1> to vector<64x1xi32>
      %convert_element_type3A_157 = arith.sitofp %convert_element_type3A_156 : vector<64x1xi32> to vector<64x1xf32>
      %add3A_158 = arith.addf %broadcast_in_dim3A_136, %convert_element_type3A_157 : vector<64x1xf32>
      %add3A_159 = arith.constant 2.000000e-01 : f32
      %add3A_160 = vector.broadcast %add3A_159 : f32 to vector<64x1xf32>
      %add3A_161 = arith.addf %broadcast_in_dim3A_139, %add3A_160 : vector<64x1xf32>
      %exp3A_162 = math.exp %add3A_161 : vector<64x1xf32>
      %jit3A_163 = arith.constant 0.000000e+00 : f32
      %broadcast_in_dim3A_164 = vector.broadcast %jit3A_163 : f32 to vector<64x1xf32>
      %select_n3A_165 = arith.select %gt3A_155, %exp3A_162, %broadcast_in_dim3A_164 : vector<64x1xi1>, vector<64x1xf32>
      %broadcast_in_dim3A_166 = vector.shape_cast %select_n3A_165 : vector<64x1xf32> to vector<64x1x1xf32>
      %broadcast_in_dim3A_167 = vector.broadcast %broadcast_in_dim3A_166 : vector<64x1x1xf32> to vector<64x16x128xf32>
      %swap3A_168 = arith.constant 0 : index
      %swap3A_169 = arith.constant 0 : index
      %swap3A_170 = arith.constant 0 : index
      %swap3A_171 = arith.constant 0 : index
      %swap3A_172 = vector.load %arg12[%swap3A_168, %swap3A_169, %swap3A_170, %swap3A_171] : memref<64x16x16x128xf32, #tpu.memory_space<vmem>>, vector<64x1x16x128xf32>
      %swap3A_173 = vector.shape_cast %swap3A_172 : vector<64x1x16x128xf32> to vector<64x16x128xf32>
      %swap3A_174 = vector.shape_cast %broadcast_in_dim3A_167 : vector<64x16x128xf32> to vector<64x1x16x128xf32>
      tpu.vector_store %arg12[%swap3A_168, %swap3A_169, %swap3A_170, %swap3A_171], %swap3A_174 {strides = array<i32>} : memref<64x16x16x128xf32, #tpu.memory_space<vmem>>, vector<64x1x16x128xf32>,
      %reduce_max3A_175 = arith.constant dense<0xFF800000> : vector<64xf32>
      %reduce_max3A_176 = vector.multi_reduction <maximumf>, %select_n3A_152, %reduce_max3A_175 [1] : vector<64x512xf32> to vector<64xf32>
      %broadcast_in_dim3A_177 = vector.shape_cast %reduce_max3A_176 : vector<64xf32> to vector<64x1xf32>
      %eq3A_178 = vector.broadcast %broadcast_in_dim3A_177 : vector<64x1xf32> to vector<64x512xf32>
      %eq3A_179 = arith.cmpf oeq, %select_n3A_152, %eq3A_178 : vector<64x512xf32>
      %jit3A_180 = arith.constant 512 : i32
      %broadcast_in_dim3A_181 = vector.broadcast %jit3A_180 : i32 to vector<64x512xi32>
      %select_n3A_182 = arith.select %eq3A_179, %iota3A_134, %broadcast_in_dim3A_181 : vector<64x512xi1>, vector<64x512xi32>
      %reduce_min3A_183 = arith.constant dense<2147483647> : vector<64xi32>
      %reduce_min3A_184 = vector.multi_reduction <minsi>, %select_n3A_182, %reduce_min3A_183 [1] : vector<64x512xi32> to vector<64xi32>
      %broadcast_in_dim3A_185 = vector.shape_cast %reduce_min3A_184 : vector<64xi32> to vector<64x1xi32>
      %eq3A_186 = vector.broadcast %broadcast_in_dim3A_185 : vector<64x1xi32> to vector<64x512xi32>
      %eq3A_187 = arith.cmpi eq, %iota3A_134, %eq3A_186 : vector<64x512xi32>
      %jit3A_188 = arith.constant 0xFF800000 : f32
      %broadcast_in_dim3A_189 = vector.broadcast %jit3A_188 : f32 to vector<64x512xf32>
      %select_n3A_190 = arith.select %eq3A_187, %broadcast_in_dim3A_189, %select_n3A_152 : vector<64x512xi1>, vector<64x512xf32>
      %gt3A_191 = arith.constant -9.99999993E+36 : f32
      %gt3A_192 = vector.broadcast %gt3A_191 : f32 to vector<64x1xf32>
      %gt3A_193 = arith.cmpf ogt, %broadcast_in_dim3A_177, %gt3A_192 : vector<64x1xf32>
      %convert_element_type3A_194 = arith.extui %gt3A_193 : vector<64x1xi1> to vector<64x1xi32>
      %convert_element_type3A_195 = arith.sitofp %convert_element_type3A_194 : vector<64x1xi32> to vector<64x1xf32>
      %add3A_196 = arith.addf %add3A_158, %convert_element_type3A_195 : vector<64x1xf32>
      %add3A_197 = arith.constant 2.000000e-01 : f32
      %add3A_198 = vector.broadcast %add3A_197 : f32 to vector<64x1xf32>
      %add3A_199 = arith.addf %broadcast_in_dim3A_177, %add3A_198 : vector<64x1xf32>
      %exp3A_200 = math.exp %add3A_199 : vector<64x1xf32>
      %jit3A_201 = arith.constant 0.000000e+00 : f32
      %broadcast_in_dim3A_202 = vector.broadcast %jit3A_201 : f32 to vector<64x1xf32>
      %select_n3A_203 = arith.select %gt3A_193, %exp3A_200, %broadcast_in_dim3A_202 : vector<64x1xi1>, vector<64x1xf32>
      %broadcast_in_dim3A_204 = vector.shape_cast %select_n3A_203 : vector<64x1xf32> to vector<64x1x1xf32>
      %broadcast_in_dim3A_205 = vector.broadcast %broadcast_in_dim3A_204 : vector<64x1x1xf32> to vector<64x16x128xf32>
      %swap3A_206 = arith.constant 0 : index
      %swap3A_207 = arith.constant 1 : index
      %swap3A_208 = arith.constant 0 : index
      %swap3A_209 = arith.constant 0 : index
      %swap3A_210 = vector.load %arg12[%swap3A_206, %swap3A_207, %swap3A_208, %swap3A_209] : memref<64x16x16x128xf32, #tpu.memory_space<vmem>>, vector<64x1x16x128xf32>
      %swap3A_211 = vector.shape_cast %swap3A_210 : vector<64x1x16x128xf32> to vector<64x16x128xf32>
      %swap3A_212 = vector.shape_cast %broadcast_in_dim3A_205 : vector<64x16x128xf32> to vector<64x1x16x128xf32>
      tpu.vector_store %arg12[%swap3A_206, %swap3A_207, %swap3A_208, %swap3A_209], %swap3A_212 {strides = array<i32>} : memref<64x16x16x128xf32, #tpu.memory_space<vmem>>, vector<64x1x16x128xf32>,
      %reduce_max3A_213 = arith.constant dense<0xFF800000> : vector<64xf32>
      %reduce_max3A_214 = vector.multi_reduction <maximumf>, %select_n3A_190, %reduce_max3A_213 [1] : vector<64x512xf32> to vector<64xf32>
      %broadcast_in_dim3A_215 = vector.shape_cast %reduce_max3A_214 : vector<64xf32> to vector<64x1xf32>
      %eq3A_216 = vector.broadcast %broadcast_in_dim3A_215 : vector<64x1xf32> to vector<64x512xf32>
      %eq3A_217 = arith.cmpf oeq, %select_n3A_190, %eq3A_216 : vector<64x512xf32>
      %jit3A_218 = arith.constant 512 : i32
      %broadcast_in_dim3A_219 = vector.broadcast %jit3A_218 : i32 to vector<64x512xi32>
      %select_n3A_220 = arith.select %eq3A_217, %iota3A_134, %broadcast_in_dim3A_219 : vector<64x512xi1>, vector<64x512xi32>
      %reduce_min3A_221 = arith.constant dense<2147483647> : vector<64xi32>
      %reduce_min3A_222 = vector.multi_reduction <minsi>, %select_n3A_220, %reduce_min3A_221 [1] : vector<64x512xi32> to vector<64xi32>
      %broadcast_in_dim3A_223 = vector.shape_cast %reduce_min3A_222 : vector<64xi32> to vector<64x1xi32>
      %eq3A_224 = vector.broadcast %broadcast_in_dim3A_223 : vector<64x1xi32> to vector<64x512xi32>
      %eq3A_225 = arith.cmpi eq, %iota3A_134, %eq3A_224 : vector<64x512xi32>
      %jit3A_226 = arith.constant 0xFF800000 : f32
      %broadcast_in_dim3A_227 = vector.broadcast %jit3A_226 : f32 to vector<64x512xf32>
      %select_n3A_228 = arith.select %eq3A_225, %broadcast_in_dim3A_227, %select_n3A_190 : vector<64x512xi1>, vector<64x512xf32>
      %gt3A_229 = arith.constant -9.99999993E+36 : f32
      %gt3A_230 = vector.broadcast %gt3A_229 : f32 to vector<64x1xf32>
      %gt3A_231 = arith.cmpf ogt, %broadcast_in_dim3A_215, %gt3A_230 : vector<64x1xf32>
      %convert_element_type3A_232 = arith.extui %gt3A_231 : vector<64x1xi1> to vector<64x1xi32>
      %convert_element_type3A_233 = arith.sitofp %convert_element_type3A_232 : vector<64x1xi32> to vector<64x1xf32>
      %add3A_234 = arith.addf %add3A_196, %convert_element_type3A_233 : vector<64x1xf32>
      %add3A_235 = arith.constant 2.000000e-01 : f32
      %add3A_236 = vector.broadcast %add3A_235 : f32 to vector<64x1xf32>
      %add3A_237 = arith.addf %broadcast_in_dim3A_215, %add3A_236 : vector<64x1xf32>
      %exp3A_238 = math.exp %add3A_237 : vector<64x1xf32>
      %jit3A_239 = arith.constant 0.000000e+00 : f32
      %broadcast_in_dim3A_240 = vector.broadcast %jit3A_239 : f32 to vector<64x1xf32>
      %select_n3A_241 = arith.select %gt3A_231, %exp3A_238, %broadcast_in_dim3A_240 : vector<64x1xi1>, vector<64x1xf32>
      %broadcast_in_dim3A_242 = vector.shape_cast %select_n3A_241 : vector<64x1xf32> to vector<64x1x1xf32>
      %broadcast_in_dim3A_243 = vector.broadcast %broadcast_in_dim3A_242 : vector<64x1x1xf32> to vector<64x16x128xf32>
      %swap3A_244 = arith.constant 0 : index
      %swap3A_245 = arith.constant 2 : index
      %swap3A_246 = arith.constant 0 : index
      %swap3A_247 = arith.constant 0 : index
      %swap3A_248 = vector.load %arg12[%swap3A_244, %swap3A_245, %swap3A_246, %swap3A_247] : memref<64x16x16x128xf32, #tpu.memory_space<vmem>>, vector<64x1x16x128xf32>
      %swap3A_249 = vector.shape_cast %swap3A_248 : vector<64x1x16x128xf32> to vector<64x16x128xf32>
      %swap3A_250 = vector.shape_cast %broadcast_in_dim3A_243 : vector<64x16x128xf32> to vector<64x1x16x128xf32>
      tpu.vector_store %arg12[%swap3A_244, %swap3A_245, %swap3A_246, %swap3A_247], %swap3A_250 {strides = array<i32>} : memref<64x16x16x128xf32, #tpu.memory_space<vmem>>, vector<64x1x16x128xf32>,
      %reduce_max3A_251 = arith.constant dense<0xFF800000> : vector<64xf32>
      %reduce_max3A_252 = vector.multi_reduction <maximumf>, %select_n3A_228, %reduce_max3A_251 [1] : vector<64x512xf32> to vector<64xf32>
      %broadcast_in_dim3A_253 = vector.shape_cast %reduce_max3A_252 : vector<64xf32> to vector<64x1xf32>
      %eq3A_254 = vector.broadcast %broadcast_in_dim3A_253 : vector<64x1xf32> to vector<64x512xf32>
      %eq3A_255 = arith.cmpf oeq, %select_n3A_228, %eq3A_254 : vector<64x512xf32>
      %jit3A_256 = arith.constant 512 : i32
      %broadcast_in_dim3A_257 = vector.broadcast %jit3A_256 : i32 to vector<64x512xi32>
      %select_n3A_258 = arith.select %eq3A_255, %iota3A_134, %broadcast_in_dim3A_257 : vector<64x512xi1>, vector<64x512xi32>
      %reduce_min3A_259 = arith.constant dense<2147483647> : vector<64xi32>
      %reduce_min3A_260 = vector.multi_reduction <minsi>, %select_n3A_258, %reduce_min3A_259 [1] : vector<64x512xi32> to vector<64xi32>
      %broadcast_in_dim3A_261 = vector.shape_cast %reduce_min3A_260 : vector<64xi32> to vector<64x1xi32>
      %eq3A_262 = vector.broadcast %broadcast_in_dim3A_261 : vector<64x1xi32> to vector<64x512xi32>
      %eq3A_263 = arith.cmpi eq, %iota3A_134, %eq3A_262 : vector<64x512xi32>
      %jit3A_264 = arith.constant 0xFF800000 : f32
      %broadcast_in_dim3A_265 = vector.broadcast %jit3A_264 : f32 to vector<64x512xf32>
      %select_n3A_266 = arith.select %eq3A_263, %broadcast_in_dim3A_265, %select_n3A_228 : vector<64x512xi1>, vector<64x512xf32>
      %gt3A_267 = arith.constant -9.99999993E+36 : f32
      %gt3A_268 = vector.broadcast %gt3A_267 : f32 to vector<64x1xf32>
      %gt3A_269 = arith.cmpf ogt, %broadcast_in_dim3A_253, %gt3A_268 : vector<64x1xf32>
      %convert_element_type3A_270 = arith.extui %gt3A_269 : vector<64x1xi1> to vector<64x1xi32>
      %convert_element_type3A_271 = arith.sitofp %convert_element_type3A_270 : vector<64x1xi32> to vector<64x1xf32>
      %add3A_272 = arith.addf %add3A_234, %convert_element_type3A_271 : vector<64x1xf32>
      %add3A_273 = arith.constant 2.000000e-01 : f32
      %add3A_274 = vector.broadcast %add3A_273 : f32 to vector<64x1xf32>
      %add3A_275 = arith.addf %broadcast_in_dim3A_253, %add3A_274 : vector<64x1xf32>
      %exp3A_276 = math.exp %add3A_275 : vector<64x1xf32>
      %jit3A_277 = arith.constant 0.000000e+00 : f32
      %broadcast_in_dim3A_278 = vector.broadcast %jit3A_277 : f32 to vector<64x1xf32>
      %select_n3A_279 = arith.select %gt3A_269, %exp3A_276, %broadcast_in_dim3A_278 : vector<64x1xi1>, vector<64x1xf32>
      %broadcast_in_dim3A_280 = vector.shape_cast %select_n3A_279 : vector<64x1xf32> to vector<64x1x1xf32>
      %broadcast_in_dim3A_281 = vector.broadcast %broadcast_in_dim3A_280 : vector<64x1x1xf32> to vector<64x16x128xf32>
      %swap3A_282 = arith.constant 0 : index
      %swap3A_283 = arith.constant 3 : index
      %swap3A_284 = arith.constant 0 : index
      %swap3A_285 = arith.constant 0 : index
      %swap3A_286 = vector.load %arg12[%swap3A_282, %swap3A_283, %swap3A_284, %swap3A_285] : memref<64x16x16x128xf32, #tpu.memory_space<vmem>>, vector<64x1x16x128xf32>
      %swap3A_287 = vector.shape_cast %swap3A_286 : vector<64x1x16x128xf32> to vector<64x16x128xf32>
      %swap3A_288 = vector.shape_cast %broadcast_in_dim3A_281 : vector<64x16x128xf32> to vector<64x1x16x128xf32>
      tpu.vector_store %arg12[%swap3A_282, %swap3A_283, %swap3A_284, %swap3A_285], %swap3A_288 {strides = array<i32>} : memref<64x16x16x128xf32, #tpu.memory_space<vmem>>, vector<64x1x16x128xf32>,
      %reduce_max3A_289 = arith.constant dense<0xFF800000> : vector<64xf32>
      %reduce_max3A_290 = vector.multi_reduction <maximumf>, %select_n3A_266, %reduce_max3A_289 [1] : vector<64x512xf32> to vector<64xf32>
      %broadcast_in_dim3A_291 = vector.shape_cast %reduce_max3A_290 : vector<64xf32> to vector<64x1xf32>
      %eq3A_292 = vector.broadcast %broadcast_in_dim3A_291 : vector<64x1xf32> to vector<64x512xf32>
      %eq3A_293 = arith.cmpf oeq, %select_n3A_266, %eq3A_292 : vector<64x512xf32>
      %jit3A_294 = arith.constant 512 : i32
      %broadcast_in_dim3A_295 = vector.broadcast %jit3A_294 : i32 to vector<64x512xi32>
      %select_n3A_296 = arith.select %eq3A_293, %iota3A_134, %broadcast_in_dim3A_295 : vector<64x512xi1>, vector<64x512xi32>
      %reduce_min3A_297 = arith.constant dense<2147483647> : vector<64xi32>
      %reduce_min3A_298 = vector.multi_reduction <minsi>, %select_n3A_296, %reduce_min3A_297 [1] : vector<64x512xi32> to vector<64xi32>
      %broadcast_in_dim3A_299 = vector.shape_cast %reduce_min3A_298 : vector<64xi32> to vector<64x1xi32>
      %eq3A_300 = vector.broadcast %broadcast_in_dim3A_299 : vector<64x1xi32> to vector<64x512xi32>
      %eq3A_301 = arith.cmpi eq, %iota3A_134, %eq3A_300 : vector<64x512xi32>
      %jit3A_302 = arith.constant 0xFF800000 : f32
      %broadcast_in_dim3A_303 = vector.broadcast %jit3A_302 : f32 to vector<64x512xf32>
      %select_n3A_304 = arith.select %eq3A_301, %broadcast_in_dim3A_303, %select_n3A_266 : vector<64x512xi1>, vector<64x512xf32>
      %gt3A_305 = arith.constant -9.99999993E+36 : f32
      %gt3A_306 = vector.broadcast %gt3A_305 : f32 to vector<64x1xf32>
      %gt3A_307 = arith.cmpf ogt, %broadcast_in_dim3A_291, %gt3A_306 : vector<64x1xf32>
      %convert_element_type3A_308 = arith.extui %gt3A_307 : vector<64x1xi1> to vector<64x1xi32>
      %convert_element_type3A_309 = arith.sitofp %convert_element_type3A_308 : vector<64x1xi32> to vector<64x1xf32>
      %add3A_310 = arith.addf %add3A_272, %convert_element_type3A_309 : vector<64x1xf32>
      %add3A_311 = arith.constant 2.000000e-01 : f32
      %add3A_312 = vector.broadcast %add3A_311 : f32 to vector<64x1xf32>
      %add3A_313 = arith.addf %broadcast_in_dim3A_291, %add3A_312 : vector<64x1xf32>
      %exp3A_314 = math.exp %add3A_313 : vector<64x1xf32>
      %jit3A_315 = arith.constant 0.000000e+00 : f32
      %broadcast_in_dim3A_316 = vector.broadcast %jit3A_315 : f32 to vector<64x1xf32>
      %select_n3A_317 = arith.select %gt3A_307, %exp3A_314, %broadcast_in_dim3A_316 : vector<64x1xi1>, vector<64x1xf32>
      %broadcast_in_dim3A_318 = vector.shape_cast %select_n3A_317 : vector<64x1xf32> to vector<64x1x1xf32>
      %broadcast_in_dim3A_319 = vector.broadcast %broadcast_in_dim3A_318 : vector<64x1x1xf32> to vector<64x16x128xf32>
      %swap3A_320 = arith.constant 0 : index
      %swap3A_321 = arith.constant 4 : index
      %swap3A_322 = arith.constant 0 : index
      %swap3A_323 = arith.constant 0 : index
      %swap3A_324 = vector.load %arg12[%swap3A_320, %swap3A_321, %swap3A_322, %swap3A_323] : memref<64x16x16x128xf32, #tpu.memory_space<vmem>>, vector<64x1x16x128xf32>
      %swap3A_325 = vector.shape_cast %swap3A_324 : vector<64x1x16x128xf32> to vector<64x16x128xf32>
      %swap3A_326 = vector.shape_cast %broadcast_in_dim3A_319 : vector<64x16x128xf32> to vector<64x1x16x128xf32>
      tpu.vector_store %arg12[%swap3A_320, %swap3A_321, %swap3A_322, %swap3A_323], %swap3A_326 {strides = array<i32>} : memref<64x16x16x128xf32, #tpu.memory_space<vmem>>, vector<64x1x16x128xf32>,
      %reduce_max3A_327 = arith.constant dense<0xFF800000> : vector<64xf32>
      %reduce_max3A_328 = vector.multi_reduction <maximumf>, %select_n3A_304, %reduce_max3A_327 [1] : vector<64x512xf32> to vector<64xf32>
      %broadcast_in_dim3A_329 = vector.shape_cast %reduce_max3A_328 : vector<64xf32> to vector<64x1xf32>
      %eq3A_330 = vector.broadcast %broadcast_in_dim3A_329 : vector<64x1xf32> to vector<64x512xf32>
      %eq3A_331 = arith.cmpf oeq, %select_n3A_304, %eq3A_330 : vector<64x512xf32>
      %jit3A_332 = arith.constant 512 : i32
      %broadcast_in_dim3A_333 = vector.broadcast %jit3A_332 : i32 to vector<64x512xi32>
      %select_n3A_334 = arith.select %eq3A_331, %iota3A_134, %broadcast_in_dim3A_333 : vector<64x512xi1>, vector<64x512xi32>
      %reduce_min3A_335 = arith.constant dense<2147483647> : vector<64xi32>
      %reduce_min3A_336 = vector.multi_reduction <minsi>, %select_n3A_334, %reduce_min3A_335 [1] : vector<64x512xi32> to vector<64xi32>
      %broadcast_in_dim3A_337 = vector.shape_cast %reduce_min3A_336 : vector<64xi32> to vector<64x1xi32>
      %eq3A_338 = vector.broadcast %broadcast_in_dim3A_337 : vector<64x1xi32> to vector<64x512xi32>
      %eq3A_339 = arith.cmpi eq, %iota3A_134, %eq3A_338 : vector<64x512xi32>
      %jit3A_340 = arith.constant 0xFF800000 : f32
      %broadcast_in_dim3A_341 = vector.broadcast %jit3A_340 : f32 to vector<64x512xf32>
      %select_n3A_342 = arith.select %eq3A_339, %broadcast_in_dim3A_341, %select_n3A_304 : vector<64x512xi1>, vector<64x512xf32>
      %gt3A_343 = arith.constant -9.99999993E+36 : f32
      %gt3A_344 = vector.broadcast %gt3A_343 : f32 to vector<64x1xf32>
      %gt3A_345 = arith.cmpf ogt, %broadcast_in_dim3A_329, %gt3A_344 : vector<64x1xf32>
      %convert_element_type3A_346 = arith.extui %gt3A_345 : vector<64x1xi1> to vector<64x1xi32>
      %convert_element_type3A_347 = arith.sitofp %convert_element_type3A_346 : vector<64x1xi32> to vector<64x1xf32>
      %add3A_348 = arith.addf %add3A_310, %convert_element_type3A_347 : vector<64x1xf32>
      %add3A_349 = arith.constant 2.000000e-01 : f32
      %add3A_350 = vector.broadcast %add3A_349 : f32 to vector<64x1xf32>
      %add3A_351 = arith.addf %broadcast_in_dim3A_329, %add3A_350 : vector<64x1xf32>
      %exp3A_352 = math.exp %add3A_351 : vector<64x1xf32>
      %jit3A_353 = arith.constant 0.000000e+00 : f32
      %broadcast_in_dim3A_354 = vector.broadcast %jit3A_353 : f32 to vector<64x1xf32>
      %select_n3A_355 = arith.select %gt3A_345, %exp3A_352, %broadcast_in_dim3A_354 : vector<64x1xi1>, vector<64x1xf32>
      %broadcast_in_dim3A_356 = vector.shape_cast %select_n3A_355 : vector<64x1xf32> to vector<64x1x1xf32>
      %broadcast_in_dim3A_357 = vector.broadcast %broadcast_in_dim3A_356 : vector<64x1x1xf32> to vector<64x16x128xf32>
      %swap3A_358 = arith.constant 0 : index
      %swap3A_359 = arith.constant 5 : index
      %swap3A_360 = arith.constant 0 : index
      %swap3A_361 = arith.constant 0 : index
      %swap3A_362 = vector.load %arg12[%swap3A_358, %swap3A_359, %swap3A_360, %swap3A_361] : memref<64x16x16x128xf32, #tpu.memory_space<vmem>>, vector<64x1x16x128xf32>
      %swap3A_363 = vector.shape_cast %swap3A_362 : vector<64x1x16x128xf32> to vector<64x16x128xf32>
      %swap3A_364 = vector.shape_cast %broadcast_in_dim3A_357 : vector<64x16x128xf32> to vector<64x1x16x128xf32>
      tpu.vector_store %arg12[%swap3A_358, %swap3A_359, %swap3A_360, %swap3A_361], %swap3A_364 {strides = array<i32>} : memref<64x16x16x128xf32, #tpu.memory_space<vmem>>, vector<64x1x16x128xf32>,
      %reduce_max3A_365 = arith.constant dense<0xFF800000> : vector<64xf32>
      %reduce_max3A_366 = vector.multi_reduction <maximumf>, %select_n3A_342, %reduce_max3A_365 [1] : vector<64x512xf32> to vector<64xf32>
      %broadcast_in_dim3A_367 = vector.shape_cast %reduce_max3A_366 : vector<64xf32> to vector<64x1xf32>
      %eq3A_368 = vector.broadcast %broadcast_in_dim3A_367 : vector<64x1xf32> to vector<64x512xf32>
      %eq3A_369 = arith.cmpf oeq, %select_n3A_342, %eq3A_368 : vector<64x512xf32>
      %jit3A_370 = arith.constant 512 : i32
      %broadcast_in_dim3A_371 = vector.broadcast %jit3A_370 : i32 to vector<64x512xi32>
      %select_n3A_372 = arith.select %eq3A_369, %iota3A_134, %broadcast_in_dim3A_371 : vector<64x512xi1>, vector<64x512xi32>
      %reduce_min3A_373 = arith.constant dense<2147483647> : vector<64xi32>
      %reduce_min3A_374 = vector.multi_reduction <minsi>, %select_n3A_372, %reduce_min3A_373 [1] : vector<64x512xi32> to vector<64xi32>
      %broadcast_in_dim3A_375 = vector.shape_cast %reduce_min3A_374 : vector<64xi32> to vector<64x1xi32>
      %eq3A_376 = vector.broadcast %broadcast_in_dim3A_375 : vector<64x1xi32> to vector<64x512xi32>
      %eq3A_377 = arith.cmpi eq, %iota3A_134, %eq3A_376 : vector<64x512xi32>
      %jit3A_378 = arith.constant 0xFF800000 : f32
      %broadcast_in_dim3A_379 = vector.broadcast %jit3A_378 : f32 to vector<64x512xf32>
      %select_n3A_380 = arith.select %eq3A_377, %broadcast_in_dim3A_379, %select_n3A_342 : vector<64x512xi1>, vector<64x512xf32>
      %gt3A_381 = arith.constant -9.99999993E+36 : f32
      %gt3A_382 = vector.broadcast %gt3A_381 : f32 to vector<64x1xf32>
      %gt3A_383 = arith.cmpf ogt, %broadcast_in_dim3A_367, %gt3A_382 : vector<64x1xf32>
      %convert_element_type3A_384 = arith.extui %gt3A_383 : vector<64x1xi1> to vector<64x1xi32>
      %convert_element_type3A_385 = arith.sitofp %convert_element_type3A_384 : vector<64x1xi32> to vector<64x1xf32>
      %add3A_386 = arith.addf %add3A_348, %convert_element_type3A_385 : vector<64x1xf32>
      %add3A_387 = arith.constant 2.000000e-01 : f32
      %add3A_388 = vector.broadcast %add3A_387 : f32 to vector<64x1xf32>
      %add3A_389 = arith.addf %broadcast_in_dim3A_367, %add3A_388 : vector<64x1xf32>
      %exp3A_390 = math.exp %add3A_389 : vector<64x1xf32>
      %jit3A_391 = arith.constant 0.000000e+00 : f32
      %broadcast_in_dim3A_392 = vector.broadcast %jit3A_391 : f32 to vector<64x1xf32>
      %select_n3A_393 = arith.select %gt3A_383, %exp3A_390, %broadcast_in_dim3A_392 : vector<64x1xi1>, vector<64x1xf32>
      %broadcast_in_dim3A_394 = vector.shape_cast %select_n3A_393 : vector<64x1xf32> to vector<64x1x1xf32>
      %broadcast_in_dim3A_395 = vector.broadcast %broadcast_in_dim3A_394 : vector<64x1x1xf32> to vector<64x16x128xf32>
      %swap3A_396 = arith.constant 0 : index
      %swap3A_397 = arith.constant 6 : index
      %swap3A_398 = arith.constant 0 : index
      %swap3A_399 = arith.constant 0 : index
      %swap3A_400 = vector.load %arg12[%swap3A_396, %swap3A_397, %swap3A_398, %swap3A_399] : memref<64x16x16x128xf32, #tpu.memory_space<vmem>>, vector<64x1x16x128xf32>
      %swap3A_401 = vector.shape_cast %swap3A_400 : vector<64x1x16x128xf32> to vector<64x16x128xf32>
      %swap3A_402 = vector.shape_cast %broadcast_in_dim3A_395 : vector<64x16x128xf32> to vector<64x1x16x128xf32>
      tpu.vector_store %arg12[%swap3A_396, %swap3A_397, %swap3A_398, %swap3A_399], %swap3A_402 {strides = array<i32>} : memref<64x16x16x128xf32, #tpu.memory_space<vmem>>, vector<64x1x16x128xf32>,
      %reduce_max3A_403 = arith.constant dense<0xFF800000> : vector<64xf32>
      %reduce_max3A_404 = vector.multi_reduction <maximumf>, %select_n3A_380, %reduce_max3A_403 [1] : vector<64x512xf32> to vector<64xf32>
      %broadcast_in_dim3A_405 = vector.shape_cast %reduce_max3A_404 : vector<64xf32> to vector<64x1xf32>
      %eq3A_406 = vector.broadcast %broadcast_in_dim3A_405 : vector<64x1xf32> to vector<64x512xf32>
      %eq3A_407 = arith.cmpf oeq, %select_n3A_380, %eq3A_406 : vector<64x512xf32>
      %jit3A_408 = arith.constant 512 : i32
      %broadcast_in_dim3A_409 = vector.broadcast %jit3A_408 : i32 to vector<64x512xi32>
      %select_n3A_410 = arith.select %eq3A_407, %iota3A_134, %broadcast_in_dim3A_409 : vector<64x512xi1>, vector<64x512xi32>
      %reduce_min3A_411 = arith.constant dense<2147483647> : vector<64xi32>
      %reduce_min3A_412 = vector.multi_reduction <minsi>, %select_n3A_410, %reduce_min3A_411 [1] : vector<64x512xi32> to vector<64xi32>
      %broadcast_in_dim3A_413 = vector.shape_cast %reduce_min3A_412 : vector<64xi32> to vector<64x1xi32>
      %eq3A_414 = vector.broadcast %broadcast_in_dim3A_413 : vector<64x1xi32> to vector<64x512xi32>
      %eq3A_415 = arith.cmpi eq, %iota3A_134, %eq3A_414 : vector<64x512xi32>
      %jit3A_416 = arith.constant 0xFF800000 : f32
      %broadcast_in_dim3A_417 = vector.broadcast %jit3A_416 : f32 to vector<64x512xf32>
      %select_n3A_418 = arith.select %eq3A_415, %broadcast_in_dim3A_417, %select_n3A_380 : vector<64x512xi1>, vector<64x512xf32>
      %gt3A_419 = arith.constant -9.99999993E+36 : f32
      %gt3A_420 = vector.broadcast %gt3A_419 : f32 to vector<64x1xf32>
      %gt3A_421 = arith.cmpf ogt, %broadcast_in_dim3A_405, %gt3A_420 : vector<64x1xf32>
      %convert_element_type3A_422 = arith.extui %gt3A_421 : vector<64x1xi1> to vector<64x1xi32>
      %convert_element_type3A_423 = arith.sitofp %convert_element_type3A_422 : vector<64x1xi32> to vector<64x1xf32>
      %add3A_424 = arith.addf %add3A_386, %convert_element_type3A_423 : vector<64x1xf32>
      %add3A_425 = arith.constant 2.000000e-01 : f32
      %add3A_426 = vector.broadcast %add3A_425 : f32 to vector<64x1xf32>
      %add3A_427 = arith.addf %broadcast_in_dim3A_405, %add3A_426 : vector<64x1xf32>
      %exp3A_428 = math.exp %add3A_427 : vector<64x1xf32>
      %jit3A_429 = arith.constant 0.000000e+00 : f32
      %broadcast_in_dim3A_430 = vector.broadcast %jit3A_429 : f32 to vector<64x1xf32>
      %select_n3A_431 = arith.select %gt3A_421, %exp3A_428, %broadcast_in_dim3A_430 : vector<64x1xi1>, vector<64x1xf32>
      %broadcast_in_dim3A_432 = vector.shape_cast %select_n3A_431 : vector<64x1xf32> to vector<64x1x1xf32>
      %broadcast_in_dim3A_433 = vector.broadcast %broadcast_in_dim3A_432 : vector<64x1x1xf32> to vector<64x16x128xf32>
      %swap3A_434 = arith.constant 0 : index
      %swap3A_435 = arith.constant 7 : index
      %swap3A_436 = arith.constant 0 : index
      %swap3A_437 = arith.constant 0 : index
      %swap3A_438 = vector.load %arg12[%swap3A_434, %swap3A_435, %swap3A_436, %swap3A_437] : memref<64x16x16x128xf32, #tpu.memory_space<vmem>>, vector<64x1x16x128xf32>
      %swap3A_439 = vector.shape_cast %swap3A_438 : vector<64x1x16x128xf32> to vector<64x16x128xf32>
      %swap3A_440 = vector.shape_cast %broadcast_in_dim3A_433 : vector<64x16x128xf32> to vector<64x1x16x128xf32>
      tpu.vector_store %arg12[%swap3A_434, %swap3A_435, %swap3A_436, %swap3A_437], %swap3A_440 {strides = array<i32>} : memref<64x16x16x128xf32, #tpu.memory_space<vmem>>, vector<64x1x16x128xf32>,
      %reduce_max3A_441 = arith.constant dense<0xFF800000> : vector<64xf32>
      %reduce_max3A_442 = vector.multi_reduction <maximumf>, %select_n3A_418, %reduce_max3A_441 [1] : vector<64x512xf32> to vector<64xf32>
      %broadcast_in_dim3A_443 = vector.shape_cast %reduce_max3A_442 : vector<64xf32> to vector<64x1xf32>
      %eq3A_444 = vector.broadcast %broadcast_in_dim3A_443 : vector<64x1xf32> to vector<64x512xf32>
      %eq3A_445 = arith.cmpf oeq, %select_n3A_418, %eq3A_444 : vector<64x512xf32>
      %jit3A_446 = arith.constant 512 : i32
      %broadcast_in_dim3A_447 = vector.broadcast %jit3A_446 : i32 to vector<64x512xi32>
      %select_n3A_448 = arith.select %eq3A_445, %iota3A_134, %broadcast_in_dim3A_447 : vector<64x512xi1>, vector<64x512xi32>
      %reduce_min3A_449 = arith.constant dense<2147483647> : vector<64xi32>
      %reduce_min3A_450 = vector.multi_reduction <minsi>, %select_n3A_448, %reduce_min3A_449 [1] : vector<64x512xi32> to vector<64xi32>
      %broadcast_in_dim3A_451 = vector.shape_cast %reduce_min3A_450 : vector<64xi32> to vector<64x1xi32>
      %eq3A_452 = vector.broadcast %broadcast_in_dim3A_451 : vector<64x1xi32> to vector<64x512xi32>
      %eq3A_453 = arith.cmpi eq, %iota3A_134, %eq3A_452 : vector<64x512xi32>
      %jit3A_454 = arith.constant 0xFF800000 : f32
      %broadcast_in_dim3A_455 = vector.broadcast %jit3A_454 : f32 to vector<64x512xf32>
      %select_n3A_456 = arith.select %eq3A_453, %broadcast_in_dim3A_455, %select_n3A_418 : vector<64x512xi1>, vector<64x512xf32>
      %gt3A_457 = arith.constant -9.99999993E+36 : f32
      %gt3A_458 = vector.broadcast %gt3A_457 : f32 to vector<64x1xf32>
      %gt3A_459 = arith.cmpf ogt, %broadcast_in_dim3A_443, %gt3A_458 : vector<64x1xf32>
      %convert_element_type3A_460 = arith.extui %gt3A_459 : vector<64x1xi1> to vector<64x1xi32>
      %convert_element_type3A_461 = arith.sitofp %convert_element_type3A_460 : vector<64x1xi32> to vector<64x1xf32>
      %add3A_462 = arith.addf %add3A_424, %convert_element_type3A_461 : vector<64x1xf32>
      %add3A_463 = arith.constant 2.000000e-01 : f32
      %add3A_464 = vector.broadcast %add3A_463 : f32 to vector<64x1xf32>
      %add3A_465 = arith.addf %broadcast_in_dim3A_443, %add3A_464 : vector<64x1xf32>
      %exp3A_466 = math.exp %add3A_465 : vector<64x1xf32>
      %jit3A_467 = arith.constant 0.000000e+00 : f32
      %broadcast_in_dim3A_468 = vector.broadcast %jit3A_467 : f32 to vector<64x1xf32>
      %select_n3A_469 = arith.select %gt3A_459, %exp3A_466, %broadcast_in_dim3A_468 : vector<64x1xi1>, vector<64x1xf32>
      %broadcast_in_dim3A_470 = vector.shape_cast %select_n3A_469 : vector<64x1xf32> to vector<64x1x1xf32>
      %broadcast_in_dim3A_471 = vector.broadcast %broadcast_in_dim3A_470 : vector<64x1x1xf32> to vector<64x16x128xf32>
      %swap3A_472 = arith.constant 0 : index
      %swap3A_473 = arith.constant 8 : index
      %swap3A_474 = arith.constant 0 : index
      %swap3A_475 = arith.constant 0 : index
      %swap3A_476 = vector.load %arg12[%swap3A_472, %swap3A_473, %swap3A_474, %swap3A_475] : memref<64x16x16x128xf32, #tpu.memory_space<vmem>>, vector<64x1x16x128xf32>
      %swap3A_477 = vector.shape_cast %swap3A_476 : vector<64x1x16x128xf32> to vector<64x16x128xf32>
      %swap3A_478 = vector.shape_cast %broadcast_in_dim3A_471 : vector<64x16x128xf32> to vector<64x1x16x128xf32>
      tpu.vector_store %arg12[%swap3A_472, %swap3A_473, %swap3A_474, %swap3A_475], %swap3A_478 {strides = array<i32>} : memref<64x16x16x128xf32, #tpu.memory_space<vmem>>, vector<64x1x16x128xf32>,
      %reduce_max3A_479 = arith.constant dense<0xFF800000> : vector<64xf32>
      %reduce_max3A_480 = vector.multi_reduction <maximumf>, %select_n3A_456, %reduce_max3A_479 [1] : vector<64x512xf32> to vector<64xf32>
      %broadcast_in_dim3A_481 = vector.shape_cast %reduce_max3A_480 : vector<64xf32> to vector<64x1xf32>
      %eq3A_482 = vector.broadcast %broadcast_in_dim3A_481 : vector<64x1xf32> to vector<64x512xf32>
      %eq3A_483 = arith.cmpf oeq, %select_n3A_456, %eq3A_482 : vector<64x512xf32>
      %jit3A_484 = arith.constant 512 : i32
      %broadcast_in_dim3A_485 = vector.broadcast %jit3A_484 : i32 to vector<64x512xi32>
      %select_n3A_486 = arith.select %eq3A_483, %iota3A_134, %broadcast_in_dim3A_485 : vector<64x512xi1>, vector<64x512xi32>
      %reduce_min3A_487 = arith.constant dense<2147483647> : vector<64xi32>
      %reduce_min3A_488 = vector.multi_reduction <minsi>, %select_n3A_486, %reduce_min3A_487 [1] : vector<64x512xi32> to vector<64xi32>
      %broadcast_in_dim3A_489 = vector.shape_cast %reduce_min3A_488 : vector<64xi32> to vector<64x1xi32>
      %eq3A_490 = vector.broadcast %broadcast_in_dim3A_489 : vector<64x1xi32> to vector<64x512xi32>
      %eq3A_491 = arith.cmpi eq, %iota3A_134, %eq3A_490 : vector<64x512xi32>
      %jit3A_492 = arith.constant 0xFF800000 : f32
      %broadcast_in_dim3A_493 = vector.broadcast %jit3A_492 : f32 to vector<64x512xf32>
      %select_n3A_494 = arith.select %eq3A_491, %broadcast_in_dim3A_493, %select_n3A_456 : vector<64x512xi1>, vector<64x512xf32>
      %gt3A_495 = arith.constant -9.99999993E+36 : f32
      %gt3A_496 = vector.broadcast %gt3A_495 : f32 to vector<64x1xf32>
      %gt3A_497 = arith.cmpf ogt, %broadcast_in_dim3A_481, %gt3A_496 : vector<64x1xf32>
      %convert_element_type3A_498 = arith.extui %gt3A_497 : vector<64x1xi1> to vector<64x1xi32>
      %convert_element_type3A_499 = arith.sitofp %convert_element_type3A_498 : vector<64x1xi32> to vector<64x1xf32>
      %add3A_500 = arith.addf %add3A_462, %convert_element_type3A_499 : vector<64x1xf32>
      %add3A_501 = arith.constant 2.000000e-01 : f32
      %add3A_502 = vector.broadcast %add3A_501 : f32 to vector<64x1xf32>
      %add3A_503 = arith.addf %broadcast_in_dim3A_481, %add3A_502 : vector<64x1xf32>
      %exp3A_504 = math.exp %add3A_503 : vector<64x1xf32>
      %jit3A_505 = arith.constant 0.000000e+00 : f32
      %broadcast_in_dim3A_506 = vector.broadcast %jit3A_505 : f32 to vector<64x1xf32>
      %select_n3A_507 = arith.select %gt3A_497, %exp3A_504, %broadcast_in_dim3A_506 : vector<64x1xi1>, vector<64x1xf32>
      %broadcast_in_dim3A_508 = vector.shape_cast %select_n3A_507 : vector<64x1xf32> to vector<64x1x1xf32>
      %broadcast_in_dim3A_509 = vector.broadcast %broadcast_in_dim3A_508 : vector<64x1x1xf32> to vector<64x16x128xf32>
      %swap3A_510 = arith.constant 0 : index
      %swap3A_511 = arith.constant 9 : index
      %swap3A_512 = arith.constant 0 : index
      %swap3A_513 = arith.constant 0 : index
      %swap3A_514 = vector.load %arg12[%swap3A_510, %swap3A_511, %swap3A_512, %swap3A_513] : memref<64x16x16x128xf32, #tpu.memory_space<vmem>>, vector<64x1x16x128xf32>
      %swap3A_515 = vector.shape_cast %swap3A_514 : vector<64x1x16x128xf32> to vector<64x16x128xf32>
      %swap3A_516 = vector.shape_cast %broadcast_in_dim3A_509 : vector<64x16x128xf32> to vector<64x1x16x128xf32>
      tpu.vector_store %arg12[%swap3A_510, %swap3A_511, %swap3A_512, %swap3A_513], %swap3A_516 {strides = array<i32>} : memref<64x16x16x128xf32, #tpu.memory_space<vmem>>, vector<64x1x16x128xf32>,
      %reduce_max3A_517 = arith.constant dense<0xFF800000> : vector<64xf32>
      %reduce_max3A_518 = vector.multi_reduction <maximumf>, %select_n3A_494, %reduce_max3A_517 [1] : vector<64x512xf32> to vector<64xf32>
      %broadcast_in_dim3A_519 = vector.shape_cast %reduce_max3A_518 : vector<64xf32> to vector<64x1xf32>
      %eq3A_520 = vector.broadcast %broadcast_in_dim3A_519 : vector<64x1xf32> to vector<64x512xf32>
      %eq3A_521 = arith.cmpf oeq, %select_n3A_494, %eq3A_520 : vector<64x512xf32>
      %jit3A_522 = arith.constant 512 : i32
      %broadcast_in_dim3A_523 = vector.broadcast %jit3A_522 : i32 to vector<64x512xi32>
      %select_n3A_524 = arith.select %eq3A_521, %iota3A_134, %broadcast_in_dim3A_523 : vector<64x512xi1>, vector<64x512xi32>
      %reduce_min3A_525 = arith.constant dense<2147483647> : vector<64xi32>
      %reduce_min3A_526 = vector.multi_reduction <minsi>, %select_n3A_524, %reduce_min3A_525 [1] : vector<64x512xi32> to vector<64xi32>
      %broadcast_in_dim3A_527 = vector.shape_cast %reduce_min3A_526 : vector<64xi32> to vector<64x1xi32>
      %eq3A_528 = vector.broadcast %broadcast_in_dim3A_527 : vector<64x1xi32> to vector<64x512xi32>
      %eq3A_529 = arith.cmpi eq, %iota3A_134, %eq3A_528 : vector<64x512xi32>
      %jit3A_530 = arith.constant 0xFF800000 : f32
      %broadcast_in_dim3A_531 = vector.broadcast %jit3A_530 : f32 to vector<64x512xf32>
      %select_n3A_532 = arith.select %eq3A_529, %broadcast_in_dim3A_531, %select_n3A_494 : vector<64x512xi1>, vector<64x512xf32>
      %gt3A_533 = arith.constant -9.99999993E+36 : f32
      %gt3A_534 = vector.broadcast %gt3A_533 : f32 to vector<64x1xf32>
      %gt3A_535 = arith.cmpf ogt, %broadcast_in_dim3A_519, %gt3A_534 : vector<64x1xf32>
      %convert_element_type3A_536 = arith.extui %gt3A_535 : vector<64x1xi1> to vector<64x1xi32>
      %convert_element_type3A_537 = arith.sitofp %convert_element_type3A_536 : vector<64x1xi32> to vector<64x1xf32>
      %add3A_538 = arith.addf %add3A_500, %convert_element_type3A_537 : vector<64x1xf32>
      %add3A_539 = arith.constant 2.000000e-01 : f32
      %add3A_540 = vector.broadcast %add3A_539 : f32 to vector<64x1xf32>
      %add3A_541 = arith.addf %broadcast_in_dim3A_519, %add3A_540 : vector<64x1xf32>
      %exp3A_542 = math.exp %add3A_541 : vector<64x1xf32>
      %jit3A_543 = arith.constant 0.000000e+00 : f32
      %broadcast_in_dim3A_544 = vector.broadcast %jit3A_543 : f32 to vector<64x1xf32>
      %select_n3A_545 = arith.select %gt3A_535, %exp3A_542, %broadcast_in_dim3A_544 : vector<64x1xi1>, vector<64x1xf32>
      %broadcast_in_dim3A_546 = vector.shape_cast %select_n3A_545 : vector<64x1xf32> to vector<64x1x1xf32>
      %broadcast_in_dim3A_547 = vector.broadcast %broadcast_in_dim3A_546 : vector<64x1x1xf32> to vector<64x16x128xf32>
      %swap3A_548 = arith.constant 0 : index
      %swap3A_549 = arith.constant 10 : index
      %swap3A_550 = arith.constant 0 : index
      %swap3A_551 = arith.constant 0 : index
      %swap3A_552 = vector.load %arg12[%swap3A_548, %swap3A_549, %swap3A_550, %swap3A_551] : memref<64x16x16x128xf32, #tpu.memory_space<vmem>>, vector<64x1x16x128xf32>
      %swap3A_553 = vector.shape_cast %swap3A_552 : vector<64x1x16x128xf32> to vector<64x16x128xf32>
      %swap3A_554 = vector.shape_cast %broadcast_in_dim3A_547 : vector<64x16x128xf32> to vector<64x1x16x128xf32>
      tpu.vector_store %arg12[%swap3A_548, %swap3A_549, %swap3A_550, %swap3A_551], %swap3A_554 {strides = array<i32>} : memref<64x16x16x128xf32, #tpu.memory_space<vmem>>, vector<64x1x16x128xf32>,
      %reduce_max3A_555 = arith.constant dense<0xFF800000> : vector<64xf32>
      %reduce_max3A_556 = vector.multi_reduction <maximumf>, %select_n3A_532, %reduce_max3A_555 [1] : vector<64x512xf32> to vector<64xf32>
      %broadcast_in_dim3A_557 = vector.shape_cast %reduce_max3A_556 : vector<64xf32> to vector<64x1xf32>
      %eq3A_558 = vector.broadcast %broadcast_in_dim3A_557 : vector<64x1xf32> to vector<64x512xf32>
      %eq3A_559 = arith.cmpf oeq, %select_n3A_532, %eq3A_558 : vector<64x512xf32>
      %jit3A_560 = arith.constant 512 : i32
      %broadcast_in_dim3A_561 = vector.broadcast %jit3A_560 : i32 to vector<64x512xi32>
      %select_n3A_562 = arith.select %eq3A_559, %iota3A_134, %broadcast_in_dim3A_561 : vector<64x512xi1>, vector<64x512xi32>
      %reduce_min3A_563 = arith.constant dense<2147483647> : vector<64xi32>
      %reduce_min3A_564 = vector.multi_reduction <minsi>, %select_n3A_562, %reduce_min3A_563 [1] : vector<64x512xi32> to vector<64xi32>
      %broadcast_in_dim3A_565 = vector.shape_cast %reduce_min3A_564 : vector<64xi32> to vector<64x1xi32>
      %eq3A_566 = vector.broadcast %broadcast_in_dim3A_565 : vector<64x1xi32> to vector<64x512xi32>
      %eq3A_567 = arith.cmpi eq, %iota3A_134, %eq3A_566 : vector<64x512xi32>
      %jit3A_568 = arith.constant 0xFF800000 : f32
      %broadcast_in_dim3A_569 = vector.broadcast %jit3A_568 : f32 to vector<64x512xf32>
      %select_n3A_570 = arith.select %eq3A_567, %broadcast_in_dim3A_569, %select_n3A_532 : vector<64x512xi1>, vector<64x512xf32>
      %gt3A_571 = arith.constant -9.99999993E+36 : f32
      %gt3A_572 = vector.broadcast %gt3A_571 : f32 to vector<64x1xf32>
      %gt3A_573 = arith.cmpf ogt, %broadcast_in_dim3A_557, %gt3A_572 : vector<64x1xf32>
      %convert_element_type3A_574 = arith.extui %gt3A_573 : vector<64x1xi1> to vector<64x1xi32>
      %convert_element_type3A_575 = arith.sitofp %convert_element_type3A_574 : vector<64x1xi32> to vector<64x1xf32>
      %add3A_576 = arith.addf %add3A_538, %convert_element_type3A_575 : vector<64x1xf32>
      %add3A_577 = arith.constant 2.000000e-01 : f32
      %add3A_578 = vector.broadcast %add3A_577 : f32 to vector<64x1xf32>
      %add3A_579 = arith.addf %broadcast_in_dim3A_557, %add3A_578 : vector<64x1xf32>
      %exp3A_580 = math.exp %add3A_579 : vector<64x1xf32>
      %jit3A_581 = arith.constant 0.000000e+00 : f32
      %broadcast_in_dim3A_582 = vector.broadcast %jit3A_581 : f32 to vector<64x1xf32>
      %select_n3A_583 = arith.select %gt3A_573, %exp3A_580, %broadcast_in_dim3A_582 : vector<64x1xi1>, vector<64x1xf32>
      %broadcast_in_dim3A_584 = vector.shape_cast %select_n3A_583 : vector<64x1xf32> to vector<64x1x1xf32>
      %broadcast_in_dim3A_585 = vector.broadcast %broadcast_in_dim3A_584 : vector<64x1x1xf32> to vector<64x16x128xf32>
      %swap3A_586 = arith.constant 0 : index
      %swap3A_587 = arith.constant 11 : index
      %swap3A_588 = arith.constant 0 : index
      %swap3A_589 = arith.constant 0 : index
      %swap3A_590 = vector.load %arg12[%swap3A_586, %swap3A_587, %swap3A_588, %swap3A_589] : memref<64x16x16x128xf32, #tpu.memory_space<vmem>>, vector<64x1x16x128xf32>
      %swap3A_591 = vector.shape_cast %swap3A_590 : vector<64x1x16x128xf32> to vector<64x16x128xf32>
      %swap3A_592 = vector.shape_cast %broadcast_in_dim3A_585 : vector<64x16x128xf32> to vector<64x1x16x128xf32>
      tpu.vector_store %arg12[%swap3A_586, %swap3A_587, %swap3A_588, %swap3A_589], %swap3A_592 {strides = array<i32>} : memref<64x16x16x128xf32, #tpu.memory_space<vmem>>, vector<64x1x16x128xf32>,
      %reduce_max3A_593 = arith.constant dense<0xFF800000> : vector<64xf32>
      %reduce_max3A_594 = vector.multi_reduction <maximumf>, %select_n3A_570, %reduce_max3A_593 [1] : vector<64x512xf32> to vector<64xf32>
      %broadcast_in_dim3A_595 = vector.shape_cast %reduce_max3A_594 : vector<64xf32> to vector<64x1xf32>
      %eq3A_596 = vector.broadcast %broadcast_in_dim3A_595 : vector<64x1xf32> to vector<64x512xf32>
      %eq3A_597 = arith.cmpf oeq, %select_n3A_570, %eq3A_596 : vector<64x512xf32>
      %jit3A_598 = arith.constant 512 : i32
      %broadcast_in_dim3A_599 = vector.broadcast %jit3A_598 : i32 to vector<64x512xi32>
      %select_n3A_600 = arith.select %eq3A_597, %iota3A_134, %broadcast_in_dim3A_599 : vector<64x512xi1>, vector<64x512xi32>
      %reduce_min3A_601 = arith.constant dense<2147483647> : vector<64xi32>
      %reduce_min3A_602 = vector.multi_reduction <minsi>, %select_n3A_600, %reduce_min3A_601 [1] : vector<64x512xi32> to vector<64xi32>
      %broadcast_in_dim3A_603 = vector.shape_cast %reduce_min3A_602 : vector<64xi32> to vector<64x1xi32>
      %eq3A_604 = vector.broadcast %broadcast_in_dim3A_603 : vector<64x1xi32> to vector<64x512xi32>
      %eq3A_605 = arith.cmpi eq, %iota3A_134, %eq3A_604 : vector<64x512xi32>
      %jit3A_606 = arith.constant 0xFF800000 : f32
      %broadcast_in_dim3A_607 = vector.broadcast %jit3A_606 : f32 to vector<64x512xf32>
      %select_n3A_608 = arith.select %eq3A_605, %broadcast_in_dim3A_607, %select_n3A_570 : vector<64x512xi1>, vector<64x512xf32>
      %gt3A_609 = arith.constant -9.99999993E+36 : f32
      %gt3A_610 = vector.broadcast %gt3A_609 : f32 to vector<64x1xf32>
      %gt3A_611 = arith.cmpf ogt, %broadcast_in_dim3A_595, %gt3A_610 : vector<64x1xf32>
      %convert_element_type3A_612 = arith.extui %gt3A_611 : vector<64x1xi1> to vector<64x1xi32>
      %convert_element_type3A_613 = arith.sitofp %convert_element_type3A_612 : vector<64x1xi32> to vector<64x1xf32>
      %add3A_614 = arith.addf %add3A_576, %convert_element_type3A_613 : vector<64x1xf32>
      %add3A_615 = arith.constant 2.000000e-01 : f32
      %add3A_616 = vector.broadcast %add3A_615 : f32 to vector<64x1xf32>
      %add3A_617 = arith.addf %broadcast_in_dim3A_595, %add3A_616 : vector<64x1xf32>
      %exp3A_618 = math.exp %add3A_617 : vector<64x1xf32>
      %jit3A_619 = arith.constant 0.000000e+00 : f32
      %broadcast_in_dim3A_620 = vector.broadcast %jit3A_619 : f32 to vector<64x1xf32>
      %select_n3A_621 = arith.select %gt3A_611, %exp3A_618, %broadcast_in_dim3A_620 : vector<64x1xi1>, vector<64x1xf32>
      %broadcast_in_dim3A_622 = vector.shape_cast %select_n3A_621 : vector<64x1xf32> to vector<64x1x1xf32>
      %broadcast_in_dim3A_623 = vector.broadcast %broadcast_in_dim3A_622 : vector<64x1x1xf32> to vector<64x16x128xf32>
      %swap3A_624 = arith.constant 0 : index
      %swap3A_625 = arith.constant 12 : index
      %swap3A_626 = arith.constant 0 : index
      %swap3A_627 = arith.constant 0 : index
      %swap3A_628 = vector.load %arg12[%swap3A_624, %swap3A_625, %swap3A_626, %swap3A_627] : memref<64x16x16x128xf32, #tpu.memory_space<vmem>>, vector<64x1x16x128xf32>
      %swap3A_629 = vector.shape_cast %swap3A_628 : vector<64x1x16x128xf32> to vector<64x16x128xf32>
      %swap3A_630 = vector.shape_cast %broadcast_in_dim3A_623 : vector<64x16x128xf32> to vector<64x1x16x128xf32>
      tpu.vector_store %arg12[%swap3A_624, %swap3A_625, %swap3A_626, %swap3A_627], %swap3A_630 {strides = array<i32>} : memref<64x16x16x128xf32, #tpu.memory_space<vmem>>, vector<64x1x16x128xf32>,
      %reduce_max3A_631 = arith.constant dense<0xFF800000> : vector<64xf32>
      %reduce_max3A_632 = vector.multi_reduction <maximumf>, %select_n3A_608, %reduce_max3A_631 [1] : vector<64x512xf32> to vector<64xf32>
      %broadcast_in_dim3A_633 = vector.shape_cast %reduce_max3A_632 : vector<64xf32> to vector<64x1xf32>
      %eq3A_634 = vector.broadcast %broadcast_in_dim3A_633 : vector<64x1xf32> to vector<64x512xf32>
      %eq3A_635 = arith.cmpf oeq, %select_n3A_608, %eq3A_634 : vector<64x512xf32>
      %jit3A_636 = arith.constant 512 : i32
      %broadcast_in_dim3A_637 = vector.broadcast %jit3A_636 : i32 to vector<64x512xi32>
      %select_n3A_638 = arith.select %eq3A_635, %iota3A_134, %broadcast_in_dim3A_637 : vector<64x512xi1>, vector<64x512xi32>
      %reduce_min3A_639 = arith.constant dense<2147483647> : vector<64xi32>
      %reduce_min3A_640 = vector.multi_reduction <minsi>, %select_n3A_638, %reduce_min3A_639 [1] : vector<64x512xi32> to vector<64xi32>
      %broadcast_in_dim3A_641 = vector.shape_cast %reduce_min3A_640 : vector<64xi32> to vector<64x1xi32>
      %eq3A_642 = vector.broadcast %broadcast_in_dim3A_641 : vector<64x1xi32> to vector<64x512xi32>
      %eq3A_643 = arith.cmpi eq, %iota3A_134, %eq3A_642 : vector<64x512xi32>
      %jit3A_644 = arith.constant 0xFF800000 : f32
      %broadcast_in_dim3A_645 = vector.broadcast %jit3A_644 : f32 to vector<64x512xf32>
      %select_n3A_646 = arith.select %eq3A_643, %broadcast_in_dim3A_645, %select_n3A_608 : vector<64x512xi1>, vector<64x512xf32>
      %gt3A_647 = arith.constant -9.99999993E+36 : f32
      %gt3A_648 = vector.broadcast %gt3A_647 : f32 to vector<64x1xf32>
      %gt3A_649 = arith.cmpf ogt, %broadcast_in_dim3A_633, %gt3A_648 : vector<64x1xf32>
      %convert_element_type3A_650 = arith.extui %gt3A_649 : vector<64x1xi1> to vector<64x1xi32>
      %convert_element_type3A_651 = arith.sitofp %convert_element_type3A_650 : vector<64x1xi32> to vector<64x1xf32>
      %add3A_652 = arith.addf %add3A_614, %convert_element_type3A_651 : vector<64x1xf32>
      %add3A_653 = arith.constant 2.000000e-01 : f32
      %add3A_654 = vector.broadcast %add3A_653 : f32 to vector<64x1xf32>
      %add3A_655 = arith.addf %broadcast_in_dim3A_633, %add3A_654 : vector<64x1xf32>
      %exp3A_656 = math.exp %add3A_655 : vector<64x1xf32>
      %jit3A_657 = arith.constant 0.000000e+00 : f32
      %broadcast_in_dim3A_658 = vector.broadcast %jit3A_657 : f32 to vector<64x1xf32>
      %select_n3A_659 = arith.select %gt3A_649, %exp3A_656, %broadcast_in_dim3A_658 : vector<64x1xi1>, vector<64x1xf32>
      %broadcast_in_dim3A_660 = vector.shape_cast %select_n3A_659 : vector<64x1xf32> to vector<64x1x1xf32>
      %broadcast_in_dim3A_661 = vector.broadcast %broadcast_in_dim3A_660 : vector<64x1x1xf32> to vector<64x16x128xf32>
      %swap3A_662 = arith.constant 0 : index
      %swap3A_663 = arith.constant 13 : index
      %swap3A_664 = arith.constant 0 : index
      %swap3A_665 = arith.constant 0 : index
      %swap3A_666 = vector.load %arg12[%swap3A_662, %swap3A_663, %swap3A_664, %swap3A_665] : memref<64x16x16x128xf32, #tpu.memory_space<vmem>>, vector<64x1x16x128xf32>
      %swap3A_667 = vector.shape_cast %swap3A_666 : vector<64x1x16x128xf32> to vector<64x16x128xf32>
      %swap3A_668 = vector.shape_cast %broadcast_in_dim3A_661 : vector<64x16x128xf32> to vector<64x1x16x128xf32>
      tpu.vector_store %arg12[%swap3A_662, %swap3A_663, %swap3A_664, %swap3A_665], %swap3A_668 {strides = array<i32>} : memref<64x16x16x128xf32, #tpu.memory_space<vmem>>, vector<64x1x16x128xf32>,
      %reduce_max3A_669 = arith.constant dense<0xFF800000> : vector<64xf32>
      %reduce_max3A_670 = vector.multi_reduction <maximumf>, %select_n3A_646, %reduce_max3A_669 [1] : vector<64x512xf32> to vector<64xf32>
      %broadcast_in_dim3A_671 = vector.shape_cast %reduce_max3A_670 : vector<64xf32> to vector<64x1xf32>
      %eq3A_672 = vector.broadcast %broadcast_in_dim3A_671 : vector<64x1xf32> to vector<64x512xf32>
      %eq3A_673 = arith.cmpf oeq, %select_n3A_646, %eq3A_672 : vector<64x512xf32>
      %jit3A_674 = arith.constant 512 : i32
      %broadcast_in_dim3A_675 = vector.broadcast %jit3A_674 : i32 to vector<64x512xi32>
      %select_n3A_676 = arith.select %eq3A_673, %iota3A_134, %broadcast_in_dim3A_675 : vector<64x512xi1>, vector<64x512xi32>
      %reduce_min3A_677 = arith.constant dense<2147483647> : vector<64xi32>
      %reduce_min3A_678 = vector.multi_reduction <minsi>, %select_n3A_676, %reduce_min3A_677 [1] : vector<64x512xi32> to vector<64xi32>
      %broadcast_in_dim3A_679 = vector.shape_cast %reduce_min3A_678 : vector<64xi32> to vector<64x1xi32>
      %eq3A_680 = vector.broadcast %broadcast_in_dim3A_679 : vector<64x1xi32> to vector<64x512xi32>
      %eq3A_681 = arith.cmpi eq, %iota3A_134, %eq3A_680 : vector<64x512xi32>
      %jit3A_682 = arith.constant 0xFF800000 : f32
      %broadcast_in_dim3A_683 = vector.broadcast %jit3A_682 : f32 to vector<64x512xf32>
      %select_n3A_684 = arith.select %eq3A_681, %broadcast_in_dim3A_683, %select_n3A_646 : vector<64x512xi1>, vector<64x512xf32>
      %gt3A_685 = arith.constant -9.99999993E+36 : f32
      %gt3A_686 = vector.broadcast %gt3A_685 : f32 to vector<64x1xf32>
      %gt3A_687 = arith.cmpf ogt, %broadcast_in_dim3A_671, %gt3A_686 : vector<64x1xf32>
      %convert_element_type3A_688 = arith.extui %gt3A_687 : vector<64x1xi1> to vector<64x1xi32>
      %convert_element_type3A_689 = arith.sitofp %convert_element_type3A_688 : vector<64x1xi32> to vector<64x1xf32>
      %add3A_690 = arith.addf %add3A_652, %convert_element_type3A_689 : vector<64x1xf32>
      %add3A_691 = arith.constant 2.000000e-01 : f32
      %add3A_692 = vector.broadcast %add3A_691 : f32 to vector<64x1xf32>
      %add3A_693 = arith.addf %broadcast_in_dim3A_671, %add3A_692 : vector<64x1xf32>
      %exp3A_694 = math.exp %add3A_693 : vector<64x1xf32>
      %jit3A_695 = arith.constant 0.000000e+00 : f32
      %broadcast_in_dim3A_696 = vector.broadcast %jit3A_695 : f32 to vector<64x1xf32>
      %select_n3A_697 = arith.select %gt3A_687, %exp3A_694, %broadcast_in_dim3A_696 : vector<64x1xi1>, vector<64x1xf32>
      %broadcast_in_dim3A_698 = vector.shape_cast %select_n3A_697 : vector<64x1xf32> to vector<64x1x1xf32>
      %broadcast_in_dim3A_699 = vector.broadcast %broadcast_in_dim3A_698 : vector<64x1x1xf32> to vector<64x16x128xf32>
      %swap3A_700 = arith.constant 0 : index
      %swap3A_701 = arith.constant 14 : index
      %swap3A_702 = arith.constant 0 : index
      %swap3A_703 = arith.constant 0 : index
      %swap3A_704 = vector.load %arg12[%swap3A_700, %swap3A_701, %swap3A_702, %swap3A_703] : memref<64x16x16x128xf32, #tpu.memory_space<vmem>>, vector<64x1x16x128xf32>
      %swap3A_705 = vector.shape_cast %swap3A_704 : vector<64x1x16x128xf32> to vector<64x16x128xf32>
      %swap3A_706 = vector.shape_cast %broadcast_in_dim3A_699 : vector<64x16x128xf32> to vector<64x1x16x128xf32>
      tpu.vector_store %arg12[%swap3A_700, %swap3A_701, %swap3A_702, %swap3A_703], %swap3A_706 {strides = array<i32>} : memref<64x16x16x128xf32, #tpu.memory_space<vmem>>, vector<64x1x16x128xf32>,
      %reduce_max3A_707 = arith.constant dense<0xFF800000> : vector<64xf32>
      %reduce_max3A_708 = vector.multi_reduction <maximumf>, %select_n3A_684, %reduce_max3A_707 [1] : vector<64x512xf32> to vector<64xf32>
      %broadcast_in_dim3A_709 = vector.shape_cast %reduce_max3A_708 : vector<64xf32> to vector<64x1xf32>
      %gt3A_710 = arith.constant -9.99999993E+36 : f32
      %gt3A_711 = vector.broadcast %gt3A_710 : f32 to vector<64x1xf32>
      %gt3A_712 = arith.cmpf ogt, %broadcast_in_dim3A_709, %gt3A_711 : vector<64x1xf32>
      %convert_element_type3A_713 = arith.extui %gt3A_712 : vector<64x1xi1> to vector<64x1xi32>
      %convert_element_type3A_714 = arith.sitofp %convert_element_type3A_713 : vector<64x1xi32> to vector<64x1xf32>
      %add3A_715 = arith.addf %add3A_690, %convert_element_type3A_714 : vector<64x1xf32>
      %add3A_716 = arith.constant 2.000000e-01 : f32
      %add3A_717 = vector.broadcast %add3A_716 : f32 to vector<64x1xf32>
      %add3A_718 = arith.addf %broadcast_in_dim3A_709, %add3A_717 : vector<64x1xf32>
      %exp3A_719 = math.exp %add3A_718 : vector<64x1xf32>
      %jit3A_720 = arith.constant 0.000000e+00 : f32
      %broadcast_in_dim3A_721 = vector.broadcast %jit3A_720 : f32 to vector<64x1xf32>
      %select_n3A_722 = arith.select %gt3A_712, %exp3A_719, %broadcast_in_dim3A_721 : vector<64x1xi1>, vector<64x1xf32>
      %broadcast_in_dim3A_723 = vector.shape_cast %select_n3A_722 : vector<64x1xf32> to vector<64x1x1xf32>
      %broadcast_in_dim3A_724 = vector.broadcast %broadcast_in_dim3A_723 : vector<64x1x1xf32> to vector<64x16x128xf32>
      %swap3A_725 = arith.constant 0 : index
      %swap3A_726 = arith.constant 15 : index
      %swap3A_727 = arith.constant 0 : index
      %swap3A_728 = arith.constant 0 : index
      %swap3A_729 = vector.load %arg12[%swap3A_725, %swap3A_726, %swap3A_727, %swap3A_728] : memref<64x16x16x128xf32, #tpu.memory_space<vmem>>, vector<64x1x16x128xf32>
      %swap3A_730 = vector.shape_cast %swap3A_729 : vector<64x1x16x128xf32> to vector<64x16x128xf32>
      %swap3A_731 = vector.shape_cast %broadcast_in_dim3A_724 : vector<64x16x128xf32> to vector<64x1x16x128xf32>
      tpu.vector_store %arg12[%swap3A_725, %swap3A_726, %swap3A_727, %swap3A_728], %swap3A_731 {strides = array<i32>} : memref<64x16x16x128xf32, #tpu.memory_space<vmem>>, vector<64x1x16x128xf32>,
      %swap3A_732 = arith.constant 0 : index
      %swap3A_733 = arith.constant 0 : index
      %swap3A_734 = vector.load %arg13[%swap3A_732, %swap3A_733] : memref<64x1xf32, #tpu.memory_space<vmem>>, vector<64x1xf32>
      tpu.vector_store %arg13[%swap3A_732, %swap3A_733], %broadcast_in_dim3A_86 {strides = array<i32>} : memref<64x1xf32, #tpu.memory_space<vmem>>, vector<64x1xf32>,
      %swap3A_735 = arith.constant 0 : index
      %swap3A_736 = arith.constant 0 : index
      %swap3A_737 = vector.load %arg14[%swap3A_735, %swap3A_736] : memref<64x1xf32, #tpu.memory_space<vmem>>, vector<64x1xf32>
      tpu.vector_store %arg14[%swap3A_735, %swap3A_736], %add3A_715 {strides = array<i32>} : memref<64x1xf32, #tpu.memory_space<vmem>>, vector<64x1xf32>,
      %broadcast_in_dim3A_738 = arith.constant 0.000000e+00 : f32
      %broadcast_in_dim3A_739 = vector.broadcast %broadcast_in_dim3A_738 : f32 to vector<64x1xf32>
      %swap3A_740 = arith.constant 0 : index
      %swap3A_741 = arith.constant 0 : index
      %swap3A_742 = vector.load %arg15[%swap3A_740, %swap3A_741] : memref<64x1xf32, #tpu.memory_space<vmem>>, vector<64x1xf32>
      tpu.vector_store %arg15[%swap3A_740, %swap3A_741], %broadcast_in_dim3A_739 {strides = array<i32>} : memref<64x1xf32, #tpu.memory_space<vmem>>, vector<64x1xf32>,
    } else {
    }
    %get3A = arith.constant 0 : index
    %get3A_2 = arith.constant 0 : index
    %get3A_3 = vector.load %arg1[%get3A, %get3A_2] : memref<256x128xf32, #tpu.memory_space<vmem>>, vector<256x128xf32>
    %mul3A = arith.constant 256 : i32
    %mul3A_4 = arith.muli %arg0, %mul3A : i32
    %iota3A = tpu.iota {dimensions = array<i32: 0>} : vector<256x128xi32>
    %add3A = vector.broadcast %mul3A_4 : i32 to vector<256x128xi32>
    %add3A_5 = arith.addi %add3A, %iota3A : vector<256x128xi32>
    %lt3A = arith.constant 6250 : i32
    %lt3A_6 = vector.broadcast %lt3A : i32 to vector<256x128xi32>
    %lt3A_7 = arith.cmpi slt, %add3A_5, %lt3A_6 : vector<256x128xi32>
    %get3A_8 = arith.constant 0 : index
    %get3A_9 = arith.constant 0 : index
    %get3A_10 = vector.load %arg2[%get3A_8, %get3A_9] : memref<256x128xf32, #tpu.memory_space<vmem>>, vector<256x128xf32>
    %gt3A = arith.constant 5.000000e-01 : f32
    %gt3A_11 = vector.broadcast %gt3A : f32 to vector<256x128xf32>
    %gt3A_12 = arith.cmpf ogt, %get3A_10, %gt3A_11 : vector<256x128xf32>
    %and3A = arith.andi %gt3A_12, %lt3A_7 : vector<256x128xi1>
    %get3A_13 = arith.constant 0 : index
    %get3A_14 = arith.constant 0 : index
    %get3A_15 = vector.load %arg3[%get3A_13, %get3A_14] : memref<256x128xi32, #tpu.memory_space<vmem>>, vector<256x128xi32>
    %jit3A = arith.constant 63 : i32
    %broadcast_in_dim3A = vector.broadcast %jit3A : i32 to vector<256x128xi32>
    %select_n3A = arith.select %lt3A_7, %get3A_15, %broadcast_in_dim3A : vector<256x128xi1>, vector<256x128xi32>
    %reduce_min3A = vector.shape_cast %select_n3A : vector<256x128xi32> to vector<1x256x128xi32>
    %reduce_min3A_16 = arith.constant dense<2147483647> : vector<1xi32>
    %reduce_min3A_17 = vector.multi_reduction <minsi>, %reduce_min3A, %reduce_min3A_16 [1, 2] : vector<1x256x128xi32> to vector<1xi32>
    %reduce_min3A_18 = vector.shape_cast %reduce_min3A_17 : vector<1xi32> to vector<1x1x1xi32>
    %reduce_min3A_19 = vector.extract %reduce_min3A_18[0, 0, 0] : i32 from vector<1x1x1xi32>
    %reduce_max3A = vector.shape_cast %select_n3A : vector<256x128xi32> to vector<1x256x128xi32>
    %reduce_max3A_20 = arith.constant dense<-2147483648> : vector<1xi32>
    %reduce_max3A_21 = vector.multi_reduction <maxsi>, %reduce_max3A, %reduce_max3A_20 [1, 2] : vector<1x256x128xi32> to vector<1xi32>
    %reduce_max3A_22 = vector.shape_cast %reduce_max3A_21 : vector<1xi32> to vector<1x1x1xi32>
    %reduce_max3A_23 = vector.extract %reduce_max3A_22[0, 0, 0] : i32 from vector<1x1x1xi32>
    %iota3A_24 = tpu.iota {dimensions = array<i32: 0>} : vector<64x1xi32>
    %neg3A = arith.constant 0.000000e+00 : f32
    %neg3A_25 = vector.broadcast %neg3A : f32 to vector<256x128xf32>
    %neg3A_26 = arith.subf %neg3A_25, %get3A_3 : vector<256x128xf32>
    %exp3A = math.exp %neg3A_26 : vector<256x128xf32>
    %add3A_27 = arith.constant 1 : i32
    %add3A_28 = arith.addi %reduce_max3A_23, %add3A_27 : i32
    %broadcast_in_dim3A_29 = arith.constant 0.000000e+00 : f32
    %broadcast_in_dim3A_30 = vector.broadcast %broadcast_in_dim3A_29 : f32 to vector<64x1xf32>
    %while3A = arith.subi %add3A_28, %reduce_min3A_19 : i32
    %while3A_31 = arith.addi %reduce_min3A_19, %while3A : i32
    %while3A_32 = arith.constant 1 : i32
    %while3A_33 = arith.divsi %while3A, %while3A_32 : i32
    %while3A_34 = arith.muli %while3A_33, %while3A_32 : i32
    %while3A_35 = arith.addi %reduce_min3A_19, %while3A_34 : i32
    %while3A_36 = arith.constant 1 : i32
    %while3A_37 = scf.for %while3A_51 = %reduce_min3A_19 to %while3A_35 step %while3A_36 iter_args(%while3A_52 = %broadcast_in_dim3A_30) -> (vector<64x1xf32>)  : i32 {
      %get3A_53 = arith.index_cast %while3A_51 : i32 to index
      %get3A_54 = arith.constant 0 : index
      %get3A_55 = arith.constant 0 : index
      %get3A_56 = arith.constant 0 : index
      %get3A_57 = vector.load %arg12[%get3A_53, %get3A_54, %get3A_55, %get3A_56] : memref<64x16x16x128xf32, #tpu.memory_space<vmem>>, vector<1x16x16x128xf32>
      %get3A_58 = vector.shape_cast %get3A_57 : vector<1x16x16x128xf32> to vector<16x16x128xf32>
      %eq3A_59 = vector.broadcast %while3A_51 : i32 to vector<256x128xi32>
      %eq3A_60 = arith.cmpi eq, %select_n3A, %eq3A_59 : vector<256x128xi32>
      %and3A_61 = arith.andi %and3A, %eq3A_60 : vector<256x128xi1>
      %slice3A = vector.extract_strided_slice %exp3A {offsets = [0, 0], sizes = [16, 128], strides = [1, 1]} : vector<256x128xf32> to vector<16x128xf32>
      %broadcast_in_dim3A_62 = vector.shape_cast %slice3A : vector<16x128xf32> to vector<1x16x128xf32>
      %broadcast_in_dim3A_63 = vector.broadcast %broadcast_in_dim3A_62 : vector<1x16x128xf32> to vector<16x16x128xf32>
      %mul3A_64 = arith.mulf %get3A_58, %broadcast_in_dim3A_63 : vector<16x16x128xf32>
      %add3A_65 = arith.constant 1.000000e+00 : f32
      %add3A_66 = vector.broadcast %add3A_65 : f32 to vector<16x16x128xf32>
      %add3A_67 = arith.addf %add3A_66, %mul3A_64 : vector<16x16x128xf32>
      %slice3A_68 = vector.extract_strided_slice %add3A_67 {offsets = [0, 0, 0], sizes = [4, 16, 128], strides = [1, 1, 1]} : vector<16x16x128xf32> to vector<4x16x128xf32>
      %slice3A_69 = vector.extract_strided_slice %slice3A_68 {offsets = [0, 0, 0], sizes = [2, 16, 128], strides = [1, 1, 1]} : vector<4x16x128xf32> to vector<2x16x128xf32>
      %slice3A_70 = vector.extract_strided_slice %slice3A_68 {offsets = [2, 0, 0], sizes = [2, 16, 128], strides = [1, 1, 1]} : vector<4x16x128xf32> to vector<2x16x128xf32>
      %mul3A_71 = arith.mulf %slice3A_69, %slice3A_70 : vector<2x16x128xf32>
      %slice3A_72 = vector.extract_strided_slice %mul3A_71 {offsets = [0, 0, 0], sizes = [1, 16, 128], strides = [1, 1, 1]} : vector<2x16x128xf32> to vector<1x16x128xf32>
      %squeeze3A = vector.shape_cast %slice3A_72 : vector<1x16x128xf32> to vector<16x128xf32>
      %slice3A_73 = vector.extract_strided_slice %mul3A_71 {offsets = [1, 0, 0], sizes = [1, 16, 128], strides = [1, 1, 1]} : vector<2x16x128xf32> to vector<1x16x128xf32>
      %squeeze3A_74 = vector.shape_cast %slice3A_73 : vector<1x16x128xf32> to vector<16x128xf32>
      %mul3A_75 = arith.mulf %squeeze3A, %squeeze3A_74 : vector<16x128xf32>
      %log3A = math.log %mul3A_75 : vector<16x128xf32>
      %slice3A_76 = vector.extract_strided_slice %add3A_67 {offsets = [4, 0, 0], sizes = [4, 16, 128], strides = [1, 1, 1]} : vector<16x16x128xf32> to vector<4x16x128xf32>
      %slice3A_77 = vector.extract_strided_slice %slice3A_76 {offsets = [0, 0, 0], sizes = [2, 16, 128], strides = [1, 1, 1]} : vector<4x16x128xf32> to vector<2x16x128xf32>
      %slice3A_78 = vector.extract_strided_slice %slice3A_76 {offsets = [2, 0, 0], sizes = [2, 16, 128], strides = [1, 1, 1]} : vector<4x16x128xf32> to vector<2x16x128xf32>
      %mul3A_79 = arith.mulf %slice3A_77, %slice3A_78 : vector<2x16x128xf32>
      %slice3A_80 = vector.extract_strided_slice %mul3A_79 {offsets = [0, 0, 0], sizes = [1, 16, 128], strides = [1, 1, 1]} : vector<2x16x128xf32> to vector<1x16x128xf32>
      %squeeze3A_81 = vector.shape_cast %slice3A_80 : vector<1x16x128xf32> to vector<16x128xf32>
      %slice3A_82 = vector.extract_strided_slice %mul3A_79 {offsets = [1, 0, 0], sizes = [1, 16, 128], strides = [1, 1, 1]} : vector<2x16x128xf32> to vector<1x16x128xf32>
      %squeeze3A_83 = vector.shape_cast %slice3A_82 : vector<1x16x128xf32> to vector<16x128xf32>
      %mul3A_84 = arith.mulf %squeeze3A_81, %squeeze3A_83 : vector<16x128xf32>
      %log3A_85 = math.log %mul3A_84 : vector<16x128xf32>
      %add3A_86 = arith.addf %log3A, %log3A_85 : vector<16x128xf32>
      %slice3A_87 = vector.extract_strided_slice %add3A_67 {offsets = [8, 0, 0], sizes = [4, 16, 128], strides = [1, 1, 1]} : vector<16x16x128xf32> to vector<4x16x128xf32>
      %slice3A_88 = vector.extract_strided_slice %slice3A_87 {offsets = [0, 0, 0], sizes = [2, 16, 128], strides = [1, 1, 1]} : vector<4x16x128xf32> to vector<2x16x128xf32>
      %slice3A_89 = vector.extract_strided_slice %slice3A_87 {offsets = [2, 0, 0], sizes = [2, 16, 128], strides = [1, 1, 1]} : vector<4x16x128xf32> to vector<2x16x128xf32>
      %mul3A_90 = arith.mulf %slice3A_88, %slice3A_89 : vector<2x16x128xf32>
      %slice3A_91 = vector.extract_strided_slice %mul3A_90 {offsets = [0, 0, 0], sizes = [1, 16, 128], strides = [1, 1, 1]} : vector<2x16x128xf32> to vector<1x16x128xf32>
      %squeeze3A_92 = vector.shape_cast %slice3A_91 : vector<1x16x128xf32> to vector<16x128xf32>
      %slice3A_93 = vector.extract_strided_slice %mul3A_90 {offsets = [1, 0, 0], sizes = [1, 16, 128], strides = [1, 1, 1]} : vector<2x16x128xf32> to vector<1x16x128xf32>
      %squeeze3A_94 = vector.shape_cast %slice3A_93 : vector<1x16x128xf32> to vector<16x128xf32>
      %mul3A_95 = arith.mulf %squeeze3A_92, %squeeze3A_94 : vector<16x128xf32>
      %log3A_96 = math.log %mul3A_95 : vector<16x128xf32>
      %add3A_97 = arith.addf %add3A_86, %log3A_96 : vector<16x128xf32>
      %slice3A_98 = vector.extract_strided_slice %add3A_67 {offsets = [12, 0, 0], sizes = [4, 16, 128], strides = [1, 1, 1]} : vector<16x16x128xf32> to vector<4x16x128xf32>
      %slice3A_99 = vector.extract_strided_slice %slice3A_98 {offsets = [0, 0, 0], sizes = [2, 16, 128], strides = [1, 1, 1]} : vector<4x16x128xf32> to vector<2x16x128xf32>
      %slice3A_100 = vector.extract_strided_slice %slice3A_98 {offsets = [2, 0, 0], sizes = [2, 16, 128], strides = [1, 1, 1]} : vector<4x16x128xf32> to vector<2x16x128xf32>
      %mul3A_101 = arith.mulf %slice3A_99, %slice3A_100 : vector<2x16x128xf32>
      %slice3A_102 = vector.extract_strided_slice %mul3A_101 {offsets = [0, 0, 0], sizes = [1, 16, 128], strides = [1, 1, 1]} : vector<2x16x128xf32> to vector<1x16x128xf32>
      %squeeze3A_103 = vector.shape_cast %slice3A_102 : vector<1x16x128xf32> to vector<16x128xf32>
      %slice3A_104 = vector.extract_strided_slice %mul3A_101 {offsets = [1, 0, 0], sizes = [1, 16, 128], strides = [1, 1, 1]} : vector<2x16x128xf32> to vector<1x16x128xf32>
      %squeeze3A_105 = vector.shape_cast %slice3A_104 : vector<1x16x128xf32> to vector<16x128xf32>
      %mul3A_106 = arith.mulf %squeeze3A_103, %squeeze3A_105 : vector<16x128xf32>
      %log3A_107 = math.log %mul3A_106 : vector<16x128xf32>
      %add3A_108 = arith.addf %add3A_97, %log3A_107 : vector<16x128xf32>
      %slice3A_109 = vector.extract_strided_slice %and3A_61 {offsets = [0, 0], sizes = [16, 128], strides = [1, 1]} : vector<256x128xi1> to vector<16x128xi1>
      %jit3A_110 = arith.constant 0.000000e+00 : f32
      %broadcast_in_dim3A_111 = vector.broadcast %jit3A_110 : f32 to vector<16x128xf32>
      %select_n3A_112 = arith.select %slice3A_109, %add3A_108, %broadcast_in_dim3A_111 : vector<16x128xi1>, vector<16x128xf32>
      %reduce_sum3A = vector.shape_cast %select_n3A_112 : vector<16x128xf32> to vector<1x16x128xf32>
      %reduce_sum3A_113 = arith.constant dense<0.000000e+00> : vector<1xf32>
      %reduce_sum3A_114 = vector.multi_reduction <add>, %reduce_sum3A, %reduce_sum3A_113 [1, 2] : vector<1x16x128xf32> to vector<1xf32>
      %reduce_sum3A_115 = vector.shape_cast %reduce_sum3A_114 : vector<1xf32> to vector<1x1x1xf32>
      %reduce_sum3A_116 = vector.extract %reduce_sum3A_115[0, 0, 0] : f32 from vector<1x1x1xf32>
      %add3A_117 = arith.constant 0.000000e+00 : f32
      %add3A_118 = arith.addf %add3A_117, %reduce_sum3A_116 : f32
      %slice3A_119 = vector.extract_strided_slice %exp3A {offsets = [16, 0], sizes = [16, 128], strides = [1, 1]} : vector<256x128xf32> to vector<16x128xf32>
      %broadcast_in_dim3A_120 = vector.shape_cast %slice3A_119 : vector<16x128xf32> to vector<1x16x128xf32>
      %broadcast_in_dim3A_121 = vector.broadcast %broadcast_in_dim3A_120 : vector<1x16x128xf32> to vector<16x16x128xf32>
      %mul3A_122 = arith.mulf %get3A_58, %broadcast_in_dim3A_121 : vector<16x16x128xf32>
      %add3A_123 = arith.constant 1.000000e+00 : f32
      %add3A_124 = vector.broadcast %add3A_123 : f32 to vector<16x16x128xf32>
      %add3A_125 = arith.addf %add3A_124, %mul3A_122 : vector<16x16x128xf32>
      %slice3A_126 = vector.extract_strided_slice %add3A_125 {offsets = [0, 0, 0], sizes = [4, 16, 128], strides = [1, 1, 1]} : vector<16x16x128xf32> to vector<4x16x128xf32>
      %slice3A_127 = vector.extract_strided_slice %slice3A_126 {offsets = [0, 0, 0], sizes = [2, 16, 128], strides = [1, 1, 1]} : vector<4x16x128xf32> to vector<2x16x128xf32>
      %slice3A_128 = vector.extract_strided_slice %slice3A_126 {offsets = [2, 0, 0], sizes = [2, 16, 128], strides = [1, 1, 1]} : vector<4x16x128xf32> to vector<2x16x128xf32>
      %mul3A_129 = arith.mulf %slice3A_127, %slice3A_128 : vector<2x16x128xf32>
      %slice3A_130 = vector.extract_strided_slice %mul3A_129 {offsets = [0, 0, 0], sizes = [1, 16, 128], strides = [1, 1, 1]} : vector<2x16x128xf32> to vector<1x16x128xf32>
      %squeeze3A_131 = vector.shape_cast %slice3A_130 : vector<1x16x128xf32> to vector<16x128xf32>
      %slice3A_132 = vector.extract_strided_slice %mul3A_129 {offsets = [1, 0, 0], sizes = [1, 16, 128], strides = [1, 1, 1]} : vector<2x16x128xf32> to vector<1x16x128xf32>
      %squeeze3A_133 = vector.shape_cast %slice3A_132 : vector<1x16x128xf32> to vector<16x128xf32>
      %mul3A_134 = arith.mulf %squeeze3A_131, %squeeze3A_133 : vector<16x128xf32>
      %log3A_135 = math.log %mul3A_134 : vector<16x128xf32>
      %slice3A_136 = vector.extract_strided_slice %add3A_125 {offsets = [4, 0, 0], sizes = [4, 16, 128], strides = [1, 1, 1]} : vector<16x16x128xf32> to vector<4x16x128xf32>
      %slice3A_137 = vector.extract_strided_slice %slice3A_136 {offsets = [0, 0, 0], sizes = [2, 16, 128], strides = [1, 1, 1]} : vector<4x16x128xf32> to vector<2x16x128xf32>
      %slice3A_138 = vector.extract_strided_slice %slice3A_136 {offsets = [2, 0, 0], sizes = [2, 16, 128], strides = [1, 1, 1]} : vector<4x16x128xf32> to vector<2x16x128xf32>
      %mul3A_139 = arith.mulf %slice3A_137, %slice3A_138 : vector<2x16x128xf32>
      %slice3A_140 = vector.extract_strided_slice %mul3A_139 {offsets = [0, 0, 0], sizes = [1, 16, 128], strides = [1, 1, 1]} : vector<2x16x128xf32> to vector<1x16x128xf32>
      %squeeze3A_141 = vector.shape_cast %slice3A_140 : vector<1x16x128xf32> to vector<16x128xf32>
      %slice3A_142 = vector.extract_strided_slice %mul3A_139 {offsets = [1, 0, 0], sizes = [1, 16, 128], strides = [1, 1, 1]} : vector<2x16x128xf32> to vector<1x16x128xf32>
      %squeeze3A_143 = vector.shape_cast %slice3A_142 : vector<1x16x128xf32> to vector<16x128xf32>
      %mul3A_144 = arith.mulf %squeeze3A_141, %squeeze3A_143 : vector<16x128xf32>
      %log3A_145 = math.log %mul3A_144 : vector<16x128xf32>
      %add3A_146 = arith.addf %log3A_135, %log3A_145 : vector<16x128xf32>
      %slice3A_147 = vector.extract_strided_slice %add3A_125 {offsets = [8, 0, 0], sizes = [4, 16, 128], strides = [1, 1, 1]} : vector<16x16x128xf32> to vector<4x16x128xf32>
      %slice3A_148 = vector.extract_strided_slice %slice3A_147 {offsets = [0, 0, 0], sizes = [2, 16, 128], strides = [1, 1, 1]} : vector<4x16x128xf32> to vector<2x16x128xf32>
      %slice3A_149 = vector.extract_strided_slice %slice3A_147 {offsets = [2, 0, 0], sizes = [2, 16, 128], strides = [1, 1, 1]} : vector<4x16x128xf32> to vector<2x16x128xf32>
      %mul3A_150 = arith.mulf %slice3A_148, %slice3A_149 : vector<2x16x128xf32>
      %slice3A_151 = vector.extract_strided_slice %mul3A_150 {offsets = [0, 0, 0], sizes = [1, 16, 128], strides = [1, 1, 1]} : vector<2x16x128xf32> to vector<1x16x128xf32>
      %squeeze3A_152 = vector.shape_cast %slice3A_151 : vector<1x16x128xf32> to vector<16x128xf32>
      %slice3A_153 = vector.extract_strided_slice %mul3A_150 {offsets = [1, 0, 0], sizes = [1, 16, 128], strides = [1, 1, 1]} : vector<2x16x128xf32> to vector<1x16x128xf32>
      %squeeze3A_154 = vector.shape_cast %slice3A_153 : vector<1x16x128xf32> to vector<16x128xf32>
      %mul3A_155 = arith.mulf %squeeze3A_152, %squeeze3A_154 : vector<16x128xf32>
      %log3A_156 = math.log %mul3A_155 : vector<16x128xf32>
      %add3A_157 = arith.addf %add3A_146, %log3A_156 : vector<16x128xf32>
      %slice3A_158 = vector.extract_strided_slice %add3A_125 {offsets = [12, 0, 0], sizes = [4, 16, 128], strides = [1, 1, 1]} : vector<16x16x128xf32> to vector<4x16x128xf32>
      %slice3A_159 = vector.extract_strided_slice %slice3A_158 {offsets = [0, 0, 0], sizes = [2, 16, 128], strides = [1, 1, 1]} : vector<4x16x128xf32> to vector<2x16x128xf32>
      %slice3A_160 = vector.extract_strided_slice %slice3A_158 {offsets = [2, 0, 0], sizes = [2, 16, 128], strides = [1, 1, 1]} : vector<4x16x128xf32> to vector<2x16x128xf32>
      %mul3A_161 = arith.mulf %slice3A_159, %slice3A_160 : vector<2x16x128xf32>
      %slice3A_162 = vector.extract_strided_slice %mul3A_161 {offsets = [0, 0, 0], sizes = [1, 16, 128], strides = [1, 1, 1]} : vector<2x16x128xf32> to vector<1x16x128xf32>
      %squeeze3A_163 = vector.shape_cast %slice3A_162 : vector<1x16x128xf32> to vector<16x128xf32>
      %slice3A_164 = vector.extract_strided_slice %mul3A_161 {offsets = [1, 0, 0], sizes = [1, 16, 128], strides = [1, 1, 1]} : vector<2x16x128xf32> to vector<1x16x128xf32>
      %squeeze3A_165 = vector.shape_cast %slice3A_164 : vector<1x16x128xf32> to vector<16x128xf32>
      %mul3A_166 = arith.mulf %squeeze3A_163, %squeeze3A_165 : vector<16x128xf32>
      %log3A_167 = math.log %mul3A_166 : vector<16x128xf32>
      %add3A_168 = arith.addf %add3A_157, %log3A_167 : vector<16x128xf32>
      %slice3A_169 = vector.extract_strided_slice %and3A_61 {offsets = [16, 0], sizes = [16, 128], strides = [1, 1]} : vector<256x128xi1> to vector<16x128xi1>
      %jit3A_170 = arith.constant 0.000000e+00 : f32
      %broadcast_in_dim3A_171 = vector.broadcast %jit3A_170 : f32 to vector<16x128xf32>
      %select_n3A_172 = arith.select %slice3A_169, %add3A_168, %broadcast_in_dim3A_171 : vector<16x128xi1>, vector<16x128xf32>
      %reduce_sum3A_173 = vector.shape_cast %select_n3A_172 : vector<16x128xf32> to vector<1x16x128xf32>
      %reduce_sum3A_174 = arith.constant dense<0.000000e+00> : vector<1xf32>
      %reduce_sum3A_175 = vector.multi_reduction <add>, %reduce_sum3A_173, %reduce_sum3A_174 [1, 2] : vector<1x16x128xf32> to vector<1xf32>
      %reduce_sum3A_176 = vector.shape_cast %reduce_sum3A_175 : vector<1xf32> to vector<1x1x1xf32>
      %reduce_sum3A_177 = vector.extract %reduce_sum3A_176[0, 0, 0] : f32 from vector<1x1x1xf32>
      %add3A_178 = arith.addf %add3A_118, %reduce_sum3A_177 : f32
      %slice3A_179 = vector.extract_strided_slice %exp3A {offsets = [32, 0], sizes = [16, 128], strides = [1, 1]} : vector<256x128xf32> to vector<16x128xf32>
      %broadcast_in_dim3A_180 = vector.shape_cast %slice3A_179 : vector<16x128xf32> to vector<1x16x128xf32>
      %broadcast_in_dim3A_181 = vector.broadcast %broadcast_in_dim3A_180 : vector<1x16x128xf32> to vector<16x16x128xf32>
      %mul3A_182 = arith.mulf %get3A_58, %broadcast_in_dim3A_181 : vector<16x16x128xf32>
      %add3A_183 = arith.constant 1.000000e+00 : f32
      %add3A_184 = vector.broadcast %add3A_183 : f32 to vector<16x16x128xf32>
      %add3A_185 = arith.addf %add3A_184, %mul3A_182 : vector<16x16x128xf32>
      %slice3A_186 = vector.extract_strided_slice %add3A_185 {offsets = [0, 0, 0], sizes = [4, 16, 128], strides = [1, 1, 1]} : vector<16x16x128xf32> to vector<4x16x128xf32>
      %slice3A_187 = vector.extract_strided_slice %slice3A_186 {offsets = [0, 0, 0], sizes = [2, 16, 128], strides = [1, 1, 1]} : vector<4x16x128xf32> to vector<2x16x128xf32>
      %slice3A_188 = vector.extract_strided_slice %slice3A_186 {offsets = [2, 0, 0], sizes = [2, 16, 128], strides = [1, 1, 1]} : vector<4x16x128xf32> to vector<2x16x128xf32>
      %mul3A_189 = arith.mulf %slice3A_187, %slice3A_188 : vector<2x16x128xf32>
      %slice3A_190 = vector.extract_strided_slice %mul3A_189 {offsets = [0, 0, 0], sizes = [1, 16, 128], strides = [1, 1, 1]} : vector<2x16x128xf32> to vector<1x16x128xf32>
      %squeeze3A_191 = vector.shape_cast %slice3A_190 : vector<1x16x128xf32> to vector<16x128xf32>
      %slice3A_192 = vector.extract_strided_slice %mul3A_189 {offsets = [1, 0, 0], sizes = [1, 16, 128], strides = [1, 1, 1]} : vector<2x16x128xf32> to vector<1x16x128xf32>
      %squeeze3A_193 = vector.shape_cast %slice3A_192 : vector<1x16x128xf32> to vector<16x128xf32>
      %mul3A_194 = arith.mulf %squeeze3A_191, %squeeze3A_193 : vector<16x128xf32>
      %log3A_195 = math.log %mul3A_194 : vector<16x128xf32>
      %slice3A_196 = vector.extract_strided_slice %add3A_185 {offsets = [4, 0, 0], sizes = [4, 16, 128], strides = [1, 1, 1]} : vector<16x16x128xf32> to vector<4x16x128xf32>
      %slice3A_197 = vector.extract_strided_slice %slice3A_196 {offsets = [0, 0, 0], sizes = [2, 16, 128], strides = [1, 1, 1]} : vector<4x16x128xf32> to vector<2x16x128xf32>
      %slice3A_198 = vector.extract_strided_slice %slice3A_196 {offsets = [2, 0, 0], sizes = [2, 16, 128], strides = [1, 1, 1]} : vector<4x16x128xf32> to vector<2x16x128xf32>
      %mul3A_199 = arith.mulf %slice3A_197, %slice3A_198 : vector<2x16x128xf32>
      %slice3A_200 = vector.extract_strided_slice %mul3A_199 {offsets = [0, 0, 0], sizes = [1, 16, 128], strides = [1, 1, 1]} : vector<2x16x128xf32> to vector<1x16x128xf32>
      %squeeze3A_201 = vector.shape_cast %slice3A_200 : vector<1x16x128xf32> to vector<16x128xf32>
      %slice3A_202 = vector.extract_strided_slice %mul3A_199 {offsets = [1, 0, 0], sizes = [1, 16, 128], strides = [1, 1, 1]} : vector<2x16x128xf32> to vector<1x16x128xf32>
      %squeeze3A_203 = vector.shape_cast %slice3A_202 : vector<1x16x128xf32> to vector<16x128xf32>
      %mul3A_204 = arith.mulf %squeeze3A_201, %squeeze3A_203 : vector<16x128xf32>
      %log3A_205 = math.log %mul3A_204 : vector<16x128xf32>
      %add3A_206 = arith.addf %log3A_195, %log3A_205 : vector<16x128xf32>
      %slice3A_207 = vector.extract_strided_slice %add3A_185 {offsets = [8, 0, 0], sizes = [4, 16, 128], strides = [1, 1, 1]} : vector<16x16x128xf32> to vector<4x16x128xf32>
      %slice3A_208 = vector.extract_strided_slice %slice3A_207 {offsets = [0, 0, 0], sizes = [2, 16, 128], strides = [1, 1, 1]} : vector<4x16x128xf32> to vector<2x16x128xf32>
      %slice3A_209 = vector.extract_strided_slice %slice3A_207 {offsets = [2, 0, 0], sizes = [2, 16, 128], strides = [1, 1, 1]} : vector<4x16x128xf32> to vector<2x16x128xf32>
      %mul3A_210 = arith.mulf %slice3A_208, %slice3A_209 : vector<2x16x128xf32>
      %slice3A_211 = vector.extract_strided_slice %mul3A_210 {offsets = [0, 0, 0], sizes = [1, 16, 128], strides = [1, 1, 1]} : vector<2x16x128xf32> to vector<1x16x128xf32>
      %squeeze3A_212 = vector.shape_cast %slice3A_211 : vector<1x16x128xf32> to vector<16x128xf32>
      %slice3A_213 = vector.extract_strided_slice %mul3A_210 {offsets = [1, 0, 0], sizes = [1, 16, 128], strides = [1, 1, 1]} : vector<2x16x128xf32> to vector<1x16x128xf32>
      %squeeze3A_214 = vector.shape_cast %slice3A_213 : vector<1x16x128xf32> to vector<16x128xf32>
      %mul3A_215 = arith.mulf %squeeze3A_212, %squeeze3A_214 : vector<16x128xf32>
      %log3A_216 = math.log %mul3A_215 : vector<16x128xf32>
      %add3A_217 = arith.addf %add3A_206, %log3A_216 : vector<16x128xf32>
      %slice3A_218 = vector.extract_strided_slice %add3A_185 {offsets = [12, 0, 0], sizes = [4, 16, 128], strides = [1, 1, 1]} : vector<16x16x128xf32> to vector<4x16x128xf32>
      %slice3A_219 = vector.extract_strided_slice %slice3A_218 {offsets = [0, 0, 0], sizes = [2, 16, 128], strides = [1, 1, 1]} : vector<4x16x128xf32> to vector<2x16x128xf32>
      %slice3A_220 = vector.extract_strided_slice %slice3A_218 {offsets = [2, 0, 0], sizes = [2, 16, 128], strides = [1, 1, 1]} : vector<4x16x128xf32> to vector<2x16x128xf32>
      %mul3A_221 = arith.mulf %slice3A_219, %slice3A_220 : vector<2x16x128xf32>
      %slice3A_222 = vector.extract_strided_slice %mul3A_221 {offsets = [0, 0, 0], sizes = [1, 16, 128], strides = [1, 1, 1]} : vector<2x16x128xf32> to vector<1x16x128xf32>
      %squeeze3A_223 = vector.shape_cast %slice3A_222 : vector<1x16x128xf32> to vector<16x128xf32>
      %slice3A_224 = vector.extract_strided_slice %mul3A_221 {offsets = [1, 0, 0], sizes = [1, 16, 128], strides = [1, 1, 1]} : vector<2x16x128xf32> to vector<1x16x128xf32>
      %squeeze3A_225 = vector.shape_cast %slice3A_224 : vector<1x16x128xf32> to vector<16x128xf32>
      %mul3A_226 = arith.mulf %squeeze3A_223, %squeeze3A_225 : vector<16x128xf32>
      %log3A_227 = math.log %mul3A_226 : vector<16x128xf32>
      %add3A_228 = arith.addf %add3A_217, %log3A_227 : vector<16x128xf32>
      %slice3A_229 = vector.extract_strided_slice %and3A_61 {offsets = [32, 0], sizes = [16, 128], strides = [1, 1]} : vector<256x128xi1> to vector<16x128xi1>
      %jit3A_230 = arith.constant 0.000000e+00 : f32
      %broadcast_in_dim3A_231 = vector.broadcast %jit3A_230 : f32 to vector<16x128xf32>
      %select_n3A_232 = arith.select %slice3A_229, %add3A_228, %broadcast_in_dim3A_231 : vector<16x128xi1>, vector<16x128xf32>
      %reduce_sum3A_233 = vector.shape_cast %select_n3A_232 : vector<16x128xf32> to vector<1x16x128xf32>
      %reduce_sum3A_234 = arith.constant dense<0.000000e+00> : vector<1xf32>
      %reduce_sum3A_235 = vector.multi_reduction <add>, %reduce_sum3A_233, %reduce_sum3A_234 [1, 2] : vector<1x16x128xf32> to vector<1xf32>
      %reduce_sum3A_236 = vector.shape_cast %reduce_sum3A_235 : vector<1xf32> to vector<1x1x1xf32>
      %reduce_sum3A_237 = vector.extract %reduce_sum3A_236[0, 0, 0] : f32 from vector<1x1x1xf32>
      %add3A_238 = arith.addf %add3A_178, %reduce_sum3A_237 : f32
      %slice3A_239 = vector.extract_strided_slice %exp3A {offsets = [48, 0], sizes = [16, 128], strides = [1, 1]} : vector<256x128xf32> to vector<16x128xf32>
      %broadcast_in_dim3A_240 = vector.shape_cast %slice3A_239 : vector<16x128xf32> to vector<1x16x128xf32>
      %broadcast_in_dim3A_241 = vector.broadcast %broadcast_in_dim3A_240 : vector<1x16x128xf32> to vector<16x16x128xf32>
      %mul3A_242 = arith.mulf %get3A_58, %broadcast_in_dim3A_241 : vector<16x16x128xf32>
      %add3A_243 = arith.constant 1.000000e+00 : f32
      %add3A_244 = vector.broadcast %add3A_243 : f32 to vector<16x16x128xf32>
      %add3A_245 = arith.addf %add3A_244, %mul3A_242 : vector<16x16x128xf32>
      %slice3A_246 = vector.extract_strided_slice %add3A_245 {offsets = [0, 0, 0], sizes = [4, 16, 128], strides = [1, 1, 1]} : vector<16x16x128xf32> to vector<4x16x128xf32>
      %slice3A_247 = vector.extract_strided_slice %slice3A_246 {offsets = [0, 0, 0], sizes = [2, 16, 128], strides = [1, 1, 1]} : vector<4x16x128xf32> to vector<2x16x128xf32>
      %slice3A_248 = vector.extract_strided_slice %slice3A_246 {offsets = [2, 0, 0], sizes = [2, 16, 128], strides = [1, 1, 1]} : vector<4x16x128xf32> to vector<2x16x128xf32>
      %mul3A_249 = arith.mulf %slice3A_247, %slice3A_248 : vector<2x16x128xf32>
      %slice3A_250 = vector.extract_strided_slice %mul3A_249 {offsets = [0, 0, 0], sizes = [1, 16, 128], strides = [1, 1, 1]} : vector<2x16x128xf32> to vector<1x16x128xf32>
      %squeeze3A_251 = vector.shape_cast %slice3A_250 : vector<1x16x128xf32> to vector<16x128xf32>
      %slice3A_252 = vector.extract_strided_slice %mul3A_249 {offsets = [1, 0, 0], sizes = [1, 16, 128], strides = [1, 1, 1]} : vector<2x16x128xf32> to vector<1x16x128xf32>
      %squeeze3A_253 = vector.shape_cast %slice3A_252 : vector<1x16x128xf32> to vector<16x128xf32>
      %mul3A_254 = arith.mulf %squeeze3A_251, %squeeze3A_253 : vector<16x128xf32>
      %log3A_255 = math.log %mul3A_254 : vector<16x128xf32>
      %slice3A_256 = vector.extract_strided_slice %add3A_245 {offsets = [4, 0, 0], sizes = [4, 16, 128], strides = [1, 1, 1]} : vector<16x16x128xf32> to vector<4x16x128xf32>
      %slice3A_257 = vector.extract_strided_slice %slice3A_256 {offsets = [0, 0, 0], sizes = [2, 16, 128], strides = [1, 1, 1]} : vector<4x16x128xf32> to vector<2x16x128xf32>
      %slice3A_258 = vector.extract_strided_slice %slice3A_256 {offsets = [2, 0, 0], sizes = [2, 16, 128], strides = [1, 1, 1]} : vector<4x16x128xf32> to vector<2x16x128xf32>
      %mul3A_259 = arith.mulf %slice3A_257, %slice3A_258 : vector<2x16x128xf32>
      %slice3A_260 = vector.extract_strided_slice %mul3A_259 {offsets = [0, 0, 0], sizes = [1, 16, 128], strides = [1, 1, 1]} : vector<2x16x128xf32> to vector<1x16x128xf32>
      %squeeze3A_261 = vector.shape_cast %slice3A_260 : vector<1x16x128xf32> to vector<16x128xf32>
      %slice3A_262 = vector.extract_strided_slice %mul3A_259 {offsets = [1, 0, 0], sizes = [1, 16, 128], strides = [1, 1, 1]} : vector<2x16x128xf32> to vector<1x16x128xf32>
      %squeeze3A_263 = vector.shape_cast %slice3A_262 : vector<1x16x128xf32> to vector<16x128xf32>
      %mul3A_264 = arith.mulf %squeeze3A_261, %squeeze3A_263 : vector<16x128xf32>
      %log3A_265 = math.log %mul3A_264 : vector<16x128xf32>
      %add3A_266 = arith.addf %log3A_255, %log3A_265 : vector<16x128xf32>
      %slice3A_267 = vector.extract_strided_slice %add3A_245 {offsets = [8, 0, 0], sizes = [4, 16, 128], strides = [1, 1, 1]} : vector<16x16x128xf32> to vector<4x16x128xf32>
      %slice3A_268 = vector.extract_strided_slice %slice3A_267 {offsets = [0, 0, 0], sizes = [2, 16, 128], strides = [1, 1, 1]} : vector<4x16x128xf32> to vector<2x16x128xf32>
      %slice3A_269 = vector.extract_strided_slice %slice3A_267 {offsets = [2, 0, 0], sizes = [2, 16, 128], strides = [1, 1, 1]} : vector<4x16x128xf32> to vector<2x16x128xf32>
      %mul3A_270 = arith.mulf %slice3A_268, %slice3A_269 : vector<2x16x128xf32>
      %slice3A_271 = vector.extract_strided_slice %mul3A_270 {offsets = [0, 0, 0], sizes = [1, 16, 128], strides = [1, 1, 1]} : vector<2x16x128xf32> to vector<1x16x128xf32>
      %squeeze3A_272 = vector.shape_cast %slice3A_271 : vector<1x16x128xf32> to vector<16x128xf32>
      %slice3A_273 = vector.extract_strided_slice %mul3A_270 {offsets = [1, 0, 0], sizes = [1, 16, 128], strides = [1, 1, 1]} : vector<2x16x128xf32> to vector<1x16x128xf32>
      %squeeze3A_274 = vector.shape_cast %slice3A_273 : vector<1x16x128xf32> to vector<16x128xf32>
      %mul3A_275 = arith.mulf %squeeze3A_272, %squeeze3A_274 : vector<16x128xf32>
      %log3A_276 = math.log %mul3A_275 : vector<16x128xf32>
      %add3A_277 = arith.addf %add3A_266, %log3A_276 : vector<16x128xf32>
      %slice3A_278 = vector.extract_strided_slice %add3A_245 {offsets = [12, 0, 0], sizes = [4, 16, 128], strides = [1, 1, 1]} : vector<16x16x128xf32> to vector<4x16x128xf32>
      %slice3A_279 = vector.extract_strided_slice %slice3A_278 {offsets = [0, 0, 0], sizes = [2, 16, 128], strides = [1, 1, 1]} : vector<4x16x128xf32> to vector<2x16x128xf32>
      %slice3A_280 = vector.extract_strided_slice %slice3A_278 {offsets = [2, 0, 0], sizes = [2, 16, 128], strides = [1, 1, 1]} : vector<4x16x128xf32> to vector<2x16x128xf32>
      %mul3A_281 = arith.mulf %slice3A_279, %slice3A_280 : vector<2x16x128xf32>
      %slice3A_282 = vector.extract_strided_slice %mul3A_281 {offsets = [0, 0, 0], sizes = [1, 16, 128], strides = [1, 1, 1]} : vector<2x16x128xf32> to vector<1x16x128xf32>
      %squeeze3A_283 = vector.shape_cast %slice3A_282 : vector<1x16x128xf32> to vector<16x128xf32>
      %slice3A_284 = vector.extract_strided_slice %mul3A_281 {offsets = [1, 0, 0], sizes = [1, 16, 128], strides = [1, 1, 1]} : vector<2x16x128xf32> to vector<1x16x128xf32>
      %squeeze3A_285 = vector.shape_cast %slice3A_284 : vector<1x16x128xf32> to vector<16x128xf32>
      %mul3A_286 = arith.mulf %squeeze3A_283, %squeeze3A_285 : vector<16x128xf32>
      %log3A_287 = math.log %mul3A_286 : vector<16x128xf32>
      %add3A_288 = arith.addf %add3A_277, %log3A_287 : vector<16x128xf32>
      %slice3A_289 = vector.extract_strided_slice %and3A_61 {offsets = [48, 0], sizes = [16, 128], strides = [1, 1]} : vector<256x128xi1> to vector<16x128xi1>
      %jit3A_290 = arith.constant 0.000000e+00 : f32
      %broadcast_in_dim3A_291 = vector.broadcast %jit3A_290 : f32 to vector<16x128xf32>
      %select_n3A_292 = arith.select %slice3A_289, %add3A_288, %broadcast_in_dim3A_291 : vector<16x128xi1>, vector<16x128xf32>
      %reduce_sum3A_293 = vector.shape_cast %select_n3A_292 : vector<16x128xf32> to vector<1x16x128xf32>
      %reduce_sum3A_294 = arith.constant dense<0.000000e+00> : vector<1xf32>
      %reduce_sum3A_295 = vector.multi_reduction <add>, %reduce_sum3A_293, %reduce_sum3A_294 [1, 2] : vector<1x16x128xf32> to vector<1xf32>
      %reduce_sum3A_296 = vector.shape_cast %reduce_sum3A_295 : vector<1xf32> to vector<1x1x1xf32>
      %reduce_sum3A_297 = vector.extract %reduce_sum3A_296[0, 0, 0] : f32 from vector<1x1x1xf32>
      %add3A_298 = arith.addf %add3A_238, %reduce_sum3A_297 : f32
      %slice3A_299 = vector.extract_strided_slice %exp3A {offsets = [64, 0], sizes = [16, 128], strides = [1, 1]} : vector<256x128xf32> to vector<16x128xf32>
      %broadcast_in_dim3A_300 = vector.shape_cast %slice3A_299 : vector<16x128xf32> to vector<1x16x128xf32>
      %broadcast_in_dim3A_301 = vector.broadcast %broadcast_in_dim3A_300 : vector<1x16x128xf32> to vector<16x16x128xf32>
      %mul3A_302 = arith.mulf %get3A_58, %broadcast_in_dim3A_301 : vector<16x16x128xf32>
      %add3A_303 = arith.constant 1.000000e+00 : f32
      %add3A_304 = vector.broadcast %add3A_303 : f32 to vector<16x16x128xf32>
      %add3A_305 = arith.addf %add3A_304, %mul3A_302 : vector<16x16x128xf32>
      %slice3A_306 = vector.extract_strided_slice %add3A_305 {offsets = [0, 0, 0], sizes = [4, 16, 128], strides = [1, 1, 1]} : vector<16x16x128xf32> to vector<4x16x128xf32>
      %slice3A_307 = vector.extract_strided_slice %slice3A_306 {offsets = [0, 0, 0], sizes = [2, 16, 128], strides = [1, 1, 1]} : vector<4x16x128xf32> to vector<2x16x128xf32>
      %slice3A_308 = vector.extract_strided_slice %slice3A_306 {offsets = [2, 0, 0], sizes = [2, 16, 128], strides = [1, 1, 1]} : vector<4x16x128xf32> to vector<2x16x128xf32>
      %mul3A_309 = arith.mulf %slice3A_307, %slice3A_308 : vector<2x16x128xf32>
      %slice3A_310 = vector.extract_strided_slice %mul3A_309 {offsets = [0, 0, 0], sizes = [1, 16, 128], strides = [1, 1, 1]} : vector<2x16x128xf32> to vector<1x16x128xf32>
      %squeeze3A_311 = vector.shape_cast %slice3A_310 : vector<1x16x128xf32> to vector<16x128xf32>
      %slice3A_312 = vector.extract_strided_slice %mul3A_309 {offsets = [1, 0, 0], sizes = [1, 16, 128], strides = [1, 1, 1]} : vector<2x16x128xf32> to vector<1x16x128xf32>
      %squeeze3A_313 = vector.shape_cast %slice3A_312 : vector<1x16x128xf32> to vector<16x128xf32>
      %mul3A_314 = arith.mulf %squeeze3A_311, %squeeze3A_313 : vector<16x128xf32>
      %log3A_315 = math.log %mul3A_314 : vector<16x128xf32>
      %slice3A_316 = vector.extract_strided_slice %add3A_305 {offsets = [4, 0, 0], sizes = [4, 16, 128], strides = [1, 1, 1]} : vector<16x16x128xf32> to vector<4x16x128xf32>
      %slice3A_317 = vector.extract_strided_slice %slice3A_316 {offsets = [0, 0, 0], sizes = [2, 16, 128], strides = [1, 1, 1]} : vector<4x16x128xf32> to vector<2x16x128xf32>
      %slice3A_318 = vector.extract_strided_slice %slice3A_316 {offsets = [2, 0, 0], sizes = [2, 16, 128], strides = [1, 1, 1]} : vector<4x16x128xf32> to vector<2x16x128xf32>
      %mul3A_319 = arith.mulf %slice3A_317, %slice3A_318 : vector<2x16x128xf32>
      %slice3A_320 = vector.extract_strided_slice %mul3A_319 {offsets = [0, 0, 0], sizes = [1, 16, 128], strides = [1, 1, 1]} : vector<2x16x128xf32> to vector<1x16x128xf32>
      %squeeze3A_321 = vector.shape_cast %slice3A_320 : vector<1x16x128xf32> to vector<16x128xf32>
      %slice3A_322 = vector.extract_strided_slice %mul3A_319 {offsets = [1, 0, 0], sizes = [1, 16, 128], strides = [1, 1, 1]} : vector<2x16x128xf32> to vector<1x16x128xf32>
      %squeeze3A_323 = vector.shape_cast %slice3A_322 : vector<1x16x128xf32> to vector<16x128xf32>
      %mul3A_324 = arith.mulf %squeeze3A_321, %squeeze3A_323 : vector<16x128xf32>
      %log3A_325 = math.log %mul3A_324 : vector<16x128xf32>
      %add3A_326 = arith.addf %log3A_315, %log3A_325 : vector<16x128xf32>
      %slice3A_327 = vector.extract_strided_slice %add3A_305 {offsets = [8, 0, 0], sizes = [4, 16, 128], strides = [1, 1, 1]} : vector<16x16x128xf32> to vector<4x16x128xf32>
      %slice3A_328 = vector.extract_strided_slice %slice3A_327 {offsets = [0, 0, 0], sizes = [2, 16, 128], strides = [1, 1, 1]} : vector<4x16x128xf32> to vector<2x16x128xf32>
      %slice3A_329 = vector.extract_strided_slice %slice3A_327 {offsets = [2, 0, 0], sizes = [2, 16, 128], strides = [1, 1, 1]} : vector<4x16x128xf32> to vector<2x16x128xf32>
      %mul3A_330 = arith.mulf %slice3A_328, %slice3A_329 : vector<2x16x128xf32>
      %slice3A_331 = vector.extract_strided_slice %mul3A_330 {offsets = [0, 0, 0], sizes = [1, 16, 128], strides = [1, 1, 1]} : vector<2x16x128xf32> to vector<1x16x128xf32>
      %squeeze3A_332 = vector.shape_cast %slice3A_331 : vector<1x16x128xf32> to vector<16x128xf32>
      %slice3A_333 = vector.extract_strided_slice %mul3A_330 {offsets = [1, 0, 0], sizes = [1, 16, 128], strides = [1, 1, 1]} : vector<2x16x128xf32> to vector<1x16x128xf32>
      %squeeze3A_334 = vector.shape_cast %slice3A_333 : vector<1x16x128xf32> to vector<16x128xf32>
      %mul3A_335 = arith.mulf %squeeze3A_332, %squeeze3A_334 : vector<16x128xf32>
      %log3A_336 = math.log %mul3A_335 : vector<16x128xf32>
      %add3A_337 = arith.addf %add3A_326, %log3A_336 : vector<16x128xf32>
      %slice3A_338 = vector.extract_strided_slice %add3A_305 {offsets = [12, 0, 0], sizes = [4, 16, 128], strides = [1, 1, 1]} : vector<16x16x128xf32> to vector<4x16x128xf32>
      %slice3A_339 = vector.extract_strided_slice %slice3A_338 {offsets = [0, 0, 0], sizes = [2, 16, 128], strides = [1, 1, 1]} : vector<4x16x128xf32> to vector<2x16x128xf32>
      %slice3A_340 = vector.extract_strided_slice %slice3A_338 {offsets = [2, 0, 0], sizes = [2, 16, 128], strides = [1, 1, 1]} : vector<4x16x128xf32> to vector<2x16x128xf32>
      %mul3A_341 = arith.mulf %slice3A_339, %slice3A_340 : vector<2x16x128xf32>
      %slice3A_342 = vector.extract_strided_slice %mul3A_341 {offsets = [0, 0, 0], sizes = [1, 16, 128], strides = [1, 1, 1]} : vector<2x16x128xf32> to vector<1x16x128xf32>
      %squeeze3A_343 = vector.shape_cast %slice3A_342 : vector<1x16x128xf32> to vector<16x128xf32>
      %slice3A_344 = vector.extract_strided_slice %mul3A_341 {offsets = [1, 0, 0], sizes = [1, 16, 128], strides = [1, 1, 1]} : vector<2x16x128xf32> to vector<1x16x128xf32>
      %squeeze3A_345 = vector.shape_cast %slice3A_344 : vector<1x16x128xf32> to vector<16x128xf32>
      %mul3A_346 = arith.mulf %squeeze3A_343, %squeeze3A_345 : vector<16x128xf32>
      %log3A_347 = math.log %mul3A_346 : vector<16x128xf32>
      %add3A_348 = arith.addf %add3A_337, %log3A_347 : vector<16x128xf32>
      %slice3A_349 = vector.extract_strided_slice %and3A_61 {offsets = [64, 0], sizes = [16, 128], strides = [1, 1]} : vector<256x128xi1> to vector<16x128xi1>
      %jit3A_350 = arith.constant 0.000000e+00 : f32
      %broadcast_in_dim3A_351 = vector.broadcast %jit3A_350 : f32 to vector<16x128xf32>
      %select_n3A_352 = arith.select %slice3A_349, %add3A_348, %broadcast_in_dim3A_351 : vector<16x128xi1>, vector<16x128xf32>
      %reduce_sum3A_353 = vector.shape_cast %select_n3A_352 : vector<16x128xf32> to vector<1x16x128xf32>
      %reduce_sum3A_354 = arith.constant dense<0.000000e+00> : vector<1xf32>
      %reduce_sum3A_355 = vector.multi_reduction <add>, %reduce_sum3A_353, %reduce_sum3A_354 [1, 2] : vector<1x16x128xf32> to vector<1xf32>
      %reduce_sum3A_356 = vector.shape_cast %reduce_sum3A_355 : vector<1xf32> to vector<1x1x1xf32>
      %reduce_sum3A_357 = vector.extract %reduce_sum3A_356[0, 0, 0] : f32 from vector<1x1x1xf32>
      %add3A_358 = arith.addf %add3A_298, %reduce_sum3A_357 : f32
      %slice3A_359 = vector.extract_strided_slice %exp3A {offsets = [80, 0], sizes = [16, 128], strides = [1, 1]} : vector<256x128xf32> to vector<16x128xf32>
      %broadcast_in_dim3A_360 = vector.shape_cast %slice3A_359 : vector<16x128xf32> to vector<1x16x128xf32>
      %broadcast_in_dim3A_361 = vector.broadcast %broadcast_in_dim3A_360 : vector<1x16x128xf32> to vector<16x16x128xf32>
      %mul3A_362 = arith.mulf %get3A_58, %broadcast_in_dim3A_361 : vector<16x16x128xf32>
      %add3A_363 = arith.constant 1.000000e+00 : f32
      %add3A_364 = vector.broadcast %add3A_363 : f32 to vector<16x16x128xf32>
      %add3A_365 = arith.addf %add3A_364, %mul3A_362 : vector<16x16x128xf32>
      %slice3A_366 = vector.extract_strided_slice %add3A_365 {offsets = [0, 0, 0], sizes = [4, 16, 128], strides = [1, 1, 1]} : vector<16x16x128xf32> to vector<4x16x128xf32>
      %slice3A_367 = vector.extract_strided_slice %slice3A_366 {offsets = [0, 0, 0], sizes = [2, 16, 128], strides = [1, 1, 1]} : vector<4x16x128xf32> to vector<2x16x128xf32>
      %slice3A_368 = vector.extract_strided_slice %slice3A_366 {offsets = [2, 0, 0], sizes = [2, 16, 128], strides = [1, 1, 1]} : vector<4x16x128xf32> to vector<2x16x128xf32>
      %mul3A_369 = arith.mulf %slice3A_367, %slice3A_368 : vector<2x16x128xf32>
      %slice3A_370 = vector.extract_strided_slice %mul3A_369 {offsets = [0, 0, 0], sizes = [1, 16, 128], strides = [1, 1, 1]} : vector<2x16x128xf32> to vector<1x16x128xf32>
      %squeeze3A_371 = vector.shape_cast %slice3A_370 : vector<1x16x128xf32> to vector<16x128xf32>
      %slice3A_372 = vector.extract_strided_slice %mul3A_369 {offsets = [1, 0, 0], sizes = [1, 16, 128], strides = [1, 1, 1]} : vector<2x16x128xf32> to vector<1x16x128xf32>
      %squeeze3A_373 = vector.shape_cast %slice3A_372 : vector<1x16x128xf32> to vector<16x128xf32>
      %mul3A_374 = arith.mulf %squeeze3A_371, %squeeze3A_373 : vector<16x128xf32>
      %log3A_375 = math.log %mul3A_374 : vector<16x128xf32>
      %slice3A_376 = vector.extract_strided_slice %add3A_365 {offsets = [4, 0, 0], sizes = [4, 16, 128], strides = [1, 1, 1]} : vector<16x16x128xf32> to vector<4x16x128xf32>
      %slice3A_377 = vector.extract_strided_slice %slice3A_376 {offsets = [0, 0, 0], sizes = [2, 16, 128], strides = [1, 1, 1]} : vector<4x16x128xf32> to vector<2x16x128xf32>
      %slice3A_378 = vector.extract_strided_slice %slice3A_376 {offsets = [2, 0, 0], sizes = [2, 16, 128], strides = [1, 1, 1]} : vector<4x16x128xf32> to vector<2x16x128xf32>
      %mul3A_379 = arith.mulf %slice3A_377, %slice3A_378 : vector<2x16x128xf32>
      %slice3A_380 = vector.extract_strided_slice %mul3A_379 {offsets = [0, 0, 0], sizes = [1, 16, 128], strides = [1, 1, 1]} : vector<2x16x128xf32> to vector<1x16x128xf32>
      %squeeze3A_381 = vector.shape_cast %slice3A_380 : vector<1x16x128xf32> to vector<16x128xf32>
      %slice3A_382 = vector.extract_strided_slice %mul3A_379 {offsets = [1, 0, 0], sizes = [1, 16, 128], strides = [1, 1, 1]} : vector<2x16x128xf32> to vector<1x16x128xf32>
      %squeeze3A_383 = vector.shape_cast %slice3A_382 : vector<1x16x128xf32> to vector<16x128xf32>
      %mul3A_384 = arith.mulf %squeeze3A_381, %squeeze3A_383 : vector<16x128xf32>
      %log3A_385 = math.log %mul3A_384 : vector<16x128xf32>
      %add3A_386 = arith.addf %log3A_375, %log3A_385 : vector<16x128xf32>
      %slice3A_387 = vector.extract_strided_slice %add3A_365 {offsets = [8, 0, 0], sizes = [4, 16, 128], strides = [1, 1, 1]} : vector<16x16x128xf32> to vector<4x16x128xf32>
      %slice3A_388 = vector.extract_strided_slice %slice3A_387 {offsets = [0, 0, 0], sizes = [2, 16, 128], strides = [1, 1, 1]} : vector<4x16x128xf32> to vector<2x16x128xf32>
      %slice3A_389 = vector.extract_strided_slice %slice3A_387 {offsets = [2, 0, 0], sizes = [2, 16, 128], strides = [1, 1, 1]} : vector<4x16x128xf32> to vector<2x16x128xf32>
      %mul3A_390 = arith.mulf %slice3A_388, %slice3A_389 : vector<2x16x128xf32>
      %slice3A_391 = vector.extract_strided_slice %mul3A_390 {offsets = [0, 0, 0], sizes = [1, 16, 128], strides = [1, 1, 1]} : vector<2x16x128xf32> to vector<1x16x128xf32>
      %squeeze3A_392 = vector.shape_cast %slice3A_391 : vector<1x16x128xf32> to vector<16x128xf32>
      %slice3A_393 = vector.extract_strided_slice %mul3A_390 {offsets = [1, 0, 0], sizes = [1, 16, 128], strides = [1, 1, 1]} : vector<2x16x128xf32> to vector<1x16x128xf32>
      %squeeze3A_394 = vector.shape_cast %slice3A_393 : vector<1x16x128xf32> to vector<16x128xf32>
      %mul3A_395 = arith.mulf %squeeze3A_392, %squeeze3A_394 : vector<16x128xf32>
      %log3A_396 = math.log %mul3A_395 : vector<16x128xf32>
      %add3A_397 = arith.addf %add3A_386, %log3A_396 : vector<16x128xf32>
      %slice3A_398 = vector.extract_strided_slice %add3A_365 {offsets = [12, 0, 0], sizes = [4, 16, 128], strides = [1, 1, 1]} : vector<16x16x128xf32> to vector<4x16x128xf32>
      %slice3A_399 = vector.extract_strided_slice %slice3A_398 {offsets = [0, 0, 0], sizes = [2, 16, 128], strides = [1, 1, 1]} : vector<4x16x128xf32> to vector<2x16x128xf32>
      %slice3A_400 = vector.extract_strided_slice %slice3A_398 {offsets = [2, 0, 0], sizes = [2, 16, 128], strides = [1, 1, 1]} : vector<4x16x128xf32> to vector<2x16x128xf32>
      %mul3A_401 = arith.mulf %slice3A_399, %slice3A_400 : vector<2x16x128xf32>
      %slice3A_402 = vector.extract_strided_slice %mul3A_401 {offsets = [0, 0, 0], sizes = [1, 16, 128], strides = [1, 1, 1]} : vector<2x16x128xf32> to vector<1x16x128xf32>
      %squeeze3A_403 = vector.shape_cast %slice3A_402 : vector<1x16x128xf32> to vector<16x128xf32>
      %slice3A_404 = vector.extract_strided_slice %mul3A_401 {offsets = [1, 0, 0], sizes = [1, 16, 128], strides = [1, 1, 1]} : vector<2x16x128xf32> to vector<1x16x128xf32>
      %squeeze3A_405 = vector.shape_cast %slice3A_404 : vector<1x16x128xf32> to vector<16x128xf32>
      %mul3A_406 = arith.mulf %squeeze3A_403, %squeeze3A_405 : vector<16x128xf32>
      %log3A_407 = math.log %mul3A_406 : vector<16x128xf32>
      %add3A_408 = arith.addf %add3A_397, %log3A_407 : vector<16x128xf32>
      %slice3A_409 = vector.extract_strided_slice %and3A_61 {offsets = [80, 0], sizes = [16, 128], strides = [1, 1]} : vector<256x128xi1> to vector<16x128xi1>
      %jit3A_410 = arith.constant 0.000000e+00 : f32
      %broadcast_in_dim3A_411 = vector.broadcast %jit3A_410 : f32 to vector<16x128xf32>
      %select_n3A_412 = arith.select %slice3A_409, %add3A_408, %broadcast_in_dim3A_411 : vector<16x128xi1>, vector<16x128xf32>
      %reduce_sum3A_413 = vector.shape_cast %select_n3A_412 : vector<16x128xf32> to vector<1x16x128xf32>
      %reduce_sum3A_414 = arith.constant dense<0.000000e+00> : vector<1xf32>
      %reduce_sum3A_415 = vector.multi_reduction <add>, %reduce_sum3A_413, %reduce_sum3A_414 [1, 2] : vector<1x16x128xf32> to vector<1xf32>
      %reduce_sum3A_416 = vector.shape_cast %reduce_sum3A_415 : vector<1xf32> to vector<1x1x1xf32>
      %reduce_sum3A_417 = vector.extract %reduce_sum3A_416[0, 0, 0] : f32 from vector<1x1x1xf32>
      %add3A_418 = arith.addf %add3A_358, %reduce_sum3A_417 : f32
      %slice3A_419 = vector.extract_strided_slice %exp3A {offsets = [96, 0], sizes = [16, 128], strides = [1, 1]} : vector<256x128xf32> to vector<16x128xf32>
      %broadcast_in_dim3A_420 = vector.shape_cast %slice3A_419 : vector<16x128xf32> to vector<1x16x128xf32>
      %broadcast_in_dim3A_421 = vector.broadcast %broadcast_in_dim3A_420 : vector<1x16x128xf32> to vector<16x16x128xf32>
      %mul3A_422 = arith.mulf %get3A_58, %broadcast_in_dim3A_421 : vector<16x16x128xf32>
      %add3A_423 = arith.constant 1.000000e+00 : f32
      %add3A_424 = vector.broadcast %add3A_423 : f32 to vector<16x16x128xf32>
      %add3A_425 = arith.addf %add3A_424, %mul3A_422 : vector<16x16x128xf32>
      %slice3A_426 = vector.extract_strided_slice %add3A_425 {offsets = [0, 0, 0], sizes = [4, 16, 128], strides = [1, 1, 1]} : vector<16x16x128xf32> to vector<4x16x128xf32>
      %slice3A_427 = vector.extract_strided_slice %slice3A_426 {offsets = [0, 0, 0], sizes = [2, 16, 128], strides = [1, 1, 1]} : vector<4x16x128xf32> to vector<2x16x128xf32>
      %slice3A_428 = vector.extract_strided_slice %slice3A_426 {offsets = [2, 0, 0], sizes = [2, 16, 128], strides = [1, 1, 1]} : vector<4x16x128xf32> to vector<2x16x128xf32>
      %mul3A_429 = arith.mulf %slice3A_427, %slice3A_428 : vector<2x16x128xf32>
      %slice3A_430 = vector.extract_strided_slice %mul3A_429 {offsets = [0, 0, 0], sizes = [1, 16, 128], strides = [1, 1, 1]} : vector<2x16x128xf32> to vector<1x16x128xf32>
      %squeeze3A_431 = vector.shape_cast %slice3A_430 : vector<1x16x128xf32> to vector<16x128xf32>
      %slice3A_432 = vector.extract_strided_slice %mul3A_429 {offsets = [1, 0, 0], sizes = [1, 16, 128], strides = [1, 1, 1]} : vector<2x16x128xf32> to vector<1x16x128xf32>
      %squeeze3A_433 = vector.shape_cast %slice3A_432 : vector<1x16x128xf32> to vector<16x128xf32>
      %mul3A_434 = arith.mulf %squeeze3A_431, %squeeze3A_433 : vector<16x128xf32>
      %log3A_435 = math.log %mul3A_434 : vector<16x128xf32>
      %slice3A_436 = vector.extract_strided_slice %add3A_425 {offsets = [4, 0, 0], sizes = [4, 16, 128], strides = [1, 1, 1]} : vector<16x16x128xf32> to vector<4x16x128xf32>
      %slice3A_437 = vector.extract_strided_slice %slice3A_436 {offsets = [0, 0, 0], sizes = [2, 16, 128], strides = [1, 1, 1]} : vector<4x16x128xf32> to vector<2x16x128xf32>
      %slice3A_438 = vector.extract_strided_slice %slice3A_436 {offsets = [2, 0, 0], sizes = [2, 16, 128], strides = [1, 1, 1]} : vector<4x16x128xf32> to vector<2x16x128xf32>
      %mul3A_439 = arith.mulf %slice3A_437, %slice3A_438 : vector<2x16x128xf32>
      %slice3A_440 = vector.extract_strided_slice %mul3A_439 {offsets = [0, 0, 0], sizes = [1, 16, 128], strides = [1, 1, 1]} : vector<2x16x128xf32> to vector<1x16x128xf32>
      %squeeze3A_441 = vector.shape_cast %slice3A_440 : vector<1x16x128xf32> to vector<16x128xf32>
      %slice3A_442 = vector.extract_strided_slice %mul3A_439 {offsets = [1, 0, 0], sizes = [1, 16, 128], strides = [1, 1, 1]} : vector<2x16x128xf32> to vector<1x16x128xf32>
      %squeeze3A_443 = vector.shape_cast %slice3A_442 : vector<1x16x128xf32> to vector<16x128xf32>
      %mul3A_444 = arith.mulf %squeeze3A_441, %squeeze3A_443 : vector<16x128xf32>
      %log3A_445 = math.log %mul3A_444 : vector<16x128xf32>
      %add3A_446 = arith.addf %log3A_435, %log3A_445 : vector<16x128xf32>
      %slice3A_447 = vector.extract_strided_slice %add3A_425 {offsets = [8, 0, 0], sizes = [4, 16, 128], strides = [1, 1, 1]} : vector<16x16x128xf32> to vector<4x16x128xf32>
      %slice3A_448 = vector.extract_strided_slice %slice3A_447 {offsets = [0, 0, 0], sizes = [2, 16, 128], strides = [1, 1, 1]} : vector<4x16x128xf32> to vector<2x16x128xf32>
      %slice3A_449 = vector.extract_strided_slice %slice3A_447 {offsets = [2, 0, 0], sizes = [2, 16, 128], strides = [1, 1, 1]} : vector<4x16x128xf32> to vector<2x16x128xf32>
      %mul3A_450 = arith.mulf %slice3A_448, %slice3A_449 : vector<2x16x128xf32>
      %slice3A_451 = vector.extract_strided_slice %mul3A_450 {offsets = [0, 0, 0], sizes = [1, 16, 128], strides = [1, 1, 1]} : vector<2x16x128xf32> to vector<1x16x128xf32>
      %squeeze3A_452 = vector.shape_cast %slice3A_451 : vector<1x16x128xf32> to vector<16x128xf32>
      %slice3A_453 = vector.extract_strided_slice %mul3A_450 {offsets = [1, 0, 0], sizes = [1, 16, 128], strides = [1, 1, 1]} : vector<2x16x128xf32> to vector<1x16x128xf32>
      %squeeze3A_454 = vector.shape_cast %slice3A_453 : vector<1x16x128xf32> to vector<16x128xf32>
      %mul3A_455 = arith.mulf %squeeze3A_452, %squeeze3A_454 : vector<16x128xf32>
      %log3A_456 = math.log %mul3A_455 : vector<16x128xf32>
      %add3A_457 = arith.addf %add3A_446, %log3A_456 : vector<16x128xf32>
      %slice3A_458 = vector.extract_strided_slice %add3A_425 {offsets = [12, 0, 0], sizes = [4, 16, 128], strides = [1, 1, 1]} : vector<16x16x128xf32> to vector<4x16x128xf32>
      %slice3A_459 = vector.extract_strided_slice %slice3A_458 {offsets = [0, 0, 0], sizes = [2, 16, 128], strides = [1, 1, 1]} : vector<4x16x128xf32> to vector<2x16x128xf32>
      %slice3A_460 = vector.extract_strided_slice %slice3A_458 {offsets = [2, 0, 0], sizes = [2, 16, 128], strides = [1, 1, 1]} : vector<4x16x128xf32> to vector<2x16x128xf32>
      %mul3A_461 = arith.mulf %slice3A_459, %slice3A_460 : vector<2x16x128xf32>
      %slice3A_462 = vector.extract_strided_slice %mul3A_461 {offsets = [0, 0, 0], sizes = [1, 16, 128], strides = [1, 1, 1]} : vector<2x16x128xf32> to vector<1x16x128xf32>
      %squeeze3A_463 = vector.shape_cast %slice3A_462 : vector<1x16x128xf32> to vector<16x128xf32>
      %slice3A_464 = vector.extract_strided_slice %mul3A_461 {offsets = [1, 0, 0], sizes = [1, 16, 128], strides = [1, 1, 1]} : vector<2x16x128xf32> to vector<1x16x128xf32>
      %squeeze3A_465 = vector.shape_cast %slice3A_464 : vector<1x16x128xf32> to vector<16x128xf32>
      %mul3A_466 = arith.mulf %squeeze3A_463, %squeeze3A_465 : vector<16x128xf32>
      %log3A_467 = math.log %mul3A_466 : vector<16x128xf32>
      %add3A_468 = arith.addf %add3A_457, %log3A_467 : vector<16x128xf32>
      %slice3A_469 = vector.extract_strided_slice %and3A_61 {offsets = [96, 0], sizes = [16, 128], strides = [1, 1]} : vector<256x128xi1> to vector<16x128xi1>
      %jit3A_470 = arith.constant 0.000000e+00 : f32
      %broadcast_in_dim3A_471 = vector.broadcast %jit3A_470 : f32 to vector<16x128xf32>
      %select_n3A_472 = arith.select %slice3A_469, %add3A_468, %broadcast_in_dim3A_471 : vector<16x128xi1>, vector<16x128xf32>
      %reduce_sum3A_473 = vector.shape_cast %select_n3A_472 : vector<16x128xf32> to vector<1x16x128xf32>
      %reduce_sum3A_474 = arith.constant dense<0.000000e+00> : vector<1xf32>
      %reduce_sum3A_475 = vector.multi_reduction <add>, %reduce_sum3A_473, %reduce_sum3A_474 [1, 2] : vector<1x16x128xf32> to vector<1xf32>
      %reduce_sum3A_476 = vector.shape_cast %reduce_sum3A_475 : vector<1xf32> to vector<1x1x1xf32>
      %reduce_sum3A_477 = vector.extract %reduce_sum3A_476[0, 0, 0] : f32 from vector<1x1x1xf32>
      %add3A_478 = arith.addf %add3A_418, %reduce_sum3A_477 : f32
      %slice3A_479 = vector.extract_strided_slice %exp3A {offsets = [112, 0], sizes = [16, 128], strides = [1, 1]} : vector<256x128xf32> to vector<16x128xf32>
      %broadcast_in_dim3A_480 = vector.shape_cast %slice3A_479 : vector<16x128xf32> to vector<1x16x128xf32>
      %broadcast_in_dim3A_481 = vector.broadcast %broadcast_in_dim3A_480 : vector<1x16x128xf32> to vector<16x16x128xf32>
      %mul3A_482 = arith.mulf %get3A_58, %broadcast_in_dim3A_481 : vector<16x16x128xf32>
      %add3A_483 = arith.constant 1.000000e+00 : f32
      %add3A_484 = vector.broadcast %add3A_483 : f32 to vector<16x16x128xf32>
      %add3A_485 = arith.addf %add3A_484, %mul3A_482 : vector<16x16x128xf32>
      %slice3A_486 = vector.extract_strided_slice %add3A_485 {offsets = [0, 0, 0], sizes = [4, 16, 128], strides = [1, 1, 1]} : vector<16x16x128xf32> to vector<4x16x128xf32>
      %slice3A_487 = vector.extract_strided_slice %slice3A_486 {offsets = [0, 0, 0], sizes = [2, 16, 128], strides = [1, 1, 1]} : vector<4x16x128xf32> to vector<2x16x128xf32>
      %slice3A_488 = vector.extract_strided_slice %slice3A_486 {offsets = [2, 0, 0], sizes = [2, 16, 128], strides = [1, 1, 1]} : vector<4x16x128xf32> to vector<2x16x128xf32>
      %mul3A_489 = arith.mulf %slice3A_487, %slice3A_488 : vector<2x16x128xf32>
      %slice3A_490 = vector.extract_strided_slice %mul3A_489 {offsets = [0, 0, 0], sizes = [1, 16, 128], strides = [1, 1, 1]} : vector<2x16x128xf32> to vector<1x16x128xf32>
      %squeeze3A_491 = vector.shape_cast %slice3A_490 : vector<1x16x128xf32> to vector<16x128xf32>
      %slice3A_492 = vector.extract_strided_slice %mul3A_489 {offsets = [1, 0, 0], sizes = [1, 16, 128], strides = [1, 1, 1]} : vector<2x16x128xf32> to vector<1x16x128xf32>
      %squeeze3A_493 = vector.shape_cast %slice3A_492 : vector<1x16x128xf32> to vector<16x128xf32>
      %mul3A_494 = arith.mulf %squeeze3A_491, %squeeze3A_493 : vector<16x128xf32>
      %log3A_495 = math.log %mul3A_494 : vector<16x128xf32>
      %slice3A_496 = vector.extract_strided_slice %add3A_485 {offsets = [4, 0, 0], sizes = [4, 16, 128], strides = [1, 1, 1]} : vector<16x16x128xf32> to vector<4x16x128xf32>
      %slice3A_497 = vector.extract_strided_slice %slice3A_496 {offsets = [0, 0, 0], sizes = [2, 16, 128], strides = [1, 1, 1]} : vector<4x16x128xf32> to vector<2x16x128xf32>
      %slice3A_498 = vector.extract_strided_slice %slice3A_496 {offsets = [2, 0, 0], sizes = [2, 16, 128], strides = [1, 1, 1]} : vector<4x16x128xf32> to vector<2x16x128xf32>
      %mul3A_499 = arith.mulf %slice3A_497, %slice3A_498 : vector<2x16x128xf32>
      %slice3A_500 = vector.extract_strided_slice %mul3A_499 {offsets = [0, 0, 0], sizes = [1, 16, 128], strides = [1, 1, 1]} : vector<2x16x128xf32> to vector<1x16x128xf32>
      %squeeze3A_501 = vector.shape_cast %slice3A_500 : vector<1x16x128xf32> to vector<16x128xf32>
      %slice3A_502 = vector.extract_strided_slice %mul3A_499 {offsets = [1, 0, 0], sizes = [1, 16, 128], strides = [1, 1, 1]} : vector<2x16x128xf32> to vector<1x16x128xf32>
      %squeeze3A_503 = vector.shape_cast %slice3A_502 : vector<1x16x128xf32> to vector<16x128xf32>
      %mul3A_504 = arith.mulf %squeeze3A_501, %squeeze3A_503 : vector<16x128xf32>
      %log3A_505 = math.log %mul3A_504 : vector<16x128xf32>
      %add3A_506 = arith.addf %log3A_495, %log3A_505 : vector<16x128xf32>
      %slice3A_507 = vector.extract_strided_slice %add3A_485 {offsets = [8, 0, 0], sizes = [4, 16, 128], strides = [1, 1, 1]} : vector<16x16x128xf32> to vector<4x16x128xf32>
      %slice3A_508 = vector.extract_strided_slice %slice3A_507 {offsets = [0, 0, 0], sizes = [2, 16, 128], strides = [1, 1, 1]} : vector<4x16x128xf32> to vector<2x16x128xf32>
      %slice3A_509 = vector.extract_strided_slice %slice3A_507 {offsets = [2, 0, 0], sizes = [2, 16, 128], strides = [1, 1, 1]} : vector<4x16x128xf32> to vector<2x16x128xf32>
      %mul3A_510 = arith.mulf %slice3A_508, %slice3A_509 : vector<2x16x128xf32>
      %slice3A_511 = vector.extract_strided_slice %mul3A_510 {offsets = [0, 0, 0], sizes = [1, 16, 128], strides = [1, 1, 1]} : vector<2x16x128xf32> to vector<1x16x128xf32>
      %squeeze3A_512 = vector.shape_cast %slice3A_511 : vector<1x16x128xf32> to vector<16x128xf32>
      %slice3A_513 = vector.extract_strided_slice %mul3A_510 {offsets = [1, 0, 0], sizes = [1, 16, 128], strides = [1, 1, 1]} : vector<2x16x128xf32> to vector<1x16x128xf32>
      %squeeze3A_514 = vector.shape_cast %slice3A_513 : vector<1x16x128xf32> to vector<16x128xf32>
      %mul3A_515 = arith.mulf %squeeze3A_512, %squeeze3A_514 : vector<16x128xf32>
      %log3A_516 = math.log %mul3A_515 : vector<16x128xf32>
      %add3A_517 = arith.addf %add3A_506, %log3A_516 : vector<16x128xf32>
      %slice3A_518 = vector.extract_strided_slice %add3A_485 {offsets = [12, 0, 0], sizes = [4, 16, 128], strides = [1, 1, 1]} : vector<16x16x128xf32> to vector<4x16x128xf32>
      %slice3A_519 = vector.extract_strided_slice %slice3A_518 {offsets = [0, 0, 0], sizes = [2, 16, 128], strides = [1, 1, 1]} : vector<4x16x128xf32> to vector<2x16x128xf32>
      %slice3A_520 = vector.extract_strided_slice %slice3A_518 {offsets = [2, 0, 0], sizes = [2, 16, 128], strides = [1, 1, 1]} : vector<4x16x128xf32> to vector<2x16x128xf32>
      %mul3A_521 = arith.mulf %slice3A_519, %slice3A_520 : vector<2x16x128xf32>
      %slice3A_522 = vector.extract_strided_slice %mul3A_521 {offsets = [0, 0, 0], sizes = [1, 16, 128], strides = [1, 1, 1]} : vector<2x16x128xf32> to vector<1x16x128xf32>
      %squeeze3A_523 = vector.shape_cast %slice3A_522 : vector<1x16x128xf32> to vector<16x128xf32>
      %slice3A_524 = vector.extract_strided_slice %mul3A_521 {offsets = [1, 0, 0], sizes = [1, 16, 128], strides = [1, 1, 1]} : vector<2x16x128xf32> to vector<1x16x128xf32>
      %squeeze3A_525 = vector.shape_cast %slice3A_524 : vector<1x16x128xf32> to vector<16x128xf32>
      %mul3A_526 = arith.mulf %squeeze3A_523, %squeeze3A_525 : vector<16x128xf32>
      %log3A_527 = math.log %mul3A_526 : vector<16x128xf32>
      %add3A_528 = arith.addf %add3A_517, %log3A_527 : vector<16x128xf32>
      %slice3A_529 = vector.extract_strided_slice %and3A_61 {offsets = [112, 0], sizes = [16, 128], strides = [1, 1]} : vector<256x128xi1> to vector<16x128xi1>
      %jit3A_530 = arith.constant 0.000000e+00 : f32
      %broadcast_in_dim3A_531 = vector.broadcast %jit3A_530 : f32 to vector<16x128xf32>
      %select_n3A_532 = arith.select %slice3A_529, %add3A_528, %broadcast_in_dim3A_531 : vector<16x128xi1>, vector<16x128xf32>
      %reduce_sum3A_533 = vector.shape_cast %select_n3A_532 : vector<16x128xf32> to vector<1x16x128xf32>
      %reduce_sum3A_534 = arith.constant dense<0.000000e+00> : vector<1xf32>
      %reduce_sum3A_535 = vector.multi_reduction <add>, %reduce_sum3A_533, %reduce_sum3A_534 [1, 2] : vector<1x16x128xf32> to vector<1xf32>
      %reduce_sum3A_536 = vector.shape_cast %reduce_sum3A_535 : vector<1xf32> to vector<1x1x1xf32>
      %reduce_sum3A_537 = vector.extract %reduce_sum3A_536[0, 0, 0] : f32 from vector<1x1x1xf32>
      %add3A_538 = arith.addf %add3A_478, %reduce_sum3A_537 : f32
      %slice3A_539 = vector.extract_strided_slice %exp3A {offsets = [128, 0], sizes = [16, 128], strides = [1, 1]} : vector<256x128xf32> to vector<16x128xf32>
      %broadcast_in_dim3A_540 = vector.shape_cast %slice3A_539 : vector<16x128xf32> to vector<1x16x128xf32>
      %broadcast_in_dim3A_541 = vector.broadcast %broadcast_in_dim3A_540 : vector<1x16x128xf32> to vector<16x16x128xf32>
      %mul3A_542 = arith.mulf %get3A_58, %broadcast_in_dim3A_541 : vector<16x16x128xf32>
      %add3A_543 = arith.constant 1.000000e+00 : f32
      %add3A_544 = vector.broadcast %add3A_543 : f32 to vector<16x16x128xf32>
      %add3A_545 = arith.addf %add3A_544, %mul3A_542 : vector<16x16x128xf32>
      %slice3A_546 = vector.extract_strided_slice %add3A_545 {offsets = [0, 0, 0], sizes = [4, 16, 128], strides = [1, 1, 1]} : vector<16x16x128xf32> to vector<4x16x128xf32>
      %slice3A_547 = vector.extract_strided_slice %slice3A_546 {offsets = [0, 0, 0], sizes = [2, 16, 128], strides = [1, 1, 1]} : vector<4x16x128xf32> to vector<2x16x128xf32>
      %slice3A_548 = vector.extract_strided_slice %slice3A_546 {offsets = [2, 0, 0], sizes = [2, 16, 128], strides = [1, 1, 1]} : vector<4x16x128xf32> to vector<2x16x128xf32>
      %mul3A_549 = arith.mulf %slice3A_547, %slice3A_548 : vector<2x16x128xf32>
      %slice3A_550 = vector.extract_strided_slice %mul3A_549 {offsets = [0, 0, 0], sizes = [1, 16, 128], strides = [1, 1, 1]} : vector<2x16x128xf32> to vector<1x16x128xf32>
      %squeeze3A_551 = vector.shape_cast %slice3A_550 : vector<1x16x128xf32> to vector<16x128xf32>
      %slice3A_552 = vector.extract_strided_slice %mul3A_549 {offsets = [1, 0, 0], sizes = [1, 16, 128], strides = [1, 1, 1]} : vector<2x16x128xf32> to vector<1x16x128xf32>
      %squeeze3A_553 = vector.shape_cast %slice3A_552 : vector<1x16x128xf32> to vector<16x128xf32>
      %mul3A_554 = arith.mulf %squeeze3A_551, %squeeze3A_553 : vector<16x128xf32>
      %log3A_555 = math.log %mul3A_554 : vector<16x128xf32>
      %slice3A_556 = vector.extract_strided_slice %add3A_545 {offsets = [4, 0, 0], sizes = [4, 16, 128], strides = [1, 1, 1]} : vector<16x16x128xf32> to vector<4x16x128xf32>
      %slice3A_557 = vector.extract_strided_slice %slice3A_556 {offsets = [0, 0, 0], sizes = [2, 16, 128], strides = [1, 1, 1]} : vector<4x16x128xf32> to vector<2x16x128xf32>
      %slice3A_558 = vector.extract_strided_slice %slice3A_556 {offsets = [2, 0, 0], sizes = [2, 16, 128], strides = [1, 1, 1]} : vector<4x16x128xf32> to vector<2x16x128xf32>
      %mul3A_559 = arith.mulf %slice3A_557, %slice3A_558 : vector<2x16x128xf32>
      %slice3A_560 = vector.extract_strided_slice %mul3A_559 {offsets = [0, 0, 0], sizes = [1, 16, 128], strides = [1, 1, 1]} : vector<2x16x128xf32> to vector<1x16x128xf32>
      %squeeze3A_561 = vector.shape_cast %slice3A_560 : vector<1x16x128xf32> to vector<16x128xf32>
      %slice3A_562 = vector.extract_strided_slice %mul3A_559 {offsets = [1, 0, 0], sizes = [1, 16, 128], strides = [1, 1, 1]} : vector<2x16x128xf32> to vector<1x16x128xf32>
      %squeeze3A_563 = vector.shape_cast %slice3A_562 : vector<1x16x128xf32> to vector<16x128xf32>
      %mul3A_564 = arith.mulf %squeeze3A_561, %squeeze3A_563 : vector<16x128xf32>
      %log3A_565 = math.log %mul3A_564 : vector<16x128xf32>
      %add3A_566 = arith.addf %log3A_555, %log3A_565 : vector<16x128xf32>
      %slice3A_567 = vector.extract_strided_slice %add3A_545 {offsets = [8, 0, 0], sizes = [4, 16, 128], strides = [1, 1, 1]} : vector<16x16x128xf32> to vector<4x16x128xf32>
      %slice3A_568 = vector.extract_strided_slice %slice3A_567 {offsets = [0, 0, 0], sizes = [2, 16, 128], strides = [1, 1, 1]} : vector<4x16x128xf32> to vector<2x16x128xf32>
      %slice3A_569 = vector.extract_strided_slice %slice3A_567 {offsets = [2, 0, 0], sizes = [2, 16, 128], strides = [1, 1, 1]} : vector<4x16x128xf32> to vector<2x16x128xf32>
      %mul3A_570 = arith.mulf %slice3A_568, %slice3A_569 : vector<2x16x128xf32>
      %slice3A_571 = vector.extract_strided_slice %mul3A_570 {offsets = [0, 0, 0], sizes = [1, 16, 128], strides = [1, 1, 1]} : vector<2x16x128xf32> to vector<1x16x128xf32>
      %squeeze3A_572 = vector.shape_cast %slice3A_571 : vector<1x16x128xf32> to vector<16x128xf32>
      %slice3A_573 = vector.extract_strided_slice %mul3A_570 {offsets = [1, 0, 0], sizes = [1, 16, 128], strides = [1, 1, 1]} : vector<2x16x128xf32> to vector<1x16x128xf32>
      %squeeze3A_574 = vector.shape_cast %slice3A_573 : vector<1x16x128xf32> to vector<16x128xf32>
      %mul3A_575 = arith.mulf %squeeze3A_572, %squeeze3A_574 : vector<16x128xf32>
      %log3A_576 = math.log %mul3A_575 : vector<16x128xf32>
      %add3A_577 = arith.addf %add3A_566, %log3A_576 : vector<16x128xf32>
      %slice3A_578 = vector.extract_strided_slice %add3A_545 {offsets = [12, 0, 0], sizes = [4, 16, 128], strides = [1, 1, 1]} : vector<16x16x128xf32> to vector<4x16x128xf32>
      %slice3A_579 = vector.extract_strided_slice %slice3A_578 {offsets = [0, 0, 0], sizes = [2, 16, 128], strides = [1, 1, 1]} : vector<4x16x128xf32> to vector<2x16x128xf32>
      %slice3A_580 = vector.extract_strided_slice %slice3A_578 {offsets = [2, 0, 0], sizes = [2, 16, 128], strides = [1, 1, 1]} : vector<4x16x128xf32> to vector<2x16x128xf32>
      %mul3A_581 = arith.mulf %slice3A_579, %slice3A_580 : vector<2x16x128xf32>
      %slice3A_582 = vector.extract_strided_slice %mul3A_581 {offsets = [0, 0, 0], sizes = [1, 16, 128], strides = [1, 1, 1]} : vector<2x16x128xf32> to vector<1x16x128xf32>
      %squeeze3A_583 = vector.shape_cast %slice3A_582 : vector<1x16x128xf32> to vector<16x128xf32>
      %slice3A_584 = vector.extract_strided_slice %mul3A_581 {offsets = [1, 0, 0], sizes = [1, 16, 128], strides = [1, 1, 1]} : vector<2x16x128xf32> to vector<1x16x128xf32>
      %squeeze3A_585 = vector.shape_cast %slice3A_584 : vector<1x16x128xf32> to vector<16x128xf32>
      %mul3A_586 = arith.mulf %squeeze3A_583, %squeeze3A_585 : vector<16x128xf32>
      %log3A_587 = math.log %mul3A_586 : vector<16x128xf32>
      %add3A_588 = arith.addf %add3A_577, %log3A_587 : vector<16x128xf32>
      %slice3A_589 = vector.extract_strided_slice %and3A_61 {offsets = [128, 0], sizes = [16, 128], strides = [1, 1]} : vector<256x128xi1> to vector<16x128xi1>
      %jit3A_590 = arith.constant 0.000000e+00 : f32
      %broadcast_in_dim3A_591 = vector.broadcast %jit3A_590 : f32 to vector<16x128xf32>
      %select_n3A_592 = arith.select %slice3A_589, %add3A_588, %broadcast_in_dim3A_591 : vector<16x128xi1>, vector<16x128xf32>
      %reduce_sum3A_593 = vector.shape_cast %select_n3A_592 : vector<16x128xf32> to vector<1x16x128xf32>
      %reduce_sum3A_594 = arith.constant dense<0.000000e+00> : vector<1xf32>
      %reduce_sum3A_595 = vector.multi_reduction <add>, %reduce_sum3A_593, %reduce_sum3A_594 [1, 2] : vector<1x16x128xf32> to vector<1xf32>
      %reduce_sum3A_596 = vector.shape_cast %reduce_sum3A_595 : vector<1xf32> to vector<1x1x1xf32>
      %reduce_sum3A_597 = vector.extract %reduce_sum3A_596[0, 0, 0] : f32 from vector<1x1x1xf32>
      %add3A_598 = arith.addf %add3A_538, %reduce_sum3A_597 : f32
      %slice3A_599 = vector.extract_strided_slice %exp3A {offsets = [144, 0], sizes = [16, 128], strides = [1, 1]} : vector<256x128xf32> to vector<16x128xf32>
      %broadcast_in_dim3A_600 = vector.shape_cast %slice3A_599 : vector<16x128xf32> to vector<1x16x128xf32>
      %broadcast_in_dim3A_601 = vector.broadcast %broadcast_in_dim3A_600 : vector<1x16x128xf32> to vector<16x16x128xf32>
      %mul3A_602 = arith.mulf %get3A_58, %broadcast_in_dim3A_601 : vector<16x16x128xf32>
      %add3A_603 = arith.constant 1.000000e+00 : f32
      %add3A_604 = vector.broadcast %add3A_603 : f32 to vector<16x16x128xf32>
      %add3A_605 = arith.addf %add3A_604, %mul3A_602 : vector<16x16x128xf32>
      %slice3A_606 = vector.extract_strided_slice %add3A_605 {offsets = [0, 0, 0], sizes = [4, 16, 128], strides = [1, 1, 1]} : vector<16x16x128xf32> to vector<4x16x128xf32>
      %slice3A_607 = vector.extract_strided_slice %slice3A_606 {offsets = [0, 0, 0], sizes = [2, 16, 128], strides = [1, 1, 1]} : vector<4x16x128xf32> to vector<2x16x128xf32>
      %slice3A_608 = vector.extract_strided_slice %slice3A_606 {offsets = [2, 0, 0], sizes = [2, 16, 128], strides = [1, 1, 1]} : vector<4x16x128xf32> to vector<2x16x128xf32>
      %mul3A_609 = arith.mulf %slice3A_607, %slice3A_608 : vector<2x16x128xf32>
      %slice3A_610 = vector.extract_strided_slice %mul3A_609 {offsets = [0, 0, 0], sizes = [1, 16, 128], strides = [1, 1, 1]} : vector<2x16x128xf32> to vector<1x16x128xf32>
      %squeeze3A_611 = vector.shape_cast %slice3A_610 : vector<1x16x128xf32> to vector<16x128xf32>
      %slice3A_612 = vector.extract_strided_slice %mul3A_609 {offsets = [1, 0, 0], sizes = [1, 16, 128], strides = [1, 1, 1]} : vector<2x16x128xf32> to vector<1x16x128xf32>
      %squeeze3A_613 = vector.shape_cast %slice3A_612 : vector<1x16x128xf32> to vector<16x128xf32>
      %mul3A_614 = arith.mulf %squeeze3A_611, %squeeze3A_613 : vector<16x128xf32>
      %log3A_615 = math.log %mul3A_614 : vector<16x128xf32>
      %slice3A_616 = vector.extract_strided_slice %add3A_605 {offsets = [4, 0, 0], sizes = [4, 16, 128], strides = [1, 1, 1]} : vector<16x16x128xf32> to vector<4x16x128xf32>
      %slice3A_617 = vector.extract_strided_slice %slice3A_616 {offsets = [0, 0, 0], sizes = [2, 16, 128], strides = [1, 1, 1]} : vector<4x16x128xf32> to vector<2x16x128xf32>
      %slice3A_618 = vector.extract_strided_slice %slice3A_616 {offsets = [2, 0, 0], sizes = [2, 16, 128], strides = [1, 1, 1]} : vector<4x16x128xf32> to vector<2x16x128xf32>
      %mul3A_619 = arith.mulf %slice3A_617, %slice3A_618 : vector<2x16x128xf32>
      %slice3A_620 = vector.extract_strided_slice %mul3A_619 {offsets = [0, 0, 0], sizes = [1, 16, 128], strides = [1, 1, 1]} : vector<2x16x128xf32> to vector<1x16x128xf32>
      %squeeze3A_621 = vector.shape_cast %slice3A_620 : vector<1x16x128xf32> to vector<16x128xf32>
      %slice3A_622 = vector.extract_strided_slice %mul3A_619 {offsets = [1, 0, 0], sizes = [1, 16, 128], strides = [1, 1, 1]} : vector<2x16x128xf32> to vector<1x16x128xf32>
      %squeeze3A_623 = vector.shape_cast %slice3A_622 : vector<1x16x128xf32> to vector<16x128xf32>
      %mul3A_624 = arith.mulf %squeeze3A_621, %squeeze3A_623 : vector<16x128xf32>
      %log3A_625 = math.log %mul3A_624 : vector<16x128xf32>
      %add3A_626 = arith.addf %log3A_615, %log3A_625 : vector<16x128xf32>
      %slice3A_627 = vector.extract_strided_slice %add3A_605 {offsets = [8, 0, 0], sizes = [4, 16, 128], strides = [1, 1, 1]} : vector<16x16x128xf32> to vector<4x16x128xf32>
      %slice3A_628 = vector.extract_strided_slice %slice3A_627 {offsets = [0, 0, 0], sizes = [2, 16, 128], strides = [1, 1, 1]} : vector<4x16x128xf32> to vector<2x16x128xf32>
      %slice3A_629 = vector.extract_strided_slice %slice3A_627 {offsets = [2, 0, 0], sizes = [2, 16, 128], strides = [1, 1, 1]} : vector<4x16x128xf32> to vector<2x16x128xf32>
      %mul3A_630 = arith.mulf %slice3A_628, %slice3A_629 : vector<2x16x128xf32>
      %slice3A_631 = vector.extract_strided_slice %mul3A_630 {offsets = [0, 0, 0], sizes = [1, 16, 128], strides = [1, 1, 1]} : vector<2x16x128xf32> to vector<1x16x128xf32>
      %squeeze3A_632 = vector.shape_cast %slice3A_631 : vector<1x16x128xf32> to vector<16x128xf32>
      %slice3A_633 = vector.extract_strided_slice %mul3A_630 {offsets = [1, 0, 0], sizes = [1, 16, 128], strides = [1, 1, 1]} : vector<2x16x128xf32> to vector<1x16x128xf32>
      %squeeze3A_634 = vector.shape_cast %slice3A_633 : vector<1x16x128xf32> to vector<16x128xf32>
      %mul3A_635 = arith.mulf %squeeze3A_632, %squeeze3A_634 : vector<16x128xf32>
      %log3A_636 = math.log %mul3A_635 : vector<16x128xf32>
      %add3A_637 = arith.addf %add3A_626, %log3A_636 : vector<16x128xf32>
      %slice3A_638 = vector.extract_strided_slice %add3A_605 {offsets = [12, 0, 0], sizes = [4, 16, 128], strides = [1, 1, 1]} : vector<16x16x128xf32> to vector<4x16x128xf32>
      %slice3A_639 = vector.extract_strided_slice %slice3A_638 {offsets = [0, 0, 0], sizes = [2, 16, 128], strides = [1, 1, 1]} : vector<4x16x128xf32> to vector<2x16x128xf32>
      %slice3A_640 = vector.extract_strided_slice %slice3A_638 {offsets = [2, 0, 0], sizes = [2, 16, 128], strides = [1, 1, 1]} : vector<4x16x128xf32> to vector<2x16x128xf32>
      %mul3A_641 = arith.mulf %slice3A_639, %slice3A_640 : vector<2x16x128xf32>
      %slice3A_642 = vector.extract_strided_slice %mul3A_641 {offsets = [0, 0, 0], sizes = [1, 16, 128], strides = [1, 1, 1]} : vector<2x16x128xf32> to vector<1x16x128xf32>
      %squeeze3A_643 = vector.shape_cast %slice3A_642 : vector<1x16x128xf32> to vector<16x128xf32>
      %slice3A_644 = vector.extract_strided_slice %mul3A_641 {offsets = [1, 0, 0], sizes = [1, 16, 128], strides = [1, 1, 1]} : vector<2x16x128xf32> to vector<1x16x128xf32>
      %squeeze3A_645 = vector.shape_cast %slice3A_644 : vector<1x16x128xf32> to vector<16x128xf32>
      %mul3A_646 = arith.mulf %squeeze3A_643, %squeeze3A_645 : vector<16x128xf32>
      %log3A_647 = math.log %mul3A_646 : vector<16x128xf32>
      %add3A_648 = arith.addf %add3A_637, %log3A_647 : vector<16x128xf32>
      %slice3A_649 = vector.extract_strided_slice %and3A_61 {offsets = [144, 0], sizes = [16, 128], strides = [1, 1]} : vector<256x128xi1> to vector<16x128xi1>
      %jit3A_650 = arith.constant 0.000000e+00 : f32
      %broadcast_in_dim3A_651 = vector.broadcast %jit3A_650 : f32 to vector<16x128xf32>
      %select_n3A_652 = arith.select %slice3A_649, %add3A_648, %broadcast_in_dim3A_651 : vector<16x128xi1>, vector<16x128xf32>
      %reduce_sum3A_653 = vector.shape_cast %select_n3A_652 : vector<16x128xf32> to vector<1x16x128xf32>
      %reduce_sum3A_654 = arith.constant dense<0.000000e+00> : vector<1xf32>
      %reduce_sum3A_655 = vector.multi_reduction <add>, %reduce_sum3A_653, %reduce_sum3A_654 [1, 2] : vector<1x16x128xf32> to vector<1xf32>
      %reduce_sum3A_656 = vector.shape_cast %reduce_sum3A_655 : vector<1xf32> to vector<1x1x1xf32>
      %reduce_sum3A_657 = vector.extract %reduce_sum3A_656[0, 0, 0] : f32 from vector<1x1x1xf32>
      %add3A_658 = arith.addf %add3A_598, %reduce_sum3A_657 : f32
      %slice3A_659 = vector.extract_strided_slice %exp3A {offsets = [160, 0], sizes = [16, 128], strides = [1, 1]} : vector<256x128xf32> to vector<16x128xf32>
      %broadcast_in_dim3A_660 = vector.shape_cast %slice3A_659 : vector<16x128xf32> to vector<1x16x128xf32>
      %broadcast_in_dim3A_661 = vector.broadcast %broadcast_in_dim3A_660 : vector<1x16x128xf32> to vector<16x16x128xf32>
      %mul3A_662 = arith.mulf %get3A_58, %broadcast_in_dim3A_661 : vector<16x16x128xf32>
      %add3A_663 = arith.constant 1.000000e+00 : f32
      %add3A_664 = vector.broadcast %add3A_663 : f32 to vector<16x16x128xf32>
      %add3A_665 = arith.addf %add3A_664, %mul3A_662 : vector<16x16x128xf32>
      %slice3A_666 = vector.extract_strided_slice %add3A_665 {offsets = [0, 0, 0], sizes = [4, 16, 128], strides = [1, 1, 1]} : vector<16x16x128xf32> to vector<4x16x128xf32>
      %slice3A_667 = vector.extract_strided_slice %slice3A_666 {offsets = [0, 0, 0], sizes = [2, 16, 128], strides = [1, 1, 1]} : vector<4x16x128xf32> to vector<2x16x128xf32>
      %slice3A_668 = vector.extract_strided_slice %slice3A_666 {offsets = [2, 0, 0], sizes = [2, 16, 128], strides = [1, 1, 1]} : vector<4x16x128xf32> to vector<2x16x128xf32>
      %mul3A_669 = arith.mulf %slice3A_667, %slice3A_668 : vector<2x16x128xf32>
      %slice3A_670 = vector.extract_strided_slice %mul3A_669 {offsets = [0, 0, 0], sizes = [1, 16, 128], strides = [1, 1, 1]} : vector<2x16x128xf32> to vector<1x16x128xf32>
      %squeeze3A_671 = vector.shape_cast %slice3A_670 : vector<1x16x128xf32> to vector<16x128xf32>
      %slice3A_672 = vector.extract_strided_slice %mul3A_669 {offsets = [1, 0, 0], sizes = [1, 16, 128], strides = [1, 1, 1]} : vector<2x16x128xf32> to vector<1x16x128xf32>
      %squeeze3A_673 = vector.shape_cast %slice3A_672 : vector<1x16x128xf32> to vector<16x128xf32>
      %mul3A_674 = arith.mulf %squeeze3A_671, %squeeze3A_673 : vector<16x128xf32>
      %log3A_675 = math.log %mul3A_674 : vector<16x128xf32>
      %slice3A_676 = vector.extract_strided_slice %add3A_665 {offsets = [4, 0, 0], sizes = [4, 16, 128], strides = [1, 1, 1]} : vector<16x16x128xf32> to vector<4x16x128xf32>
      %slice3A_677 = vector.extract_strided_slice %slice3A_676 {offsets = [0, 0, 0], sizes = [2, 16, 128], strides = [1, 1, 1]} : vector<4x16x128xf32> to vector<2x16x128xf32>
      %slice3A_678 = vector.extract_strided_slice %slice3A_676 {offsets = [2, 0, 0], sizes = [2, 16, 128], strides = [1, 1, 1]} : vector<4x16x128xf32> to vector<2x16x128xf32>
      %mul3A_679 = arith.mulf %slice3A_677, %slice3A_678 : vector<2x16x128xf32>
      %slice3A_680 = vector.extract_strided_slice %mul3A_679 {offsets = [0, 0, 0], sizes = [1, 16, 128], strides = [1, 1, 1]} : vector<2x16x128xf32> to vector<1x16x128xf32>
      %squeeze3A_681 = vector.shape_cast %slice3A_680 : vector<1x16x128xf32> to vector<16x128xf32>
      %slice3A_682 = vector.extract_strided_slice %mul3A_679 {offsets = [1, 0, 0], sizes = [1, 16, 128], strides = [1, 1, 1]} : vector<2x16x128xf32> to vector<1x16x128xf32>
      %squeeze3A_683 = vector.shape_cast %slice3A_682 : vector<1x16x128xf32> to vector<16x128xf32>
      %mul3A_684 = arith.mulf %squeeze3A_681, %squeeze3A_683 : vector<16x128xf32>
      %log3A_685 = math.log %mul3A_684 : vector<16x128xf32>
      %add3A_686 = arith.addf %log3A_675, %log3A_685 : vector<16x128xf32>
      %slice3A_687 = vector.extract_strided_slice %add3A_665 {offsets = [8, 0, 0], sizes = [4, 16, 128], strides = [1, 1, 1]} : vector<16x16x128xf32> to vector<4x16x128xf32>
      %slice3A_688 = vector.extract_strided_slice %slice3A_687 {offsets = [0, 0, 0], sizes = [2, 16, 128], strides = [1, 1, 1]} : vector<4x16x128xf32> to vector<2x16x128xf32>
      %slice3A_689 = vector.extract_strided_slice %slice3A_687 {offsets = [2, 0, 0], sizes = [2, 16, 128], strides = [1, 1, 1]} : vector<4x16x128xf32> to vector<2x16x128xf32>
      %mul3A_690 = arith.mulf %slice3A_688, %slice3A_689 : vector<2x16x128xf32>
      %slice3A_691 = vector.extract_strided_slice %mul3A_690 {offsets = [0, 0, 0], sizes = [1, 16, 128], strides = [1, 1, 1]} : vector<2x16x128xf32> to vector<1x16x128xf32>
      %squeeze3A_692 = vector.shape_cast %slice3A_691 : vector<1x16x128xf32> to vector<16x128xf32>
      %slice3A_693 = vector.extract_strided_slice %mul3A_690 {offsets = [1, 0, 0], sizes = [1, 16, 128], strides = [1, 1, 1]} : vector<2x16x128xf32> to vector<1x16x128xf32>
      %squeeze3A_694 = vector.shape_cast %slice3A_693 : vector<1x16x128xf32> to vector<16x128xf32>
      %mul3A_695 = arith.mulf %squeeze3A_692, %squeeze3A_694 : vector<16x128xf32>
      %log3A_696 = math.log %mul3A_695 : vector<16x128xf32>
      %add3A_697 = arith.addf %add3A_686, %log3A_696 : vector<16x128xf32>
      %slice3A_698 = vector.extract_strided_slice %add3A_665 {offsets = [12, 0, 0], sizes = [4, 16, 128], strides = [1, 1, 1]} : vector<16x16x128xf32> to vector<4x16x128xf32>
      %slice3A_699 = vector.extract_strided_slice %slice3A_698 {offsets = [0, 0, 0], sizes = [2, 16, 128], strides = [1, 1, 1]} : vector<4x16x128xf32> to vector<2x16x128xf32>
      %slice3A_700 = vector.extract_strided_slice %slice3A_698 {offsets = [2, 0, 0], sizes = [2, 16, 128], strides = [1, 1, 1]} : vector<4x16x128xf32> to vector<2x16x128xf32>
      %mul3A_701 = arith.mulf %slice3A_699, %slice3A_700 : vector<2x16x128xf32>
      %slice3A_702 = vector.extract_strided_slice %mul3A_701 {offsets = [0, 0, 0], sizes = [1, 16, 128], strides = [1, 1, 1]} : vector<2x16x128xf32> to vector<1x16x128xf32>
      %squeeze3A_703 = vector.shape_cast %slice3A_702 : vector<1x16x128xf32> to vector<16x128xf32>
      %slice3A_704 = vector.extract_strided_slice %mul3A_701 {offsets = [1, 0, 0], sizes = [1, 16, 128], strides = [1, 1, 1]} : vector<2x16x128xf32> to vector<1x16x128xf32>
      %squeeze3A_705 = vector.shape_cast %slice3A_704 : vector<1x16x128xf32> to vector<16x128xf32>
      %mul3A_706 = arith.mulf %squeeze3A_703, %squeeze3A_705 : vector<16x128xf32>
      %log3A_707 = math.log %mul3A_706 : vector<16x128xf32>
      %add3A_708 = arith.addf %add3A_697, %log3A_707 : vector<16x128xf32>
      %slice3A_709 = vector.extract_strided_slice %and3A_61 {offsets = [160, 0], sizes = [16, 128], strides = [1, 1]} : vector<256x128xi1> to vector<16x128xi1>
      %jit3A_710 = arith.constant 0.000000e+00 : f32
      %broadcast_in_dim3A_711 = vector.broadcast %jit3A_710 : f32 to vector<16x128xf32>
      %select_n3A_712 = arith.select %slice3A_709, %add3A_708, %broadcast_in_dim3A_711 : vector<16x128xi1>, vector<16x128xf32>
      %reduce_sum3A_713 = vector.shape_cast %select_n3A_712 : vector<16x128xf32> to vector<1x16x128xf32>
      %reduce_sum3A_714 = arith.constant dense<0.000000e+00> : vector<1xf32>
      %reduce_sum3A_715 = vector.multi_reduction <add>, %reduce_sum3A_713, %reduce_sum3A_714 [1, 2] : vector<1x16x128xf32> to vector<1xf32>
      %reduce_sum3A_716 = vector.shape_cast %reduce_sum3A_715 : vector<1xf32> to vector<1x1x1xf32>
      %reduce_sum3A_717 = vector.extract %reduce_sum3A_716[0, 0, 0] : f32 from vector<1x1x1xf32>
      %add3A_718 = arith.addf %add3A_658, %reduce_sum3A_717 : f32
      %slice3A_719 = vector.extract_strided_slice %exp3A {offsets = [176, 0], sizes = [16, 128], strides = [1, 1]} : vector<256x128xf32> to vector<16x128xf32>
      %broadcast_in_dim3A_720 = vector.shape_cast %slice3A_719 : vector<16x128xf32> to vector<1x16x128xf32>
      %broadcast_in_dim3A_721 = vector.broadcast %broadcast_in_dim3A_720 : vector<1x16x128xf32> to vector<16x16x128xf32>
      %mul3A_722 = arith.mulf %get3A_58, %broadcast_in_dim3A_721 : vector<16x16x128xf32>
      %add3A_723 = arith.constant 1.000000e+00 : f32
      %add3A_724 = vector.broadcast %add3A_723 : f32 to vector<16x16x128xf32>
      %add3A_725 = arith.addf %add3A_724, %mul3A_722 : vector<16x16x128xf32>
      %slice3A_726 = vector.extract_strided_slice %add3A_725 {offsets = [0, 0, 0], sizes = [4, 16, 128], strides = [1, 1, 1]} : vector<16x16x128xf32> to vector<4x16x128xf32>
      %slice3A_727 = vector.extract_strided_slice %slice3A_726 {offsets = [0, 0, 0], sizes = [2, 16, 128], strides = [1, 1, 1]} : vector<4x16x128xf32> to vector<2x16x128xf32>
      %slice3A_728 = vector.extract_strided_slice %slice3A_726 {offsets = [2, 0, 0], sizes = [2, 16, 128], strides = [1, 1, 1]} : vector<4x16x128xf32> to vector<2x16x128xf32>
      %mul3A_729 = arith.mulf %slice3A_727, %slice3A_728 : vector<2x16x128xf32>
      %slice3A_730 = vector.extract_strided_slice %mul3A_729 {offsets = [0, 0, 0], sizes = [1, 16, 128], strides = [1, 1, 1]} : vector<2x16x128xf32> to vector<1x16x128xf32>
      %squeeze3A_731 = vector.shape_cast %slice3A_730 : vector<1x16x128xf32> to vector<16x128xf32>
      %slice3A_732 = vector.extract_strided_slice %mul3A_729 {offsets = [1, 0, 0], sizes = [1, 16, 128], strides = [1, 1, 1]} : vector<2x16x128xf32> to vector<1x16x128xf32>
      %squeeze3A_733 = vector.shape_cast %slice3A_732 : vector<1x16x128xf32> to vector<16x128xf32>
      %mul3A_734 = arith.mulf %squeeze3A_731, %squeeze3A_733 : vector<16x128xf32>
      %log3A_735 = math.log %mul3A_734 : vector<16x128xf32>
      %slice3A_736 = vector.extract_strided_slice %add3A_725 {offsets = [4, 0, 0], sizes = [4, 16, 128], strides = [1, 1, 1]} : vector<16x16x128xf32> to vector<4x16x128xf32>
      %slice3A_737 = vector.extract_strided_slice %slice3A_736 {offsets = [0, 0, 0], sizes = [2, 16, 128], strides = [1, 1, 1]} : vector<4x16x128xf32> to vector<2x16x128xf32>
      %slice3A_738 = vector.extract_strided_slice %slice3A_736 {offsets = [2, 0, 0], sizes = [2, 16, 128], strides = [1, 1, 1]} : vector<4x16x128xf32> to vector<2x16x128xf32>
      %mul3A_739 = arith.mulf %slice3A_737, %slice3A_738 : vector<2x16x128xf32>
      %slice3A_740 = vector.extract_strided_slice %mul3A_739 {offsets = [0, 0, 0], sizes = [1, 16, 128], strides = [1, 1, 1]} : vector<2x16x128xf32> to vector<1x16x128xf32>
      %squeeze3A_741 = vector.shape_cast %slice3A_740 : vector<1x16x128xf32> to vector<16x128xf32>
      %slice3A_742 = vector.extract_strided_slice %mul3A_739 {offsets = [1, 0, 0], sizes = [1, 16, 128], strides = [1, 1, 1]} : vector<2x16x128xf32> to vector<1x16x128xf32>
      %squeeze3A_743 = vector.shape_cast %slice3A_742 : vector<1x16x128xf32> to vector<16x128xf32>
      %mul3A_744 = arith.mulf %squeeze3A_741, %squeeze3A_743 : vector<16x128xf32>
      %log3A_745 = math.log %mul3A_744 : vector<16x128xf32>
      %add3A_746 = arith.addf %log3A_735, %log3A_745 : vector<16x128xf32>
      %slice3A_747 = vector.extract_strided_slice %add3A_725 {offsets = [8, 0, 0], sizes = [4, 16, 128], strides = [1, 1, 1]} : vector<16x16x128xf32> to vector<4x16x128xf32>
      %slice3A_748 = vector.extract_strided_slice %slice3A_747 {offsets = [0, 0, 0], sizes = [2, 16, 128], strides = [1, 1, 1]} : vector<4x16x128xf32> to vector<2x16x128xf32>
      %slice3A_749 = vector.extract_strided_slice %slice3A_747 {offsets = [2, 0, 0], sizes = [2, 16, 128], strides = [1, 1, 1]} : vector<4x16x128xf32> to vector<2x16x128xf32>
      %mul3A_750 = arith.mulf %slice3A_748, %slice3A_749 : vector<2x16x128xf32>
      %slice3A_751 = vector.extract_strided_slice %mul3A_750 {offsets = [0, 0, 0], sizes = [1, 16, 128], strides = [1, 1, 1]} : vector<2x16x128xf32> to vector<1x16x128xf32>
      %squeeze3A_752 = vector.shape_cast %slice3A_751 : vector<1x16x128xf32> to vector<16x128xf32>
      %slice3A_753 = vector.extract_strided_slice %mul3A_750 {offsets = [1, 0, 0], sizes = [1, 16, 128], strides = [1, 1, 1]} : vector<2x16x128xf32> to vector<1x16x128xf32>
      %squeeze3A_754 = vector.shape_cast %slice3A_753 : vector<1x16x128xf32> to vector<16x128xf32>
      %mul3A_755 = arith.mulf %squeeze3A_752, %squeeze3A_754 : vector<16x128xf32>
      %log3A_756 = math.log %mul3A_755 : vector<16x128xf32>
      %add3A_757 = arith.addf %add3A_746, %log3A_756 : vector<16x128xf32>
      %slice3A_758 = vector.extract_strided_slice %add3A_725 {offsets = [12, 0, 0], sizes = [4, 16, 128], strides = [1, 1, 1]} : vector<16x16x128xf32> to vector<4x16x128xf32>
      %slice3A_759 = vector.extract_strided_slice %slice3A_758 {offsets = [0, 0, 0], sizes = [2, 16, 128], strides = [1, 1, 1]} : vector<4x16x128xf32> to vector<2x16x128xf32>
      %slice3A_760 = vector.extract_strided_slice %slice3A_758 {offsets = [2, 0, 0], sizes = [2, 16, 128], strides = [1, 1, 1]} : vector<4x16x128xf32> to vector<2x16x128xf32>
      %mul3A_761 = arith.mulf %slice3A_759, %slice3A_760 : vector<2x16x128xf32>
      %slice3A_762 = vector.extract_strided_slice %mul3A_761 {offsets = [0, 0, 0], sizes = [1, 16, 128], strides = [1, 1, 1]} : vector<2x16x128xf32> to vector<1x16x128xf32>
      %squeeze3A_763 = vector.shape_cast %slice3A_762 : vector<1x16x128xf32> to vector<16x128xf32>
      %slice3A_764 = vector.extract_strided_slice %mul3A_761 {offsets = [1, 0, 0], sizes = [1, 16, 128], strides = [1, 1, 1]} : vector<2x16x128xf32> to vector<1x16x128xf32>
      %squeeze3A_765 = vector.shape_cast %slice3A_764 : vector<1x16x128xf32> to vector<16x128xf32>
      %mul3A_766 = arith.mulf %squeeze3A_763, %squeeze3A_765 : vector<16x128xf32>
      %log3A_767 = math.log %mul3A_766 : vector<16x128xf32>
      %add3A_768 = arith.addf %add3A_757, %log3A_767 : vector<16x128xf32>
      %slice3A_769 = vector.extract_strided_slice %and3A_61 {offsets = [176, 0], sizes = [16, 128], strides = [1, 1]} : vector<256x128xi1> to vector<16x128xi1>
      %jit3A_770 = arith.constant 0.000000e+00 : f32
      %broadcast_in_dim3A_771 = vector.broadcast %jit3A_770 : f32 to vector<16x128xf32>
      %select_n3A_772 = arith.select %slice3A_769, %add3A_768, %broadcast_in_dim3A_771 : vector<16x128xi1>, vector<16x128xf32>
      %reduce_sum3A_773 = vector.shape_cast %select_n3A_772 : vector<16x128xf32> to vector<1x16x128xf32>
      %reduce_sum3A_774 = arith.constant dense<0.000000e+00> : vector<1xf32>
      %reduce_sum3A_775 = vector.multi_reduction <add>, %reduce_sum3A_773, %reduce_sum3A_774 [1, 2] : vector<1x16x128xf32> to vector<1xf32>
      %reduce_sum3A_776 = vector.shape_cast %reduce_sum3A_775 : vector<1xf32> to vector<1x1x1xf32>
      %reduce_sum3A_777 = vector.extract %reduce_sum3A_776[0, 0, 0] : f32 from vector<1x1x1xf32>
      %add3A_778 = arith.addf %add3A_718, %reduce_sum3A_777 : f32
      %slice3A_779 = vector.extract_strided_slice %exp3A {offsets = [192, 0], sizes = [16, 128], strides = [1, 1]} : vector<256x128xf32> to vector<16x128xf32>
      %broadcast_in_dim3A_780 = vector.shape_cast %slice3A_779 : vector<16x128xf32> to vector<1x16x128xf32>
      %broadcast_in_dim3A_781 = vector.broadcast %broadcast_in_dim3A_780 : vector<1x16x128xf32> to vector<16x16x128xf32>
      %mul3A_782 = arith.mulf %get3A_58, %broadcast_in_dim3A_781 : vector<16x16x128xf32>
      %add3A_783 = arith.constant 1.000000e+00 : f32
      %add3A_784 = vector.broadcast %add3A_783 : f32 to vector<16x16x128xf32>
      %add3A_785 = arith.addf %add3A_784, %mul3A_782 : vector<16x16x128xf32>
      %slice3A_786 = vector.extract_strided_slice %add3A_785 {offsets = [0, 0, 0], sizes = [4, 16, 128], strides = [1, 1, 1]} : vector<16x16x128xf32> to vector<4x16x128xf32>
      %slice3A_787 = vector.extract_strided_slice %slice3A_786 {offsets = [0, 0, 0], sizes = [2, 16, 128], strides = [1, 1, 1]} : vector<4x16x128xf32> to vector<2x16x128xf32>
      %slice3A_788 = vector.extract_strided_slice %slice3A_786 {offsets = [2, 0, 0], sizes = [2, 16, 128], strides = [1, 1, 1]} : vector<4x16x128xf32> to vector<2x16x128xf32>
      %mul3A_789 = arith.mulf %slice3A_787, %slice3A_788 : vector<2x16x128xf32>
      %slice3A_790 = vector.extract_strided_slice %mul3A_789 {offsets = [0, 0, 0], sizes = [1, 16, 128], strides = [1, 1, 1]} : vector<2x16x128xf32> to vector<1x16x128xf32>
      %squeeze3A_791 = vector.shape_cast %slice3A_790 : vector<1x16x128xf32> to vector<16x128xf32>
      %slice3A_792 = vector.extract_strided_slice %mul3A_789 {offsets = [1, 0, 0], sizes = [1, 16, 128], strides = [1, 1, 1]} : vector<2x16x128xf32> to vector<1x16x128xf32>
      %squeeze3A_793 = vector.shape_cast %slice3A_792 : vector<1x16x128xf32> to vector<16x128xf32>
      %mul3A_794 = arith.mulf %squeeze3A_791, %squeeze3A_793 : vector<16x128xf32>
      %log3A_795 = math.log %mul3A_794 : vector<16x128xf32>
      %slice3A_796 = vector.extract_strided_slice %add3A_785 {offsets = [4, 0, 0], sizes = [4, 16, 128], strides = [1, 1, 1]} : vector<16x16x128xf32> to vector<4x16x128xf32>
      %slice3A_797 = vector.extract_strided_slice %slice3A_796 {offsets = [0, 0, 0], sizes = [2, 16, 128], strides = [1, 1, 1]} : vector<4x16x128xf32> to vector<2x16x128xf32>
      %slice3A_798 = vector.extract_strided_slice %slice3A_796 {offsets = [2, 0, 0], sizes = [2, 16, 128], strides = [1, 1, 1]} : vector<4x16x128xf32> to vector<2x16x128xf32>
      %mul3A_799 = arith.mulf %slice3A_797, %slice3A_798 : vector<2x16x128xf32>
      %slice3A_800 = vector.extract_strided_slice %mul3A_799 {offsets = [0, 0, 0], sizes = [1, 16, 128], strides = [1, 1, 1]} : vector<2x16x128xf32> to vector<1x16x128xf32>
      %squeeze3A_801 = vector.shape_cast %slice3A_800 : vector<1x16x128xf32> to vector<16x128xf32>
      %slice3A_802 = vector.extract_strided_slice %mul3A_799 {offsets = [1, 0, 0], sizes = [1, 16, 128], strides = [1, 1, 1]} : vector<2x16x128xf32> to vector<1x16x128xf32>
      %squeeze3A_803 = vector.shape_cast %slice3A_802 : vector<1x16x128xf32> to vector<16x128xf32>
      %mul3A_804 = arith.mulf %squeeze3A_801, %squeeze3A_803 : vector<16x128xf32>
      %log3A_805 = math.log %mul3A_804 : vector<16x128xf32>
      %add3A_806 = arith.addf %log3A_795, %log3A_805 : vector<16x128xf32>
      %slice3A_807 = vector.extract_strided_slice %add3A_785 {offsets = [8, 0, 0], sizes = [4, 16, 128], strides = [1, 1, 1]} : vector<16x16x128xf32> to vector<4x16x128xf32>
      %slice3A_808 = vector.extract_strided_slice %slice3A_807 {offsets = [0, 0, 0], sizes = [2, 16, 128], strides = [1, 1, 1]} : vector<4x16x128xf32> to vector<2x16x128xf32>
      %slice3A_809 = vector.extract_strided_slice %slice3A_807 {offsets = [2, 0, 0], sizes = [2, 16, 128], strides = [1, 1, 1]} : vector<4x16x128xf32> to vector<2x16x128xf32>
      %mul3A_810 = arith.mulf %slice3A_808, %slice3A_809 : vector<2x16x128xf32>
      %slice3A_811 = vector.extract_strided_slice %mul3A_810 {offsets = [0, 0, 0], sizes = [1, 16, 128], strides = [1, 1, 1]} : vector<2x16x128xf32> to vector<1x16x128xf32>
      %squeeze3A_812 = vector.shape_cast %slice3A_811 : vector<1x16x128xf32> to vector<16x128xf32>
      %slice3A_813 = vector.extract_strided_slice %mul3A_810 {offsets = [1, 0, 0], sizes = [1, 16, 128], strides = [1, 1, 1]} : vector<2x16x128xf32> to vector<1x16x128xf32>
      %squeeze3A_814 = vector.shape_cast %slice3A_813 : vector<1x16x128xf32> to vector<16x128xf32>
      %mul3A_815 = arith.mulf %squeeze3A_812, %squeeze3A_814 : vector<16x128xf32>
      %log3A_816 = math.log %mul3A_815 : vector<16x128xf32>
      %add3A_817 = arith.addf %add3A_806, %log3A_816 : vector<16x128xf32>
      %slice3A_818 = vector.extract_strided_slice %add3A_785 {offsets = [12, 0, 0], sizes = [4, 16, 128], strides = [1, 1, 1]} : vector<16x16x128xf32> to vector<4x16x128xf32>
      %slice3A_819 = vector.extract_strided_slice %slice3A_818 {offsets = [0, 0, 0], sizes = [2, 16, 128], strides = [1, 1, 1]} : vector<4x16x128xf32> to vector<2x16x128xf32>
      %slice3A_820 = vector.extract_strided_slice %slice3A_818 {offsets = [2, 0, 0], sizes = [2, 16, 128], strides = [1, 1, 1]} : vector<4x16x128xf32> to vector<2x16x128xf32>
      %mul3A_821 = arith.mulf %slice3A_819, %slice3A_820 : vector<2x16x128xf32>
      %slice3A_822 = vector.extract_strided_slice %mul3A_821 {offsets = [0, 0, 0], sizes = [1, 16, 128], strides = [1, 1, 1]} : vector<2x16x128xf32> to vector<1x16x128xf32>
      %squeeze3A_823 = vector.shape_cast %slice3A_822 : vector<1x16x128xf32> to vector<16x128xf32>
      %slice3A_824 = vector.extract_strided_slice %mul3A_821 {offsets = [1, 0, 0], sizes = [1, 16, 128], strides = [1, 1, 1]} : vector<2x16x128xf32> to vector<1x16x128xf32>
      %squeeze3A_825 = vector.shape_cast %slice3A_824 : vector<1x16x128xf32> to vector<16x128xf32>
      %mul3A_826 = arith.mulf %squeeze3A_823, %squeeze3A_825 : vector<16x128xf32>
      %log3A_827 = math.log %mul3A_826 : vector<16x128xf32>
      %add3A_828 = arith.addf %add3A_817, %log3A_827 : vector<16x128xf32>
      %slice3A_829 = vector.extract_strided_slice %and3A_61 {offsets = [192, 0], sizes = [16, 128], strides = [1, 1]} : vector<256x128xi1> to vector<16x128xi1>
      %jit3A_830 = arith.constant 0.000000e+00 : f32
      %broadcast_in_dim3A_831 = vector.broadcast %jit3A_830 : f32 to vector<16x128xf32>
      %select_n3A_832 = arith.select %slice3A_829, %add3A_828, %broadcast_in_dim3A_831 : vector<16x128xi1>, vector<16x128xf32>
      %reduce_sum3A_833 = vector.shape_cast %select_n3A_832 : vector<16x128xf32> to vector<1x16x128xf32>
      %reduce_sum3A_834 = arith.constant dense<0.000000e+00> : vector<1xf32>
      %reduce_sum3A_835 = vector.multi_reduction <add>, %reduce_sum3A_833, %reduce_sum3A_834 [1, 2] : vector<1x16x128xf32> to vector<1xf32>
      %reduce_sum3A_836 = vector.shape_cast %reduce_sum3A_835 : vector<1xf32> to vector<1x1x1xf32>
      %reduce_sum3A_837 = vector.extract %reduce_sum3A_836[0, 0, 0] : f32 from vector<1x1x1xf32>
      %add3A_838 = arith.addf %add3A_778, %reduce_sum3A_837 : f32
      %slice3A_839 = vector.extract_strided_slice %exp3A {offsets = [208, 0], sizes = [16, 128], strides = [1, 1]} : vector<256x128xf32> to vector<16x128xf32>
      %broadcast_in_dim3A_840 = vector.shape_cast %slice3A_839 : vector<16x128xf32> to vector<1x16x128xf32>
      %broadcast_in_dim3A_841 = vector.broadcast %broadcast_in_dim3A_840 : vector<1x16x128xf32> to vector<16x16x128xf32>
      %mul3A_842 = arith.mulf %get3A_58, %broadcast_in_dim3A_841 : vector<16x16x128xf32>
      %add3A_843 = arith.constant 1.000000e+00 : f32
      %add3A_844 = vector.broadcast %add3A_843 : f32 to vector<16x16x128xf32>
      %add3A_845 = arith.addf %add3A_844, %mul3A_842 : vector<16x16x128xf32>
      %slice3A_846 = vector.extract_strided_slice %add3A_845 {offsets = [0, 0, 0], sizes = [4, 16, 128], strides = [1, 1, 1]} : vector<16x16x128xf32> to vector<4x16x128xf32>
      %slice3A_847 = vector.extract_strided_slice %slice3A_846 {offsets = [0, 0, 0], sizes = [2, 16, 128], strides = [1, 1, 1]} : vector<4x16x128xf32> to vector<2x16x128xf32>
      %slice3A_848 = vector.extract_strided_slice %slice3A_846 {offsets = [2, 0, 0], sizes = [2, 16, 128], strides = [1, 1, 1]} : vector<4x16x128xf32> to vector<2x16x128xf32>
      %mul3A_849 = arith.mulf %slice3A_847, %slice3A_848 : vector<2x16x128xf32>
      %slice3A_850 = vector.extract_strided_slice %mul3A_849 {offsets = [0, 0, 0], sizes = [1, 16, 128], strides = [1, 1, 1]} : vector<2x16x128xf32> to vector<1x16x128xf32>
      %squeeze3A_851 = vector.shape_cast %slice3A_850 : vector<1x16x128xf32> to vector<16x128xf32>
      %slice3A_852 = vector.extract_strided_slice %mul3A_849 {offsets = [1, 0, 0], sizes = [1, 16, 128], strides = [1, 1, 1]} : vector<2x16x128xf32> to vector<1x16x128xf32>
      %squeeze3A_853 = vector.shape_cast %slice3A_852 : vector<1x16x128xf32> to vector<16x128xf32>
      %mul3A_854 = arith.mulf %squeeze3A_851, %squeeze3A_853 : vector<16x128xf32>
      %log3A_855 = math.log %mul3A_854 : vector<16x128xf32>
      %slice3A_856 = vector.extract_strided_slice %add3A_845 {offsets = [4, 0, 0], sizes = [4, 16, 128], strides = [1, 1, 1]} : vector<16x16x128xf32> to vector<4x16x128xf32>
      %slice3A_857 = vector.extract_strided_slice %slice3A_856 {offsets = [0, 0, 0], sizes = [2, 16, 128], strides = [1, 1, 1]} : vector<4x16x128xf32> to vector<2x16x128xf32>
      %slice3A_858 = vector.extract_strided_slice %slice3A_856 {offsets = [2, 0, 0], sizes = [2, 16, 128], strides = [1, 1, 1]} : vector<4x16x128xf32> to vector<2x16x128xf32>
      %mul3A_859 = arith.mulf %slice3A_857, %slice3A_858 : vector<2x16x128xf32>
      %slice3A_860 = vector.extract_strided_slice %mul3A_859 {offsets = [0, 0, 0], sizes = [1, 16, 128], strides = [1, 1, 1]} : vector<2x16x128xf32> to vector<1x16x128xf32>
      %squeeze3A_861 = vector.shape_cast %slice3A_860 : vector<1x16x128xf32> to vector<16x128xf32>
      %slice3A_862 = vector.extract_strided_slice %mul3A_859 {offsets = [1, 0, 0], sizes = [1, 16, 128], strides = [1, 1, 1]} : vector<2x16x128xf32> to vector<1x16x128xf32>
      %squeeze3A_863 = vector.shape_cast %slice3A_862 : vector<1x16x128xf32> to vector<16x128xf32>
      %mul3A_864 = arith.mulf %squeeze3A_861, %squeeze3A_863 : vector<16x128xf32>
      %log3A_865 = math.log %mul3A_864 : vector<16x128xf32>
      %add3A_866 = arith.addf %log3A_855, %log3A_865 : vector<16x128xf32>
      %slice3A_867 = vector.extract_strided_slice %add3A_845 {offsets = [8, 0, 0], sizes = [4, 16, 128], strides = [1, 1, 1]} : vector<16x16x128xf32> to vector<4x16x128xf32>
      %slice3A_868 = vector.extract_strided_slice %slice3A_867 {offsets = [0, 0, 0], sizes = [2, 16, 128], strides = [1, 1, 1]} : vector<4x16x128xf32> to vector<2x16x128xf32>
      %slice3A_869 = vector.extract_strided_slice %slice3A_867 {offsets = [2, 0, 0], sizes = [2, 16, 128], strides = [1, 1, 1]} : vector<4x16x128xf32> to vector<2x16x128xf32>
      %mul3A_870 = arith.mulf %slice3A_868, %slice3A_869 : vector<2x16x128xf32>
      %slice3A_871 = vector.extract_strided_slice %mul3A_870 {offsets = [0, 0, 0], sizes = [1, 16, 128], strides = [1, 1, 1]} : vector<2x16x128xf32> to vector<1x16x128xf32>
      %squeeze3A_872 = vector.shape_cast %slice3A_871 : vector<1x16x128xf32> to vector<16x128xf32>
      %slice3A_873 = vector.extract_strided_slice %mul3A_870 {offsets = [1, 0, 0], sizes = [1, 16, 128], strides = [1, 1, 1]} : vector<2x16x128xf32> to vector<1x16x128xf32>
      %squeeze3A_874 = vector.shape_cast %slice3A_873 : vector<1x16x128xf32> to vector<16x128xf32>
      %mul3A_875 = arith.mulf %squeeze3A_872, %squeeze3A_874 : vector<16x128xf32>
      %log3A_876 = math.log %mul3A_875 : vector<16x128xf32>
      %add3A_877 = arith.addf %add3A_866, %log3A_876 : vector<16x128xf32>
      %slice3A_878 = vector.extract_strided_slice %add3A_845 {offsets = [12, 0, 0], sizes = [4, 16, 128], strides = [1, 1, 1]} : vector<16x16x128xf32> to vector<4x16x128xf32>
      %slice3A_879 = vector.extract_strided_slice %slice3A_878 {offsets = [0, 0, 0], sizes = [2, 16, 128], strides = [1, 1, 1]} : vector<4x16x128xf32> to vector<2x16x128xf32>
      %slice3A_880 = vector.extract_strided_slice %slice3A_878 {offsets = [2, 0, 0], sizes = [2, 16, 128], strides = [1, 1, 1]} : vector<4x16x128xf32> to vector<2x16x128xf32>
      %mul3A_881 = arith.mulf %slice3A_879, %slice3A_880 : vector<2x16x128xf32>
      %slice3A_882 = vector.extract_strided_slice %mul3A_881 {offsets = [0, 0, 0], sizes = [1, 16, 128], strides = [1, 1, 1]} : vector<2x16x128xf32> to vector<1x16x128xf32>
      %squeeze3A_883 = vector.shape_cast %slice3A_882 : vector<1x16x128xf32> to vector<16x128xf32>
      %slice3A_884 = vector.extract_strided_slice %mul3A_881 {offsets = [1, 0, 0], sizes = [1, 16, 128], strides = [1, 1, 1]} : vector<2x16x128xf32> to vector<1x16x128xf32>
      %squeeze3A_885 = vector.shape_cast %slice3A_884 : vector<1x16x128xf32> to vector<16x128xf32>
      %mul3A_886 = arith.mulf %squeeze3A_883, %squeeze3A_885 : vector<16x128xf32>
      %log3A_887 = math.log %mul3A_886 : vector<16x128xf32>
      %add3A_888 = arith.addf %add3A_877, %log3A_887 : vector<16x128xf32>
      %slice3A_889 = vector.extract_strided_slice %and3A_61 {offsets = [208, 0], sizes = [16, 128], strides = [1, 1]} : vector<256x128xi1> to vector<16x128xi1>
      %jit3A_890 = arith.constant 0.000000e+00 : f32
      %broadcast_in_dim3A_891 = vector.broadcast %jit3A_890 : f32 to vector<16x128xf32>
      %select_n3A_892 = arith.select %slice3A_889, %add3A_888, %broadcast_in_dim3A_891 : vector<16x128xi1>, vector<16x128xf32>
      %reduce_sum3A_893 = vector.shape_cast %select_n3A_892 : vector<16x128xf32> to vector<1x16x128xf32>
      %reduce_sum3A_894 = arith.constant dense<0.000000e+00> : vector<1xf32>
      %reduce_sum3A_895 = vector.multi_reduction <add>, %reduce_sum3A_893, %reduce_sum3A_894 [1, 2] : vector<1x16x128xf32> to vector<1xf32>
      %reduce_sum3A_896 = vector.shape_cast %reduce_sum3A_895 : vector<1xf32> to vector<1x1x1xf32>
      %reduce_sum3A_897 = vector.extract %reduce_sum3A_896[0, 0, 0] : f32 from vector<1x1x1xf32>
      %add3A_898 = arith.addf %add3A_838, %reduce_sum3A_897 : f32
      %slice3A_899 = vector.extract_strided_slice %exp3A {offsets = [224, 0], sizes = [16, 128], strides = [1, 1]} : vector<256x128xf32> to vector<16x128xf32>
      %broadcast_in_dim3A_900 = vector.shape_cast %slice3A_899 : vector<16x128xf32> to vector<1x16x128xf32>
      %broadcast_in_dim3A_901 = vector.broadcast %broadcast_in_dim3A_900 : vector<1x16x128xf32> to vector<16x16x128xf32>
      %mul3A_902 = arith.mulf %get3A_58, %broadcast_in_dim3A_901 : vector<16x16x128xf32>
      %add3A_903 = arith.constant 1.000000e+00 : f32
      %add3A_904 = vector.broadcast %add3A_903 : f32 to vector<16x16x128xf32>
      %add3A_905 = arith.addf %add3A_904, %mul3A_902 : vector<16x16x128xf32>
      %slice3A_906 = vector.extract_strided_slice %add3A_905 {offsets = [0, 0, 0], sizes = [4, 16, 128], strides = [1, 1, 1]} : vector<16x16x128xf32> to vector<4x16x128xf32>
      %slice3A_907 = vector.extract_strided_slice %slice3A_906 {offsets = [0, 0, 0], sizes = [2, 16, 128], strides = [1, 1, 1]} : vector<4x16x128xf32> to vector<2x16x128xf32>
      %slice3A_908 = vector.extract_strided_slice %slice3A_906 {offsets = [2, 0, 0], sizes = [2, 16, 128], strides = [1, 1, 1]} : vector<4x16x128xf32> to vector<2x16x128xf32>
      %mul3A_909 = arith.mulf %slice3A_907, %slice3A_908 : vector<2x16x128xf32>
      %slice3A_910 = vector.extract_strided_slice %mul3A_909 {offsets = [0, 0, 0], sizes = [1, 16, 128], strides = [1, 1, 1]} : vector<2x16x128xf32> to vector<1x16x128xf32>
      %squeeze3A_911 = vector.shape_cast %slice3A_910 : vector<1x16x128xf32> to vector<16x128xf32>
      %slice3A_912 = vector.extract_strided_slice %mul3A_909 {offsets = [1, 0, 0], sizes = [1, 16, 128], strides = [1, 1, 1]} : vector<2x16x128xf32> to vector<1x16x128xf32>
      %squeeze3A_913 = vector.shape_cast %slice3A_912 : vector<1x16x128xf32> to vector<16x128xf32>
      %mul3A_914 = arith.mulf %squeeze3A_911, %squeeze3A_913 : vector<16x128xf32>
      %log3A_915 = math.log %mul3A_914 : vector<16x128xf32>
      %slice3A_916 = vector.extract_strided_slice %add3A_905 {offsets = [4, 0, 0], sizes = [4, 16, 128], strides = [1, 1, 1]} : vector<16x16x128xf32> to vector<4x16x128xf32>
      %slice3A_917 = vector.extract_strided_slice %slice3A_916 {offsets = [0, 0, 0], sizes = [2, 16, 128], strides = [1, 1, 1]} : vector<4x16x128xf32> to vector<2x16x128xf32>
      %slice3A_918 = vector.extract_strided_slice %slice3A_916 {offsets = [2, 0, 0], sizes = [2, 16, 128], strides = [1, 1, 1]} : vector<4x16x128xf32> to vector<2x16x128xf32>
      %mul3A_919 = arith.mulf %slice3A_917, %slice3A_918 : vector<2x16x128xf32>
      %slice3A_920 = vector.extract_strided_slice %mul3A_919 {offsets = [0, 0, 0], sizes = [1, 16, 128], strides = [1, 1, 1]} : vector<2x16x128xf32> to vector<1x16x128xf32>
      %squeeze3A_921 = vector.shape_cast %slice3A_920 : vector<1x16x128xf32> to vector<16x128xf32>
      %slice3A_922 = vector.extract_strided_slice %mul3A_919 {offsets = [1, 0, 0], sizes = [1, 16, 128], strides = [1, 1, 1]} : vector<2x16x128xf32> to vector<1x16x128xf32>
      %squeeze3A_923 = vector.shape_cast %slice3A_922 : vector<1x16x128xf32> to vector<16x128xf32>
      %mul3A_924 = arith.mulf %squeeze3A_921, %squeeze3A_923 : vector<16x128xf32>
      %log3A_925 = math.log %mul3A_924 : vector<16x128xf32>
      %add3A_926 = arith.addf %log3A_915, %log3A_925 : vector<16x128xf32>
      %slice3A_927 = vector.extract_strided_slice %add3A_905 {offsets = [8, 0, 0], sizes = [4, 16, 128], strides = [1, 1, 1]} : vector<16x16x128xf32> to vector<4x16x128xf32>
      %slice3A_928 = vector.extract_strided_slice %slice3A_927 {offsets = [0, 0, 0], sizes = [2, 16, 128], strides = [1, 1, 1]} : vector<4x16x128xf32> to vector<2x16x128xf32>
      %slice3A_929 = vector.extract_strided_slice %slice3A_927 {offsets = [2, 0, 0], sizes = [2, 16, 128], strides = [1, 1, 1]} : vector<4x16x128xf32> to vector<2x16x128xf32>
      %mul3A_930 = arith.mulf %slice3A_928, %slice3A_929 : vector<2x16x128xf32>
      %slice3A_931 = vector.extract_strided_slice %mul3A_930 {offsets = [0, 0, 0], sizes = [1, 16, 128], strides = [1, 1, 1]} : vector<2x16x128xf32> to vector<1x16x128xf32>
      %squeeze3A_932 = vector.shape_cast %slice3A_931 : vector<1x16x128xf32> to vector<16x128xf32>
      %slice3A_933 = vector.extract_strided_slice %mul3A_930 {offsets = [1, 0, 0], sizes = [1, 16, 128], strides = [1, 1, 1]} : vector<2x16x128xf32> to vector<1x16x128xf32>
      %squeeze3A_934 = vector.shape_cast %slice3A_933 : vector<1x16x128xf32> to vector<16x128xf32>
      %mul3A_935 = arith.mulf %squeeze3A_932, %squeeze3A_934 : vector<16x128xf32>
      %log3A_936 = math.log %mul3A_935 : vector<16x128xf32>
      %add3A_937 = arith.addf %add3A_926, %log3A_936 : vector<16x128xf32>
      %slice3A_938 = vector.extract_strided_slice %add3A_905 {offsets = [12, 0, 0], sizes = [4, 16, 128], strides = [1, 1, 1]} : vector<16x16x128xf32> to vector<4x16x128xf32>
      %slice3A_939 = vector.extract_strided_slice %slice3A_938 {offsets = [0, 0, 0], sizes = [2, 16, 128], strides = [1, 1, 1]} : vector<4x16x128xf32> to vector<2x16x128xf32>
      %slice3A_940 = vector.extract_strided_slice %slice3A_938 {offsets = [2, 0, 0], sizes = [2, 16, 128], strides = [1, 1, 1]} : vector<4x16x128xf32> to vector<2x16x128xf32>
      %mul3A_941 = arith.mulf %slice3A_939, %slice3A_940 : vector<2x16x128xf32>
      %slice3A_942 = vector.extract_strided_slice %mul3A_941 {offsets = [0, 0, 0], sizes = [1, 16, 128], strides = [1, 1, 1]} : vector<2x16x128xf32> to vector<1x16x128xf32>
      %squeeze3A_943 = vector.shape_cast %slice3A_942 : vector<1x16x128xf32> to vector<16x128xf32>
      %slice3A_944 = vector.extract_strided_slice %mul3A_941 {offsets = [1, 0, 0], sizes = [1, 16, 128], strides = [1, 1, 1]} : vector<2x16x128xf32> to vector<1x16x128xf32>
      %squeeze3A_945 = vector.shape_cast %slice3A_944 : vector<1x16x128xf32> to vector<16x128xf32>
      %mul3A_946 = arith.mulf %squeeze3A_943, %squeeze3A_945 : vector<16x128xf32>
      %log3A_947 = math.log %mul3A_946 : vector<16x128xf32>
      %add3A_948 = arith.addf %add3A_937, %log3A_947 : vector<16x128xf32>
      %slice3A_949 = vector.extract_strided_slice %and3A_61 {offsets = [224, 0], sizes = [16, 128], strides = [1, 1]} : vector<256x128xi1> to vector<16x128xi1>
      %jit3A_950 = arith.constant 0.000000e+00 : f32
      %broadcast_in_dim3A_951 = vector.broadcast %jit3A_950 : f32 to vector<16x128xf32>
      %select_n3A_952 = arith.select %slice3A_949, %add3A_948, %broadcast_in_dim3A_951 : vector<16x128xi1>, vector<16x128xf32>
      %reduce_sum3A_953 = vector.shape_cast %select_n3A_952 : vector<16x128xf32> to vector<1x16x128xf32>
      %reduce_sum3A_954 = arith.constant dense<0.000000e+00> : vector<1xf32>
      %reduce_sum3A_955 = vector.multi_reduction <add>, %reduce_sum3A_953, %reduce_sum3A_954 [1, 2] : vector<1x16x128xf32> to vector<1xf32>
      %reduce_sum3A_956 = vector.shape_cast %reduce_sum3A_955 : vector<1xf32> to vector<1x1x1xf32>
      %reduce_sum3A_957 = vector.extract %reduce_sum3A_956[0, 0, 0] : f32 from vector<1x1x1xf32>
      %add3A_958 = arith.addf %add3A_898, %reduce_sum3A_957 : f32
      %slice3A_959 = vector.extract_strided_slice %exp3A {offsets = [240, 0], sizes = [16, 128], strides = [1, 1]} : vector<256x128xf32> to vector<16x128xf32>
      %broadcast_in_dim3A_960 = vector.shape_cast %slice3A_959 : vector<16x128xf32> to vector<1x16x128xf32>
      %broadcast_in_dim3A_961 = vector.broadcast %broadcast_in_dim3A_960 : vector<1x16x128xf32> to vector<16x16x128xf32>
      %mul3A_962 = arith.mulf %get3A_58, %broadcast_in_dim3A_961 : vector<16x16x128xf32>
      %add3A_963 = arith.constant 1.000000e+00 : f32
      %add3A_964 = vector.broadcast %add3A_963 : f32 to vector<16x16x128xf32>
      %add3A_965 = arith.addf %add3A_964, %mul3A_962 : vector<16x16x128xf32>
      %slice3A_966 = vector.extract_strided_slice %add3A_965 {offsets = [0, 0, 0], sizes = [4, 16, 128], strides = [1, 1, 1]} : vector<16x16x128xf32> to vector<4x16x128xf32>
      %slice3A_967 = vector.extract_strided_slice %slice3A_966 {offsets = [0, 0, 0], sizes = [2, 16, 128], strides = [1, 1, 1]} : vector<4x16x128xf32> to vector<2x16x128xf32>
      %slice3A_968 = vector.extract_strided_slice %slice3A_966 {offsets = [2, 0, 0], sizes = [2, 16, 128], strides = [1, 1, 1]} : vector<4x16x128xf32> to vector<2x16x128xf32>
      %mul3A_969 = arith.mulf %slice3A_967, %slice3A_968 : vector<2x16x128xf32>
      %slice3A_970 = vector.extract_strided_slice %mul3A_969 {offsets = [0, 0, 0], sizes = [1, 16, 128], strides = [1, 1, 1]} : vector<2x16x128xf32> to vector<1x16x128xf32>
      %squeeze3A_971 = vector.shape_cast %slice3A_970 : vector<1x16x128xf32> to vector<16x128xf32>
      %slice3A_972 = vector.extract_strided_slice %mul3A_969 {offsets = [1, 0, 0], sizes = [1, 16, 128], strides = [1, 1, 1]} : vector<2x16x128xf32> to vector<1x16x128xf32>
      %squeeze3A_973 = vector.shape_cast %slice3A_972 : vector<1x16x128xf32> to vector<16x128xf32>
      %mul3A_974 = arith.mulf %squeeze3A_971, %squeeze3A_973 : vector<16x128xf32>
      %log3A_975 = math.log %mul3A_974 : vector<16x128xf32>
      %slice3A_976 = vector.extract_strided_slice %add3A_965 {offsets = [4, 0, 0], sizes = [4, 16, 128], strides = [1, 1, 1]} : vector<16x16x128xf32> to vector<4x16x128xf32>
      %slice3A_977 = vector.extract_strided_slice %slice3A_976 {offsets = [0, 0, 0], sizes = [2, 16, 128], strides = [1, 1, 1]} : vector<4x16x128xf32> to vector<2x16x128xf32>
      %slice3A_978 = vector.extract_strided_slice %slice3A_976 {offsets = [2, 0, 0], sizes = [2, 16, 128], strides = [1, 1, 1]} : vector<4x16x128xf32> to vector<2x16x128xf32>
      %mul3A_979 = arith.mulf %slice3A_977, %slice3A_978 : vector<2x16x128xf32>
      %slice3A_980 = vector.extract_strided_slice %mul3A_979 {offsets = [0, 0, 0], sizes = [1, 16, 128], strides = [1, 1, 1]} : vector<2x16x128xf32> to vector<1x16x128xf32>
      %squeeze3A_981 = vector.shape_cast %slice3A_980 : vector<1x16x128xf32> to vector<16x128xf32>
      %slice3A_982 = vector.extract_strided_slice %mul3A_979 {offsets = [1, 0, 0], sizes = [1, 16, 128], strides = [1, 1, 1]} : vector<2x16x128xf32> to vector<1x16x128xf32>
      %squeeze3A_983 = vector.shape_cast %slice3A_982 : vector<1x16x128xf32> to vector<16x128xf32>
      %mul3A_984 = arith.mulf %squeeze3A_981, %squeeze3A_983 : vector<16x128xf32>
      %log3A_985 = math.log %mul3A_984 : vector<16x128xf32>
      %add3A_986 = arith.addf %log3A_975, %log3A_985 : vector<16x128xf32>
      %slice3A_987 = vector.extract_strided_slice %add3A_965 {offsets = [8, 0, 0], sizes = [4, 16, 128], strides = [1, 1, 1]} : vector<16x16x128xf32> to vector<4x16x128xf32>
      %slice3A_988 = vector.extract_strided_slice %slice3A_987 {offsets = [0, 0, 0], sizes = [2, 16, 128], strides = [1, 1, 1]} : vector<4x16x128xf32> to vector<2x16x128xf32>
      %slice3A_989 = vector.extract_strided_slice %slice3A_987 {offsets = [2, 0, 0], sizes = [2, 16, 128], strides = [1, 1, 1]} : vector<4x16x128xf32> to vector<2x16x128xf32>
      %mul3A_990 = arith.mulf %slice3A_988, %slice3A_989 : vector<2x16x128xf32>
      %slice3A_991 = vector.extract_strided_slice %mul3A_990 {offsets = [0, 0, 0], sizes = [1, 16, 128], strides = [1, 1, 1]} : vector<2x16x128xf32> to vector<1x16x128xf32>
      %squeeze3A_992 = vector.shape_cast %slice3A_991 : vector<1x16x128xf32> to vector<16x128xf32>
      %slice3A_993 = vector.extract_strided_slice %mul3A_990 {offsets = [1, 0, 0], sizes = [1, 16, 128], strides = [1, 1, 1]} : vector<2x16x128xf32> to vector<1x16x128xf32>
      %squeeze3A_994 = vector.shape_cast %slice3A_993 : vector<1x16x128xf32> to vector<16x128xf32>
      %mul3A_995 = arith.mulf %squeeze3A_992, %squeeze3A_994 : vector<16x128xf32>
      %log3A_996 = math.log %mul3A_995 : vector<16x128xf32>
      %add3A_997 = arith.addf %add3A_986, %log3A_996 : vector<16x128xf32>
      %slice3A_998 = vector.extract_strided_slice %add3A_965 {offsets = [12, 0, 0], sizes = [4, 16, 128], strides = [1, 1, 1]} : vector<16x16x128xf32> to vector<4x16x128xf32>
      %slice3A_999 = vector.extract_strided_slice %slice3A_998 {offsets = [0, 0, 0], sizes = [2, 16, 128], strides = [1, 1, 1]} : vector<4x16x128xf32> to vector<2x16x128xf32>
      %slice3A_1000 = vector.extract_strided_slice %slice3A_998 {offsets = [2, 0, 0], sizes = [2, 16, 128], strides = [1, 1, 1]} : vector<4x16x128xf32> to vector<2x16x128xf32>
      %mul3A_1001 = arith.mulf %slice3A_999, %slice3A_1000 : vector<2x16x128xf32>
      %slice3A_1002 = vector.extract_strided_slice %mul3A_1001 {offsets = [0, 0, 0], sizes = [1, 16, 128], strides = [1, 1, 1]} : vector<2x16x128xf32> to vector<1x16x128xf32>
      %squeeze3A_1003 = vector.shape_cast %slice3A_1002 : vector<1x16x128xf32> to vector<16x128xf32>
      %slice3A_1004 = vector.extract_strided_slice %mul3A_1001 {offsets = [1, 0, 0], sizes = [1, 16, 128], strides = [1, 1, 1]} : vector<2x16x128xf32> to vector<1x16x128xf32>
      %squeeze3A_1005 = vector.shape_cast %slice3A_1004 : vector<1x16x128xf32> to vector<16x128xf32>
      %mul3A_1006 = arith.mulf %squeeze3A_1003, %squeeze3A_1005 : vector<16x128xf32>
      %log3A_1007 = math.log %mul3A_1006 : vector<16x128xf32>
      %add3A_1008 = arith.addf %add3A_997, %log3A_1007 : vector<16x128xf32>
      %slice3A_1009 = vector.extract_strided_slice %and3A_61 {offsets = [240, 0], sizes = [16, 128], strides = [1, 1]} : vector<256x128xi1> to vector<16x128xi1>
      %jit3A_1010 = arith.constant 0.000000e+00 : f32
      %broadcast_in_dim3A_1011 = vector.broadcast %jit3A_1010 : f32 to vector<16x128xf32>
      %select_n3A_1012 = arith.select %slice3A_1009, %add3A_1008, %broadcast_in_dim3A_1011 : vector<16x128xi1>, vector<16x128xf32>
      %reduce_sum3A_1013 = vector.shape_cast %select_n3A_1012 : vector<16x128xf32> to vector<1x16x128xf32>
      %reduce_sum3A_1014 = arith.constant dense<0.000000e+00> : vector<1xf32>
      %reduce_sum3A_1015 = vector.multi_reduction <add>, %reduce_sum3A_1013, %reduce_sum3A_1014 [1, 2] : vector<1x16x128xf32> to vector<1xf32>
      %reduce_sum3A_1016 = vector.shape_cast %reduce_sum3A_1015 : vector<1xf32> to vector<1x1x1xf32>
      %reduce_sum3A_1017 = vector.extract %reduce_sum3A_1016[0, 0, 0] : f32 from vector<1x1x1xf32>
      %add3A_1018 = arith.addf %add3A_958, %reduce_sum3A_1017 : f32
      %eq3A_1019 = vector.broadcast %while3A_51 : i32 to vector<64x1xi32>
      %eq3A_1020 = arith.cmpi eq, %iota3A_24, %eq3A_1019 : vector<64x1xi32>
      %jit3A_1021 = arith.constant 0.000000e+00 : f32
      %broadcast_in_dim3A_1022 = vector.broadcast %add3A_1018 : f32 to vector<64x1xf32>
      %broadcast_in_dim3A_1023 = vector.broadcast %jit3A_1021 : f32 to vector<64x1xf32>
      %select_n3A_1024 = arith.select %eq3A_1020, %broadcast_in_dim3A_1022, %broadcast_in_dim3A_1023 : vector<64x1xi1>, vector<64x1xf32>
      %add3A_1025 = arith.addf %while3A_52, %select_n3A_1024 : vector<64x1xf32>
      scf.yield %add3A_1025 : vector<64x1xf32>
    }
    %while3A_38 = arith.constant 1 : i32
    %while3A_39 = scf.for %while3A_51 = %while3A_35 to %while3A_31 step %while3A_38 iter_args(%while3A_52 = %while3A_37) -> (vector<64x1xf32>)  : i32 {
      %get3A_53 = arith.index_cast %while3A_51 : i32 to index
      %get3A_54 = arith.constant 0 : index
      %get3A_55 = arith.constant 0 : index
      %get3A_56 = arith.constant 0 : index
      %get3A_57 = vector.load %arg12[%get3A_53, %get3A_54, %get3A_55, %get3A_56] : memref<64x16x16x128xf32, #tpu.memory_space<vmem>>, vector<1x16x16x128xf32>
      %get3A_58 = vector.shape_cast %get3A_57 : vector<1x16x16x128xf32> to vector<16x16x128xf32>
      %eq3A_59 = vector.broadcast %while3A_51 : i32 to vector<256x128xi32>
      %eq3A_60 = arith.cmpi eq, %select_n3A, %eq3A_59 : vector<256x128xi32>
      %and3A_61 = arith.andi %and3A, %eq3A_60 : vector<256x128xi1>
      %slice3A = vector.extract_strided_slice %exp3A {offsets = [0, 0], sizes = [16, 128], strides = [1, 1]} : vector<256x128xf32> to vector<16x128xf32>
      %broadcast_in_dim3A_62 = vector.shape_cast %slice3A : vector<16x128xf32> to vector<1x16x128xf32>
      %broadcast_in_dim3A_63 = vector.broadcast %broadcast_in_dim3A_62 : vector<1x16x128xf32> to vector<16x16x128xf32>
      %mul3A_64 = arith.mulf %get3A_58, %broadcast_in_dim3A_63 : vector<16x16x128xf32>
      %add3A_65 = arith.constant 1.000000e+00 : f32
      %add3A_66 = vector.broadcast %add3A_65 : f32 to vector<16x16x128xf32>
      %add3A_67 = arith.addf %add3A_66, %mul3A_64 : vector<16x16x128xf32>
      %slice3A_68 = vector.extract_strided_slice %add3A_67 {offsets = [0, 0, 0], sizes = [4, 16, 128], strides = [1, 1, 1]} : vector<16x16x128xf32> to vector<4x16x128xf32>
      %slice3A_69 = vector.extract_strided_slice %slice3A_68 {offsets = [0, 0, 0], sizes = [2, 16, 128], strides = [1, 1, 1]} : vector<4x16x128xf32> to vector<2x16x128xf32>
      %slice3A_70 = vector.extract_strided_slice %slice3A_68 {offsets = [2, 0, 0], sizes = [2, 16, 128], strides = [1, 1, 1]} : vector<4x16x128xf32> to vector<2x16x128xf32>
      %mul3A_71 = arith.mulf %slice3A_69, %slice3A_70 : vector<2x16x128xf32>
      %slice3A_72 = vector.extract_strided_slice %mul3A_71 {offsets = [0, 0, 0], sizes = [1, 16, 128], strides = [1, 1, 1]} : vector<2x16x128xf32> to vector<1x16x128xf32>
      %squeeze3A = vector.shape_cast %slice3A_72 : vector<1x16x128xf32> to vector<16x128xf32>
      %slice3A_73 = vector.extract_strided_slice %mul3A_71 {offsets = [1, 0, 0], sizes = [1, 16, 128], strides = [1, 1, 1]} : vector<2x16x128xf32> to vector<1x16x128xf32>
      %squeeze3A_74 = vector.shape_cast %slice3A_73 : vector<1x16x128xf32> to vector<16x128xf32>
      %mul3A_75 = arith.mulf %squeeze3A, %squeeze3A_74 : vector<16x128xf32>
      %log3A = math.log %mul3A_75 : vector<16x128xf32>
      %slice3A_76 = vector.extract_strided_slice %add3A_67 {offsets = [4, 0, 0], sizes = [4, 16, 128], strides = [1, 1, 1]} : vector<16x16x128xf32> to vector<4x16x128xf32>
      %slice3A_77 = vector.extract_strided_slice %slice3A_76 {offsets = [0, 0, 0], sizes = [2, 16, 128], strides = [1, 1, 1]} : vector<4x16x128xf32> to vector<2x16x128xf32>
      %slice3A_78 = vector.extract_strided_slice %slice3A_76 {offsets = [2, 0, 0], sizes = [2, 16, 128], strides = [1, 1, 1]} : vector<4x16x128xf32> to vector<2x16x128xf32>
      %mul3A_79 = arith.mulf %slice3A_77, %slice3A_78 : vector<2x16x128xf32>
      %slice3A_80 = vector.extract_strided_slice %mul3A_79 {offsets = [0, 0, 0], sizes = [1, 16, 128], strides = [1, 1, 1]} : vector<2x16x128xf32> to vector<1x16x128xf32>
      %squeeze3A_81 = vector.shape_cast %slice3A_80 : vector<1x16x128xf32> to vector<16x128xf32>
      %slice3A_82 = vector.extract_strided_slice %mul3A_79 {offsets = [1, 0, 0], sizes = [1, 16, 128], strides = [1, 1, 1]} : vector<2x16x128xf32> to vector<1x16x128xf32>
      %squeeze3A_83 = vector.shape_cast %slice3A_82 : vector<1x16x128xf32> to vector<16x128xf32>
      %mul3A_84 = arith.mulf %squeeze3A_81, %squeeze3A_83 : vector<16x128xf32>
      %log3A_85 = math.log %mul3A_84 : vector<16x128xf32>
      %add3A_86 = arith.addf %log3A, %log3A_85 : vector<16x128xf32>
      %slice3A_87 = vector.extract_strided_slice %add3A_67 {offsets = [8, 0, 0], sizes = [4, 16, 128], strides = [1, 1, 1]} : vector<16x16x128xf32> to vector<4x16x128xf32>
      %slice3A_88 = vector.extract_strided_slice %slice3A_87 {offsets = [0, 0, 0], sizes = [2, 16, 128], strides = [1, 1, 1]} : vector<4x16x128xf32> to vector<2x16x128xf32>
      %slice3A_89 = vector.extract_strided_slice %slice3A_87 {offsets = [2, 0, 0], sizes = [2, 16, 128], strides = [1, 1, 1]} : vector<4x16x128xf32> to vector<2x16x128xf32>
      %mul3A_90 = arith.mulf %slice3A_88, %slice3A_89 : vector<2x16x128xf32>
      %slice3A_91 = vector.extract_strided_slice %mul3A_90 {offsets = [0, 0, 0], sizes = [1, 16, 128], strides = [1, 1, 1]} : vector<2x16x128xf32> to vector<1x16x128xf32>
      %squeeze3A_92 = vector.shape_cast %slice3A_91 : vector<1x16x128xf32> to vector<16x128xf32>
      %slice3A_93 = vector.extract_strided_slice %mul3A_90 {offsets = [1, 0, 0], sizes = [1, 16, 128], strides = [1, 1, 1]} : vector<2x16x128xf32> to vector<1x16x128xf32>
      %squeeze3A_94 = vector.shape_cast %slice3A_93 : vector<1x16x128xf32> to vector<16x128xf32>
      %mul3A_95 = arith.mulf %squeeze3A_92, %squeeze3A_94 : vector<16x128xf32>
      %log3A_96 = math.log %mul3A_95 : vector<16x128xf32>
      %add3A_97 = arith.addf %add3A_86, %log3A_96 : vector<16x128xf32>
      %slice3A_98 = vector.extract_strided_slice %add3A_67 {offsets = [12, 0, 0], sizes = [4, 16, 128], strides = [1, 1, 1]} : vector<16x16x128xf32> to vector<4x16x128xf32>
      %slice3A_99 = vector.extract_strided_slice %slice3A_98 {offsets = [0, 0, 0], sizes = [2, 16, 128], strides = [1, 1, 1]} : vector<4x16x128xf32> to vector<2x16x128xf32>
      %slice3A_100 = vector.extract_strided_slice %slice3A_98 {offsets = [2, 0, 0], sizes = [2, 16, 128], strides = [1, 1, 1]} : vector<4x16x128xf32> to vector<2x16x128xf32>
      %mul3A_101 = arith.mulf %slice3A_99, %slice3A_100 : vector<2x16x128xf32>
      %slice3A_102 = vector.extract_strided_slice %mul3A_101 {offsets = [0, 0, 0], sizes = [1, 16, 128], strides = [1, 1, 1]} : vector<2x16x128xf32> to vector<1x16x128xf32>
      %squeeze3A_103 = vector.shape_cast %slice3A_102 : vector<1x16x128xf32> to vector<16x128xf32>
      %slice3A_104 = vector.extract_strided_slice %mul3A_101 {offsets = [1, 0, 0], sizes = [1, 16, 128], strides = [1, 1, 1]} : vector<2x16x128xf32> to vector<1x16x128xf32>
      %squeeze3A_105 = vector.shape_cast %slice3A_104 : vector<1x16x128xf32> to vector<16x128xf32>
      %mul3A_106 = arith.mulf %squeeze3A_103, %squeeze3A_105 : vector<16x128xf32>
      %log3A_107 = math.log %mul3A_106 : vector<16x128xf32>
      %add3A_108 = arith.addf %add3A_97, %log3A_107 : vector<16x128xf32>
      %slice3A_109 = vector.extract_strided_slice %and3A_61 {offsets = [0, 0], sizes = [16, 128], strides = [1, 1]} : vector<256x128xi1> to vector<16x128xi1>
      %jit3A_110 = arith.constant 0.000000e+00 : f32
      %broadcast_in_dim3A_111 = vector.broadcast %jit3A_110 : f32 to vector<16x128xf32>
      %select_n3A_112 = arith.select %slice3A_109, %add3A_108, %broadcast_in_dim3A_111 : vector<16x128xi1>, vector<16x128xf32>
      %reduce_sum3A = vector.shape_cast %select_n3A_112 : vector<16x128xf32> to vector<1x16x128xf32>
      %reduce_sum3A_113 = arith.constant dense<0.000000e+00> : vector<1xf32>
      %reduce_sum3A_114 = vector.multi_reduction <add>, %reduce_sum3A, %reduce_sum3A_113 [1, 2] : vector<1x16x128xf32> to vector<1xf32>
      %reduce_sum3A_115 = vector.shape_cast %reduce_sum3A_114 : vector<1xf32> to vector<1x1x1xf32>
      %reduce_sum3A_116 = vector.extract %reduce_sum3A_115[0, 0, 0] : f32 from vector<1x1x1xf32>
      %add3A_117 = arith.constant 0.000000e+00 : f32
      %add3A_118 = arith.addf %add3A_117, %reduce_sum3A_116 : f32
      %slice3A_119 = vector.extract_strided_slice %exp3A {offsets = [16, 0], sizes = [16, 128], strides = [1, 1]} : vector<256x128xf32> to vector<16x128xf32>
      %broadcast_in_dim3A_120 = vector.shape_cast %slice3A_119 : vector<16x128xf32> to vector<1x16x128xf32>
      %broadcast_in_dim3A_121 = vector.broadcast %broadcast_in_dim3A_120 : vector<1x16x128xf32> to vector<16x16x128xf32>
      %mul3A_122 = arith.mulf %get3A_58, %broadcast_in_dim3A_121 : vector<16x16x128xf32>
      %add3A_123 = arith.constant 1.000000e+00 : f32
      %add3A_124 = vector.broadcast %add3A_123 : f32 to vector<16x16x128xf32>
      %add3A_125 = arith.addf %add3A_124, %mul3A_122 : vector<16x16x128xf32>
      %slice3A_126 = vector.extract_strided_slice %add3A_125 {offsets = [0, 0, 0], sizes = [4, 16, 128], strides = [1, 1, 1]} : vector<16x16x128xf32> to vector<4x16x128xf32>
      %slice3A_127 = vector.extract_strided_slice %slice3A_126 {offsets = [0, 0, 0], sizes = [2, 16, 128], strides = [1, 1, 1]} : vector<4x16x128xf32> to vector<2x16x128xf32>
      %slice3A_128 = vector.extract_strided_slice %slice3A_126 {offsets = [2, 0, 0], sizes = [2, 16, 128], strides = [1, 1, 1]} : vector<4x16x128xf32> to vector<2x16x128xf32>
      %mul3A_129 = arith.mulf %slice3A_127, %slice3A_128 : vector<2x16x128xf32>
      %slice3A_130 = vector.extract_strided_slice %mul3A_129 {offsets = [0, 0, 0], sizes = [1, 16, 128], strides = [1, 1, 1]} : vector<2x16x128xf32> to vector<1x16x128xf32>
      %squeeze3A_131 = vector.shape_cast %slice3A_130 : vector<1x16x128xf32> to vector<16x128xf32>
      %slice3A_132 = vector.extract_strided_slice %mul3A_129 {offsets = [1, 0, 0], sizes = [1, 16, 128], strides = [1, 1, 1]} : vector<2x16x128xf32> to vector<1x16x128xf32>
      %squeeze3A_133 = vector.shape_cast %slice3A_132 : vector<1x16x128xf32> to vector<16x128xf32>
      %mul3A_134 = arith.mulf %squeeze3A_131, %squeeze3A_133 : vector<16x128xf32>
      %log3A_135 = math.log %mul3A_134 : vector<16x128xf32>
      %slice3A_136 = vector.extract_strided_slice %add3A_125 {offsets = [4, 0, 0], sizes = [4, 16, 128], strides = [1, 1, 1]} : vector<16x16x128xf32> to vector<4x16x128xf32>
      %slice3A_137 = vector.extract_strided_slice %slice3A_136 {offsets = [0, 0, 0], sizes = [2, 16, 128], strides = [1, 1, 1]} : vector<4x16x128xf32> to vector<2x16x128xf32>
      %slice3A_138 = vector.extract_strided_slice %slice3A_136 {offsets = [2, 0, 0], sizes = [2, 16, 128], strides = [1, 1, 1]} : vector<4x16x128xf32> to vector<2x16x128xf32>
      %mul3A_139 = arith.mulf %slice3A_137, %slice3A_138 : vector<2x16x128xf32>
      %slice3A_140 = vector.extract_strided_slice %mul3A_139 {offsets = [0, 0, 0], sizes = [1, 16, 128], strides = [1, 1, 1]} : vector<2x16x128xf32> to vector<1x16x128xf32>
      %squeeze3A_141 = vector.shape_cast %slice3A_140 : vector<1x16x128xf32> to vector<16x128xf32>
      %slice3A_142 = vector.extract_strided_slice %mul3A_139 {offsets = [1, 0, 0], sizes = [1, 16, 128], strides = [1, 1, 1]} : vector<2x16x128xf32> to vector<1x16x128xf32>
      %squeeze3A_143 = vector.shape_cast %slice3A_142 : vector<1x16x128xf32> to vector<16x128xf32>
      %mul3A_144 = arith.mulf %squeeze3A_141, %squeeze3A_143 : vector<16x128xf32>
      %log3A_145 = math.log %mul3A_144 : vector<16x128xf32>
      %add3A_146 = arith.addf %log3A_135, %log3A_145 : vector<16x128xf32>
      %slice3A_147 = vector.extract_strided_slice %add3A_125 {offsets = [8, 0, 0], sizes = [4, 16, 128], strides = [1, 1, 1]} : vector<16x16x128xf32> to vector<4x16x128xf32>
      %slice3A_148 = vector.extract_strided_slice %slice3A_147 {offsets = [0, 0, 0], sizes = [2, 16, 128], strides = [1, 1, 1]} : vector<4x16x128xf32> to vector<2x16x128xf32>
      %slice3A_149 = vector.extract_strided_slice %slice3A_147 {offsets = [2, 0, 0], sizes = [2, 16, 128], strides = [1, 1, 1]} : vector<4x16x128xf32> to vector<2x16x128xf32>
      %mul3A_150 = arith.mulf %slice3A_148, %slice3A_149 : vector<2x16x128xf32>
      %slice3A_151 = vector.extract_strided_slice %mul3A_150 {offsets = [0, 0, 0], sizes = [1, 16, 128], strides = [1, 1, 1]} : vector<2x16x128xf32> to vector<1x16x128xf32>
      %squeeze3A_152 = vector.shape_cast %slice3A_151 : vector<1x16x128xf32> to vector<16x128xf32>
      %slice3A_153 = vector.extract_strided_slice %mul3A_150 {offsets = [1, 0, 0], sizes = [1, 16, 128], strides = [1, 1, 1]} : vector<2x16x128xf32> to vector<1x16x128xf32>
      %squeeze3A_154 = vector.shape_cast %slice3A_153 : vector<1x16x128xf32> to vector<16x128xf32>
      %mul3A_155 = arith.mulf %squeeze3A_152, %squeeze3A_154 : vector<16x128xf32>
      %log3A_156 = math.log %mul3A_155 : vector<16x128xf32>
      %add3A_157 = arith.addf %add3A_146, %log3A_156 : vector<16x128xf32>
      %slice3A_158 = vector.extract_strided_slice %add3A_125 {offsets = [12, 0, 0], sizes = [4, 16, 128], strides = [1, 1, 1]} : vector<16x16x128xf32> to vector<4x16x128xf32>
      %slice3A_159 = vector.extract_strided_slice %slice3A_158 {offsets = [0, 0, 0], sizes = [2, 16, 128], strides = [1, 1, 1]} : vector<4x16x128xf32> to vector<2x16x128xf32>
      %slice3A_160 = vector.extract_strided_slice %slice3A_158 {offsets = [2, 0, 0], sizes = [2, 16, 128], strides = [1, 1, 1]} : vector<4x16x128xf32> to vector<2x16x128xf32>
      %mul3A_161 = arith.mulf %slice3A_159, %slice3A_160 : vector<2x16x128xf32>
      %slice3A_162 = vector.extract_strided_slice %mul3A_161 {offsets = [0, 0, 0], sizes = [1, 16, 128], strides = [1, 1, 1]} : vector<2x16x128xf32> to vector<1x16x128xf32>
      %squeeze3A_163 = vector.shape_cast %slice3A_162 : vector<1x16x128xf32> to vector<16x128xf32>
      %slice3A_164 = vector.extract_strided_slice %mul3A_161 {offsets = [1, 0, 0], sizes = [1, 16, 128], strides = [1, 1, 1]} : vector<2x16x128xf32> to vector<1x16x128xf32>
      %squeeze3A_165 = vector.shape_cast %slice3A_164 : vector<1x16x128xf32> to vector<16x128xf32>
      %mul3A_166 = arith.mulf %squeeze3A_163, %squeeze3A_165 : vector<16x128xf32>
      %log3A_167 = math.log %mul3A_166 : vector<16x128xf32>
      %add3A_168 = arith.addf %add3A_157, %log3A_167 : vector<16x128xf32>
      %slice3A_169 = vector.extract_strided_slice %and3A_61 {offsets = [16, 0], sizes = [16, 128], strides = [1, 1]} : vector<256x128xi1> to vector<16x128xi1>
      %jit3A_170 = arith.constant 0.000000e+00 : f32
      %broadcast_in_dim3A_171 = vector.broadcast %jit3A_170 : f32 to vector<16x128xf32>
      %select_n3A_172 = arith.select %slice3A_169, %add3A_168, %broadcast_in_dim3A_171 : vector<16x128xi1>, vector<16x128xf32>
      %reduce_sum3A_173 = vector.shape_cast %select_n3A_172 : vector<16x128xf32> to vector<1x16x128xf32>
      %reduce_sum3A_174 = arith.constant dense<0.000000e+00> : vector<1xf32>
      %reduce_sum3A_175 = vector.multi_reduction <add>, %reduce_sum3A_173, %reduce_sum3A_174 [1, 2] : vector<1x16x128xf32> to vector<1xf32>
      %reduce_sum3A_176 = vector.shape_cast %reduce_sum3A_175 : vector<1xf32> to vector<1x1x1xf32>
      %reduce_sum3A_177 = vector.extract %reduce_sum3A_176[0, 0, 0] : f32 from vector<1x1x1xf32>
      %add3A_178 = arith.addf %add3A_118, %reduce_sum3A_177 : f32
      %slice3A_179 = vector.extract_strided_slice %exp3A {offsets = [32, 0], sizes = [16, 128], strides = [1, 1]} : vector<256x128xf32> to vector<16x128xf32>
      %broadcast_in_dim3A_180 = vector.shape_cast %slice3A_179 : vector<16x128xf32> to vector<1x16x128xf32>
      %broadcast_in_dim3A_181 = vector.broadcast %broadcast_in_dim3A_180 : vector<1x16x128xf32> to vector<16x16x128xf32>
      %mul3A_182 = arith.mulf %get3A_58, %broadcast_in_dim3A_181 : vector<16x16x128xf32>
      %add3A_183 = arith.constant 1.000000e+00 : f32
      %add3A_184 = vector.broadcast %add3A_183 : f32 to vector<16x16x128xf32>
      %add3A_185 = arith.addf %add3A_184, %mul3A_182 : vector<16x16x128xf32>
      %slice3A_186 = vector.extract_strided_slice %add3A_185 {offsets = [0, 0, 0], sizes = [4, 16, 128], strides = [1, 1, 1]} : vector<16x16x128xf32> to vector<4x16x128xf32>
      %slice3A_187 = vector.extract_strided_slice %slice3A_186 {offsets = [0, 0, 0], sizes = [2, 16, 128], strides = [1, 1, 1]} : vector<4x16x128xf32> to vector<2x16x128xf32>
      %slice3A_188 = vector.extract_strided_slice %slice3A_186 {offsets = [2, 0, 0], sizes = [2, 16, 128], strides = [1, 1, 1]} : vector<4x16x128xf32> to vector<2x16x128xf32>
      %mul3A_189 = arith.mulf %slice3A_187, %slice3A_188 : vector<2x16x128xf32>
      %slice3A_190 = vector.extract_strided_slice %mul3A_189 {offsets = [0, 0, 0], sizes = [1, 16, 128], strides = [1, 1, 1]} : vector<2x16x128xf32> to vector<1x16x128xf32>
      %squeeze3A_191 = vector.shape_cast %slice3A_190 : vector<1x16x128xf32> to vector<16x128xf32>
      %slice3A_192 = vector.extract_strided_slice %mul3A_189 {offsets = [1, 0, 0], sizes = [1, 16, 128], strides = [1, 1, 1]} : vector<2x16x128xf32> to vector<1x16x128xf32>
      %squeeze3A_193 = vector.shape_cast %slice3A_192 : vector<1x16x128xf32> to vector<16x128xf32>
      %mul3A_194 = arith.mulf %squeeze3A_191, %squeeze3A_193 : vector<16x128xf32>
      %log3A_195 = math.log %mul3A_194 : vector<16x128xf32>
      %slice3A_196 = vector.extract_strided_slice %add3A_185 {offsets = [4, 0, 0], sizes = [4, 16, 128], strides = [1, 1, 1]} : vector<16x16x128xf32> to vector<4x16x128xf32>
      %slice3A_197 = vector.extract_strided_slice %slice3A_196 {offsets = [0, 0, 0], sizes = [2, 16, 128], strides = [1, 1, 1]} : vector<4x16x128xf32> to vector<2x16x128xf32>
      %slice3A_198 = vector.extract_strided_slice %slice3A_196 {offsets = [2, 0, 0], sizes = [2, 16, 128], strides = [1, 1, 1]} : vector<4x16x128xf32> to vector<2x16x128xf32>
      %mul3A_199 = arith.mulf %slice3A_197, %slice3A_198 : vector<2x16x128xf32>
      %slice3A_200 = vector.extract_strided_slice %mul3A_199 {offsets = [0, 0, 0], sizes = [1, 16, 128], strides = [1, 1, 1]} : vector<2x16x128xf32> to vector<1x16x128xf32>
      %squeeze3A_201 = vector.shape_cast %slice3A_200 : vector<1x16x128xf32> to vector<16x128xf32>
      %slice3A_202 = vector.extract_strided_slice %mul3A_199 {offsets = [1, 0, 0], sizes = [1, 16, 128], strides = [1, 1, 1]} : vector<2x16x128xf32> to vector<1x16x128xf32>
      %squeeze3A_203 = vector.shape_cast %slice3A_202 : vector<1x16x128xf32> to vector<16x128xf32>
      %mul3A_204 = arith.mulf %squeeze3A_201, %squeeze3A_203 : vector<16x128xf32>
      %log3A_205 = math.log %mul3A_204 : vector<16x128xf32>
      %add3A_206 = arith.addf %log3A_195, %log3A_205 : vector<16x128xf32>
      %slice3A_207 = vector.extract_strided_slice %add3A_185 {offsets = [8, 0, 0], sizes = [4, 16, 128], strides = [1, 1, 1]} : vector<16x16x128xf32> to vector<4x16x128xf32>
      %slice3A_208 = vector.extract_strided_slice %slice3A_207 {offsets = [0, 0, 0], sizes = [2, 16, 128], strides = [1, 1, 1]} : vector<4x16x128xf32> to vector<2x16x128xf32>
      %slice3A_209 = vector.extract_strided_slice %slice3A_207 {offsets = [2, 0, 0], sizes = [2, 16, 128], strides = [1, 1, 1]} : vector<4x16x128xf32> to vector<2x16x128xf32>
      %mul3A_210 = arith.mulf %slice3A_208, %slice3A_209 : vector<2x16x128xf32>
      %slice3A_211 = vector.extract_strided_slice %mul3A_210 {offsets = [0, 0, 0], sizes = [1, 16, 128], strides = [1, 1, 1]} : vector<2x16x128xf32> to vector<1x16x128xf32>
      %squeeze3A_212 = vector.shape_cast %slice3A_211 : vector<1x16x128xf32> to vector<16x128xf32>
      %slice3A_213 = vector.extract_strided_slice %mul3A_210 {offsets = [1, 0, 0], sizes = [1, 16, 128], strides = [1, 1, 1]} : vector<2x16x128xf32> to vector<1x16x128xf32>
      %squeeze3A_214 = vector.shape_cast %slice3A_213 : vector<1x16x128xf32> to vector<16x128xf32>
      %mul3A_215 = arith.mulf %squeeze3A_212, %squeeze3A_214 : vector<16x128xf32>
      %log3A_216 = math.log %mul3A_215 : vector<16x128xf32>
      %add3A_217 = arith.addf %add3A_206, %log3A_216 : vector<16x128xf32>
      %slice3A_218 = vector.extract_strided_slice %add3A_185 {offsets = [12, 0, 0], sizes = [4, 16, 128], strides = [1, 1, 1]} : vector<16x16x128xf32> to vector<4x16x128xf32>
      %slice3A_219 = vector.extract_strided_slice %slice3A_218 {offsets = [0, 0, 0], sizes = [2, 16, 128], strides = [1, 1, 1]} : vector<4x16x128xf32> to vector<2x16x128xf32>
      %slice3A_220 = vector.extract_strided_slice %slice3A_218 {offsets = [2, 0, 0], sizes = [2, 16, 128], strides = [1, 1, 1]} : vector<4x16x128xf32> to vector<2x16x128xf32>
      %mul3A_221 = arith.mulf %slice3A_219, %slice3A_220 : vector<2x16x128xf32>
      %slice3A_222 = vector.extract_strided_slice %mul3A_221 {offsets = [0, 0, 0], sizes = [1, 16, 128], strides = [1, 1, 1]} : vector<2x16x128xf32> to vector<1x16x128xf32>
      %squeeze3A_223 = vector.shape_cast %slice3A_222 : vector<1x16x128xf32> to vector<16x128xf32>
      %slice3A_224 = vector.extract_strided_slice %mul3A_221 {offsets = [1, 0, 0], sizes = [1, 16, 128], strides = [1, 1, 1]} : vector<2x16x128xf32> to vector<1x16x128xf32>
      %squeeze3A_225 = vector.shape_cast %slice3A_224 : vector<1x16x128xf32> to vector<16x128xf32>
      %mul3A_226 = arith.mulf %squeeze3A_223, %squeeze3A_225 : vector<16x128xf32>
      %log3A_227 = math.log %mul3A_226 : vector<16x128xf32>
      %add3A_228 = arith.addf %add3A_217, %log3A_227 : vector<16x128xf32>
      %slice3A_229 = vector.extract_strided_slice %and3A_61 {offsets = [32, 0], sizes = [16, 128], strides = [1, 1]} : vector<256x128xi1> to vector<16x128xi1>
      %jit3A_230 = arith.constant 0.000000e+00 : f32
      %broadcast_in_dim3A_231 = vector.broadcast %jit3A_230 : f32 to vector<16x128xf32>
      %select_n3A_232 = arith.select %slice3A_229, %add3A_228, %broadcast_in_dim3A_231 : vector<16x128xi1>, vector<16x128xf32>
      %reduce_sum3A_233 = vector.shape_cast %select_n3A_232 : vector<16x128xf32> to vector<1x16x128xf32>
      %reduce_sum3A_234 = arith.constant dense<0.000000e+00> : vector<1xf32>
      %reduce_sum3A_235 = vector.multi_reduction <add>, %reduce_sum3A_233, %reduce_sum3A_234 [1, 2] : vector<1x16x128xf32> to vector<1xf32>
      %reduce_sum3A_236 = vector.shape_cast %reduce_sum3A_235 : vector<1xf32> to vector<1x1x1xf32>
      %reduce_sum3A_237 = vector.extract %reduce_sum3A_236[0, 0, 0] : f32 from vector<1x1x1xf32>
      %add3A_238 = arith.addf %add3A_178, %reduce_sum3A_237 : f32
      %slice3A_239 = vector.extract_strided_slice %exp3A {offsets = [48, 0], sizes = [16, 128], strides = [1, 1]} : vector<256x128xf32> to vector<16x128xf32>
      %broadcast_in_dim3A_240 = vector.shape_cast %slice3A_239 : vector<16x128xf32> to vector<1x16x128xf32>
      %broadcast_in_dim3A_241 = vector.broadcast %broadcast_in_dim3A_240 : vector<1x16x128xf32> to vector<16x16x128xf32>
      %mul3A_242 = arith.mulf %get3A_58, %broadcast_in_dim3A_241 : vector<16x16x128xf32>
      %add3A_243 = arith.constant 1.000000e+00 : f32
      %add3A_244 = vector.broadcast %add3A_243 : f32 to vector<16x16x128xf32>
      %add3A_245 = arith.addf %add3A_244, %mul3A_242 : vector<16x16x128xf32>
      %slice3A_246 = vector.extract_strided_slice %add3A_245 {offsets = [0, 0, 0], sizes = [4, 16, 128], strides = [1, 1, 1]} : vector<16x16x128xf32> to vector<4x16x128xf32>
      %slice3A_247 = vector.extract_strided_slice %slice3A_246 {offsets = [0, 0, 0], sizes = [2, 16, 128], strides = [1, 1, 1]} : vector<4x16x128xf32> to vector<2x16x128xf32>
      %slice3A_248 = vector.extract_strided_slice %slice3A_246 {offsets = [2, 0, 0], sizes = [2, 16, 128], strides = [1, 1, 1]} : vector<4x16x128xf32> to vector<2x16x128xf32>
      %mul3A_249 = arith.mulf %slice3A_247, %slice3A_248 : vector<2x16x128xf32>
      %slice3A_250 = vector.extract_strided_slice %mul3A_249 {offsets = [0, 0, 0], sizes = [1, 16, 128], strides = [1, 1, 1]} : vector<2x16x128xf32> to vector<1x16x128xf32>
      %squeeze3A_251 = vector.shape_cast %slice3A_250 : vector<1x16x128xf32> to vector<16x128xf32>
      %slice3A_252 = vector.extract_strided_slice %mul3A_249 {offsets = [1, 0, 0], sizes = [1, 16, 128], strides = [1, 1, 1]} : vector<2x16x128xf32> to vector<1x16x128xf32>
      %squeeze3A_253 = vector.shape_cast %slice3A_252 : vector<1x16x128xf32> to vector<16x128xf32>
      %mul3A_254 = arith.mulf %squeeze3A_251, %squeeze3A_253 : vector<16x128xf32>
      %log3A_255 = math.log %mul3A_254 : vector<16x128xf32>
      %slice3A_256 = vector.extract_strided_slice %add3A_245 {offsets = [4, 0, 0], sizes = [4, 16, 128], strides = [1, 1, 1]} : vector<16x16x128xf32> to vector<4x16x128xf32>
      %slice3A_257 = vector.extract_strided_slice %slice3A_256 {offsets = [0, 0, 0], sizes = [2, 16, 128], strides = [1, 1, 1]} : vector<4x16x128xf32> to vector<2x16x128xf32>
      %slice3A_258 = vector.extract_strided_slice %slice3A_256 {offsets = [2, 0, 0], sizes = [2, 16, 128], strides = [1, 1, 1]} : vector<4x16x128xf32> to vector<2x16x128xf32>
      %mul3A_259 = arith.mulf %slice3A_257, %slice3A_258 : vector<2x16x128xf32>
      %slice3A_260 = vector.extract_strided_slice %mul3A_259 {offsets = [0, 0, 0], sizes = [1, 16, 128], strides = [1, 1, 1]} : vector<2x16x128xf32> to vector<1x16x128xf32>
      %squeeze3A_261 = vector.shape_cast %slice3A_260 : vector<1x16x128xf32> to vector<16x128xf32>
      %slice3A_262 = vector.extract_strided_slice %mul3A_259 {offsets = [1, 0, 0], sizes = [1, 16, 128], strides = [1, 1, 1]} : vector<2x16x128xf32> to vector<1x16x128xf32>
      %squeeze3A_263 = vector.shape_cast %slice3A_262 : vector<1x16x128xf32> to vector<16x128xf32>
      %mul3A_264 = arith.mulf %squeeze3A_261, %squeeze3A_263 : vector<16x128xf32>
      %log3A_265 = math.log %mul3A_264 : vector<16x128xf32>
      %add3A_266 = arith.addf %log3A_255, %log3A_265 : vector<16x128xf32>
      %slice3A_267 = vector.extract_strided_slice %add3A_245 {offsets = [8, 0, 0], sizes = [4, 16, 128], strides = [1, 1, 1]} : vector<16x16x128xf32> to vector<4x16x128xf32>
      %slice3A_268 = vector.extract_strided_slice %slice3A_267 {offsets = [0, 0, 0], sizes = [2, 16, 128], strides = [1, 1, 1]} : vector<4x16x128xf32> to vector<2x16x128xf32>
      %slice3A_269 = vector.extract_strided_slice %slice3A_267 {offsets = [2, 0, 0], sizes = [2, 16, 128], strides = [1, 1, 1]} : vector<4x16x128xf32> to vector<2x16x128xf32>
      %mul3A_270 = arith.mulf %slice3A_268, %slice3A_269 : vector<2x16x128xf32>
      %slice3A_271 = vector.extract_strided_slice %mul3A_270 {offsets = [0, 0, 0], sizes = [1, 16, 128], strides = [1, 1, 1]} : vector<2x16x128xf32> to vector<1x16x128xf32>
      %squeeze3A_272 = vector.shape_cast %slice3A_271 : vector<1x16x128xf32> to vector<16x128xf32>
      %slice3A_273 = vector.extract_strided_slice %mul3A_270 {offsets = [1, 0, 0], sizes = [1, 16, 128], strides = [1, 1, 1]} : vector<2x16x128xf32> to vector<1x16x128xf32>
      %squeeze3A_274 = vector.shape_cast %slice3A_273 : vector<1x16x128xf32> to vector<16x128xf32>
      %mul3A_275 = arith.mulf %squeeze3A_272, %squeeze3A_274 : vector<16x128xf32>
      %log3A_276 = math.log %mul3A_275 : vector<16x128xf32>
      %add3A_277 = arith.addf %add3A_266, %log3A_276 : vector<16x128xf32>
      %slice3A_278 = vector.extract_strided_slice %add3A_245 {offsets = [12, 0, 0], sizes = [4, 16, 128], strides = [1, 1, 1]} : vector<16x16x128xf32> to vector<4x16x128xf32>
      %slice3A_279 = vector.extract_strided_slice %slice3A_278 {offsets = [0, 0, 0], sizes = [2, 16, 128], strides = [1, 1, 1]} : vector<4x16x128xf32> to vector<2x16x128xf32>
      %slice3A_280 = vector.extract_strided_slice %slice3A_278 {offsets = [2, 0, 0], sizes = [2, 16, 128], strides = [1, 1, 1]} : vector<4x16x128xf32> to vector<2x16x128xf32>
      %mul3A_281 = arith.mulf %slice3A_279, %slice3A_280 : vector<2x16x128xf32>
      %slice3A_282 = vector.extract_strided_slice %mul3A_281 {offsets = [0, 0, 0], sizes = [1, 16, 128], strides = [1, 1, 1]} : vector<2x16x128xf32> to vector<1x16x128xf32>
      %squeeze3A_283 = vector.shape_cast %slice3A_282 : vector<1x16x128xf32> to vector<16x128xf32>
      %slice3A_284 = vector.extract_strided_slice %mul3A_281 {offsets = [1, 0, 0], sizes = [1, 16, 128], strides = [1, 1, 1]} : vector<2x16x128xf32> to vector<1x16x128xf32>
      %squeeze3A_285 = vector.shape_cast %slice3A_284 : vector<1x16x128xf32> to vector<16x128xf32>
      %mul3A_286 = arith.mulf %squeeze3A_283, %squeeze3A_285 : vector<16x128xf32>
      %log3A_287 = math.log %mul3A_286 : vector<16x128xf32>
      %add3A_288 = arith.addf %add3A_277, %log3A_287 : vector<16x128xf32>
      %slice3A_289 = vector.extract_strided_slice %and3A_61 {offsets = [48, 0], sizes = [16, 128], strides = [1, 1]} : vector<256x128xi1> to vector<16x128xi1>
      %jit3A_290 = arith.constant 0.000000e+00 : f32
      %broadcast_in_dim3A_291 = vector.broadcast %jit3A_290 : f32 to vector<16x128xf32>
      %select_n3A_292 = arith.select %slice3A_289, %add3A_288, %broadcast_in_dim3A_291 : vector<16x128xi1>, vector<16x128xf32>
      %reduce_sum3A_293 = vector.shape_cast %select_n3A_292 : vector<16x128xf32> to vector<1x16x128xf32>
      %reduce_sum3A_294 = arith.constant dense<0.000000e+00> : vector<1xf32>
      %reduce_sum3A_295 = vector.multi_reduction <add>, %reduce_sum3A_293, %reduce_sum3A_294 [1, 2] : vector<1x16x128xf32> to vector<1xf32>
      %reduce_sum3A_296 = vector.shape_cast %reduce_sum3A_295 : vector<1xf32> to vector<1x1x1xf32>
      %reduce_sum3A_297 = vector.extract %reduce_sum3A_296[0, 0, 0] : f32 from vector<1x1x1xf32>
      %add3A_298 = arith.addf %add3A_238, %reduce_sum3A_297 : f32
      %slice3A_299 = vector.extract_strided_slice %exp3A {offsets = [64, 0], sizes = [16, 128], strides = [1, 1]} : vector<256x128xf32> to vector<16x128xf32>
      %broadcast_in_dim3A_300 = vector.shape_cast %slice3A_299 : vector<16x128xf32> to vector<1x16x128xf32>
      %broadcast_in_dim3A_301 = vector.broadcast %broadcast_in_dim3A_300 : vector<1x16x128xf32> to vector<16x16x128xf32>
      %mul3A_302 = arith.mulf %get3A_58, %broadcast_in_dim3A_301 : vector<16x16x128xf32>
      %add3A_303 = arith.constant 1.000000e+00 : f32
      %add3A_304 = vector.broadcast %add3A_303 : f32 to vector<16x16x128xf32>
      %add3A_305 = arith.addf %add3A_304, %mul3A_302 : vector<16x16x128xf32>
      %slice3A_306 = vector.extract_strided_slice %add3A_305 {offsets = [0, 0, 0], sizes = [4, 16, 128], strides = [1, 1, 1]} : vector<16x16x128xf32> to vector<4x16x128xf32>
      %slice3A_307 = vector.extract_strided_slice %slice3A_306 {offsets = [0, 0, 0], sizes = [2, 16, 128], strides = [1, 1, 1]} : vector<4x16x128xf32> to vector<2x16x128xf32>
      %slice3A_308 = vector.extract_strided_slice %slice3A_306 {offsets = [2, 0, 0], sizes = [2, 16, 128], strides = [1, 1, 1]} : vector<4x16x128xf32> to vector<2x16x128xf32>
      %mul3A_309 = arith.mulf %slice3A_307, %slice3A_308 : vector<2x16x128xf32>
      %slice3A_310 = vector.extract_strided_slice %mul3A_309 {offsets = [0, 0, 0], sizes = [1, 16, 128], strides = [1, 1, 1]} : vector<2x16x128xf32> to vector<1x16x128xf32>
      %squeeze3A_311 = vector.shape_cast %slice3A_310 : vector<1x16x128xf32> to vector<16x128xf32>
      %slice3A_312 = vector.extract_strided_slice %mul3A_309 {offsets = [1, 0, 0], sizes = [1, 16, 128], strides = [1, 1, 1]} : vector<2x16x128xf32> to vector<1x16x128xf32>
      %squeeze3A_313 = vector.shape_cast %slice3A_312 : vector<1x16x128xf32> to vector<16x128xf32>
      %mul3A_314 = arith.mulf %squeeze3A_311, %squeeze3A_313 : vector<16x128xf32>
      %log3A_315 = math.log %mul3A_314 : vector<16x128xf32>
      %slice3A_316 = vector.extract_strided_slice %add3A_305 {offsets = [4, 0, 0], sizes = [4, 16, 128], strides = [1, 1, 1]} : vector<16x16x128xf32> to vector<4x16x128xf32>
      %slice3A_317 = vector.extract_strided_slice %slice3A_316 {offsets = [0, 0, 0], sizes = [2, 16, 128], strides = [1, 1, 1]} : vector<4x16x128xf32> to vector<2x16x128xf32>
      %slice3A_318 = vector.extract_strided_slice %slice3A_316 {offsets = [2, 0, 0], sizes = [2, 16, 128], strides = [1, 1, 1]} : vector<4x16x128xf32> to vector<2x16x128xf32>
      %mul3A_319 = arith.mulf %slice3A_317, %slice3A_318 : vector<2x16x128xf32>
      %slice3A_320 = vector.extract_strided_slice %mul3A_319 {offsets = [0, 0, 0], sizes = [1, 16, 128], strides = [1, 1, 1]} : vector<2x16x128xf32> to vector<1x16x128xf32>
      %squeeze3A_321 = vector.shape_cast %slice3A_320 : vector<1x16x128xf32> to vector<16x128xf32>
      %slice3A_322 = vector.extract_strided_slice %mul3A_319 {offsets = [1, 0, 0], sizes = [1, 16, 128], strides = [1, 1, 1]} : vector<2x16x128xf32> to vector<1x16x128xf32>
      %squeeze3A_323 = vector.shape_cast %slice3A_322 : vector<1x16x128xf32> to vector<16x128xf32>
      %mul3A_324 = arith.mulf %squeeze3A_321, %squeeze3A_323 : vector<16x128xf32>
      %log3A_325 = math.log %mul3A_324 : vector<16x128xf32>
      %add3A_326 = arith.addf %log3A_315, %log3A_325 : vector<16x128xf32>
      %slice3A_327 = vector.extract_strided_slice %add3A_305 {offsets = [8, 0, 0], sizes = [4, 16, 128], strides = [1, 1, 1]} : vector<16x16x128xf32> to vector<4x16x128xf32>
      %slice3A_328 = vector.extract_strided_slice %slice3A_327 {offsets = [0, 0, 0], sizes = [2, 16, 128], strides = [1, 1, 1]} : vector<4x16x128xf32> to vector<2x16x128xf32>
      %slice3A_329 = vector.extract_strided_slice %slice3A_327 {offsets = [2, 0, 0], sizes = [2, 16, 128], strides = [1, 1, 1]} : vector<4x16x128xf32> to vector<2x16x128xf32>
      %mul3A_330 = arith.mulf %slice3A_328, %slice3A_329 : vector<2x16x128xf32>
      %slice3A_331 = vector.extract_strided_slice %mul3A_330 {offsets = [0, 0, 0], sizes = [1, 16, 128], strides = [1, 1, 1]} : vector<2x16x128xf32> to vector<1x16x128xf32>
      %squeeze3A_332 = vector.shape_cast %slice3A_331 : vector<1x16x128xf32> to vector<16x128xf32>
      %slice3A_333 = vector.extract_strided_slice %mul3A_330 {offsets = [1, 0, 0], sizes = [1, 16, 128], strides = [1, 1, 1]} : vector<2x16x128xf32> to vector<1x16x128xf32>
      %squeeze3A_334 = vector.shape_cast %slice3A_333 : vector<1x16x128xf32> to vector<16x128xf32>
      %mul3A_335 = arith.mulf %squeeze3A_332, %squeeze3A_334 : vector<16x128xf32>
      %log3A_336 = math.log %mul3A_335 : vector<16x128xf32>
      %add3A_337 = arith.addf %add3A_326, %log3A_336 : vector<16x128xf32>
      %slice3A_338 = vector.extract_strided_slice %add3A_305 {offsets = [12, 0, 0], sizes = [4, 16, 128], strides = [1, 1, 1]} : vector<16x16x128xf32> to vector<4x16x128xf32>
      %slice3A_339 = vector.extract_strided_slice %slice3A_338 {offsets = [0, 0, 0], sizes = [2, 16, 128], strides = [1, 1, 1]} : vector<4x16x128xf32> to vector<2x16x128xf32>
      %slice3A_340 = vector.extract_strided_slice %slice3A_338 {offsets = [2, 0, 0], sizes = [2, 16, 128], strides = [1, 1, 1]} : vector<4x16x128xf32> to vector<2x16x128xf32>
      %mul3A_341 = arith.mulf %slice3A_339, %slice3A_340 : vector<2x16x128xf32>
      %slice3A_342 = vector.extract_strided_slice %mul3A_341 {offsets = [0, 0, 0], sizes = [1, 16, 128], strides = [1, 1, 1]} : vector<2x16x128xf32> to vector<1x16x128xf32>
      %squeeze3A_343 = vector.shape_cast %slice3A_342 : vector<1x16x128xf32> to vector<16x128xf32>
      %slice3A_344 = vector.extract_strided_slice %mul3A_341 {offsets = [1, 0, 0], sizes = [1, 16, 128], strides = [1, 1, 1]} : vector<2x16x128xf32> to vector<1x16x128xf32>
      %squeeze3A_345 = vector.shape_cast %slice3A_344 : vector<1x16x128xf32> to vector<16x128xf32>
      %mul3A_346 = arith.mulf %squeeze3A_343, %squeeze3A_345 : vector<16x128xf32>
      %log3A_347 = math.log %mul3A_346 : vector<16x128xf32>
      %add3A_348 = arith.addf %add3A_337, %log3A_347 : vector<16x128xf32>
      %slice3A_349 = vector.extract_strided_slice %and3A_61 {offsets = [64, 0], sizes = [16, 128], strides = [1, 1]} : vector<256x128xi1> to vector<16x128xi1>
      %jit3A_350 = arith.constant 0.000000e+00 : f32
      %broadcast_in_dim3A_351 = vector.broadcast %jit3A_350 : f32 to vector<16x128xf32>
      %select_n3A_352 = arith.select %slice3A_349, %add3A_348, %broadcast_in_dim3A_351 : vector<16x128xi1>, vector<16x128xf32>
      %reduce_sum3A_353 = vector.shape_cast %select_n3A_352 : vector<16x128xf32> to vector<1x16x128xf32>
      %reduce_sum3A_354 = arith.constant dense<0.000000e+00> : vector<1xf32>
      %reduce_sum3A_355 = vector.multi_reduction <add>, %reduce_sum3A_353, %reduce_sum3A_354 [1, 2] : vector<1x16x128xf32> to vector<1xf32>
      %reduce_sum3A_356 = vector.shape_cast %reduce_sum3A_355 : vector<1xf32> to vector<1x1x1xf32>
      %reduce_sum3A_357 = vector.extract %reduce_sum3A_356[0, 0, 0] : f32 from vector<1x1x1xf32>
      %add3A_358 = arith.addf %add3A_298, %reduce_sum3A_357 : f32
      %slice3A_359 = vector.extract_strided_slice %exp3A {offsets = [80, 0], sizes = [16, 128], strides = [1, 1]} : vector<256x128xf32> to vector<16x128xf32>
      %broadcast_in_dim3A_360 = vector.shape_cast %slice3A_359 : vector<16x128xf32> to vector<1x16x128xf32>
      %broadcast_in_dim3A_361 = vector.broadcast %broadcast_in_dim3A_360 : vector<1x16x128xf32> to vector<16x16x128xf32>
      %mul3A_362 = arith.mulf %get3A_58, %broadcast_in_dim3A_361 : vector<16x16x128xf32>
      %add3A_363 = arith.constant 1.000000e+00 : f32
      %add3A_364 = vector.broadcast %add3A_363 : f32 to vector<16x16x128xf32>
      %add3A_365 = arith.addf %add3A_364, %mul3A_362 : vector<16x16x128xf32>
      %slice3A_366 = vector.extract_strided_slice %add3A_365 {offsets = [0, 0, 0], sizes = [4, 16, 128], strides = [1, 1, 1]} : vector<16x16x128xf32> to vector<4x16x128xf32>
      %slice3A_367 = vector.extract_strided_slice %slice3A_366 {offsets = [0, 0, 0], sizes = [2, 16, 128], strides = [1, 1, 1]} : vector<4x16x128xf32> to vector<2x16x128xf32>
      %slice3A_368 = vector.extract_strided_slice %slice3A_366 {offsets = [2, 0, 0], sizes = [2, 16, 128], strides = [1, 1, 1]} : vector<4x16x128xf32> to vector<2x16x128xf32>
      %mul3A_369 = arith.mulf %slice3A_367, %slice3A_368 : vector<2x16x128xf32>
      %slice3A_370 = vector.extract_strided_slice %mul3A_369 {offsets = [0, 0, 0], sizes = [1, 16, 128], strides = [1, 1, 1]} : vector<2x16x128xf32> to vector<1x16x128xf32>
      %squeeze3A_371 = vector.shape_cast %slice3A_370 : vector<1x16x128xf32> to vector<16x128xf32>
      %slice3A_372 = vector.extract_strided_slice %mul3A_369 {offsets = [1, 0, 0], sizes = [1, 16, 128], strides = [1, 1, 1]} : vector<2x16x128xf32> to vector<1x16x128xf32>
      %squeeze3A_373 = vector.shape_cast %slice3A_372 : vector<1x16x128xf32> to vector<16x128xf32>
      %mul3A_374 = arith.mulf %squeeze3A_371, %squeeze3A_373 : vector<16x128xf32>
      %log3A_375 = math.log %mul3A_374 : vector<16x128xf32>
      %slice3A_376 = vector.extract_strided_slice %add3A_365 {offsets = [4, 0, 0], sizes = [4, 16, 128], strides = [1, 1, 1]} : vector<16x16x128xf32> to vector<4x16x128xf32>
      %slice3A_377 = vector.extract_strided_slice %slice3A_376 {offsets = [0, 0, 0], sizes = [2, 16, 128], strides = [1, 1, 1]} : vector<4x16x128xf32> to vector<2x16x128xf32>
      %slice3A_378 = vector.extract_strided_slice %slice3A_376 {offsets = [2, 0, 0], sizes = [2, 16, 128], strides = [1, 1, 1]} : vector<4x16x128xf32> to vector<2x16x128xf32>
      %mul3A_379 = arith.mulf %slice3A_377, %slice3A_378 : vector<2x16x128xf32>
      %slice3A_380 = vector.extract_strided_slice %mul3A_379 {offsets = [0, 0, 0], sizes = [1, 16, 128], strides = [1, 1, 1]} : vector<2x16x128xf32> to vector<1x16x128xf32>
      %squeeze3A_381 = vector.shape_cast %slice3A_380 : vector<1x16x128xf32> to vector<16x128xf32>
      %slice3A_382 = vector.extract_strided_slice %mul3A_379 {offsets = [1, 0, 0], sizes = [1, 16, 128], strides = [1, 1, 1]} : vector<2x16x128xf32> to vector<1x16x128xf32>
      %squeeze3A_383 = vector.shape_cast %slice3A_382 : vector<1x16x128xf32> to vector<16x128xf32>
      %mul3A_384 = arith.mulf %squeeze3A_381, %squeeze3A_383 : vector<16x128xf32>
      %log3A_385 = math.log %mul3A_384 : vector<16x128xf32>
      %add3A_386 = arith.addf %log3A_375, %log3A_385 : vector<16x128xf32>
      %slice3A_387 = vector.extract_strided_slice %add3A_365 {offsets = [8, 0, 0], sizes = [4, 16, 128], strides = [1, 1, 1]} : vector<16x16x128xf32> to vector<4x16x128xf32>
      %slice3A_388 = vector.extract_strided_slice %slice3A_387 {offsets = [0, 0, 0], sizes = [2, 16, 128], strides = [1, 1, 1]} : vector<4x16x128xf32> to vector<2x16x128xf32>
      %slice3A_389 = vector.extract_strided_slice %slice3A_387 {offsets = [2, 0, 0], sizes = [2, 16, 128], strides = [1, 1, 1]} : vector<4x16x128xf32> to vector<2x16x128xf32>
      %mul3A_390 = arith.mulf %slice3A_388, %slice3A_389 : vector<2x16x128xf32>
      %slice3A_391 = vector.extract_strided_slice %mul3A_390 {offsets = [0, 0, 0], sizes = [1, 16, 128], strides = [1, 1, 1]} : vector<2x16x128xf32> to vector<1x16x128xf32>
      %squeeze3A_392 = vector.shape_cast %slice3A_391 : vector<1x16x128xf32> to vector<16x128xf32>
      %slice3A_393 = vector.extract_strided_slice %mul3A_390 {offsets = [1, 0, 0], sizes = [1, 16, 128], strides = [1, 1, 1]} : vector<2x16x128xf32> to vector<1x16x128xf32>
      %squeeze3A_394 = vector.shape_cast %slice3A_393 : vector<1x16x128xf32> to vector<16x128xf32>
      %mul3A_395 = arith.mulf %squeeze3A_392, %squeeze3A_394 : vector<16x128xf32>
      %log3A_396 = math.log %mul3A_395 : vector<16x128xf32>
      %add3A_397 = arith.addf %add3A_386, %log3A_396 : vector<16x128xf32>
      %slice3A_398 = vector.extract_strided_slice %add3A_365 {offsets = [12, 0, 0], sizes = [4, 16, 128], strides = [1, 1, 1]} : vector<16x16x128xf32> to vector<4x16x128xf32>
      %slice3A_399 = vector.extract_strided_slice %slice3A_398 {offsets = [0, 0, 0], sizes = [2, 16, 128], strides = [1, 1, 1]} : vector<4x16x128xf32> to vector<2x16x128xf32>
      %slice3A_400 = vector.extract_strided_slice %slice3A_398 {offsets = [2, 0, 0], sizes = [2, 16, 128], strides = [1, 1, 1]} : vector<4x16x128xf32> to vector<2x16x128xf32>
      %mul3A_401 = arith.mulf %slice3A_399, %slice3A_400 : vector<2x16x128xf32>
      %slice3A_402 = vector.extract_strided_slice %mul3A_401 {offsets = [0, 0, 0], sizes = [1, 16, 128], strides = [1, 1, 1]} : vector<2x16x128xf32> to vector<1x16x128xf32>
      %squeeze3A_403 = vector.shape_cast %slice3A_402 : vector<1x16x128xf32> to vector<16x128xf32>
      %slice3A_404 = vector.extract_strided_slice %mul3A_401 {offsets = [1, 0, 0], sizes = [1, 16, 128], strides = [1, 1, 1]} : vector<2x16x128xf32> to vector<1x16x128xf32>
      %squeeze3A_405 = vector.shape_cast %slice3A_404 : vector<1x16x128xf32> to vector<16x128xf32>
      %mul3A_406 = arith.mulf %squeeze3A_403, %squeeze3A_405 : vector<16x128xf32>
      %log3A_407 = math.log %mul3A_406 : vector<16x128xf32>
      %add3A_408 = arith.addf %add3A_397, %log3A_407 : vector<16x128xf32>
      %slice3A_409 = vector.extract_strided_slice %and3A_61 {offsets = [80, 0], sizes = [16, 128], strides = [1, 1]} : vector<256x128xi1> to vector<16x128xi1>
      %jit3A_410 = arith.constant 0.000000e+00 : f32
      %broadcast_in_dim3A_411 = vector.broadcast %jit3A_410 : f32 to vector<16x128xf32>
      %select_n3A_412 = arith.select %slice3A_409, %add3A_408, %broadcast_in_dim3A_411 : vector<16x128xi1>, vector<16x128xf32>
      %reduce_sum3A_413 = vector.shape_cast %select_n3A_412 : vector<16x128xf32> to vector<1x16x128xf32>
      %reduce_sum3A_414 = arith.constant dense<0.000000e+00> : vector<1xf32>
      %reduce_sum3A_415 = vector.multi_reduction <add>, %reduce_sum3A_413, %reduce_sum3A_414 [1, 2] : vector<1x16x128xf32> to vector<1xf32>
      %reduce_sum3A_416 = vector.shape_cast %reduce_sum3A_415 : vector<1xf32> to vector<1x1x1xf32>
      %reduce_sum3A_417 = vector.extract %reduce_sum3A_416[0, 0, 0] : f32 from vector<1x1x1xf32>
      %add3A_418 = arith.addf %add3A_358, %reduce_sum3A_417 : f32
      %slice3A_419 = vector.extract_strided_slice %exp3A {offsets = [96, 0], sizes = [16, 128], strides = [1, 1]} : vector<256x128xf32> to vector<16x128xf32>
      %broadcast_in_dim3A_420 = vector.shape_cast %slice3A_419 : vector<16x128xf32> to vector<1x16x128xf32>
      %broadcast_in_dim3A_421 = vector.broadcast %broadcast_in_dim3A_420 : vector<1x16x128xf32> to vector<16x16x128xf32>
      %mul3A_422 = arith.mulf %get3A_58, %broadcast_in_dim3A_421 : vector<16x16x128xf32>
      %add3A_423 = arith.constant 1.000000e+00 : f32
      %add3A_424 = vector.broadcast %add3A_423 : f32 to vector<16x16x128xf32>
      %add3A_425 = arith.addf %add3A_424, %mul3A_422 : vector<16x16x128xf32>
      %slice3A_426 = vector.extract_strided_slice %add3A_425 {offsets = [0, 0, 0], sizes = [4, 16, 128], strides = [1, 1, 1]} : vector<16x16x128xf32> to vector<4x16x128xf32>
      %slice3A_427 = vector.extract_strided_slice %slice3A_426 {offsets = [0, 0, 0], sizes = [2, 16, 128], strides = [1, 1, 1]} : vector<4x16x128xf32> to vector<2x16x128xf32>
      %slice3A_428 = vector.extract_strided_slice %slice3A_426 {offsets = [2, 0, 0], sizes = [2, 16, 128], strides = [1, 1, 1]} : vector<4x16x128xf32> to vector<2x16x128xf32>
      %mul3A_429 = arith.mulf %slice3A_427, %slice3A_428 : vector<2x16x128xf32>
      %slice3A_430 = vector.extract_strided_slice %mul3A_429 {offsets = [0, 0, 0], sizes = [1, 16, 128], strides = [1, 1, 1]} : vector<2x16x128xf32> to vector<1x16x128xf32>
      %squeeze3A_431 = vector.shape_cast %slice3A_430 : vector<1x16x128xf32> to vector<16x128xf32>
      %slice3A_432 = vector.extract_strided_slice %mul3A_429 {offsets = [1, 0, 0], sizes = [1, 16, 128], strides = [1, 1, 1]} : vector<2x16x128xf32> to vector<1x16x128xf32>
      %squeeze3A_433 = vector.shape_cast %slice3A_432 : vector<1x16x128xf32> to vector<16x128xf32>
      %mul3A_434 = arith.mulf %squeeze3A_431, %squeeze3A_433 : vector<16x128xf32>
      %log3A_435 = math.log %mul3A_434 : vector<16x128xf32>
      %slice3A_436 = vector.extract_strided_slice %add3A_425 {offsets = [4, 0, 0], sizes = [4, 16, 128], strides = [1, 1, 1]} : vector<16x16x128xf32> to vector<4x16x128xf32>
      %slice3A_437 = vector.extract_strided_slice %slice3A_436 {offsets = [0, 0, 0], sizes = [2, 16, 128], strides = [1, 1, 1]} : vector<4x16x128xf32> to vector<2x16x128xf32>
      %slice3A_438 = vector.extract_strided_slice %slice3A_436 {offsets = [2, 0, 0], sizes = [2, 16, 128], strides = [1, 1, 1]} : vector<4x16x128xf32> to vector<2x16x128xf32>
      %mul3A_439 = arith.mulf %slice3A_437, %slice3A_438 : vector<2x16x128xf32>
      %slice3A_440 = vector.extract_strided_slice %mul3A_439 {offsets = [0, 0, 0], sizes = [1, 16, 128], strides = [1, 1, 1]} : vector<2x16x128xf32> to vector<1x16x128xf32>
      %squeeze3A_441 = vector.shape_cast %slice3A_440 : vector<1x16x128xf32> to vector<16x128xf32>
      %slice3A_442 = vector.extract_strided_slice %mul3A_439 {offsets = [1, 0, 0], sizes = [1, 16, 128], strides = [1, 1, 1]} : vector<2x16x128xf32> to vector<1x16x128xf32>
      %squeeze3A_443 = vector.shape_cast %slice3A_442 : vector<1x16x128xf32> to vector<16x128xf32>
      %mul3A_444 = arith.mulf %squeeze3A_441, %squeeze3A_443 : vector<16x128xf32>
      %log3A_445 = math.log %mul3A_444 : vector<16x128xf32>
      %add3A_446 = arith.addf %log3A_435, %log3A_445 : vector<16x128xf32>
      %slice3A_447 = vector.extract_strided_slice %add3A_425 {offsets = [8, 0, 0], sizes = [4, 16, 128], strides = [1, 1, 1]} : vector<16x16x128xf32> to vector<4x16x128xf32>
      %slice3A_448 = vector.extract_strided_slice %slice3A_447 {offsets = [0, 0, 0], sizes = [2, 16, 128], strides = [1, 1, 1]} : vector<4x16x128xf32> to vector<2x16x128xf32>
      %slice3A_449 = vector.extract_strided_slice %slice3A_447 {offsets = [2, 0, 0], sizes = [2, 16, 128], strides = [1, 1, 1]} : vector<4x16x128xf32> to vector<2x16x128xf32>
      %mul3A_450 = arith.mulf %slice3A_448, %slice3A_449 : vector<2x16x128xf32>
      %slice3A_451 = vector.extract_strided_slice %mul3A_450 {offsets = [0, 0, 0], sizes = [1, 16, 128], strides = [1, 1, 1]} : vector<2x16x128xf32> to vector<1x16x128xf32>
      %squeeze3A_452 = vector.shape_cast %slice3A_451 : vector<1x16x128xf32> to vector<16x128xf32>
      %slice3A_453 = vector.extract_strided_slice %mul3A_450 {offsets = [1, 0, 0], sizes = [1, 16, 128], strides = [1, 1, 1]} : vector<2x16x128xf32> to vector<1x16x128xf32>
      %squeeze3A_454 = vector.shape_cast %slice3A_453 : vector<1x16x128xf32> to vector<16x128xf32>
      %mul3A_455 = arith.mulf %squeeze3A_452, %squeeze3A_454 : vector<16x128xf32>
      %log3A_456 = math.log %mul3A_455 : vector<16x128xf32>
      %add3A_457 = arith.addf %add3A_446, %log3A_456 : vector<16x128xf32>
      %slice3A_458 = vector.extract_strided_slice %add3A_425 {offsets = [12, 0, 0], sizes = [4, 16, 128], strides = [1, 1, 1]} : vector<16x16x128xf32> to vector<4x16x128xf32>
      %slice3A_459 = vector.extract_strided_slice %slice3A_458 {offsets = [0, 0, 0], sizes = [2, 16, 128], strides = [1, 1, 1]} : vector<4x16x128xf32> to vector<2x16x128xf32>
      %slice3A_460 = vector.extract_strided_slice %slice3A_458 {offsets = [2, 0, 0], sizes = [2, 16, 128], strides = [1, 1, 1]} : vector<4x16x128xf32> to vector<2x16x128xf32>
      %mul3A_461 = arith.mulf %slice3A_459, %slice3A_460 : vector<2x16x128xf32>
      %slice3A_462 = vector.extract_strided_slice %mul3A_461 {offsets = [0, 0, 0], sizes = [1, 16, 128], strides = [1, 1, 1]} : vector<2x16x128xf32> to vector<1x16x128xf32>
      %squeeze3A_463 = vector.shape_cast %slice3A_462 : vector<1x16x128xf32> to vector<16x128xf32>
      %slice3A_464 = vector.extract_strided_slice %mul3A_461 {offsets = [1, 0, 0], sizes = [1, 16, 128], strides = [1, 1, 1]} : vector<2x16x128xf32> to vector<1x16x128xf32>
      %squeeze3A_465 = vector.shape_cast %slice3A_464 : vector<1x16x128xf32> to vector<16x128xf32>
      %mul3A_466 = arith.mulf %squeeze3A_463, %squeeze3A_465 : vector<16x128xf32>
      %log3A_467 = math.log %mul3A_466 : vector<16x128xf32>
      %add3A_468 = arith.addf %add3A_457, %log3A_467 : vector<16x128xf32>
      %slice3A_469 = vector.extract_strided_slice %and3A_61 {offsets = [96, 0], sizes = [16, 128], strides = [1, 1]} : vector<256x128xi1> to vector<16x128xi1>
      %jit3A_470 = arith.constant 0.000000e+00 : f32
      %broadcast_in_dim3A_471 = vector.broadcast %jit3A_470 : f32 to vector<16x128xf32>
      %select_n3A_472 = arith.select %slice3A_469, %add3A_468, %broadcast_in_dim3A_471 : vector<16x128xi1>, vector<16x128xf32>
      %reduce_sum3A_473 = vector.shape_cast %select_n3A_472 : vector<16x128xf32> to vector<1x16x128xf32>
      %reduce_sum3A_474 = arith.constant dense<0.000000e+00> : vector<1xf32>
      %reduce_sum3A_475 = vector.multi_reduction <add>, %reduce_sum3A_473, %reduce_sum3A_474 [1, 2] : vector<1x16x128xf32> to vector<1xf32>
      %reduce_sum3A_476 = vector.shape_cast %reduce_sum3A_475 : vector<1xf32> to vector<1x1x1xf32>
      %reduce_sum3A_477 = vector.extract %reduce_sum3A_476[0, 0, 0] : f32 from vector<1x1x1xf32>
      %add3A_478 = arith.addf %add3A_418, %reduce_sum3A_477 : f32
      %slice3A_479 = vector.extract_strided_slice %exp3A {offsets = [112, 0], sizes = [16, 128], strides = [1, 1]} : vector<256x128xf32> to vector<16x128xf32>
      %broadcast_in_dim3A_480 = vector.shape_cast %slice3A_479 : vector<16x128xf32> to vector<1x16x128xf32>
      %broadcast_in_dim3A_481 = vector.broadcast %broadcast_in_dim3A_480 : vector<1x16x128xf32> to vector<16x16x128xf32>
      %mul3A_482 = arith.mulf %get3A_58, %broadcast_in_dim3A_481 : vector<16x16x128xf32>
      %add3A_483 = arith.constant 1.000000e+00 : f32
      %add3A_484 = vector.broadcast %add3A_483 : f32 to vector<16x16x128xf32>
      %add3A_485 = arith.addf %add3A_484, %mul3A_482 : vector<16x16x128xf32>
      %slice3A_486 = vector.extract_strided_slice %add3A_485 {offsets = [0, 0, 0], sizes = [4, 16, 128], strides = [1, 1, 1]} : vector<16x16x128xf32> to vector<4x16x128xf32>
      %slice3A_487 = vector.extract_strided_slice %slice3A_486 {offsets = [0, 0, 0], sizes = [2, 16, 128], strides = [1, 1, 1]} : vector<4x16x128xf32> to vector<2x16x128xf32>
      %slice3A_488 = vector.extract_strided_slice %slice3A_486 {offsets = [2, 0, 0], sizes = [2, 16, 128], strides = [1, 1, 1]} : vector<4x16x128xf32> to vector<2x16x128xf32>
      %mul3A_489 = arith.mulf %slice3A_487, %slice3A_488 : vector<2x16x128xf32>
      %slice3A_490 = vector.extract_strided_slice %mul3A_489 {offsets = [0, 0, 0], sizes = [1, 16, 128], strides = [1, 1, 1]} : vector<2x16x128xf32> to vector<1x16x128xf32>
      %squeeze3A_491 = vector.shape_cast %slice3A_490 : vector<1x16x128xf32> to vector<16x128xf32>
      %slice3A_492 = vector.extract_strided_slice %mul3A_489 {offsets = [1, 0, 0], sizes = [1, 16, 128], strides = [1, 1, 1]} : vector<2x16x128xf32> to vector<1x16x128xf32>
      %squeeze3A_493 = vector.shape_cast %slice3A_492 : vector<1x16x128xf32> to vector<16x128xf32>
      %mul3A_494 = arith.mulf %squeeze3A_491, %squeeze3A_493 : vector<16x128xf32>
      %log3A_495 = math.log %mul3A_494 : vector<16x128xf32>
      %slice3A_496 = vector.extract_strided_slice %add3A_485 {offsets = [4, 0, 0], sizes = [4, 16, 128], strides = [1, 1, 1]} : vector<16x16x128xf32> to vector<4x16x128xf32>
      %slice3A_497 = vector.extract_strided_slice %slice3A_496 {offsets = [0, 0, 0], sizes = [2, 16, 128], strides = [1, 1, 1]} : vector<4x16x128xf32> to vector<2x16x128xf32>
      %slice3A_498 = vector.extract_strided_slice %slice3A_496 {offsets = [2, 0, 0], sizes = [2, 16, 128], strides = [1, 1, 1]} : vector<4x16x128xf32> to vector<2x16x128xf32>
      %mul3A_499 = arith.mulf %slice3A_497, %slice3A_498 : vector<2x16x128xf32>
      %slice3A_500 = vector.extract_strided_slice %mul3A_499 {offsets = [0, 0, 0], sizes = [1, 16, 128], strides = [1, 1, 1]} : vector<2x16x128xf32> to vector<1x16x128xf32>
      %squeeze3A_501 = vector.shape_cast %slice3A_500 : vector<1x16x128xf32> to vector<16x128xf32>
      %slice3A_502 = vector.extract_strided_slice %mul3A_499 {offsets = [1, 0, 0], sizes = [1, 16, 128], strides = [1, 1, 1]} : vector<2x16x128xf32> to vector<1x16x128xf32>
      %squeeze3A_503 = vector.shape_cast %slice3A_502 : vector<1x16x128xf32> to vector<16x128xf32>
      %mul3A_504 = arith.mulf %squeeze3A_501, %squeeze3A_503 : vector<16x128xf32>
      %log3A_505 = math.log %mul3A_504 : vector<16x128xf32>
      %add3A_506 = arith.addf %log3A_495, %log3A_505 : vector<16x128xf32>
      %slice3A_507 = vector.extract_strided_slice %add3A_485 {offsets = [8, 0, 0], sizes = [4, 16, 128], strides = [1, 1, 1]} : vector<16x16x128xf32> to vector<4x16x128xf32>
      %slice3A_508 = vector.extract_strided_slice %slice3A_507 {offsets = [0, 0, 0], sizes = [2, 16, 128], strides = [1, 1, 1]} : vector<4x16x128xf32> to vector<2x16x128xf32>
      %slice3A_509 = vector.extract_strided_slice %slice3A_507 {offsets = [2, 0, 0], sizes = [2, 16, 128], strides = [1, 1, 1]} : vector<4x16x128xf32> to vector<2x16x128xf32>
      %mul3A_510 = arith.mulf %slice3A_508, %slice3A_509 : vector<2x16x128xf32>
      %slice3A_511 = vector.extract_strided_slice %mul3A_510 {offsets = [0, 0, 0], sizes = [1, 16, 128], strides = [1, 1, 1]} : vector<2x16x128xf32> to vector<1x16x128xf32>
      %squeeze3A_512 = vector.shape_cast %slice3A_511 : vector<1x16x128xf32> to vector<16x128xf32>
      %slice3A_513 = vector.extract_strided_slice %mul3A_510 {offsets = [1, 0, 0], sizes = [1, 16, 128], strides = [1, 1, 1]} : vector<2x16x128xf32> to vector<1x16x128xf32>
      %squeeze3A_514 = vector.shape_cast %slice3A_513 : vector<1x16x128xf32> to vector<16x128xf32>
      %mul3A_515 = arith.mulf %squeeze3A_512, %squeeze3A_514 : vector<16x128xf32>
      %log3A_516 = math.log %mul3A_515 : vector<16x128xf32>
      %add3A_517 = arith.addf %add3A_506, %log3A_516 : vector<16x128xf32>
      %slice3A_518 = vector.extract_strided_slice %add3A_485 {offsets = [12, 0, 0], sizes = [4, 16, 128], strides = [1, 1, 1]} : vector<16x16x128xf32> to vector<4x16x128xf32>
      %slice3A_519 = vector.extract_strided_slice %slice3A_518 {offsets = [0, 0, 0], sizes = [2, 16, 128], strides = [1, 1, 1]} : vector<4x16x128xf32> to vector<2x16x128xf32>
      %slice3A_520 = vector.extract_strided_slice %slice3A_518 {offsets = [2, 0, 0], sizes = [2, 16, 128], strides = [1, 1, 1]} : vector<4x16x128xf32> to vector<2x16x128xf32>
      %mul3A_521 = arith.mulf %slice3A_519, %slice3A_520 : vector<2x16x128xf32>
      %slice3A_522 = vector.extract_strided_slice %mul3A_521 {offsets = [0, 0, 0], sizes = [1, 16, 128], strides = [1, 1, 1]} : vector<2x16x128xf32> to vector<1x16x128xf32>
      %squeeze3A_523 = vector.shape_cast %slice3A_522 : vector<1x16x128xf32> to vector<16x128xf32>
      %slice3A_524 = vector.extract_strided_slice %mul3A_521 {offsets = [1, 0, 0], sizes = [1, 16, 128], strides = [1, 1, 1]} : vector<2x16x128xf32> to vector<1x16x128xf32>
      %squeeze3A_525 = vector.shape_cast %slice3A_524 : vector<1x16x128xf32> to vector<16x128xf32>
      %mul3A_526 = arith.mulf %squeeze3A_523, %squeeze3A_525 : vector<16x128xf32>
      %log3A_527 = math.log %mul3A_526 : vector<16x128xf32>
      %add3A_528 = arith.addf %add3A_517, %log3A_527 : vector<16x128xf32>
      %slice3A_529 = vector.extract_strided_slice %and3A_61 {offsets = [112, 0], sizes = [16, 128], strides = [1, 1]} : vector<256x128xi1> to vector<16x128xi1>
      %jit3A_530 = arith.constant 0.000000e+00 : f32
      %broadcast_in_dim3A_531 = vector.broadcast %jit3A_530 : f32 to vector<16x128xf32>
      %select_n3A_532 = arith.select %slice3A_529, %add3A_528, %broadcast_in_dim3A_531 : vector<16x128xi1>, vector<16x128xf32>
      %reduce_sum3A_533 = vector.shape_cast %select_n3A_532 : vector<16x128xf32> to vector<1x16x128xf32>
      %reduce_sum3A_534 = arith.constant dense<0.000000e+00> : vector<1xf32>
      %reduce_sum3A_535 = vector.multi_reduction <add>, %reduce_sum3A_533, %reduce_sum3A_534 [1, 2] : vector<1x16x128xf32> to vector<1xf32>
      %reduce_sum3A_536 = vector.shape_cast %reduce_sum3A_535 : vector<1xf32> to vector<1x1x1xf32>
      %reduce_sum3A_537 = vector.extract %reduce_sum3A_536[0, 0, 0] : f32 from vector<1x1x1xf32>
      %add3A_538 = arith.addf %add3A_478, %reduce_sum3A_537 : f32
      %slice3A_539 = vector.extract_strided_slice %exp3A {offsets = [128, 0], sizes = [16, 128], strides = [1, 1]} : vector<256x128xf32> to vector<16x128xf32>
      %broadcast_in_dim3A_540 = vector.shape_cast %slice3A_539 : vector<16x128xf32> to vector<1x16x128xf32>
      %broadcast_in_dim3A_541 = vector.broadcast %broadcast_in_dim3A_540 : vector<1x16x128xf32> to vector<16x16x128xf32>
      %mul3A_542 = arith.mulf %get3A_58, %broadcast_in_dim3A_541 : vector<16x16x128xf32>
      %add3A_543 = arith.constant 1.000000e+00 : f32
      %add3A_544 = vector.broadcast %add3A_543 : f32 to vector<16x16x128xf32>
      %add3A_545 = arith.addf %add3A_544, %mul3A_542 : vector<16x16x128xf32>
      %slice3A_546 = vector.extract_strided_slice %add3A_545 {offsets = [0, 0, 0], sizes = [4, 16, 128], strides = [1, 1, 1]} : vector<16x16x128xf32> to vector<4x16x128xf32>
      %slice3A_547 = vector.extract_strided_slice %slice3A_546 {offsets = [0, 0, 0], sizes = [2, 16, 128], strides = [1, 1, 1]} : vector<4x16x128xf32> to vector<2x16x128xf32>
      %slice3A_548 = vector.extract_strided_slice %slice3A_546 {offsets = [2, 0, 0], sizes = [2, 16, 128], strides = [1, 1, 1]} : vector<4x16x128xf32> to vector<2x16x128xf32>
      %mul3A_549 = arith.mulf %slice3A_547, %slice3A_548 : vector<2x16x128xf32>
      %slice3A_550 = vector.extract_strided_slice %mul3A_549 {offsets = [0, 0, 0], sizes = [1, 16, 128], strides = [1, 1, 1]} : vector<2x16x128xf32> to vector<1x16x128xf32>
      %squeeze3A_551 = vector.shape_cast %slice3A_550 : vector<1x16x128xf32> to vector<16x128xf32>
      %slice3A_552 = vector.extract_strided_slice %mul3A_549 {offsets = [1, 0, 0], sizes = [1, 16, 128], strides = [1, 1, 1]} : vector<2x16x128xf32> to vector<1x16x128xf32>
      %squeeze3A_553 = vector.shape_cast %slice3A_552 : vector<1x16x128xf32> to vector<16x128xf32>
      %mul3A_554 = arith.mulf %squeeze3A_551, %squeeze3A_553 : vector<16x128xf32>
      %log3A_555 = math.log %mul3A_554 : vector<16x128xf32>
      %slice3A_556 = vector.extract_strided_slice %add3A_545 {offsets = [4, 0, 0], sizes = [4, 16, 128], strides = [1, 1, 1]} : vector<16x16x128xf32> to vector<4x16x128xf32>
      %slice3A_557 = vector.extract_strided_slice %slice3A_556 {offsets = [0, 0, 0], sizes = [2, 16, 128], strides = [1, 1, 1]} : vector<4x16x128xf32> to vector<2x16x128xf32>
      %slice3A_558 = vector.extract_strided_slice %slice3A_556 {offsets = [2, 0, 0], sizes = [2, 16, 128], strides = [1, 1, 1]} : vector<4x16x128xf32> to vector<2x16x128xf32>
      %mul3A_559 = arith.mulf %slice3A_557, %slice3A_558 : vector<2x16x128xf32>
      %slice3A_560 = vector.extract_strided_slice %mul3A_559 {offsets = [0, 0, 0], sizes = [1, 16, 128], strides = [1, 1, 1]} : vector<2x16x128xf32> to vector<1x16x128xf32>
      %squeeze3A_561 = vector.shape_cast %slice3A_560 : vector<1x16x128xf32> to vector<16x128xf32>
      %slice3A_562 = vector.extract_strided_slice %mul3A_559 {offsets = [1, 0, 0], sizes = [1, 16, 128], strides = [1, 1, 1]} : vector<2x16x128xf32> to vector<1x16x128xf32>
      %squeeze3A_563 = vector.shape_cast %slice3A_562 : vector<1x16x128xf32> to vector<16x128xf32>
      %mul3A_564 = arith.mulf %squeeze3A_561, %squeeze3A_563 : vector<16x128xf32>
      %log3A_565 = math.log %mul3A_564 : vector<16x128xf32>
      %add3A_566 = arith.addf %log3A_555, %log3A_565 : vector<16x128xf32>
      %slice3A_567 = vector.extract_strided_slice %add3A_545 {offsets = [8, 0, 0], sizes = [4, 16, 128], strides = [1, 1, 1]} : vector<16x16x128xf32> to vector<4x16x128xf32>
      %slice3A_568 = vector.extract_strided_slice %slice3A_567 {offsets = [0, 0, 0], sizes = [2, 16, 128], strides = [1, 1, 1]} : vector<4x16x128xf32> to vector<2x16x128xf32>
      %slice3A_569 = vector.extract_strided_slice %slice3A_567 {offsets = [2, 0, 0], sizes = [2, 16, 128], strides = [1, 1, 1]} : vector<4x16x128xf32> to vector<2x16x128xf32>
      %mul3A_570 = arith.mulf %slice3A_568, %slice3A_569 : vector<2x16x128xf32>
      %slice3A_571 = vector.extract_strided_slice %mul3A_570 {offsets = [0, 0, 0], sizes = [1, 16, 128], strides = [1, 1, 1]} : vector<2x16x128xf32> to vector<1x16x128xf32>
      %squeeze3A_572 = vector.shape_cast %slice3A_571 : vector<1x16x128xf32> to vector<16x128xf32>
      %slice3A_573 = vector.extract_strided_slice %mul3A_570 {offsets = [1, 0, 0], sizes = [1, 16, 128], strides = [1, 1, 1]} : vector<2x16x128xf32> to vector<1x16x128xf32>
      %squeeze3A_574 = vector.shape_cast %slice3A_573 : vector<1x16x128xf32> to vector<16x128xf32>
      %mul3A_575 = arith.mulf %squeeze3A_572, %squeeze3A_574 : vector<16x128xf32>
      %log3A_576 = math.log %mul3A_575 : vector<16x128xf32>
      %add3A_577 = arith.addf %add3A_566, %log3A_576 : vector<16x128xf32>
      %slice3A_578 = vector.extract_strided_slice %add3A_545 {offsets = [12, 0, 0], sizes = [4, 16, 128], strides = [1, 1, 1]} : vector<16x16x128xf32> to vector<4x16x128xf32>
      %slice3A_579 = vector.extract_strided_slice %slice3A_578 {offsets = [0, 0, 0], sizes = [2, 16, 128], strides = [1, 1, 1]} : vector<4x16x128xf32> to vector<2x16x128xf32>
      %slice3A_580 = vector.extract_strided_slice %slice3A_578 {offsets = [2, 0, 0], sizes = [2, 16, 128], strides = [1, 1, 1]} : vector<4x16x128xf32> to vector<2x16x128xf32>
      %mul3A_581 = arith.mulf %slice3A_579, %slice3A_580 : vector<2x16x128xf32>
      %slice3A_582 = vector.extract_strided_slice %mul3A_581 {offsets = [0, 0, 0], sizes = [1, 16, 128], strides = [1, 1, 1]} : vector<2x16x128xf32> to vector<1x16x128xf32>
      %squeeze3A_583 = vector.shape_cast %slice3A_582 : vector<1x16x128xf32> to vector<16x128xf32>
      %slice3A_584 = vector.extract_strided_slice %mul3A_581 {offsets = [1, 0, 0], sizes = [1, 16, 128], strides = [1, 1, 1]} : vector<2x16x128xf32> to vector<1x16x128xf32>
      %squeeze3A_585 = vector.shape_cast %slice3A_584 : vector<1x16x128xf32> to vector<16x128xf32>
      %mul3A_586 = arith.mulf %squeeze3A_583, %squeeze3A_585 : vector<16x128xf32>
      %log3A_587 = math.log %mul3A_586 : vector<16x128xf32>
      %add3A_588 = arith.addf %add3A_577, %log3A_587 : vector<16x128xf32>
      %slice3A_589 = vector.extract_strided_slice %and3A_61 {offsets = [128, 0], sizes = [16, 128], strides = [1, 1]} : vector<256x128xi1> to vector<16x128xi1>
      %jit3A_590 = arith.constant 0.000000e+00 : f32
      %broadcast_in_dim3A_591 = vector.broadcast %jit3A_590 : f32 to vector<16x128xf32>
      %select_n3A_592 = arith.select %slice3A_589, %add3A_588, %broadcast_in_dim3A_591 : vector<16x128xi1>, vector<16x128xf32>
      %reduce_sum3A_593 = vector.shape_cast %select_n3A_592 : vector<16x128xf32> to vector<1x16x128xf32>
      %reduce_sum3A_594 = arith.constant dense<0.000000e+00> : vector<1xf32>
      %reduce_sum3A_595 = vector.multi_reduction <add>, %reduce_sum3A_593, %reduce_sum3A_594 [1, 2] : vector<1x16x128xf32> to vector<1xf32>
      %reduce_sum3A_596 = vector.shape_cast %reduce_sum3A_595 : vector<1xf32> to vector<1x1x1xf32>
      %reduce_sum3A_597 = vector.extract %reduce_sum3A_596[0, 0, 0] : f32 from vector<1x1x1xf32>
      %add3A_598 = arith.addf %add3A_538, %reduce_sum3A_597 : f32
      %slice3A_599 = vector.extract_strided_slice %exp3A {offsets = [144, 0], sizes = [16, 128], strides = [1, 1]} : vector<256x128xf32> to vector<16x128xf32>
      %broadcast_in_dim3A_600 = vector.shape_cast %slice3A_599 : vector<16x128xf32> to vector<1x16x128xf32>
      %broadcast_in_dim3A_601 = vector.broadcast %broadcast_in_dim3A_600 : vector<1x16x128xf32> to vector<16x16x128xf32>
      %mul3A_602 = arith.mulf %get3A_58, %broadcast_in_dim3A_601 : vector<16x16x128xf32>
      %add3A_603 = arith.constant 1.000000e+00 : f32
      %add3A_604 = vector.broadcast %add3A_603 : f32 to vector<16x16x128xf32>
      %add3A_605 = arith.addf %add3A_604, %mul3A_602 : vector<16x16x128xf32>
      %slice3A_606 = vector.extract_strided_slice %add3A_605 {offsets = [0, 0, 0], sizes = [4, 16, 128], strides = [1, 1, 1]} : vector<16x16x128xf32> to vector<4x16x128xf32>
      %slice3A_607 = vector.extract_strided_slice %slice3A_606 {offsets = [0, 0, 0], sizes = [2, 16, 128], strides = [1, 1, 1]} : vector<4x16x128xf32> to vector<2x16x128xf32>
      %slice3A_608 = vector.extract_strided_slice %slice3A_606 {offsets = [2, 0, 0], sizes = [2, 16, 128], strides = [1, 1, 1]} : vector<4x16x128xf32> to vector<2x16x128xf32>
      %mul3A_609 = arith.mulf %slice3A_607, %slice3A_608 : vector<2x16x128xf32>
      %slice3A_610 = vector.extract_strided_slice %mul3A_609 {offsets = [0, 0, 0], sizes = [1, 16, 128], strides = [1, 1, 1]} : vector<2x16x128xf32> to vector<1x16x128xf32>
      %squeeze3A_611 = vector.shape_cast %slice3A_610 : vector<1x16x128xf32> to vector<16x128xf32>
      %slice3A_612 = vector.extract_strided_slice %mul3A_609 {offsets = [1, 0, 0], sizes = [1, 16, 128], strides = [1, 1, 1]} : vector<2x16x128xf32> to vector<1x16x128xf32>
      %squeeze3A_613 = vector.shape_cast %slice3A_612 : vector<1x16x128xf32> to vector<16x128xf32>
      %mul3A_614 = arith.mulf %squeeze3A_611, %squeeze3A_613 : vector<16x128xf32>
      %log3A_615 = math.log %mul3A_614 : vector<16x128xf32>
      %slice3A_616 = vector.extract_strided_slice %add3A_605 {offsets = [4, 0, 0], sizes = [4, 16, 128], strides = [1, 1, 1]} : vector<16x16x128xf32> to vector<4x16x128xf32>
      %slice3A_617 = vector.extract_strided_slice %slice3A_616 {offsets = [0, 0, 0], sizes = [2, 16, 128], strides = [1, 1, 1]} : vector<4x16x128xf32> to vector<2x16x128xf32>
      %slice3A_618 = vector.extract_strided_slice %slice3A_616 {offsets = [2, 0, 0], sizes = [2, 16, 128], strides = [1, 1, 1]} : vector<4x16x128xf32> to vector<2x16x128xf32>
      %mul3A_619 = arith.mulf %slice3A_617, %slice3A_618 : vector<2x16x128xf32>
      %slice3A_620 = vector.extract_strided_slice %mul3A_619 {offsets = [0, 0, 0], sizes = [1, 16, 128], strides = [1, 1, 1]} : vector<2x16x128xf32> to vector<1x16x128xf32>
      %squeeze3A_621 = vector.shape_cast %slice3A_620 : vector<1x16x128xf32> to vector<16x128xf32>
      %slice3A_622 = vector.extract_strided_slice %mul3A_619 {offsets = [1, 0, 0], sizes = [1, 16, 128], strides = [1, 1, 1]} : vector<2x16x128xf32> to vector<1x16x128xf32>
      %squeeze3A_623 = vector.shape_cast %slice3A_622 : vector<1x16x128xf32> to vector<16x128xf32>
      %mul3A_624 = arith.mulf %squeeze3A_621, %squeeze3A_623 : vector<16x128xf32>
      %log3A_625 = math.log %mul3A_624 : vector<16x128xf32>
      %add3A_626 = arith.addf %log3A_615, %log3A_625 : vector<16x128xf32>
      %slice3A_627 = vector.extract_strided_slice %add3A_605 {offsets = [8, 0, 0], sizes = [4, 16, 128], strides = [1, 1, 1]} : vector<16x16x128xf32> to vector<4x16x128xf32>
      %slice3A_628 = vector.extract_strided_slice %slice3A_627 {offsets = [0, 0, 0], sizes = [2, 16, 128], strides = [1, 1, 1]} : vector<4x16x128xf32> to vector<2x16x128xf32>
      %slice3A_629 = vector.extract_strided_slice %slice3A_627 {offsets = [2, 0, 0], sizes = [2, 16, 128], strides = [1, 1, 1]} : vector<4x16x128xf32> to vector<2x16x128xf32>
      %mul3A_630 = arith.mulf %slice3A_628, %slice3A_629 : vector<2x16x128xf32>
      %slice3A_631 = vector.extract_strided_slice %mul3A_630 {offsets = [0, 0, 0], sizes = [1, 16, 128], strides = [1, 1, 1]} : vector<2x16x128xf32> to vector<1x16x128xf32>
      %squeeze3A_632 = vector.shape_cast %slice3A_631 : vector<1x16x128xf32> to vector<16x128xf32>
      %slice3A_633 = vector.extract_strided_slice %mul3A_630 {offsets = [1, 0, 0], sizes = [1, 16, 128], strides = [1, 1, 1]} : vector<2x16x128xf32> to vector<1x16x128xf32>
      %squeeze3A_634 = vector.shape_cast %slice3A_633 : vector<1x16x128xf32> to vector<16x128xf32>
      %mul3A_635 = arith.mulf %squeeze3A_632, %squeeze3A_634 : vector<16x128xf32>
      %log3A_636 = math.log %mul3A_635 : vector<16x128xf32>
      %add3A_637 = arith.addf %add3A_626, %log3A_636 : vector<16x128xf32>
      %slice3A_638 = vector.extract_strided_slice %add3A_605 {offsets = [12, 0, 0], sizes = [4, 16, 128], strides = [1, 1, 1]} : vector<16x16x128xf32> to vector<4x16x128xf32>
      %slice3A_639 = vector.extract_strided_slice %slice3A_638 {offsets = [0, 0, 0], sizes = [2, 16, 128], strides = [1, 1, 1]} : vector<4x16x128xf32> to vector<2x16x128xf32>
      %slice3A_640 = vector.extract_strided_slice %slice3A_638 {offsets = [2, 0, 0], sizes = [2, 16, 128], strides = [1, 1, 1]} : vector<4x16x128xf32> to vector<2x16x128xf32>
      %mul3A_641 = arith.mulf %slice3A_639, %slice3A_640 : vector<2x16x128xf32>
      %slice3A_642 = vector.extract_strided_slice %mul3A_641 {offsets = [0, 0, 0], sizes = [1, 16, 128], strides = [1, 1, 1]} : vector<2x16x128xf32> to vector<1x16x128xf32>
      %squeeze3A_643 = vector.shape_cast %slice3A_642 : vector<1x16x128xf32> to vector<16x128xf32>
      %slice3A_644 = vector.extract_strided_slice %mul3A_641 {offsets = [1, 0, 0], sizes = [1, 16, 128], strides = [1, 1, 1]} : vector<2x16x128xf32> to vector<1x16x128xf32>
      %squeeze3A_645 = vector.shape_cast %slice3A_644 : vector<1x16x128xf32> to vector<16x128xf32>
      %mul3A_646 = arith.mulf %squeeze3A_643, %squeeze3A_645 : vector<16x128xf32>
      %log3A_647 = math.log %mul3A_646 : vector<16x128xf32>
      %add3A_648 = arith.addf %add3A_637, %log3A_647 : vector<16x128xf32>
      %slice3A_649 = vector.extract_strided_slice %and3A_61 {offsets = [144, 0], sizes = [16, 128], strides = [1, 1]} : vector<256x128xi1> to vector<16x128xi1>
      %jit3A_650 = arith.constant 0.000000e+00 : f32
      %broadcast_in_dim3A_651 = vector.broadcast %jit3A_650 : f32 to vector<16x128xf32>
      %select_n3A_652 = arith.select %slice3A_649, %add3A_648, %broadcast_in_dim3A_651 : vector<16x128xi1>, vector<16x128xf32>
      %reduce_sum3A_653 = vector.shape_cast %select_n3A_652 : vector<16x128xf32> to vector<1x16x128xf32>
      %reduce_sum3A_654 = arith.constant dense<0.000000e+00> : vector<1xf32>
      %reduce_sum3A_655 = vector.multi_reduction <add>, %reduce_sum3A_653, %reduce_sum3A_654 [1, 2] : vector<1x16x128xf32> to vector<1xf32>
      %reduce_sum3A_656 = vector.shape_cast %reduce_sum3A_655 : vector<1xf32> to vector<1x1x1xf32>
      %reduce_sum3A_657 = vector.extract %reduce_sum3A_656[0, 0, 0] : f32 from vector<1x1x1xf32>
      %add3A_658 = arith.addf %add3A_598, %reduce_sum3A_657 : f32
      %slice3A_659 = vector.extract_strided_slice %exp3A {offsets = [160, 0], sizes = [16, 128], strides = [1, 1]} : vector<256x128xf32> to vector<16x128xf32>
      %broadcast_in_dim3A_660 = vector.shape_cast %slice3A_659 : vector<16x128xf32> to vector<1x16x128xf32>
      %broadcast_in_dim3A_661 = vector.broadcast %broadcast_in_dim3A_660 : vector<1x16x128xf32> to vector<16x16x128xf32>
      %mul3A_662 = arith.mulf %get3A_58, %broadcast_in_dim3A_661 : vector<16x16x128xf32>
      %add3A_663 = arith.constant 1.000000e+00 : f32
      %add3A_664 = vector.broadcast %add3A_663 : f32 to vector<16x16x128xf32>
      %add3A_665 = arith.addf %add3A_664, %mul3A_662 : vector<16x16x128xf32>
      %slice3A_666 = vector.extract_strided_slice %add3A_665 {offsets = [0, 0, 0], sizes = [4, 16, 128], strides = [1, 1, 1]} : vector<16x16x128xf32> to vector<4x16x128xf32>
      %slice3A_667 = vector.extract_strided_slice %slice3A_666 {offsets = [0, 0, 0], sizes = [2, 16, 128], strides = [1, 1, 1]} : vector<4x16x128xf32> to vector<2x16x128xf32>
      %slice3A_668 = vector.extract_strided_slice %slice3A_666 {offsets = [2, 0, 0], sizes = [2, 16, 128], strides = [1, 1, 1]} : vector<4x16x128xf32> to vector<2x16x128xf32>
      %mul3A_669 = arith.mulf %slice3A_667, %slice3A_668 : vector<2x16x128xf32>
      %slice3A_670 = vector.extract_strided_slice %mul3A_669 {offsets = [0, 0, 0], sizes = [1, 16, 128], strides = [1, 1, 1]} : vector<2x16x128xf32> to vector<1x16x128xf32>
      %squeeze3A_671 = vector.shape_cast %slice3A_670 : vector<1x16x128xf32> to vector<16x128xf32>
      %slice3A_672 = vector.extract_strided_slice %mul3A_669 {offsets = [1, 0, 0], sizes = [1, 16, 128], strides = [1, 1, 1]} : vector<2x16x128xf32> to vector<1x16x128xf32>
      %squeeze3A_673 = vector.shape_cast %slice3A_672 : vector<1x16x128xf32> to vector<16x128xf32>
      %mul3A_674 = arith.mulf %squeeze3A_671, %squeeze3A_673 : vector<16x128xf32>
      %log3A_675 = math.log %mul3A_674 : vector<16x128xf32>
      %slice3A_676 = vector.extract_strided_slice %add3A_665 {offsets = [4, 0, 0], sizes = [4, 16, 128], strides = [1, 1, 1]} : vector<16x16x128xf32> to vector<4x16x128xf32>
      %slice3A_677 = vector.extract_strided_slice %slice3A_676 {offsets = [0, 0, 0], sizes = [2, 16, 128], strides = [1, 1, 1]} : vector<4x16x128xf32> to vector<2x16x128xf32>
      %slice3A_678 = vector.extract_strided_slice %slice3A_676 {offsets = [2, 0, 0], sizes = [2, 16, 128], strides = [1, 1, 1]} : vector<4x16x128xf32> to vector<2x16x128xf32>
      %mul3A_679 = arith.mulf %slice3A_677, %slice3A_678 : vector<2x16x128xf32>
      %slice3A_680 = vector.extract_strided_slice %mul3A_679 {offsets = [0, 0, 0], sizes = [1, 16, 128], strides = [1, 1, 1]} : vector<2x16x128xf32> to vector<1x16x128xf32>
      %squeeze3A_681 = vector.shape_cast %slice3A_680 : vector<1x16x128xf32> to vector<16x128xf32>
      %slice3A_682 = vector.extract_strided_slice %mul3A_679 {offsets = [1, 0, 0], sizes = [1, 16, 128], strides = [1, 1, 1]} : vector<2x16x128xf32> to vector<1x16x128xf32>
      %squeeze3A_683 = vector.shape_cast %slice3A_682 : vector<1x16x128xf32> to vector<16x128xf32>
      %mul3A_684 = arith.mulf %squeeze3A_681, %squeeze3A_683 : vector<16x128xf32>
      %log3A_685 = math.log %mul3A_684 : vector<16x128xf32>
      %add3A_686 = arith.addf %log3A_675, %log3A_685 : vector<16x128xf32>
      %slice3A_687 = vector.extract_strided_slice %add3A_665 {offsets = [8, 0, 0], sizes = [4, 16, 128], strides = [1, 1, 1]} : vector<16x16x128xf32> to vector<4x16x128xf32>
      %slice3A_688 = vector.extract_strided_slice %slice3A_687 {offsets = [0, 0, 0], sizes = [2, 16, 128], strides = [1, 1, 1]} : vector<4x16x128xf32> to vector<2x16x128xf32>
      %slice3A_689 = vector.extract_strided_slice %slice3A_687 {offsets = [2, 0, 0], sizes = [2, 16, 128], strides = [1, 1, 1]} : vector<4x16x128xf32> to vector<2x16x128xf32>
      %mul3A_690 = arith.mulf %slice3A_688, %slice3A_689 : vector<2x16x128xf32>
      %slice3A_691 = vector.extract_strided_slice %mul3A_690 {offsets = [0, 0, 0], sizes = [1, 16, 128], strides = [1, 1, 1]} : vector<2x16x128xf32> to vector<1x16x128xf32>
      %squeeze3A_692 = vector.shape_cast %slice3A_691 : vector<1x16x128xf32> to vector<16x128xf32>
      %slice3A_693 = vector.extract_strided_slice %mul3A_690 {offsets = [1, 0, 0], sizes = [1, 16, 128], strides = [1, 1, 1]} : vector<2x16x128xf32> to vector<1x16x128xf32>
      %squeeze3A_694 = vector.shape_cast %slice3A_693 : vector<1x16x128xf32> to vector<16x128xf32>
      %mul3A_695 = arith.mulf %squeeze3A_692, %squeeze3A_694 : vector<16x128xf32>
      %log3A_696 = math.log %mul3A_695 : vector<16x128xf32>
      %add3A_697 = arith.addf %add3A_686, %log3A_696 : vector<16x128xf32>
      %slice3A_698 = vector.extract_strided_slice %add3A_665 {offsets = [12, 0, 0], sizes = [4, 16, 128], strides = [1, 1, 1]} : vector<16x16x128xf32> to vector<4x16x128xf32>
      %slice3A_699 = vector.extract_strided_slice %slice3A_698 {offsets = [0, 0, 0], sizes = [2, 16, 128], strides = [1, 1, 1]} : vector<4x16x128xf32> to vector<2x16x128xf32>
      %slice3A_700 = vector.extract_strided_slice %slice3A_698 {offsets = [2, 0, 0], sizes = [2, 16, 128], strides = [1, 1, 1]} : vector<4x16x128xf32> to vector<2x16x128xf32>
      %mul3A_701 = arith.mulf %slice3A_699, %slice3A_700 : vector<2x16x128xf32>
      %slice3A_702 = vector.extract_strided_slice %mul3A_701 {offsets = [0, 0, 0], sizes = [1, 16, 128], strides = [1, 1, 1]} : vector<2x16x128xf32> to vector<1x16x128xf32>
      %squeeze3A_703 = vector.shape_cast %slice3A_702 : vector<1x16x128xf32> to vector<16x128xf32>
      %slice3A_704 = vector.extract_strided_slice %mul3A_701 {offsets = [1, 0, 0], sizes = [1, 16, 128], strides = [1, 1, 1]} : vector<2x16x128xf32> to vector<1x16x128xf32>
      %squeeze3A_705 = vector.shape_cast %slice3A_704 : vector<1x16x128xf32> to vector<16x128xf32>
      %mul3A_706 = arith.mulf %squeeze3A_703, %squeeze3A_705 : vector<16x128xf32>
      %log3A_707 = math.log %mul3A_706 : vector<16x128xf32>
      %add3A_708 = arith.addf %add3A_697, %log3A_707 : vector<16x128xf32>
      %slice3A_709 = vector.extract_strided_slice %and3A_61 {offsets = [160, 0], sizes = [16, 128], strides = [1, 1]} : vector<256x128xi1> to vector<16x128xi1>
      %jit3A_710 = arith.constant 0.000000e+00 : f32
      %broadcast_in_dim3A_711 = vector.broadcast %jit3A_710 : f32 to vector<16x128xf32>
      %select_n3A_712 = arith.select %slice3A_709, %add3A_708, %broadcast_in_dim3A_711 : vector<16x128xi1>, vector<16x128xf32>
      %reduce_sum3A_713 = vector.shape_cast %select_n3A_712 : vector<16x128xf32> to vector<1x16x128xf32>
      %reduce_sum3A_714 = arith.constant dense<0.000000e+00> : vector<1xf32>
      %reduce_sum3A_715 = vector.multi_reduction <add>, %reduce_sum3A_713, %reduce_sum3A_714 [1, 2] : vector<1x16x128xf32> to vector<1xf32>
      %reduce_sum3A_716 = vector.shape_cast %reduce_sum3A_715 : vector<1xf32> to vector<1x1x1xf32>
      %reduce_sum3A_717 = vector.extract %reduce_sum3A_716[0, 0, 0] : f32 from vector<1x1x1xf32>
      %add3A_718 = arith.addf %add3A_658, %reduce_sum3A_717 : f32
      %slice3A_719 = vector.extract_strided_slice %exp3A {offsets = [176, 0], sizes = [16, 128], strides = [1, 1]} : vector<256x128xf32> to vector<16x128xf32>
      %broadcast_in_dim3A_720 = vector.shape_cast %slice3A_719 : vector<16x128xf32> to vector<1x16x128xf32>
      %broadcast_in_dim3A_721 = vector.broadcast %broadcast_in_dim3A_720 : vector<1x16x128xf32> to vector<16x16x128xf32>
      %mul3A_722 = arith.mulf %get3A_58, %broadcast_in_dim3A_721 : vector<16x16x128xf32>
      %add3A_723 = arith.constant 1.000000e+00 : f32
      %add3A_724 = vector.broadcast %add3A_723 : f32 to vector<16x16x128xf32>
      %add3A_725 = arith.addf %add3A_724, %mul3A_722 : vector<16x16x128xf32>
      %slice3A_726 = vector.extract_strided_slice %add3A_725 {offsets = [0, 0, 0], sizes = [4, 16, 128], strides = [1, 1, 1]} : vector<16x16x128xf32> to vector<4x16x128xf32>
      %slice3A_727 = vector.extract_strided_slice %slice3A_726 {offsets = [0, 0, 0], sizes = [2, 16, 128], strides = [1, 1, 1]} : vector<4x16x128xf32> to vector<2x16x128xf32>
      %slice3A_728 = vector.extract_strided_slice %slice3A_726 {offsets = [2, 0, 0], sizes = [2, 16, 128], strides = [1, 1, 1]} : vector<4x16x128xf32> to vector<2x16x128xf32>
      %mul3A_729 = arith.mulf %slice3A_727, %slice3A_728 : vector<2x16x128xf32>
      %slice3A_730 = vector.extract_strided_slice %mul3A_729 {offsets = [0, 0, 0], sizes = [1, 16, 128], strides = [1, 1, 1]} : vector<2x16x128xf32> to vector<1x16x128xf32>
      %squeeze3A_731 = vector.shape_cast %slice3A_730 : vector<1x16x128xf32> to vector<16x128xf32>
      %slice3A_732 = vector.extract_strided_slice %mul3A_729 {offsets = [1, 0, 0], sizes = [1, 16, 128], strides = [1, 1, 1]} : vector<2x16x128xf32> to vector<1x16x128xf32>
      %squeeze3A_733 = vector.shape_cast %slice3A_732 : vector<1x16x128xf32> to vector<16x128xf32>
      %mul3A_734 = arith.mulf %squeeze3A_731, %squeeze3A_733 : vector<16x128xf32>
      %log3A_735 = math.log %mul3A_734 : vector<16x128xf32>
      %slice3A_736 = vector.extract_strided_slice %add3A_725 {offsets = [4, 0, 0], sizes = [4, 16, 128], strides = [1, 1, 1]} : vector<16x16x128xf32> to vector<4x16x128xf32>
      %slice3A_737 = vector.extract_strided_slice %slice3A_736 {offsets = [0, 0, 0], sizes = [2, 16, 128], strides = [1, 1, 1]} : vector<4x16x128xf32> to vector<2x16x128xf32>
      %slice3A_738 = vector.extract_strided_slice %slice3A_736 {offsets = [2, 0, 0], sizes = [2, 16, 128], strides = [1, 1, 1]} : vector<4x16x128xf32> to vector<2x16x128xf32>
      %mul3A_739 = arith.mulf %slice3A_737, %slice3A_738 : vector<2x16x128xf32>
      %slice3A_740 = vector.extract_strided_slice %mul3A_739 {offsets = [0, 0, 0], sizes = [1, 16, 128], strides = [1, 1, 1]} : vector<2x16x128xf32> to vector<1x16x128xf32>
      %squeeze3A_741 = vector.shape_cast %slice3A_740 : vector<1x16x128xf32> to vector<16x128xf32>
      %slice3A_742 = vector.extract_strided_slice %mul3A_739 {offsets = [1, 0, 0], sizes = [1, 16, 128], strides = [1, 1, 1]} : vector<2x16x128xf32> to vector<1x16x128xf32>
      %squeeze3A_743 = vector.shape_cast %slice3A_742 : vector<1x16x128xf32> to vector<16x128xf32>
      %mul3A_744 = arith.mulf %squeeze3A_741, %squeeze3A_743 : vector<16x128xf32>
      %log3A_745 = math.log %mul3A_744 : vector<16x128xf32>
      %add3A_746 = arith.addf %log3A_735, %log3A_745 : vector<16x128xf32>
      %slice3A_747 = vector.extract_strided_slice %add3A_725 {offsets = [8, 0, 0], sizes = [4, 16, 128], strides = [1, 1, 1]} : vector<16x16x128xf32> to vector<4x16x128xf32>
      %slice3A_748 = vector.extract_strided_slice %slice3A_747 {offsets = [0, 0, 0], sizes = [2, 16, 128], strides = [1, 1, 1]} : vector<4x16x128xf32> to vector<2x16x128xf32>
      %slice3A_749 = vector.extract_strided_slice %slice3A_747 {offsets = [2, 0, 0], sizes = [2, 16, 128], strides = [1, 1, 1]} : vector<4x16x128xf32> to vector<2x16x128xf32>
      %mul3A_750 = arith.mulf %slice3A_748, %slice3A_749 : vector<2x16x128xf32>
      %slice3A_751 = vector.extract_strided_slice %mul3A_750 {offsets = [0, 0, 0], sizes = [1, 16, 128], strides = [1, 1, 1]} : vector<2x16x128xf32> to vector<1x16x128xf32>
      %squeeze3A_752 = vector.shape_cast %slice3A_751 : vector<1x16x128xf32> to vector<16x128xf32>
      %slice3A_753 = vector.extract_strided_slice %mul3A_750 {offsets = [1, 0, 0], sizes = [1, 16, 128], strides = [1, 1, 1]} : vector<2x16x128xf32> to vector<1x16x128xf32>
      %squeeze3A_754 = vector.shape_cast %slice3A_753 : vector<1x16x128xf32> to vector<16x128xf32>
      %mul3A_755 = arith.mulf %squeeze3A_752, %squeeze3A_754 : vector<16x128xf32>
      %log3A_756 = math.log %mul3A_755 : vector<16x128xf32>
      %add3A_757 = arith.addf %add3A_746, %log3A_756 : vector<16x128xf32>
      %slice3A_758 = vector.extract_strided_slice %add3A_725 {offsets = [12, 0, 0], sizes = [4, 16, 128], strides = [1, 1, 1]} : vector<16x16x128xf32> to vector<4x16x128xf32>
      %slice3A_759 = vector.extract_strided_slice %slice3A_758 {offsets = [0, 0, 0], sizes = [2, 16, 128], strides = [1, 1, 1]} : vector<4x16x128xf32> to vector<2x16x128xf32>
      %slice3A_760 = vector.extract_strided_slice %slice3A_758 {offsets = [2, 0, 0], sizes = [2, 16, 128], strides = [1, 1, 1]} : vector<4x16x128xf32> to vector<2x16x128xf32>
      %mul3A_761 = arith.mulf %slice3A_759, %slice3A_760 : vector<2x16x128xf32>
      %slice3A_762 = vector.extract_strided_slice %mul3A_761 {offsets = [0, 0, 0], sizes = [1, 16, 128], strides = [1, 1, 1]} : vector<2x16x128xf32> to vector<1x16x128xf32>
      %squeeze3A_763 = vector.shape_cast %slice3A_762 : vector<1x16x128xf32> to vector<16x128xf32>
      %slice3A_764 = vector.extract_strided_slice %mul3A_761 {offsets = [1, 0, 0], sizes = [1, 16, 128], strides = [1, 1, 1]} : vector<2x16x128xf32> to vector<1x16x128xf32>
      %squeeze3A_765 = vector.shape_cast %slice3A_764 : vector<1x16x128xf32> to vector<16x128xf32>
      %mul3A_766 = arith.mulf %squeeze3A_763, %squeeze3A_765 : vector<16x128xf32>
      %log3A_767 = math.log %mul3A_766 : vector<16x128xf32>
      %add3A_768 = arith.addf %add3A_757, %log3A_767 : vector<16x128xf32>
      %slice3A_769 = vector.extract_strided_slice %and3A_61 {offsets = [176, 0], sizes = [16, 128], strides = [1, 1]} : vector<256x128xi1> to vector<16x128xi1>
      %jit3A_770 = arith.constant 0.000000e+00 : f32
      %broadcast_in_dim3A_771 = vector.broadcast %jit3A_770 : f32 to vector<16x128xf32>
      %select_n3A_772 = arith.select %slice3A_769, %add3A_768, %broadcast_in_dim3A_771 : vector<16x128xi1>, vector<16x128xf32>
      %reduce_sum3A_773 = vector.shape_cast %select_n3A_772 : vector<16x128xf32> to vector<1x16x128xf32>
      %reduce_sum3A_774 = arith.constant dense<0.000000e+00> : vector<1xf32>
      %reduce_sum3A_775 = vector.multi_reduction <add>, %reduce_sum3A_773, %reduce_sum3A_774 [1, 2] : vector<1x16x128xf32> to vector<1xf32>
      %reduce_sum3A_776 = vector.shape_cast %reduce_sum3A_775 : vector<1xf32> to vector<1x1x1xf32>
      %reduce_sum3A_777 = vector.extract %reduce_sum3A_776[0, 0, 0] : f32 from vector<1x1x1xf32>
      %add3A_778 = arith.addf %add3A_718, %reduce_sum3A_777 : f32
      %slice3A_779 = vector.extract_strided_slice %exp3A {offsets = [192, 0], sizes = [16, 128], strides = [1, 1]} : vector<256x128xf32> to vector<16x128xf32>
      %broadcast_in_dim3A_780 = vector.shape_cast %slice3A_779 : vector<16x128xf32> to vector<1x16x128xf32>
      %broadcast_in_dim3A_781 = vector.broadcast %broadcast_in_dim3A_780 : vector<1x16x128xf32> to vector<16x16x128xf32>
      %mul3A_782 = arith.mulf %get3A_58, %broadcast_in_dim3A_781 : vector<16x16x128xf32>
      %add3A_783 = arith.constant 1.000000e+00 : f32
      %add3A_784 = vector.broadcast %add3A_783 : f32 to vector<16x16x128xf32>
      %add3A_785 = arith.addf %add3A_784, %mul3A_782 : vector<16x16x128xf32>
      %slice3A_786 = vector.extract_strided_slice %add3A_785 {offsets = [0, 0, 0], sizes = [4, 16, 128], strides = [1, 1, 1]} : vector<16x16x128xf32> to vector<4x16x128xf32>
      %slice3A_787 = vector.extract_strided_slice %slice3A_786 {offsets = [0, 0, 0], sizes = [2, 16, 128], strides = [1, 1, 1]} : vector<4x16x128xf32> to vector<2x16x128xf32>
      %slice3A_788 = vector.extract_strided_slice %slice3A_786 {offsets = [2, 0, 0], sizes = [2, 16, 128], strides = [1, 1, 1]} : vector<4x16x128xf32> to vector<2x16x128xf32>
      %mul3A_789 = arith.mulf %slice3A_787, %slice3A_788 : vector<2x16x128xf32>
      %slice3A_790 = vector.extract_strided_slice %mul3A_789 {offsets = [0, 0, 0], sizes = [1, 16, 128], strides = [1, 1, 1]} : vector<2x16x128xf32> to vector<1x16x128xf32>
      %squeeze3A_791 = vector.shape_cast %slice3A_790 : vector<1x16x128xf32> to vector<16x128xf32>
      %slice3A_792 = vector.extract_strided_slice %mul3A_789 {offsets = [1, 0, 0], sizes = [1, 16, 128], strides = [1, 1, 1]} : vector<2x16x128xf32> to vector<1x16x128xf32>
      %squeeze3A_793 = vector.shape_cast %slice3A_792 : vector<1x16x128xf32> to vector<16x128xf32>
      %mul3A_794 = arith.mulf %squeeze3A_791, %squeeze3A_793 : vector<16x128xf32>
      %log3A_795 = math.log %mul3A_794 : vector<16x128xf32>
      %slice3A_796 = vector.extract_strided_slice %add3A_785 {offsets = [4, 0, 0], sizes = [4, 16, 128], strides = [1, 1, 1]} : vector<16x16x128xf32> to vector<4x16x128xf32>
      %slice3A_797 = vector.extract_strided_slice %slice3A_796 {offsets = [0, 0, 0], sizes = [2, 16, 128], strides = [1, 1, 1]} : vector<4x16x128xf32> to vector<2x16x128xf32>
      %slice3A_798 = vector.extract_strided_slice %slice3A_796 {offsets = [2, 0, 0], sizes = [2, 16, 128], strides = [1, 1, 1]} : vector<4x16x128xf32> to vector<2x16x128xf32>
      %mul3A_799 = arith.mulf %slice3A_797, %slice3A_798 : vector<2x16x128xf32>
      %slice3A_800 = vector.extract_strided_slice %mul3A_799 {offsets = [0, 0, 0], sizes = [1, 16, 128], strides = [1, 1, 1]} : vector<2x16x128xf32> to vector<1x16x128xf32>
      %squeeze3A_801 = vector.shape_cast %slice3A_800 : vector<1x16x128xf32> to vector<16x128xf32>
      %slice3A_802 = vector.extract_strided_slice %mul3A_799 {offsets = [1, 0, 0], sizes = [1, 16, 128], strides = [1, 1, 1]} : vector<2x16x128xf32> to vector<1x16x128xf32>
      %squeeze3A_803 = vector.shape_cast %slice3A_802 : vector<1x16x128xf32> to vector<16x128xf32>
      %mul3A_804 = arith.mulf %squeeze3A_801, %squeeze3A_803 : vector<16x128xf32>
      %log3A_805 = math.log %mul3A_804 : vector<16x128xf32>
      %add3A_806 = arith.addf %log3A_795, %log3A_805 : vector<16x128xf32>
      %slice3A_807 = vector.extract_strided_slice %add3A_785 {offsets = [8, 0, 0], sizes = [4, 16, 128], strides = [1, 1, 1]} : vector<16x16x128xf32> to vector<4x16x128xf32>
      %slice3A_808 = vector.extract_strided_slice %slice3A_807 {offsets = [0, 0, 0], sizes = [2, 16, 128], strides = [1, 1, 1]} : vector<4x16x128xf32> to vector<2x16x128xf32>
      %slice3A_809 = vector.extract_strided_slice %slice3A_807 {offsets = [2, 0, 0], sizes = [2, 16, 128], strides = [1, 1, 1]} : vector<4x16x128xf32> to vector<2x16x128xf32>
      %mul3A_810 = arith.mulf %slice3A_808, %slice3A_809 : vector<2x16x128xf32>
      %slice3A_811 = vector.extract_strided_slice %mul3A_810 {offsets = [0, 0, 0], sizes = [1, 16, 128], strides = [1, 1, 1]} : vector<2x16x128xf32> to vector<1x16x128xf32>
      %squeeze3A_812 = vector.shape_cast %slice3A_811 : vector<1x16x128xf32> to vector<16x128xf32>
      %slice3A_813 = vector.extract_strided_slice %mul3A_810 {offsets = [1, 0, 0], sizes = [1, 16, 128], strides = [1, 1, 1]} : vector<2x16x128xf32> to vector<1x16x128xf32>
      %squeeze3A_814 = vector.shape_cast %slice3A_813 : vector<1x16x128xf32> to vector<16x128xf32>
      %mul3A_815 = arith.mulf %squeeze3A_812, %squeeze3A_814 : vector<16x128xf32>
      %log3A_816 = math.log %mul3A_815 : vector<16x128xf32>
      %add3A_817 = arith.addf %add3A_806, %log3A_816 : vector<16x128xf32>
      %slice3A_818 = vector.extract_strided_slice %add3A_785 {offsets = [12, 0, 0], sizes = [4, 16, 128], strides = [1, 1, 1]} : vector<16x16x128xf32> to vector<4x16x128xf32>
      %slice3A_819 = vector.extract_strided_slice %slice3A_818 {offsets = [0, 0, 0], sizes = [2, 16, 128], strides = [1, 1, 1]} : vector<4x16x128xf32> to vector<2x16x128xf32>
      %slice3A_820 = vector.extract_strided_slice %slice3A_818 {offsets = [2, 0, 0], sizes = [2, 16, 128], strides = [1, 1, 1]} : vector<4x16x128xf32> to vector<2x16x128xf32>
      %mul3A_821 = arith.mulf %slice3A_819, %slice3A_820 : vector<2x16x128xf32>
      %slice3A_822 = vector.extract_strided_slice %mul3A_821 {offsets = [0, 0, 0], sizes = [1, 16, 128], strides = [1, 1, 1]} : vector<2x16x128xf32> to vector<1x16x128xf32>
      %squeeze3A_823 = vector.shape_cast %slice3A_822 : vector<1x16x128xf32> to vector<16x128xf32>
      %slice3A_824 = vector.extract_strided_slice %mul3A_821 {offsets = [1, 0, 0], sizes = [1, 16, 128], strides = [1, 1, 1]} : vector<2x16x128xf32> to vector<1x16x128xf32>
      %squeeze3A_825 = vector.shape_cast %slice3A_824 : vector<1x16x128xf32> to vector<16x128xf32>
      %mul3A_826 = arith.mulf %squeeze3A_823, %squeeze3A_825 : vector<16x128xf32>
      %log3A_827 = math.log %mul3A_826 : vector<16x128xf32>
      %add3A_828 = arith.addf %add3A_817, %log3A_827 : vector<16x128xf32>
      %slice3A_829 = vector.extract_strided_slice %and3A_61 {offsets = [192, 0], sizes = [16, 128], strides = [1, 1]} : vector<256x128xi1> to vector<16x128xi1>
      %jit3A_830 = arith.constant 0.000000e+00 : f32
      %broadcast_in_dim3A_831 = vector.broadcast %jit3A_830 : f32 to vector<16x128xf32>
      %select_n3A_832 = arith.select %slice3A_829, %add3A_828, %broadcast_in_dim3A_831 : vector<16x128xi1>, vector<16x128xf32>
      %reduce_sum3A_833 = vector.shape_cast %select_n3A_832 : vector<16x128xf32> to vector<1x16x128xf32>
      %reduce_sum3A_834 = arith.constant dense<0.000000e+00> : vector<1xf32>
      %reduce_sum3A_835 = vector.multi_reduction <add>, %reduce_sum3A_833, %reduce_sum3A_834 [1, 2] : vector<1x16x128xf32> to vector<1xf32>
      %reduce_sum3A_836 = vector.shape_cast %reduce_sum3A_835 : vector<1xf32> to vector<1x1x1xf32>
      %reduce_sum3A_837 = vector.extract %reduce_sum3A_836[0, 0, 0] : f32 from vector<1x1x1xf32>
      %add3A_838 = arith.addf %add3A_778, %reduce_sum3A_837 : f32
      %slice3A_839 = vector.extract_strided_slice %exp3A {offsets = [208, 0], sizes = [16, 128], strides = [1, 1]} : vector<256x128xf32> to vector<16x128xf32>
      %broadcast_in_dim3A_840 = vector.shape_cast %slice3A_839 : vector<16x128xf32> to vector<1x16x128xf32>
      %broadcast_in_dim3A_841 = vector.broadcast %broadcast_in_dim3A_840 : vector<1x16x128xf32> to vector<16x16x128xf32>
      %mul3A_842 = arith.mulf %get3A_58, %broadcast_in_dim3A_841 : vector<16x16x128xf32>
      %add3A_843 = arith.constant 1.000000e+00 : f32
      %add3A_844 = vector.broadcast %add3A_843 : f32 to vector<16x16x128xf32>
      %add3A_845 = arith.addf %add3A_844, %mul3A_842 : vector<16x16x128xf32>
      %slice3A_846 = vector.extract_strided_slice %add3A_845 {offsets = [0, 0, 0], sizes = [4, 16, 128], strides = [1, 1, 1]} : vector<16x16x128xf32> to vector<4x16x128xf32>
      %slice3A_847 = vector.extract_strided_slice %slice3A_846 {offsets = [0, 0, 0], sizes = [2, 16, 128], strides = [1, 1, 1]} : vector<4x16x128xf32> to vector<2x16x128xf32>
      %slice3A_848 = vector.extract_strided_slice %slice3A_846 {offsets = [2, 0, 0], sizes = [2, 16, 128], strides = [1, 1, 1]} : vector<4x16x128xf32> to vector<2x16x128xf32>
      %mul3A_849 = arith.mulf %slice3A_847, %slice3A_848 : vector<2x16x128xf32>
      %slice3A_850 = vector.extract_strided_slice %mul3A_849 {offsets = [0, 0, 0], sizes = [1, 16, 128], strides = [1, 1, 1]} : vector<2x16x128xf32> to vector<1x16x128xf32>
      %squeeze3A_851 = vector.shape_cast %slice3A_850 : vector<1x16x128xf32> to vector<16x128xf32>
      %slice3A_852 = vector.extract_strided_slice %mul3A_849 {offsets = [1, 0, 0], sizes = [1, 16, 128], strides = [1, 1, 1]} : vector<2x16x128xf32> to vector<1x16x128xf32>
      %squeeze3A_853 = vector.shape_cast %slice3A_852 : vector<1x16x128xf32> to vector<16x128xf32>
      %mul3A_854 = arith.mulf %squeeze3A_851, %squeeze3A_853 : vector<16x128xf32>
      %log3A_855 = math.log %mul3A_854 : vector<16x128xf32>
      %slice3A_856 = vector.extract_strided_slice %add3A_845 {offsets = [4, 0, 0], sizes = [4, 16, 128], strides = [1, 1, 1]} : vector<16x16x128xf32> to vector<4x16x128xf32>
      %slice3A_857 = vector.extract_strided_slice %slice3A_856 {offsets = [0, 0, 0], sizes = [2, 16, 128], strides = [1, 1, 1]} : vector<4x16x128xf32> to vector<2x16x128xf32>
      %slice3A_858 = vector.extract_strided_slice %slice3A_856 {offsets = [2, 0, 0], sizes = [2, 16, 128], strides = [1, 1, 1]} : vector<4x16x128xf32> to vector<2x16x128xf32>
      %mul3A_859 = arith.mulf %slice3A_857, %slice3A_858 : vector<2x16x128xf32>
      %slice3A_860 = vector.extract_strided_slice %mul3A_859 {offsets = [0, 0, 0], sizes = [1, 16, 128], strides = [1, 1, 1]} : vector<2x16x128xf32> to vector<1x16x128xf32>
      %squeeze3A_861 = vector.shape_cast %slice3A_860 : vector<1x16x128xf32> to vector<16x128xf32>
      %slice3A_862 = vector.extract_strided_slice %mul3A_859 {offsets = [1, 0, 0], sizes = [1, 16, 128], strides = [1, 1, 1]} : vector<2x16x128xf32> to vector<1x16x128xf32>
      %squeeze3A_863 = vector.shape_cast %slice3A_862 : vector<1x16x128xf32> to vector<16x128xf32>
      %mul3A_864 = arith.mulf %squeeze3A_861, %squeeze3A_863 : vector<16x128xf32>
      %log3A_865 = math.log %mul3A_864 : vector<16x128xf32>
      %add3A_866 = arith.addf %log3A_855, %log3A_865 : vector<16x128xf32>
      %slice3A_867 = vector.extract_strided_slice %add3A_845 {offsets = [8, 0, 0], sizes = [4, 16, 128], strides = [1, 1, 1]} : vector<16x16x128xf32> to vector<4x16x128xf32>
      %slice3A_868 = vector.extract_strided_slice %slice3A_867 {offsets = [0, 0, 0], sizes = [2, 16, 128], strides = [1, 1, 1]} : vector<4x16x128xf32> to vector<2x16x128xf32>
      %slice3A_869 = vector.extract_strided_slice %slice3A_867 {offsets = [2, 0, 0], sizes = [2, 16, 128], strides = [1, 1, 1]} : vector<4x16x128xf32> to vector<2x16x128xf32>
      %mul3A_870 = arith.mulf %slice3A_868, %slice3A_869 : vector<2x16x128xf32>
      %slice3A_871 = vector.extract_strided_slice %mul3A_870 {offsets = [0, 0, 0], sizes = [1, 16, 128], strides = [1, 1, 1]} : vector<2x16x128xf32> to vector<1x16x128xf32>
      %squeeze3A_872 = vector.shape_cast %slice3A_871 : vector<1x16x128xf32> to vector<16x128xf32>
      %slice3A_873 = vector.extract_strided_slice %mul3A_870 {offsets = [1, 0, 0], sizes = [1, 16, 128], strides = [1, 1, 1]} : vector<2x16x128xf32> to vector<1x16x128xf32>
      %squeeze3A_874 = vector.shape_cast %slice3A_873 : vector<1x16x128xf32> to vector<16x128xf32>
      %mul3A_875 = arith.mulf %squeeze3A_872, %squeeze3A_874 : vector<16x128xf32>
      %log3A_876 = math.log %mul3A_875 : vector<16x128xf32>
      %add3A_877 = arith.addf %add3A_866, %log3A_876 : vector<16x128xf32>
      %slice3A_878 = vector.extract_strided_slice %add3A_845 {offsets = [12, 0, 0], sizes = [4, 16, 128], strides = [1, 1, 1]} : vector<16x16x128xf32> to vector<4x16x128xf32>
      %slice3A_879 = vector.extract_strided_slice %slice3A_878 {offsets = [0, 0, 0], sizes = [2, 16, 128], strides = [1, 1, 1]} : vector<4x16x128xf32> to vector<2x16x128xf32>
      %slice3A_880 = vector.extract_strided_slice %slice3A_878 {offsets = [2, 0, 0], sizes = [2, 16, 128], strides = [1, 1, 1]} : vector<4x16x128xf32> to vector<2x16x128xf32>
      %mul3A_881 = arith.mulf %slice3A_879, %slice3A_880 : vector<2x16x128xf32>
      %slice3A_882 = vector.extract_strided_slice %mul3A_881 {offsets = [0, 0, 0], sizes = [1, 16, 128], strides = [1, 1, 1]} : vector<2x16x128xf32> to vector<1x16x128xf32>
      %squeeze3A_883 = vector.shape_cast %slice3A_882 : vector<1x16x128xf32> to vector<16x128xf32>
      %slice3A_884 = vector.extract_strided_slice %mul3A_881 {offsets = [1, 0, 0], sizes = [1, 16, 128], strides = [1, 1, 1]} : vector<2x16x128xf32> to vector<1x16x128xf32>
      %squeeze3A_885 = vector.shape_cast %slice3A_884 : vector<1x16x128xf32> to vector<16x128xf32>
      %mul3A_886 = arith.mulf %squeeze3A_883, %squeeze3A_885 : vector<16x128xf32>
      %log3A_887 = math.log %mul3A_886 : vector<16x128xf32>
      %add3A_888 = arith.addf %add3A_877, %log3A_887 : vector<16x128xf32>
      %slice3A_889 = vector.extract_strided_slice %and3A_61 {offsets = [208, 0], sizes = [16, 128], strides = [1, 1]} : vector<256x128xi1> to vector<16x128xi1>
      %jit3A_890 = arith.constant 0.000000e+00 : f32
      %broadcast_in_dim3A_891 = vector.broadcast %jit3A_890 : f32 to vector<16x128xf32>
      %select_n3A_892 = arith.select %slice3A_889, %add3A_888, %broadcast_in_dim3A_891 : vector<16x128xi1>, vector<16x128xf32>
      %reduce_sum3A_893 = vector.shape_cast %select_n3A_892 : vector<16x128xf32> to vector<1x16x128xf32>
      %reduce_sum3A_894 = arith.constant dense<0.000000e+00> : vector<1xf32>
      %reduce_sum3A_895 = vector.multi_reduction <add>, %reduce_sum3A_893, %reduce_sum3A_894 [1, 2] : vector<1x16x128xf32> to vector<1xf32>
      %reduce_sum3A_896 = vector.shape_cast %reduce_sum3A_895 : vector<1xf32> to vector<1x1x1xf32>
      %reduce_sum3A_897 = vector.extract %reduce_sum3A_896[0, 0, 0] : f32 from vector<1x1x1xf32>
      %add3A_898 = arith.addf %add3A_838, %reduce_sum3A_897 : f32
      %slice3A_899 = vector.extract_strided_slice %exp3A {offsets = [224, 0], sizes = [16, 128], strides = [1, 1]} : vector<256x128xf32> to vector<16x128xf32>
      %broadcast_in_dim3A_900 = vector.shape_cast %slice3A_899 : vector<16x128xf32> to vector<1x16x128xf32>
      %broadcast_in_dim3A_901 = vector.broadcast %broadcast_in_dim3A_900 : vector<1x16x128xf32> to vector<16x16x128xf32>
      %mul3A_902 = arith.mulf %get3A_58, %broadcast_in_dim3A_901 : vector<16x16x128xf32>
      %add3A_903 = arith.constant 1.000000e+00 : f32
      %add3A_904 = vector.broadcast %add3A_903 : f32 to vector<16x16x128xf32>
      %add3A_905 = arith.addf %add3A_904, %mul3A_902 : vector<16x16x128xf32>
      %slice3A_906 = vector.extract_strided_slice %add3A_905 {offsets = [0, 0, 0], sizes = [4, 16, 128], strides = [1, 1, 1]} : vector<16x16x128xf32> to vector<4x16x128xf32>
      %slice3A_907 = vector.extract_strided_slice %slice3A_906 {offsets = [0, 0, 0], sizes = [2, 16, 128], strides = [1, 1, 1]} : vector<4x16x128xf32> to vector<2x16x128xf32>
      %slice3A_908 = vector.extract_strided_slice %slice3A_906 {offsets = [2, 0, 0], sizes = [2, 16, 128], strides = [1, 1, 1]} : vector<4x16x128xf32> to vector<2x16x128xf32>
      %mul3A_909 = arith.mulf %slice3A_907, %slice3A_908 : vector<2x16x128xf32>
      %slice3A_910 = vector.extract_strided_slice %mul3A_909 {offsets = [0, 0, 0], sizes = [1, 16, 128], strides = [1, 1, 1]} : vector<2x16x128xf32> to vector<1x16x128xf32>
      %squeeze3A_911 = vector.shape_cast %slice3A_910 : vector<1x16x128xf32> to vector<16x128xf32>
      %slice3A_912 = vector.extract_strided_slice %mul3A_909 {offsets = [1, 0, 0], sizes = [1, 16, 128], strides = [1, 1, 1]} : vector<2x16x128xf32> to vector<1x16x128xf32>
      %squeeze3A_913 = vector.shape_cast %slice3A_912 : vector<1x16x128xf32> to vector<16x128xf32>
      %mul3A_914 = arith.mulf %squeeze3A_911, %squeeze3A_913 : vector<16x128xf32>
      %log3A_915 = math.log %mul3A_914 : vector<16x128xf32>
      %slice3A_916 = vector.extract_strided_slice %add3A_905 {offsets = [4, 0, 0], sizes = [4, 16, 128], strides = [1, 1, 1]} : vector<16x16x128xf32> to vector<4x16x128xf32>
      %slice3A_917 = vector.extract_strided_slice %slice3A_916 {offsets = [0, 0, 0], sizes = [2, 16, 128], strides = [1, 1, 1]} : vector<4x16x128xf32> to vector<2x16x128xf32>
      %slice3A_918 = vector.extract_strided_slice %slice3A_916 {offsets = [2, 0, 0], sizes = [2, 16, 128], strides = [1, 1, 1]} : vector<4x16x128xf32> to vector<2x16x128xf32>
      %mul3A_919 = arith.mulf %slice3A_917, %slice3A_918 : vector<2x16x128xf32>
      %slice3A_920 = vector.extract_strided_slice %mul3A_919 {offsets = [0, 0, 0], sizes = [1, 16, 128], strides = [1, 1, 1]} : vector<2x16x128xf32> to vector<1x16x128xf32>
      %squeeze3A_921 = vector.shape_cast %slice3A_920 : vector<1x16x128xf32> to vector<16x128xf32>
      %slice3A_922 = vector.extract_strided_slice %mul3A_919 {offsets = [1, 0, 0], sizes = [1, 16, 128], strides = [1, 1, 1]} : vector<2x16x128xf32> to vector<1x16x128xf32>
      %squeeze3A_923 = vector.shape_cast %slice3A_922 : vector<1x16x128xf32> to vector<16x128xf32>
      %mul3A_924 = arith.mulf %squeeze3A_921, %squeeze3A_923 : vector<16x128xf32>
      %log3A_925 = math.log %mul3A_924 : vector<16x128xf32>
      %add3A_926 = arith.addf %log3A_915, %log3A_925 : vector<16x128xf32>
      %slice3A_927 = vector.extract_strided_slice %add3A_905 {offsets = [8, 0, 0], sizes = [4, 16, 128], strides = [1, 1, 1]} : vector<16x16x128xf32> to vector<4x16x128xf32>
      %slice3A_928 = vector.extract_strided_slice %slice3A_927 {offsets = [0, 0, 0], sizes = [2, 16, 128], strides = [1, 1, 1]} : vector<4x16x128xf32> to vector<2x16x128xf32>
      %slice3A_929 = vector.extract_strided_slice %slice3A_927 {offsets = [2, 0, 0], sizes = [2, 16, 128], strides = [1, 1, 1]} : vector<4x16x128xf32> to vector<2x16x128xf32>
      %mul3A_930 = arith.mulf %slice3A_928, %slice3A_929 : vector<2x16x128xf32>
      %slice3A_931 = vector.extract_strided_slice %mul3A_930 {offsets = [0, 0, 0], sizes = [1, 16, 128], strides = [1, 1, 1]} : vector<2x16x128xf32> to vector<1x16x128xf32>
      %squeeze3A_932 = vector.shape_cast %slice3A_931 : vector<1x16x128xf32> to vector<16x128xf32>
      %slice3A_933 = vector.extract_strided_slice %mul3A_930 {offsets = [1, 0, 0], sizes = [1, 16, 128], strides = [1, 1, 1]} : vector<2x16x128xf32> to vector<1x16x128xf32>
      %squeeze3A_934 = vector.shape_cast %slice3A_933 : vector<1x16x128xf32> to vector<16x128xf32>
      %mul3A_935 = arith.mulf %squeeze3A_932, %squeeze3A_934 : vector<16x128xf32>
      %log3A_936 = math.log %mul3A_935 : vector<16x128xf32>
      %add3A_937 = arith.addf %add3A_926, %log3A_936 : vector<16x128xf32>
      %slice3A_938 = vector.extract_strided_slice %add3A_905 {offsets = [12, 0, 0], sizes = [4, 16, 128], strides = [1, 1, 1]} : vector<16x16x128xf32> to vector<4x16x128xf32>
      %slice3A_939 = vector.extract_strided_slice %slice3A_938 {offsets = [0, 0, 0], sizes = [2, 16, 128], strides = [1, 1, 1]} : vector<4x16x128xf32> to vector<2x16x128xf32>
      %slice3A_940 = vector.extract_strided_slice %slice3A_938 {offsets = [2, 0, 0], sizes = [2, 16, 128], strides = [1, 1, 1]} : vector<4x16x128xf32> to vector<2x16x128xf32>
      %mul3A_941 = arith.mulf %slice3A_939, %slice3A_940 : vector<2x16x128xf32>
      %slice3A_942 = vector.extract_strided_slice %mul3A_941 {offsets = [0, 0, 0], sizes = [1, 16, 128], strides = [1, 1, 1]} : vector<2x16x128xf32> to vector<1x16x128xf32>
      %squeeze3A_943 = vector.shape_cast %slice3A_942 : vector<1x16x128xf32> to vector<16x128xf32>
      %slice3A_944 = vector.extract_strided_slice %mul3A_941 {offsets = [1, 0, 0], sizes = [1, 16, 128], strides = [1, 1, 1]} : vector<2x16x128xf32> to vector<1x16x128xf32>
      %squeeze3A_945 = vector.shape_cast %slice3A_944 : vector<1x16x128xf32> to vector<16x128xf32>
      %mul3A_946 = arith.mulf %squeeze3A_943, %squeeze3A_945 : vector<16x128xf32>
      %log3A_947 = math.log %mul3A_946 : vector<16x128xf32>
      %add3A_948 = arith.addf %add3A_937, %log3A_947 : vector<16x128xf32>
      %slice3A_949 = vector.extract_strided_slice %and3A_61 {offsets = [224, 0], sizes = [16, 128], strides = [1, 1]} : vector<256x128xi1> to vector<16x128xi1>
      %jit3A_950 = arith.constant 0.000000e+00 : f32
      %broadcast_in_dim3A_951 = vector.broadcast %jit3A_950 : f32 to vector<16x128xf32>
      %select_n3A_952 = arith.select %slice3A_949, %add3A_948, %broadcast_in_dim3A_951 : vector<16x128xi1>, vector<16x128xf32>
      %reduce_sum3A_953 = vector.shape_cast %select_n3A_952 : vector<16x128xf32> to vector<1x16x128xf32>
      %reduce_sum3A_954 = arith.constant dense<0.000000e+00> : vector<1xf32>
      %reduce_sum3A_955 = vector.multi_reduction <add>, %reduce_sum3A_953, %reduce_sum3A_954 [1, 2] : vector<1x16x128xf32> to vector<1xf32>
      %reduce_sum3A_956 = vector.shape_cast %reduce_sum3A_955 : vector<1xf32> to vector<1x1x1xf32>
      %reduce_sum3A_957 = vector.extract %reduce_sum3A_956[0, 0, 0] : f32 from vector<1x1x1xf32>
      %add3A_958 = arith.addf %add3A_898, %reduce_sum3A_957 : f32
      %slice3A_959 = vector.extract_strided_slice %exp3A {offsets = [240, 0], sizes = [16, 128], strides = [1, 1]} : vector<256x128xf32> to vector<16x128xf32>
      %broadcast_in_dim3A_960 = vector.shape_cast %slice3A_959 : vector<16x128xf32> to vector<1x16x128xf32>
      %broadcast_in_dim3A_961 = vector.broadcast %broadcast_in_dim3A_960 : vector<1x16x128xf32> to vector<16x16x128xf32>
      %mul3A_962 = arith.mulf %get3A_58, %broadcast_in_dim3A_961 : vector<16x16x128xf32>
      %add3A_963 = arith.constant 1.000000e+00 : f32
      %add3A_964 = vector.broadcast %add3A_963 : f32 to vector<16x16x128xf32>
      %add3A_965 = arith.addf %add3A_964, %mul3A_962 : vector<16x16x128xf32>
      %slice3A_966 = vector.extract_strided_slice %add3A_965 {offsets = [0, 0, 0], sizes = [4, 16, 128], strides = [1, 1, 1]} : vector<16x16x128xf32> to vector<4x16x128xf32>
      %slice3A_967 = vector.extract_strided_slice %slice3A_966 {offsets = [0, 0, 0], sizes = [2, 16, 128], strides = [1, 1, 1]} : vector<4x16x128xf32> to vector<2x16x128xf32>
      %slice3A_968 = vector.extract_strided_slice %slice3A_966 {offsets = [2, 0, 0], sizes = [2, 16, 128], strides = [1, 1, 1]} : vector<4x16x128xf32> to vector<2x16x128xf32>
      %mul3A_969 = arith.mulf %slice3A_967, %slice3A_968 : vector<2x16x128xf32>
      %slice3A_970 = vector.extract_strided_slice %mul3A_969 {offsets = [0, 0, 0], sizes = [1, 16, 128], strides = [1, 1, 1]} : vector<2x16x128xf32> to vector<1x16x128xf32>
      %squeeze3A_971 = vector.shape_cast %slice3A_970 : vector<1x16x128xf32> to vector<16x128xf32>
      %slice3A_972 = vector.extract_strided_slice %mul3A_969 {offsets = [1, 0, 0], sizes = [1, 16, 128], strides = [1, 1, 1]} : vector<2x16x128xf32> to vector<1x16x128xf32>
      %squeeze3A_973 = vector.shape_cast %slice3A_972 : vector<1x16x128xf32> to vector<16x128xf32>
      %mul3A_974 = arith.mulf %squeeze3A_971, %squeeze3A_973 : vector<16x128xf32>
      %log3A_975 = math.log %mul3A_974 : vector<16x128xf32>
      %slice3A_976 = vector.extract_strided_slice %add3A_965 {offsets = [4, 0, 0], sizes = [4, 16, 128], strides = [1, 1, 1]} : vector<16x16x128xf32> to vector<4x16x128xf32>
      %slice3A_977 = vector.extract_strided_slice %slice3A_976 {offsets = [0, 0, 0], sizes = [2, 16, 128], strides = [1, 1, 1]} : vector<4x16x128xf32> to vector<2x16x128xf32>
      %slice3A_978 = vector.extract_strided_slice %slice3A_976 {offsets = [2, 0, 0], sizes = [2, 16, 128], strides = [1, 1, 1]} : vector<4x16x128xf32> to vector<2x16x128xf32>
      %mul3A_979 = arith.mulf %slice3A_977, %slice3A_978 : vector<2x16x128xf32>
      %slice3A_980 = vector.extract_strided_slice %mul3A_979 {offsets = [0, 0, 0], sizes = [1, 16, 128], strides = [1, 1, 1]} : vector<2x16x128xf32> to vector<1x16x128xf32>
      %squeeze3A_981 = vector.shape_cast %slice3A_980 : vector<1x16x128xf32> to vector<16x128xf32>
      %slice3A_982 = vector.extract_strided_slice %mul3A_979 {offsets = [1, 0, 0], sizes = [1, 16, 128], strides = [1, 1, 1]} : vector<2x16x128xf32> to vector<1x16x128xf32>
      %squeeze3A_983 = vector.shape_cast %slice3A_982 : vector<1x16x128xf32> to vector<16x128xf32>
      %mul3A_984 = arith.mulf %squeeze3A_981, %squeeze3A_983 : vector<16x128xf32>
      %log3A_985 = math.log %mul3A_984 : vector<16x128xf32>
      %add3A_986 = arith.addf %log3A_975, %log3A_985 : vector<16x128xf32>
      %slice3A_987 = vector.extract_strided_slice %add3A_965 {offsets = [8, 0, 0], sizes = [4, 16, 128], strides = [1, 1, 1]} : vector<16x16x128xf32> to vector<4x16x128xf32>
      %slice3A_988 = vector.extract_strided_slice %slice3A_987 {offsets = [0, 0, 0], sizes = [2, 16, 128], strides = [1, 1, 1]} : vector<4x16x128xf32> to vector<2x16x128xf32>
      %slice3A_989 = vector.extract_strided_slice %slice3A_987 {offsets = [2, 0, 0], sizes = [2, 16, 128], strides = [1, 1, 1]} : vector<4x16x128xf32> to vector<2x16x128xf32>
      %mul3A_990 = arith.mulf %slice3A_988, %slice3A_989 : vector<2x16x128xf32>
      %slice3A_991 = vector.extract_strided_slice %mul3A_990 {offsets = [0, 0, 0], sizes = [1, 16, 128], strides = [1, 1, 1]} : vector<2x16x128xf32> to vector<1x16x128xf32>
      %squeeze3A_992 = vector.shape_cast %slice3A_991 : vector<1x16x128xf32> to vector<16x128xf32>
      %slice3A_993 = vector.extract_strided_slice %mul3A_990 {offsets = [1, 0, 0], sizes = [1, 16, 128], strides = [1, 1, 1]} : vector<2x16x128xf32> to vector<1x16x128xf32>
      %squeeze3A_994 = vector.shape_cast %slice3A_993 : vector<1x16x128xf32> to vector<16x128xf32>
      %mul3A_995 = arith.mulf %squeeze3A_992, %squeeze3A_994 : vector<16x128xf32>
      %log3A_996 = math.log %mul3A_995 : vector<16x128xf32>
      %add3A_997 = arith.addf %add3A_986, %log3A_996 : vector<16x128xf32>
      %slice3A_998 = vector.extract_strided_slice %add3A_965 {offsets = [12, 0, 0], sizes = [4, 16, 128], strides = [1, 1, 1]} : vector<16x16x128xf32> to vector<4x16x128xf32>
      %slice3A_999 = vector.extract_strided_slice %slice3A_998 {offsets = [0, 0, 0], sizes = [2, 16, 128], strides = [1, 1, 1]} : vector<4x16x128xf32> to vector<2x16x128xf32>
      %slice3A_1000 = vector.extract_strided_slice %slice3A_998 {offsets = [2, 0, 0], sizes = [2, 16, 128], strides = [1, 1, 1]} : vector<4x16x128xf32> to vector<2x16x128xf32>
      %mul3A_1001 = arith.mulf %slice3A_999, %slice3A_1000 : vector<2x16x128xf32>
      %slice3A_1002 = vector.extract_strided_slice %mul3A_1001 {offsets = [0, 0, 0], sizes = [1, 16, 128], strides = [1, 1, 1]} : vector<2x16x128xf32> to vector<1x16x128xf32>
      %squeeze3A_1003 = vector.shape_cast %slice3A_1002 : vector<1x16x128xf32> to vector<16x128xf32>
      %slice3A_1004 = vector.extract_strided_slice %mul3A_1001 {offsets = [1, 0, 0], sizes = [1, 16, 128], strides = [1, 1, 1]} : vector<2x16x128xf32> to vector<1x16x128xf32>
      %squeeze3A_1005 = vector.shape_cast %slice3A_1004 : vector<1x16x128xf32> to vector<16x128xf32>
      %mul3A_1006 = arith.mulf %squeeze3A_1003, %squeeze3A_1005 : vector<16x128xf32>
      %log3A_1007 = math.log %mul3A_1006 : vector<16x128xf32>
      %add3A_1008 = arith.addf %add3A_997, %log3A_1007 : vector<16x128xf32>
      %slice3A_1009 = vector.extract_strided_slice %and3A_61 {offsets = [240, 0], sizes = [16, 128], strides = [1, 1]} : vector<256x128xi1> to vector<16x128xi1>
      %jit3A_1010 = arith.constant 0.000000e+00 : f32
      %broadcast_in_dim3A_1011 = vector.broadcast %jit3A_1010 : f32 to vector<16x128xf32>
      %select_n3A_1012 = arith.select %slice3A_1009, %add3A_1008, %broadcast_in_dim3A_1011 : vector<16x128xi1>, vector<16x128xf32>
      %reduce_sum3A_1013 = vector.shape_cast %select_n3A_1012 : vector<16x128xf32> to vector<1x16x128xf32>
      %reduce_sum3A_1014 = arith.constant dense<0.000000e+00> : vector<1xf32>
      %reduce_sum3A_1015 = vector.multi_reduction <add>, %reduce_sum3A_1013, %reduce_sum3A_1014 [1, 2] : vector<1x16x128xf32> to vector<1xf32>
      %reduce_sum3A_1016 = vector.shape_cast %reduce_sum3A_1015 : vector<1xf32> to vector<1x1x1xf32>
      %reduce_sum3A_1017 = vector.extract %reduce_sum3A_1016[0, 0, 0] : f32 from vector<1x1x1xf32>
      %add3A_1018 = arith.addf %add3A_958, %reduce_sum3A_1017 : f32
      %eq3A_1019 = vector.broadcast %while3A_51 : i32 to vector<64x1xi32>
      %eq3A_1020 = arith.cmpi eq, %iota3A_24, %eq3A_1019 : vector<64x1xi32>
      %jit3A_1021 = arith.constant 0.000000e+00 : f32
      %broadcast_in_dim3A_1022 = vector.broadcast %add3A_1018 : f32 to vector<64x1xf32>
      %broadcast_in_dim3A_1023 = vector.broadcast %jit3A_1021 : f32 to vector<64x1xf32>
      %select_n3A_1024 = arith.select %eq3A_1020, %broadcast_in_dim3A_1022, %broadcast_in_dim3A_1023 : vector<64x1xi1>, vector<64x1xf32>
      %add3A_1025 = arith.addf %while3A_52, %select_n3A_1024 : vector<64x1xf32>
      scf.yield %add3A_1025 : vector<64x1xf32>
    }
    %get3A_40 = arith.constant 0 : index
    %get3A_41 = arith.constant 0 : index
    %get3A_42 = vector.load %arg15[%get3A_40, %get3A_41] : memref<64x1xf32, #tpu.memory_space<vmem>>, vector<64x1xf32>
    %add3A_43 = arith.addf %get3A_42, %while3A_39 : vector<64x1xf32>
    %swap3A = arith.constant 0 : index
    %swap3A_44 = arith.constant 0 : index
    %swap3A_45 = vector.load %arg15[%swap3A, %swap3A_44] : memref<64x1xf32, #tpu.memory_space<vmem>>, vector<64x1xf32>
    tpu.vector_store %arg15[%swap3A, %swap3A_44], %add3A_43 {strides = array<i32>} : memref<64x1xf32, #tpu.memory_space<vmem>>, vector<64x1xf32>,
    %eq3A_46 = arith.constant 24 : i32
    %eq3A_47 = arith.cmpi eq, %arg0, %eq3A_46 : i32
    %convert_element_type3A_48 = arith.extui %eq3A_47 : i1 to i32
    %cond3A_49 = arith.constant 0 : i32
    %cond3A_50 = arith.cmpi ne, %convert_element_type3A_48, %cond3A_49 : i32
    scf.if %cond3A_50 {
      %get3A_51 = arith.constant 0 : index
      %get3A_52 = arith.constant 0 : index
      %get3A_53 = vector.load %arg13[%get3A_51, %get3A_52] : memref<64x1xf32, #tpu.memory_space<vmem>>, vector<64x1xf32>
      %get3A_54 = arith.constant 0 : index
      %get3A_55 = arith.constant 0 : index
      %get3A_56 = vector.load %arg14[%get3A_54, %get3A_55] : memref<64x1xf32, #tpu.memory_space<vmem>>, vector<64x1xf32>
      %get3A_57 = arith.constant 0 : index
      %get3A_58 = arith.constant 0 : index
      %get3A_59 = vector.load %arg15[%get3A_57, %get3A_58] : memref<64x1xf32, #tpu.memory_space<vmem>>, vector<64x1xf32>
      %mul3A_60 = arith.mulf %get3A_53, %get3A_56 : vector<64x1xf32>
      %gt3A_61 = arith.constant 0.000000e+00 : f32
      %gt3A_62 = vector.broadcast %gt3A_61 : f32 to vector<64x1xf32>
      %gt3A_63 = arith.cmpf ogt, %get3A_53, %gt3A_62 : vector<64x1xf32>
      %gt3A_64 = arith.constant 0.000000e+00 : f32
      %gt3A_65 = vector.broadcast %gt3A_64 : f32 to vector<64x1xf32>
      %gt3A_66 = arith.cmpf ogt, %get3A_56, %gt3A_65 : vector<64x1xf32>
      %and3A_67 = arith.andi %gt3A_63, %gt3A_66 : vector<64x1xi1>
      %max3A = arith.constant 1.000000e+00 : f32
      %max3A_68 = vector.broadcast %max3A : f32 to vector<64x1xf32>
      %max3A_69 = arith.maximumf %mul3A_60, %max3A_68 : vector<64x1xf32>
      %div3A = arith.divf %get3A_59, %max3A_69 : vector<64x1xf32>
      %jit3A_70 = arith.constant 0.000000e+00 : f32
      %broadcast_in_dim3A_71 = vector.broadcast %jit3A_70 : f32 to vector<64x1xf32>
      %select_n3A_72 = arith.select %and3A_67, %div3A, %broadcast_in_dim3A_71 : vector<64x1xi1>, vector<64x1xf32>
      %convert_element_type3A_73 = arith.extui %and3A_67 : vector<64x1xi1> to vector<64x1xi32>
      %convert_element_type3A_74 = arith.sitofp %convert_element_type3A_73 : vector<64x1xi32> to vector<64x1xf32>
      %reduce_sum3A = vector.shape_cast %convert_element_type3A_74 : vector<64x1xf32> to vector<1x64x1xf32>
      %reduce_sum3A_75 = arith.constant dense<0.000000e+00> : vector<1xf32>
      %reduce_sum3A_76 = vector.multi_reduction <add>, %reduce_sum3A, %reduce_sum3A_75 [1, 2] : vector<1x64x1xf32> to vector<1xf32>
      %reduce_sum3A_77 = vector.shape_cast %reduce_sum3A_76 : vector<1xf32> to vector<1x1x1xf32>
      %reduce_sum3A_78 = vector.extract %reduce_sum3A_77[0, 0, 0] : f32 from vector<1x1x1xf32>
      %reduce_sum3A_79 = vector.shape_cast %select_n3A_72 : vector<64x1xf32> to vector<1x64x1xf32>
      %reduce_sum3A_80 = arith.constant dense<0.000000e+00> : vector<1xf32>
      %reduce_sum3A_81 = vector.multi_reduction <add>, %reduce_sum3A_79, %reduce_sum3A_80 [1, 2] : vector<1x64x1xf32> to vector<1xf32>
      %reduce_sum3A_82 = vector.shape_cast %reduce_sum3A_81 : vector<1xf32> to vector<1x1x1xf32>
      %reduce_sum3A_83 = vector.extract %reduce_sum3A_82[0, 0, 0] : f32 from vector<1x1x1xf32>
      %max3A_84 = arith.constant 1.000000e+00 : f32
      %max3A_85 = arith.maximumf %reduce_sum3A_78, %max3A_84 : f32
      %div3A_86 = arith.divf %reduce_sum3A_83, %max3A_85 : f32
      %get3A_87 = arith.constant 0 : index
      %get3A_88 = memref.load %arg16[%get3A_87] : memref<1xf32, #tpu.memory_space<smem>>
      %mul3A_89 = arith.constant 3.000000e-01 : f32
      %mul3A_90 = arith.mulf %mul3A_89, %div3A_86 : f32
      %add3A_91 = arith.addf %get3A_88, %mul3A_90 : f32
      %broadcast_in_dim3A_92 = vector.broadcast %add3A_91 : f32 to vector<1x1xf32>
      %swap3A_93 = arith.constant 0 : index
      %swap3A_94 = arith.constant 0 : index
      %swap3A_95 = vector.load %arg11[%swap3A_93, %swap3A_94] : memref<1x1xf32, #tpu.memory_space<vmem>>, vector<1x1xf32>
      tpu.vector_store %arg11[%swap3A_93, %swap3A_94], %broadcast_in_dim3A_92 {strides = array<i32>} : memref<1x1xf32, #tpu.memory_space<vmem>>, vector<1x1xf32>,
    } else {
    }
    return
  }
  func.func @transform_0(%arg0: i32) -> (i32, i32) {
    %c0_i32 = arith.constant 0 : i32
    %c0_i32_0 = arith.constant 0 : i32
    return %arg0, %c0_i32 : i32, i32
  }
  func.func @transform_1(%arg0: i32) -> (i32, i32) {
    %c0_i32 = arith.constant 0 : i32
    %c0_i32_0 = arith.constant 0 : i32
    return %arg0, %c0_i32 : i32, i32
  }
  func.func @transform_2(%arg0: i32) -> (i32, i32) {
    %c0_i32 = arith.constant 0 : i32
    %c0_i32_0 = arith.constant 0 : i32
    return %arg0, %c0_i32 : i32, i32
  }
  func.func @transform_3(%arg0: i32) -> (i32, i32) {
    %c0_i32 = arith.constant 0 : i32
    %c0_i32_0 = arith.constant 0 : i32
    %c0_i32_1 = arith.constant 0 : i32
    return %c0_i32, %c0_i32_0 : i32, i32
  }
  func.func @transform_4(%arg0: i32) -> (i32, i32) {
    %c0_i32 = arith.constant 0 : i32
    %c0_i32_0 = arith.constant 0 : i32
    %c0_i32_1 = arith.constant 0 : i32
    return %c0_i32, %c0_i32_0 : i32, i32
  }
  func.func @transform_5(%arg0: i32) -> (i32, i32) {
    %c0_i32 = arith.constant 0 : i32
    %c0_i32_0 = arith.constant 0 : i32
    %c0_i32_1 = arith.constant 0 : i32
    return %c0_i32, %c0_i32_0 : i32, i32
  }
  func.func @transform_6(%arg0: i32) -> (i32, i32) {
    %c0_i32 = arith.constant 0 : i32
    %c0_i32_0 = arith.constant 0 : i32
    %c0_i32_1 = arith.constant 0 : i32
    return %c0_i32, %c0_i32_0 : i32, i32
  }
  func.func @transform_7(%arg0: i32) -> (i32, i32) {
    %c0_i32 = arith.constant 0 : i32
    %c0_i32_0 = arith.constant 0 : i32
    %c0_i32_1 = arith.constant 0 : i32
    return %c0_i32, %c0_i32_0 : i32, i32
  }
  func.func @transform_8(%arg0: i32) -> (i32, i32) {
    %c0_i32 = arith.constant 0 : i32
    %c0_i32_0 = arith.constant 0 : i32
    %c0_i32_1 = arith.constant 0 : i32
    return %c0_i32, %c0_i32_0 : i32, i32
  }
  func.func @transform_9(%arg0: i32) -> (i32, i32) {
    %c0_i32 = arith.constant 0 : i32
    %c0_i32_0 = arith.constant 0 : i32
    %c0_i32_1 = arith.constant 0 : i32
    return %c0_i32, %c0_i32_0 : i32, i32
  }
  func.func @transform_10(%arg0: i32) -> (i32, i32) {
    %c0_i32 = arith.constant 0 : i32
    %c0_i32_0 = arith.constant 0 : i32
    %c0_i32_1 = arith.constant 0 : i32
    return %c0_i32, %c0_i32_0 : i32, i32
  }
}

</mosaic_0001>

<sc_bundles>
// kernel: kernel.4.cloned.1.call-start
scs
__scs_entry_jumppad:
0x0: {  	(pc) =	sbr.rel $0x88, $3  }
0x1: {  	(tag) =	ssettag $0x0;
	lr =	simm.s32 $0x1  }
0x2: {  	[smem:$0x3F9E] =	sst lr;
	_ =	strace $0xD0000000  }
0x3: {  	_ = 	snop  }
0x4: {  	_ = 	snop  }
0x5: {  	_ = 	snop  }
0x6: {  	_ = 	snop  }
0x7: {  	_ = 	snop  }
__scs_overlays_trampoline_lowered:
0x8: {  	[smem:$0x3FAD] =	sst s0  }
0x9: {  	[smem:$0x3FAE] =	sst s1  }
0xa: {  	[smem:$0x3FAF] =	sst s2  }
0xb: {  	[smem:$0x3FB0] =	sst s3  }
0xc: {  	[smem:$0x3FB1] =	sst s4  }
0xd: {  	[smem:$0x3FB2] =	sst s5  }
0xe: {  	[smem:$0x3FB3] =	sst s6  }
0xf: {  	[smem:$0x3FB4] =	sst s7  }
0x10: {  	[smem:$0x3FB5] =	sst s8  }
0x11: {  	[smem:$0x3FB6] =	sst s9;
	s0 =	simm.s32 @!p0 $0x0  }
0x12: {  	s1 =	sld [smem:$0x3F9C];
	s0 =	simm.s32 @p0 $0x1  }
0x13: {  	[smem:$0x3FB7] =	sst s0;
	s0 =	simm.s32 @!p1 $0x0  }
0x14: {  	s2 =	sld [smem:$0x3F9B];
	s0 =	simm.s32 @p1 $0x1  }
0x15: {  	[smem:$0x3FB8] =	sst s0;
	s0 =	simm.s32 @!p2 $0x0  }
0x16: {  	s3 =	sld [smem:$0x3FDB];
	s0 =	simm.s32 @p2 $0x1  }
0x17: {  	s4 =	simm.s32 $0x1BF5;
	[smem:$0x3FBA] =	sst s0  }
0x18: {  	s0 =	sld [smem:$0x3F9D];
	_ =	swait.ge [sflag:s4], $0x0  }
0x19: {  	s7 =	sld [smem:$0x3F9E]  }
0x1a: {  	s8 =	sadd.s32 $0xFFFFE003, lr  }
0x1b: {  	s9 =	sadd.s32 $0xFFFFFEF7, lr;
	s5 =	simm.s32 $0xFFFFFFFF;
	p2 =	slt.u32 s8, $0xFFFFF086  }
0x1c: {  	p1 =	slt.u32 s9, $0xF7A;
	s5 =	simm.s32 @!p2 $0x0  }
0x1d: {  	s5 =	simm.s32 @p1 $0x1;
	p0 =	seq.s32 s7, s2  }
0x1e: {  	s7 =	smul.u32 @!p0 $0xF7A, s2;
	p2 =	seq.s32 @!p0 s5, $0x0  }
0x1f: {  	s9 =	smul.u32 $0xF7A, s1;
	s8 =	simm.s32 @!p0 $0x1BF5;
	p2 =	por !p2, p0  }
0x20: {  	[sflag:s8] =	ssyncset.s32 @!p0 $0xFFFFF086;
	s6 =	sadd.s32 @!p0 s3, s7;
	s7 =	simm.s32 @!p0 $0x108  }
0x21: {  	s3 =	sadd.s32 s3, s9;
	s6 =	sadd.s32 @!p0 $0x88, s6;
	s7 =	simm.s32 @p2 $0x1082  }
0x22: {  	[simem:s7], [sflag:s8] =	dma.local @!p0 [hbm:s6], $0xF7A  }
0x23: {  	s9 =	sor.u32 $0xD0000000, s2;
	s6 =	simm.s32 $0x108;
	_ =	swait.ge @!p0 [sflag:s8], $0x0  }
0x24: {  	s3 =	sadd.s32 $0x88, s3;
	s6 =	simm.s32 @!p1 $0x1082;
	[sflag:s4] =	ssyncset.s32 $0xFFFFF086  }
0x25: {  	[simem:s6], [sflag:s4] =	dma.local [hbm:s3], $0xF7A  }
0x26: {  	[smem:$0x3F9E] =	sst s1;
	(tag) =	ssettag s2;
	_ =	strace s9  }
0x27: {  	s1 =	sld [smem:$0x3FAE]  }
0x28: {  	s2 =	sld [smem:$0x3FAF]  }
0x29: {  	s4 =	sld [smem:$0x3FB1]  }
0x2a: {  	p0 =	seq.s32 s5, $0x0;
	s5 =	sld [smem:$0x3FB2]  }
0x2b: {  	s6 =	sld [smem:$0x3FB3]  }
0x2c: {  	s7 =	sld [smem:$0x3FB4]  }
0x2d: {  	s3 =	simm.s32 $0x108;
	s8 =	sld [smem:$0x3FB5]  }
0x2e: {  	s3 =	simm.s32 @!p0 $0x1082;
	s9 =	sld [smem:$0x3FB6]  }
0x2f: {  	lr =	sadd.s32 s0, s3;
	s0 =	sld [smem:$0x3FAD]  }
0x30: {  	s3 =	sld [smem:$0x3FB0]  }
0x31: {  	[smem:$0x3FB9] =	sst s10  }
0x32: {  	s10 =	sld [smem:$0x3FB7];
	_ =	sdelay $0x3  }
0x33: {  	p0 =	seq.s32 s10, $0x1;
	s10 =	sld [smem:$0x3FB9];
	_ =	sdelay $0x3  }
0x34: {  	[smem:$0x3FB9] =	sst s10  }
0x35: {  	s10 =	sld [smem:$0x3FB8];
	_ =	sdelay $0x3  }
0x36: {  	p1 =	seq.s32 s10, $0x1;
	s10 =	sld [smem:$0x3FB9];
	_ =	sdelay $0x3  }
0x37: {  	[smem:$0x3FB9] =	sst s10  }
0x38: {  	s10 =	sld [smem:$0x3FBA]  }
0x39: {  	_ = 	snop;
	(pc) =	sbr.ind lr, $3  }
0x3a: {  	_ = 	snop  }
0x3b: {  	_ = 	snop  }
0x3c: {  	p2 =	seq.s32 s10, $0x1;
	s10 =	sld [smem:$0x3FB9]  }
0x3d: {  	_ =	shalt  }
0x3e: {  	_ =	shalt  }
0x3f: {  	_ =	shalt  }
0x40: {  	_ =	shalt  }
0x41: {  	_ =	shalt  }
0x42: {  	_ =	shalt  }
0x43: {  	_ =	shalt  }
0x44: {  	_ =	shalt  }
0x45: {  	_ =	shalt  }
0x46: {  	_ =	shalt  }
0x47: {  	_ =	shalt  }
0x48: {  	_ =	shalt  }
0x49: {  	_ =	shalt  }
0x4a: {  	_ =	shalt  }
0x4b: {  	_ =	shalt  }
0x4c: {  	_ =	shalt  }
0x4d: {  	_ =	shalt  }
0x4e: {  	_ =	shalt  }
0x4f: {  	_ =	shalt  }
0x50: {  	_ =	shalt  }
0x51: {  	_ =	shalt  }
0x52: {  	_ =	shalt  }
0x53: {  	_ =	shalt  }
0x54: {  	_ =	shalt  }
0x55: {  	_ =	shalt  }
0x56: {  	_ =	shalt  }
0x57: {  	_ =	shalt  }
0x58: {  	_ =	shalt  }
0x59: {  	_ =	shalt  }
0x5a: {  	_ =	shalt  }
0x5b: {  	_ =	shalt  }
0x5c: {  	_ =	shalt  }
0x5d: {  	_ =	shalt  }
0x5e: {  	_ =	shalt  }
0x5f: {  	_ =	shalt  }
0x60: {  	_ =	shalt  }
0x61: {  	_ =	shalt  }
0x62: {  	_ =	shalt  }
0x63: {  	_ =	shalt  }
0x64: {  	_ =	shalt  }
0x65: {  	_ =	shalt  }
0x66: {  	_ =	shalt  }
0x67: {  	_ =	shalt  }
0x68: {  	_ =	shalt  }
0x69: {  	_ =	shalt  }
0x6a: {  	_ =	shalt  }
0x6b: {  	_ =	shalt  }
0x6c: {  	_ =	shalt  }
0x6d: {  	_ =	shalt  }
0x6e: {  	_ =	shalt  }
0x6f: {  	_ =	shalt  }
0x70: {  	_ =	shalt  }
0x71: {  	_ =	shalt  }
0x72: {  	_ =	shalt  }
0x73: {  	_ =	shalt  }
0x74: {  	_ =	shalt  }
0x75: {  	_ =	shalt  }
0x76: {  	_ =	shalt  }
0x77: {  	_ =	shalt  }
0x78: {  	_ =	shalt  }
0x79: {  	_ =	shalt  }
0x7a: {  	_ =	shalt  }
0x7b: {  	_ =	shalt  }
0x7c: {  	_ =	shalt  }
0x7d: {  	_ =	shalt  }
0x7e: {  	_ =	shalt  }
0x7f: {  	_ =	shalt  }
0x80: {  	_ =	shalt  }
0x81: {  	_ =	shalt  }
0x82: {  	_ =	shalt  }
0x83: {  	_ =	shalt  }
0x84: {  	_ =	shalt  }
0x85: {  	_ =	shalt  }
0x86: {  	_ =	shalt  }
0x87: {  	_ =	shalt  }
.Lfunc_end0:
.L_simem_size_0:
called_computation_lowered:
.L_overlay_start_0:
0x88: {  	s2 =	sld [smem:$0x3FD9]  }
0x89: {  	s3 =	sld [smem:$0x3FFE];
	_ =	sdelay $0x1  }
0x8a: {  	s1 =	srdreg.scid  }
0x8b: {  	s0 =	sand.u32 $0x1, s1  }
0x8c: {  	s17 =	sshll.u32 s0, $0xA;
	s2 =	sadd.s32 s3, s2  }
0x8d: {  	s2 =	sadd.s32 s2, s17  }
0x8e: {  	[smem:$0x3FC5] =	sst s2  }
0x8f: {  	_ = 	snop  }
0x90: {  	s2 =	sld [smem:$0x3FC9]  }
0x91: {  	s18 =	sld [smem:$0x3FC8]  }
0x92: {  	s4 =	sld [smem:$0x3FC7];
	(tm) =	ssettm $0x1  }
0x93: {  	s5 =	sld [smem:$0x3FFB];
	_ =	sdelay $0x3  }
0x94: {  	_ =	strace s5  }
0x95: {  	s5 =	sld [smem:$0x3FFC];
	_ =	sdelay $0x3  }
0x96: {  	_ =	strace s5  }
0x97: {  	s5 =	sld [smem:$0x3FFD];
	_ =	sdelay $0x3  }
0x98: {  	_ =	strace s5  }
0x99: {  	_ =	strace $0x8FFFFFFF  }
0x9a: {  	s19 =	sld [smem:$0x3FDB];
	_ =	sdelay $0x1  }
0x9b: {  	s6 =	simm.s32 $_scs_section_size  }
0x9c: {  	s7 =	simm.s32 $_size__tile_overlayer_lowered;
	s8 =	simm.s32 $_tile_overlayer_lowered  }
0x9d: {  	s22 =	simm.s32 $0x1BFF;
	s21 =	sshll.u32 s8, $0x1;
	s5 =	sadd.s32 s6, s19  }
0x9e: {  	s9 =	simm.s32 $0x0;
	s20 =	sshll.u32 s7, $0x1;
	s7 =	sadd.s32 s21, s5  }
0x9f: {  	[timem:s9], [sflag:s22] =	dma.local [hbm:s7], s20  }
0xa0: {  	_ =	swait.ge [sflag:s22], s20  }
0xa1: {  	s6 =	ssub.s32 $0x0, s20;
	[sflag:s22] =	ssyncset.done $0x0  }
0xa2: {  	[sflag:s22] =	ssyncadd.s32 s6;
	_ =	sdelay $0x1  }
0xa3: {  	s23 =	simm.s32 $0x1B8B  }
0xa4: {  	_ =	swait.ge [sflag:s23], $0x1  }
0xa5: {  	[sflag:s23] =	ssyncset.done $0x0  }
0xa6: {  	s25 =	simm.s32 $0x1B8E;
	s24 =	sld [smem:$0x3FFE];
	[sflag:s23] =	ssyncadd.s32 $0xFFFFFFFF  }
0xa7: {  	s26 =	simm.s32 $execute0_lowered;
	[smem:$0x3FD2] =	sst s25  }
0xa8: {  	s7 =	sshll.u32 s26, $0x1;
	_ =	strace $0x80000046;
	[dreg:$0x1] =	wrdreg $0xFFFFFFFF  }
0xa9: {  	s28 =	simm.s32 $_size_execute0_lowered;
	s5 =	sadd.s32 s5, s7;
	[dreg:$0x0] =	wrdreg $0x0  }
0xaa: {  	s7 =	sshll.u32 s28, $0x1;
	[dreg:$0x2] =	wrdreg s5  }
0xab: {  	[dreg:$0x3] =	wrdreg s7  }
0xac: {  	[dreg:$0x4] =	wrdreg $0xC0  }
0xad: {  	_ =	task [dreg:s9], $0x5FFFF  }
0xae: {  	[dreg:$0x1] =	wrdreg $0xFFFFFFFF  }
0xaf: {  	[dreg:$0x0] =	wrdreg $0x60  }
0xb0: {  	[dreg:$0x2] =	wrdreg s2  }
0xb1: {  	[dreg:$0x3] =	wrdreg s18  }
0xb2: {  	[dreg:$0x4] =	wrdreg s4  }
0xb3: {  	[dreg:$0x5] =	wrdreg s24  }
0xb4: {  	[dreg:$0x6] =	wrdreg $0x9  }
0xb5: {  	_ =	task.clear_ibuf [dreg:s9], $0x7FFFF;
	_ =	strace $0x90000046  }
0xb6: {  	s29 =	simm.s32 $0x9;
	_ =	strace $0x80000048  }
0xb7: {  	_ =	swait.ge [sflag:s29], $0x1  }
0xb8: {  	[sflag:s29] =	ssyncadd.s32 $0xFFFFFFFF  }
0xb9: {  	_ =	strace $0x90000048  }
0xba: {  	_ =	sfence  }
0xbb: {  	s30 =	sld [smem:$0x0];
	_ =	sdelay $0x2  }
0xbc: {  	s31 =	sshll.u32 s1, $0xD;
	s1 =	sshrl.u32 s1, $0x2  }
0xbd: {  	s3 =	sand.u32 $0x4000, s31;
	s1 =	sadd.s32 s1, s30  }
0xbe: {  	s0 =	sor.u32 s3, s0;
	s1 =	sshll.u32 s1, $0x11  }
0xbf: {  	s0 =	sor.u32 s1, s0  }
0xc0: {  	s0 =	sadd.s32 $0x8F2B, s0  }
0xc1: {  	[sflag:s0] =	ssyncadd.remote.s32 $0x1  }
0xc2: {  	_ =	sfence.sel $0xFFFF  }
0xc3: {  	[dreg:$0x0] =	wrdreg $0xFFFFFFFF;
	(pc) =	sbr.abs _section_cstart, $3  }
0xc4: {  	[dreg:$0x1] =	wrdreg $0xFFFFFFFF  }
0xc5: {  	_ =	task.clear_ibuf [dreg:s9], $0x2FFFF;
	_ =	strace $0x9FFFFFFF  }
0xc6: {  	(tm) =	ssettm $0x7FFFFFFF  }
0xc7: {  	_ =	shalt  }
tec
execute0_lowered:
.L_overlay_start_1:
0x0: {  	(tag) =	ssettag $0x1  }
0x1: {  	s3 =	rddreg [dreg:$0x0]  }
0x2: {  	s4 =	rddreg [dreg:$0x1]  }
0x3: {  	s5 =	rddreg [dreg:$0x2]  }
0x4: {  	s6 =	rddreg [dreg:$0x3]  }
0x5: {  	s0 =	rddreg [dreg:$0x4];
	s1 =	simm.s32 $0x0;
	s7 =	srdreg.scid  }
0x6: {  	s2 =	stileid.u32;
	[smem:$0x7FF] =	sst s1  }
0x7: {  	v0 =	vimm.f32 $-1.000000020e+30;
	s7 =	sand.u32 $0x1, s7;
	s8 =	sshll.u32 s2, $0x1;
	_ =	strace $0x80000047  }
0x8: {  	s8 =	sor.u32 s7, s8;
	(xrf0) =	vmax.scan.msk.f32 $0xffff, v0  }
0x9: {  	s9 =	smul.u32 $0x380, s8  }
0xa: {  	s10 =	simm.s32 $0xC400;
	s8 =	smul.u32 $0xC35, s8  }
.Ltmp0:
0xb: {  	s11 =	simm.s32 $0x12600;
	s7 =	ssub.s32 $0x2, s7;
	(pc) =	sbr.rel .LBB2_1-.Ltmp0, $4  }
0xc: {  	s12 =	simm.s32 $0x12680;
	s13 =	simm.s32 $0x0;
	s31 =	sshrl.u32 s7, $0x1  }
0xd: {  	v1 =	vlaneseq.u32;
	v5 =	vimm.s32 $0x61A8;
	s7 =	ssub.s32 s7, s31;
	s6 =	sadd.s32 s9, s6;
	s3 =	sadd.s32 s3, s8  }
0xe: {  	v6 =	vimm.f32 $0.0e+00;
	vm0 =	vcmask $0x300;
	v2 =	vor.u32 $0x10, v1;
	s4 =	sadd.s32 s4, s8;
	s5 =	sadd.s32 s5, s8;
	s7 =	smax.u32 s7, $0x1;
	v0, _, _ =	vpop (xrf0)  }
0xf: {  	v3 =	vor.u32 $0x20, v1;
	v4 =	vor.u32 $0x30, v1;
	s8 =	simm.s32 $0x1;
	s9 =	simm.s32 $0x6200;
	s6 =	sadd.s32 $0xC00, s6;
	v0 =	vbroadcast v0, $0xF  }
.LBB2_30:
0x10: {  	s13 =	sadd.s32 $0x1, s13  }
0x11: {  	p0 =	sne.s32 s13, s7  }
.Ltmp1:
0x12: {  	_ = 	snop;
	(pc) =	sbr.rel @!p0 .LBB2_31-.Ltmp1, $4  }
0x13: {  	[hbm4b:s6+s1] =	stream.linear.scatter [tilespmem:s12], [sflag:$0x1], $0x1C00, $0x38;
	[tilespmem:$0x14280] =	vst v63  }
0x14: {  	_ =	swait.ge [sflag:s8], $0x1C00  }
0x15: {  	[sflag:s8] =	ssyncset.done $0x0  }
0x16: {  	[sflag:s8] =	ssyncadd.s32 $0xFFFFE400  }
.LBB2_1:
0x17: {  	[tilespmem:s1], [sflag:$0x1] =	stream.linear.gather [hbm4b:s3+s1], $0x61A8, $0x38;
	[tilespmem:$0x14280] =	vst v63  }
0x18: {  	_ =	swait.ge [sflag:s8], $0x61A8  }
0x19: {  	[sflag:s8] =	ssyncset.done $0x0  }
0x1a: {  	[sflag:s8] =	ssyncadd.s32 $0xFFFF9E58  }
0x1b: {  	[tilespmem:s9], [sflag:$0x1] =	stream.linear.gather [hbm4b:s4+s1], $0x61A8, $0x38;
	[tilespmem:$0x14280] =	vst v63  }
0x1c: {  	_ =	swait.ge [sflag:s8], $0x61A8  }
0x1d: {  	[sflag:s8] =	ssyncset.done $0x0  }
0x1e: {  	[sflag:s8] =	ssyncadd.s32 $0xFFFF9E58  }
0x1f: {  	[tilespmem:s10], [sflag:$0x1] =	stream.linear.gather [hbm4b:s5+s1], $0x61A8, $0x38;
	[tilespmem:$0x14280] =	vst v63  }
0x20: {  	_ =	swait.ge [sflag:s8], $0x61A8  }
0x21: {  	v7 =	vimm.s32 $0x0;
	[sflag:s8] =	ssyncset.done $0x0  }
0x22: {  	s14 =	simm.s32 $0xE;
	v8 =	vimm.s32 $0x61A8;
	v9 =	vadd.s32 v7, v5;
	[sflag:s8] =	ssyncadd.s32 $0xFFFF9E58  }
.LBB2_2:
0x23: {  	p0 =	sne.s32 s14, $0x1;
	v10 =	vshrl.u32 v9, $0x1F  }
0x24: {  	v9 =	vadd.s32 v10, v9  }
0x25: {  	v9 =	vshra.s32 v9, $0x1  }
0x26: {  	v10 =	vadd.s32 $0x1, v9;
	_ =	sdelay $0x3  }
0x27: {  	v11 =	vld.idx.msk [tilespmem:v9+s10+$0x0], $0xffff;
	_ =	sdelay $0x4  }
.Ltmp2:
0x28: {  	(pc) =	sbr.rel @p0 .LBB2_2-.Ltmp2, $4  }
0x29: {  	vm1 =	vlt.s32 v7, v8;
	vm2 =	vge.s32 v11, v1;
	vm3 =	vlt.s32 v11, v1  }
0x2a: {  	vm3 =	vmand vm1, vm3;
	vm1 =	vmand vm1, vm2  }
0x2b: {  	v7 =	vsel vm3, v10, v7;
	v8 =	vsel vm1, v9, v8  }
0x2c: {  	s14 =	sadd.s32 $0xFFFFFFFF, s14;
	v9 =	vadd.s32 v7, v8  }
0x2d: {  	v10 =	vshrl.u32 v9, $0x1F  }
0x2e: {  	v9 =	vadd.s32 v10, v9  }
0x2f: {  	v9 =	vshra.s32 v9, $0x1;
	_ =	sdelay $0x4  }
0x30: {  	v10 =	vld.idx.msk [tilespmem:v9+s10+$0x0], $0xffff;
	_ =	sdelay $0x4  }
0x31: {  	vm1 =	vlt.s32 v7, v8;
	vm2 =	vlt.s32 v10, v1  }
0x32: {  	v8 =	vadd.s32 $0x1, v9;
	vm1 =	vmand vm1, vm2  }
0x33: {  	v9 =	vsel vm1, v8, v7;
	v7 =	vimm.s32 $0x0;
	v8 =	vimm.s32 $0x61A8  }
0x34: {  	s14 =	simm.s32 $0xE;
	[tilespmem:$0x12600] =	vst v9;
	v9 =	vadd.s32 v7, v8  }
.LBB2_4:
0x35: {  	p0 =	sne.s32 s14, $0x1;
	v10 =	vshrl.u32 v9, $0x1F  }
0x36: {  	v9 =	vadd.s32 v10, v9  }
0x37: {  	v9 =	vshra.s32 v9, $0x1  }
0x38: {  	v10 =	vadd.s32 $0x1, v9;
	_ =	sdelay $0x3  }
0x39: {  	v11 =	vld.idx.msk [tilespmem:v9+s10+$0x0], $0xffff;
	_ =	sdelay $0x4  }
.Ltmp3:
0x3a: {  	(pc) =	sbr.rel @p0 .LBB2_4-.Ltmp3, $4  }
0x3b: {  	vm1 =	vlt.s32 v7, v8;
	vm2 =	vge.s32 v11, v2;
	vm3 =	vlt.s32 v11, v2  }
0x3c: {  	vm3 =	vmand vm1, vm3;
	vm1 =	vmand vm1, vm2  }
0x3d: {  	v7 =	vsel vm3, v10, v7;
	v8 =	vsel vm1, v9, v8  }
0x3e: {  	s14 =	sadd.s32 $0xFFFFFFFF, s14;
	v9 =	vadd.s32 v7, v8  }
0x3f: {  	v10 =	vshrl.u32 v9, $0x1F  }
0x40: {  	v9 =	vadd.s32 v10, v9  }
0x41: {  	v9 =	vshra.s32 v9, $0x1;
	_ =	sdelay $0x4  }
0x42: {  	v10 =	vld.idx.msk [tilespmem:v9+s10+$0x0], $0xffff;
	_ =	sdelay $0x4  }
0x43: {  	vm1 =	vlt.s32 v7, v8;
	vm2 =	vlt.s32 v10, v2  }
0x44: {  	v8 =	vadd.s32 $0x1, v9;
	vm1 =	vmand vm1, vm2  }
0x45: {  	v9 =	vsel vm1, v8, v7;
	v7 =	vimm.s32 $0x0;
	v8 =	vimm.s32 $0x61A8  }
0x46: {  	s14 =	simm.s32 $0xE;
	[tilespmem:$0x12610] =	vst v9;
	v9 =	vadd.s32 v7, v8  }
.LBB2_6:
0x47: {  	p0 =	sne.s32 s14, $0x1;
	v10 =	vshrl.u32 v9, $0x1F  }
0x48: {  	v9 =	vadd.s32 v10, v9  }
0x49: {  	v9 =	vshra.s32 v9, $0x1  }
0x4a: {  	v10 =	vadd.s32 $0x1, v9;
	_ =	sdelay $0x3  }
0x4b: {  	v11 =	vld.idx.msk [tilespmem:v9+s10+$0x0], $0xffff;
	_ =	sdelay $0x4  }
.Ltmp4:
0x4c: {  	(pc) =	sbr.rel @p0 .LBB2_6-.Ltmp4, $4  }
0x4d: {  	vm1 =	vlt.s32 v7, v8;
	vm2 =	vge.s32 v11, v3;
	vm3 =	vlt.s32 v11, v3  }
0x4e: {  	vm3 =	vmand vm1, vm3;
	vm1 =	vmand vm1, vm2  }
0x4f: {  	v7 =	vsel vm3, v10, v7;
	v8 =	vsel vm1, v9, v8  }
0x50: {  	s14 =	sadd.s32 $0xFFFFFFFF, s14;
	v9 =	vadd.s32 v7, v8  }
0x51: {  	v10 =	vshrl.u32 v9, $0x1F  }
0x52: {  	v9 =	vadd.s32 v10, v9  }
0x53: {  	v9 =	vshra.s32 v9, $0x1;
	_ =	sdelay $0x4  }
0x54: {  	v10 =	vld.idx.msk [tilespmem:v9+s10+$0x0], $0xffff;
	_ =	sdelay $0x4  }
0x55: {  	vm1 =	vlt.s32 v7, v8;
	vm2 =	vlt.s32 v10, v3  }
0x56: {  	v8 =	vadd.s32 $0x1, v9;
	vm1 =	vmand vm1, vm2  }
0x57: {  	v9 =	vsel vm1, v8, v7;
	v7 =	vimm.s32 $0x0;
	v8 =	vimm.s32 $0x61A8  }
0x58: {  	s14 =	simm.s32 $0xE;
	[tilespmem:$0x12620] =	vst v9;
	v9 =	vadd.s32 v7, v8  }
.LBB2_8:
0x59: {  	p0 =	sne.s32 s14, $0x1;
	v10 =	vshrl.u32 v9, $0x1F  }
0x5a: {  	v9 =	vadd.s32 v10, v9  }
0x5b: {  	v9 =	vshra.s32 v9, $0x1  }
0x5c: {  	v10 =	vadd.s32 $0x1, v9;
	_ =	sdelay $0x3  }
0x5d: {  	v11 =	vld.idx.msk [tilespmem:v9+s10+$0x0], $0xffff;
	_ =	sdelay $0x4  }
.Ltmp5:
0x5e: {  	(pc) =	sbr.rel @p0 .LBB2_8-.Ltmp5, $4  }
0x5f: {  	vm1 =	vlt.s32 v7, v8;
	vm2 =	vge.s32 v11, v4;
	vm3 =	vlt.s32 v11, v4  }
0x60: {  	vm3 =	vmand vm1, vm3;
	vm1 =	vmand vm1, vm2  }
0x61: {  	v7 =	vsel vm3, v10, v7;
	v8 =	vsel vm1, v9, v8  }
0x62: {  	s14 =	sadd.s32 $0xFFFFFFFF, s14;
	v9 =	vadd.s32 v7, v8  }
0x63: {  	v10 =	vshrl.u32 v9, $0x1F  }
0x64: {  	v9 =	vadd.s32 v10, v9  }
0x65: {  	v9 =	vshra.s32 v9, $0x1;
	_ =	sdelay $0x4  }
0x66: {  	v63 =	vld.idx.msk [tilespmem:v9+s10+$0x0], $0xffff;
	_ =	sdelay $0x3  }
.Ltmp6:
0x67: {  	_ = 	snop;
	(pc) =	sbr.rel .LBB2_10-.Ltmp6, $4  }
0x68: {  	vm1 =	vlt.s32 v7, v8;
	vm2 =	vlt.s32 v63, v4  }
0x69: {  	v8 =	vadd.s32 $0x1, v9;
	vm1 =	vmand vm1, vm2  }
0x6a: {  	[tilespmem:$0x12640] =	vst v5;
	v7 =	vsel vm1, v8, v7  }
0x6b: {  	s14 =	simm.s32 $0x0;
	[tilespmem:$0x12630] =	vst v7  }
.LBB2_11:
0x6c: {  	v8 =	vimm.f32 $0.0e+00  }
0x6d: {  	v9 =	vimm.f32 $-Inf;
	v7 =	vimm.f32 $0.0e+00;
	v12 =	vimm.f32 $0.0e+00;
	v10 =	vmovc v0;
	v11 =	vmovc v0  }
.LBB2_29:
0x6e: {  	s17 =	sshll.u32 s14, $0x4  }
0x6f: {  	v14 =	vor.u32 $0x400, v1;
	v13 =	vor.u32 s17, v1  }
0x70: {  	v15 =	vor.u32 $0x800, v1;
	v14 =	vor.u32 s17, v14  }
0x71: {  	v16 =	vor.u32 $0xC00, v1;
	v15 =	vor.u32 s17, v15  }
0x72: {  	v17 =	vor.u32 $0x1000, v1;
	v16 =	vor.u32 s17, v16  }
0x73: {  	v18 =	vor.u32 $0x1400, v1;
	v17 =	vor.u32 s17, v17  }
0x74: {  	s15 =	ssub.s32 s16, s15;
	v63 =	vor.u32 $0x1800, v1;
	s14 =	sadd.s32 $0x1, s14;
	v62 =	vor.u32 s17, v18;
	[tilespmem:v13+s12+$0x0] =	vst.idx.msk $0xffff, v11  }
0x75: {  	s15 =	scvt.s32.f32 s15;
	p0 =	sne.s32 s14, $0x40;
	[tilespmem:v14+s12+$0x0] =	vst.idx.msk $0xffff, v8;
	v8 =	vor.u32 s17, v63  }
.Ltmp7:
0x76: {  	[tilespmem:v15+s12+$0x0] =	vst.idx.msk $0xffff, v10;
	(pc) =	sbr.rel @!p0 .LBB2_30-.Ltmp7, $4  }
0x77: {  	[tilespmem:v16+s12+$0x0] =	vst.idx.msk $0xffff, v7;
	v7 =	vmov s15  }
0x78: {  	[tilespmem:v17+s12+$0x0] =	vst.idx.msk $0xffff, v12;
	v7 =	vnsel vm0, $0x0, v7  }
0x79: {  	[tilespmem:v62+s12+$0x0] =	vst.idx.msk $0xffff, v7  }
0x7a: {  	[tilespmem:v8+s12+$0x0] =	vst.idx.msk $0xffff, v9  }
.LBB2_10:
0x7b: {  	v7 =	vmov s14  }
0x7c: {  	v8 =	vadd.s32 $0x1, v7;
	_ =	sdelay $0x3  }
0x7d: {  	v7 =	vld.idx.msk [tilespmem:v7+s11+$0x0], $0xffff  }
0x7e: {  	v8 =	vld.idx.msk [tilespmem:v8+s11+$0x0], $0xffff;
	_ =	sdelay $0x3  }
0x7f: {  	v7 =	vxor.u32 $0x80000000, v7  }
0x80: {  	(xrf0) =	vmax.scan.msk.u32 $0xffff, v7;
	v7 =	vxor.u32 $0x80000000, v8  }
0x81: {  	(xrf0) =	vmax.scan.msk.u32 $0xffff, v7;
	_ =	sdelay $0x4  }
0x82: {  	v7, _, _ =	vpop (xrf0)  }
0x83: {  	(v2sf) =	vpush v7, $0xF;
	v7, _, _ =	vpop (xrf0)  }
0x84: {  	(v2sf) =	vpush v7, $0xF;
	_ =	sdelay $0xd  }
0x85: {  	s15 =	spop (v2sf)  }
0x86: {  	s16 =	spop (v2sf)  }
0x87: {  	s15 =	sxor.u32 $0x80000000, s15;
	s17 =	sadd.s32 $0x8000000F, s16  }
0x88: {  	s18 =	sshra.s32 s15, $0x1F;
	s19 =	sshra.s32 s17, $0x1F  }
0x89: {  	s18 =	sshrl.u32 s18, $0x1C;
	s19 =	sshrl.u32 s19, $0x1C  }
0x8a: {  	s18 =	sadd.s32 s18, s15;
	s19 =	sadd.s32 s19, s17  }
0x8b: {  	s17 =	sshra.s32 s18, $0x4;
	s18 =	sshra.s32 s19, $0x4  }
0x8c: {  	p0 =	sle.s32 s18, s17  }
.Ltmp8:
0x8d: {  	_ = 	snop;
	(pc) =	sbr.rel @p0 .LBB2_11-.Ltmp8, $2  }
0x8e: {  	_ =	sdelay $0x2  }
0x8f: {  	s16 =	sxor.u32 $0x80000000, s16  }
0x90: {  	s20 =	ssub.s32 s18, s17  }
0x91: {  	p1 =	sne.s32 s20, $0x1  }
.Ltmp9:
0x92: {  	_ = 	snop;
	(pc) =	sbr.rel @!p1 .LBB2_13-.Ltmp9, $4  }
0x93: {  	s19 =	sshll.u32 s17, $0x6  }
0x94: {  	s19 =	sshra.s32 s19, $0x2  }
0x95: {  	v7 =	vmov s15;
	v8 =	vmov s16;
	s17 =	sshll.u32 s17, $0x4;
	s18 =	sadd.s32 $0x6200, s19  }
0x96: {  	v14 =	vimm.f32 $-1.000000020e+30;
	v9 =	vimm.f32 $-Inf;
	p0 =	por $0x0, $0x0;
	s20 =	sadd.s32 $0xFFFFFFFF, s20;
	v13 =	vor.u32 s17, v1;
	v15 =	vld [tilespmem:s18+$0x0]  }
0x97: {  	_ =	sdelay $0x1  }
0x98: {  	v10 =	vld [tilespmem:s19+$0x0]  }
0x99: {  	(xrf0) =	vmin.scan.msk.f32 $0xffff, v9;
	vm1 =	vge.s32 v13, v7;
	vm2 =	vlt.s32 v13, v8  }
0x9a: {  	vm1 =	vmand vm1, vm2;
	vm2 =	vgt.f32 v15, $5.000000000e-01  }
0x9b: {  	vm2 =	vmand vm1, vm2  }
0x9c: {  	vm3 =	vmxor vm1, vm2  }
0x9d: {  	v12 =	vnsel vm3, $0xFF800000, v10  }
0x9e: {  	(xrf1) =	vsort.ascd.msk.f32 $0xffff, v12, v12  }
0x9f: {  	v11, _, _ =	vpop (xrf0)  }
0xa0: {  	v11 =	vbroadcast v11, $0xF;
	_ =	sdelay $0x1  }
0xa1: {  	vm3 =	vgt.f32 v12, v11  }
0xa2: {  	v11 =	vsel vm3, $0x3F800000, v6  }
0xa3: {  	(xrf0) =	vmax.scan.msk.f32 $0xffff, v11;
	_ =	sdelay $0x5  }
0xa4: {  	v11, _, _ =	vpop (xrf0)  }
0xa5: {  	(v2sf) =	vpush v11, $0xF  }
0xa6: {  	v11, _, _ =	vpop (xrf1)  }
0xa7: {  	v11 =	vmax.f32 v9, v11  }
0xa8: {  	(xrf1) =	vsort.dscd.msk.f32 $0xffff, v11, v11;
	_ =	sdelay $0x6  }
0xa9: {  	p3 =	sne.s32 s20, $0x1  }
.Ltmp10:
0xaa: {  	_ = 	snop;
	(pc) =	sbr.rel @!p3 .LBB2_15-.Ltmp10, $3  }
0xab: {  	v10 =	vmul.f32 $2.000000000e+01, v10;
	_ =	sdelay $0x1  }
0xac: {  	s23 =	sadd.s32 $0x10, s18;
	s24 =	sadd.s32 $0xFFFFFFFF, s20;
	p2 =	por $0x1, $0x1;
	v12 =	vnsel vm1, $0xF149F2CA, v10;
	v10 =	vnsel vm2, $0xF149F2CA, v10  }
0xad: {  	s21 =	smov.u32 s19;
	s22 =	smov.u32 s17;
	v15 =	vld [tilespmem:s23+$0x0];
	v12 =	vmax.f32 v14, v12;
	v10 =	vmax.f32 v14, v10;
	v11 =	vimm.f32 $-Inf;
	s25 =	spop (v2sf)  }
.LBB2_16:
0xae: {  	p3 =	sne.s32 s24, $0x1;
	p4 =	sgt.f32 s25, $0.0e+00  }
0xaf: {  	s21 =	sadd.s32 $0x10, s21;
	s22 =	sadd.s32 $0x10, s22;
	v14, _, _ =	vpop (xrf1)  }
0xb0: {  	v17 =	vor.u32 s22, v1;
	v16 =	vld [tilespmem:s21+$0x0];
	v11 =	vpsel p4, v14, v11  }
0xb1: {  	vm1 =	vge.s32 v17, v7;
	vm2 =	vlt.s32 v17, v8;
	(xrf0) =	vmin.scan.msk.f32 $0xffff, v11  }
0xb2: {  	vm1 =	vmand vm1, vm2;
	vm2 =	vgt.f32 v15, $5.000000000e-01  }
0xb3: {  	vm2 =	vmand vm1, vm2  }
0xb4: {  	vm3 =	vmxor vm1, vm2  }
0xb5: {  	v14 =	vmul.f32 $2.000000000e+01, v16;
	v15 =	vnsel vm3, $0xFF800000, v16  }
0xb6: {  	(xrf1) =	vsort.ascd.msk.f32 $0xffff, v15, v15  }
0xb7: {  	v16 =	vnsel vm1, $0xF149F2CA, v14;
	v14 =	vnsel vm2, $0xF149F2CA, v14;
	v17, _, _ =	vpop (xrf0)  }
0xb8: {  	v12 =	vmax.f32 v12, v16;
	v10 =	vmax.f32 v10, v14;
	v14 =	vbroadcast v17, $0xF;
	_ =	sdelay $0x1  }
0xb9: {  	vm1 =	vgt.f32 v15, v14  }
0xba: {  	v14 =	vsel vm1, $0x3F800000, v6  }
0xbb: {  	(xrf0) =	vmax.scan.msk.f32 $0xffff, v14;
	_ =	sdelay $0x5  }
0xbc: {  	v14, _, _ =	vpop (xrf0)  }
0xbd: {  	(v2sf) =	vpush v14, $0xF  }
0xbe: {  	v14, _, _ =	vpop (xrf1)  }
0xbf: {  	v14 =	vmax.f32 v11, v14  }
0xc0: {  	(xrf1) =	vsort.dscd.msk.f32 $0xffff, v14, v14;
	_ =	sdelay $0x7  }
.Ltmp11:
0xc1: {  	(pc) =	sbr.rel @p3 .LBB2_16-.Ltmp11, $3  }
0xc2: {  	_ =	sdelay $0x1  }
0xc3: {  	s23 =	sadd.s32 $0x10, s23  }
0xc4: {  	s24 =	sadd.s32 $0xFFFFFFFF, s24;
	v15 =	vld [tilespmem:s23+$0x0];
	s25 =	spop (v2sf)  }
0xc5: {  	v14 =	vmov v12  }
.LBB2_18:
0xc6: {  	p3 =	sgt.f32 @p2 s25, $0.0e+00  }
0xc7: {  	s21 =	sadd.s32 @p2 $0x10, s21;
	s22 =	sadd.s32 @p2 $0x10, s22  }
0xc8: {  	v12, _, _ =	vpop @p2 (xrf1);
	s23 =	smov.u32 s19;
	s24 =	smov.u32 s17;
	p3 =	por !p3, !p2  }
0xc9: {  	s23 =	smov.u32 @p2 s21;
	s24 =	smov.u32 @p2 s22;
	v11 =	vpsel p3, v11, v12  }
0xca: {  	v16 =	vor.u32 s24, v1;
	v12 =	vld [tilespmem:s23+$0x0];
	v9 =	vpsel p2, v11, v9  }
0xcb: {  	vm1 =	vge.s32 v16, v7;
	vm2 =	vlt.s32 v16, v8;
	(xrf0) =	vmin.scan.msk.f32 $0xffff, v9  }
0xcc: {  	vm1 =	vmand vm1, vm2;
	vm2 =	vgt.f32 v15, $5.000000000e-01  }
0xcd: {  	vm2 =	vmand vm1, vm2  }
0xce: {  	vm3 =	vmxor vm1, vm2  }
0xcf: {  	v11 =	vnsel vm3, $0xFF800000, v12  }
0xd0: {  	(xrf1) =	vsort.ascd.msk.f32 $0xffff, v11, v11  }
0xd1: {  	v15, _, _ =	vpop (xrf0)  }
0xd2: {  	v15 =	vbroadcast v15, $0xF;
	_ =	sdelay $0x1  }
0xd3: {  	vm3 =	vgt.f32 v11, v15  }
0xd4: {  	v11 =	vsel vm3, $0x3F800000, v6  }
0xd5: {  	(xrf0) =	vmax.scan.msk.f32 $0xffff, v11;
	_ =	sdelay $0x5  }
0xd6: {  	v11, _, _ =	vpop (xrf0)  }
0xd7: {  	(v2sf) =	vpush v11, $0xF  }
0xd8: {  	v11, _, _ =	vpop (xrf1)  }
0xd9: {  	v11 =	vmax.f32 v9, v11  }
0xda: {  	(xrf1) =	vsort.dscd.msk.f32 $0xffff, v11, v11;
	_ =	sdelay $0x2  }
0xdb: {  	v11 =	vmul.f32 $2.000000000e+01, v12;
	_ =	sdelay $0x1  }
0xdc: {  	v12 =	vnsel vm1, $0xF149F2CA, v11  }
0xdd: {  	v12 =	vmax.f32 v14, v12  }
0xde: {  	v11 =	vnsel vm2, $0xF149F2CA, v11;
	(xrf0) =	vmax.scan.msk.f32 $0xffff, v12  }
0xdf: {  	v10 =	vmax.f32 v10, v11  }
0xe0: {  	(xrf0) =	vmax.scan.msk.f32 $0xffff, v10;
	_ =	sdelay $0x2  }
.Ltmp12:
0xe1: {  	s31 =	spop (v2sf);
	(pc) =	sbr.rel @!p1 .LBB2_19-.Ltmp12, $4  }
0xe2: {  	v10, _, _ =	vpop (xrf0);
	p6 =	sgt.f32 s31, $0.0e+00  }
0xe3: {  	v11, _, _ =	vpop (xrf1)  }
0xe4: {  	v12, _, _ =	vpop (xrf0);
	v9 =	vpsel p6, v11, v9  }
0xe5: {  	v14 =	vld [tilespmem:s19+$0x0];
	v11 =	vbroadcast v10, $0xF;
	v10 =	vbroadcast v12, $0xF;
	v12 =	vimm.f32 $0.0e+00  }
0xe6: {  	_ = 	snop  }
0xe7: {  	p2 =	sne.s32 s20, $0x1  }
.Ltmp13:
0xe8: {  	_ = 	snop;
	(pc) =	sbr.rel @!p2 .LBB2_21-.Ltmp13, $4  }
0xe9: {  	_ = 	snop  }
0xea: {  	v15 =	vmul.f32 $2.000000000e+01, v14  }
0xeb: {  	s21 =	sadd.s32 $0x10, s19  }
0xec: {  	s19 =	sadd.s32 $0xFFFFFFFF, s20;
	p1 =	por $0x1, $0x1;
	v14 =	vld [tilespmem:s21+$0x0];
	v16 =	vsub.f32 v15, v11;
	v19 =	vsub.f32 v15, v10  }
0xed: {  	_ = 	snop  }
0xee: {  	v15 =	vmul.f32 $1.442695020e+00, v19  }
0xef: {  	v16 =	vmul.f32 $1.442695020e+00, v16  }
0xf0: {  	(erf) = vpow2.f32 v15  }
0xf1: {  	(erf) = vpow2.f32 v16;
	_ =	sdelay $0x2  }
0xf2: {  	p3 =	sne.s32 s19, $0x1  }
.Ltmp14:
0xf3: {  	_ = 	snop;
	(pc) =	sbr.rel @!p3 .LBB2_23-.Ltmp14, $4  }
0xf4: {  	_ = 	snop  }
0xf5: {  	v17 =	vmul.f32 $2.000000000e+01, v14  }
0xf6: {  	s21 =	sadd.s32 $0x10, s21;
	v15 =	vld [tilespmem:s18+$0x0]  }
0xf7: {  	s20 =	sadd.s32 $0xFFFFFFFF, s19;
	p2 =	por $0x1, $0x1;
	v14 =	vld [tilespmem:s21+$0x0];
	v16 =	vsub.f32 v17, v11;
	v19 =	vsub.f32 v17, v10  }
0xf8: {  	_ = 	snop  }
0xf9: {  	p3 =	sne.s32 s20, $0x1;
	v17 =	vmul.f32 $1.442695020e+00, v19  }
.Ltmp15:
0xfa: {  	vm1 =	vge.s32 v13, v7;
	vm2 =	vlt.s32 v13, v8;
	v16 =	vmul.f32 $1.442695020e+00, v16;
	(pc) =	sbr.rel @!p3 .LBB2_25-.Ltmp15, $4  }
0xfb: {  	vm1 =	vmand vm1, vm2;
	(erf) = vpow2.f32 v17;
	vm2 =	vgt.f32 v15, $5.000000000e-01  }
0xfc: {  	s19 =	sadd.s32 $0x10, s18;
	v13 =	vmul.f32 $2.000000000e+01, v14;
	(erf) = vpow2.f32 v16;
	vm2 =	vmand vm1, vm2;
	v14 =	vpop (erf)  }
0xfd: {  	s21 =	sadd.s32 $0x10, s21;
	v20 =	vimm.f32 $0.0e+00;
	v18 =	vimm.f32 $0.0e+00;
	v17 =	vld [tilespmem:s19+$0x0];
	v21 =	vnsel vm2, $0x0, v14  }
0xfe: {  	s22 =	sadd.s32 $0xFFFFFFFF, s20;
	p0 =	por $0x1, $0x1;
	s20 =	smov.u32 s17;
	v14 =	vld [tilespmem:s21+$0x0];
	v16 =	vsub.f32 v13, v11;
	v19 =	vsub.f32 v13, v10;
	v13 =	vimm.f32 $0.0e+00  }
.LBB2_26:
0xff: {  	p3 =	sne.s32 s22, $0x1;
	v13 =	vadd.f32 v21, v13;
	v21 =	vsel vm2, $0x3F800000, v6;
	v22 =	vpop (erf)  }
0x100: {  	s20 =	sadd.s32 $0x10, s20;
	v16 =	vmul.f32 $1.442695020e+00, v16;
	v19 =	vmul.f32 $1.442695020e+00, v19;
	v22 =	vnsel vm1, $0x0, v22  }
.Ltmp16:
0x101: {  	v23 =	vor.u32 s20, v1;
	v18 =	vadd.f32 v21, v18;
	v20 =	vadd.f32 v22, v20;
	(pc) =	sbr.rel @p3 .LBB2_26-.Ltmp16, $4  }
0x102: {  	vm1 =	vge.s32 v23, v7;
	vm2 =	vlt.s32 v23, v8;
	(erf) = vpow2.f32 v19  }
0x103: {  	s19 =	sadd.s32 $0x10, s19;
	vm1 =	vmand vm1, vm2;
	vm2 =	vgt.f32 v17, $5.000000000e-01;
	v19 =	vmul.f32 $2.000000000e+01, v14  }
0x104: {  	s21 =	sadd.s32 $0x10, s21;
	vm2 =	vmand vm1, vm2;
	v17 =	vld [tilespmem:s19+$0x0];
	(erf) = vpow2.f32 v16;
	v21 =	vpop (erf)  }
0x105: {  	s22 =	sadd.s32 $0xFFFFFFFF, s22;
	v14 =	vld [tilespmem:s21+$0x0];
	v16 =	vsub.f32 v19, v11;
	v19 =	vsub.f32 v19, v10;
	v21 =	vnsel vm2, $0x0, v21  }
0x106: {  	_ = 	snop  }
.LBB2_28:
0x107: {  	v13 =	vadd.f32 @p0 v21, v13;
	v21 =	vpop @p0 (erf);
	v19 =	vmul.f32 @p1 $1.442695020e+00, v19;
	s20 =	sadd.s32 @p0 $0x10, s20;
	s21 =	smov.u32 s17;
	v22 =	vsel @p0 vm2, $0x3F800000, v6  }
0x108: {  	v16 =	vmul.f32 @p1 $1.442695020e+00, v16;
	v21 =	vnsel @p0 vm1, $0x0, v21;
	s21 =	smov.u32 @p0 s20;
	v18 =	vadd.f32 @p0 v22, v18  }
0x109: {  	s19 =	sadd.s32 @p2 $0x10, s19;
	s20 =	smov.u32 s18;
	v23 =	vor.u32 @p2 s21, v1;
	v20 =	vadd.f32 @p0 v21, v20;
	(erf) = vpow2.f32 @p1 v19  }
0x10a: {  	s20 =	smov.u32 @p2 s19;
	v13 =	vpsel p0, v13, v12;
	s19 =	sadd.s32 @p2 $0x10, s21;
	s21 =	smov.u32 s17;
	vm1 =	vge.s32 @p2 v23, v7;
	vm2 =	vlt.s32 @p2 v23, v8  }
0x10b: {  	v14 =	vmul.f32 $2.000000000e+01, v14;
	v19 =	vld @p1 [tilespmem:s20+$0x0];
	s21 =	smov.u32 @p2 s19;
	vm1 =	vmand @p2 vm1, vm2;
	vm2 =	vgt.f32 @p2 v17, $5.000000000e-01  }
0x10c: {  	(erf) = vpow2.f32 @p1 v16;
	v16 =	vpop @p2 (erf);
	v22 =	vor.u32 @p1 s21, v1;
	vm2 =	vmand @p2 vm1, vm2  }
0x10d: {  	v61 =	vsub.f32 v14, v11;
	v14 =	vsub.f32 v14, v10;
	v16 =	vnsel @p2 vm2, $0x0, v16  }
0x10e: {  	vm1 =	vmmov @p2 vm1;
	vm2 =	vmmov @p2 vm2;
	v21 =	vpop @p2 (erf);
	v16 =	vpsel p2, v16, v0  }
0x10f: {  	v14 =	vmul.f32 $1.442695020e+00, v14;
	v17 =	vmul.f32 $1.442695020e+00, v61;
	v21 =	vnsel @p2 vm1, $0x0, v21  }
0x110: {  	s19 =	sadd.s32 @p1 $0x10, s20;
	vm1 =	vge.s32 @p1 v22, v7;
	v15 =	vpsel p1, v19, v15;
	v19 =	vsel @p2 vm2, $0x3F800000, v6  }
0x111: {  	s18 =	smov.u32 @p1 s19;
	vm2 =	vlt.s32 @p1 v22, v8;
	v13 =	vadd.f32 @p2 v16, v13;
	v16 =	vpsel p0, v18, v12  }
0x112: {  	v62 =	vld [tilespmem:s18+$0x0];
	s18 =	sadd.s32 @p1 $0x10, s21;
	(erf) = vpow2.f32 v14;
	v14 =	vpsel p0, v20, v12;
	vm1 =	vmand @p1 vm1, vm2  }
0x113: {  	s17 =	smov.u32 @p1 s18;
	vm2 =	vgt.f32 @p1 v15, $5.000000000e-01;
	v16 =	vadd.f32 @p2 v19, v16;
	(erf) = vpow2.f32 v17  }
0x114: {  	v63 =	vor.u32 s17, v1;
	vm2 =	vmand @p1 vm1, vm2;
	v14 =	vadd.f32 @p2 v21, v14  }
0x115: {  	v13 =	vpsel p2, v13, v12;
	vm1 =	vmmov @p1 vm1;
	v15 =	vpop @p1 (erf);
	v16 =	vpsel p2, v16, v12  }
0x116: {  	v15 =	vnsel @p1 vm2, $0x0, v15;
	vm2 =	vmmov @p1 vm2;
	v14 =	vpsel p2, v14, v12;
	v19 =	vpop @p1 (erf)  }
0x117: {  	v15 =	vpsel p1, v15, v0;
	v18 =	vsel @p1 vm2, $0x3F800000, v6;
	v19 =	vnsel @p1 vm1, $0x0, v19  }
0x118: {  	vm1 =	vge.s32 v63, v7;
	v7 =	vadd.f32 @p1 v15, v13;
	v13 =	vadd.f32 @p1 v18, v16  }
0x119: {  	vm2 =	vlt.s32 v63, v8  }
.Ltmp17:
0x11a: {  	vm1 =	vmand vm1, vm2;
	vm2 =	vgt.f32 v62, $5.000000000e-01;
	v8 =	vadd.f32 @p1 v19, v14;
	(pc) =	sbr.rel .LBB2_29-.Ltmp17, $4  }
0x11b: {  	vm2 =	vmand vm1, vm2;
	v7 =	vpsel p1, v7, v12;
	v14 =	vpop (erf)  }
0x11c: {  	v8 =	vpsel p1, v8, v12;
	v12 =	vpsel p1, v13, v12;
	v14 =	vnsel vm2, $0x0, v14;
	v13 =	vpop (erf)  }
0x11d: {  	v7 =	vadd.f32 v14, v7;
	v14 =	vsel vm2, $0x3F800000, v6;
	v13 =	vnsel vm1, $0x0, v13  }
0x11e: {  	v8 =	vadd.f32 v13, v8;
	v12 =	vadd.f32 v14, v12  }
.LBB2_13:
.Ltmp18:
0x11f: {  	(pc) =	sbr.rel .LBB2_18-.Ltmp18, $2  }
0x120: {  	_ =	sdelay $0x2  }
0x121: {  	s21 =	smov.u32 s19;
	s22 =	smov.u32 s17;
	v11 =	vimm.f32 $-Inf;
	v10 =	vimm.f32 $-1.000000020e+30;
	p2 =	por $0x0, $0x0  }
.LBB2_19:
.Ltmp19:
0x122: {  	(pc) =	sbr.rel .LBB2_28-.Ltmp19, $3  }
0x123: {  	_ =	sdelay $0x1  }
0x124: {  	s20 =	smov.u32 s17  }
0x125: {  	v13 =	vimm.f32 $0.0e+00;
	v20 =	vimm.f32 $0.0e+00;
	v18 =	vimm.f32 $0.0e+00;
	s19 =	smov.u32 s18;
	p1 =	por $0x0, $0x0;
	p2 =	por $0x0, $0x0  }
.LBB2_15:
.Ltmp20:
0x126: {  	(pc) =	sbr.rel .LBB2_18-.Ltmp20, $2  }
0x127: {  	_ =	sdelay $0x2  }
0x128: {  	s21 =	smov.u32 s19;
	s22 =	smov.u32 s17;
	v11 =	vimm.f32 $-Inf;
	v14 =	vmov v12  }
.LBB2_21:
.Ltmp21:
0x129: {  	(pc) =	sbr.rel .LBB2_28-.Ltmp21, $2  }
0x12a: {  	_ =	sdelay $0x2  }
0x12b: {  	v13 =	vimm.f32 $0.0e+00;
	s20 =	smov.u32 s17;
	v20 =	vimm.f32 $0.0e+00;
	v18 =	vimm.f32 $0.0e+00;
	s19 =	smov.u32 s18;
	p2 =	por $0x0, $0x0  }
.LBB2_23:
.Ltmp22:
0x12c: {  	(pc) =	sbr.rel .LBB2_28-.Ltmp22, $2  }
0x12d: {  	_ =	sdelay $0x2  }
0x12e: {  	v13 =	vimm.f32 $0.0e+00;
	s20 =	smov.u32 s17;
	v20 =	vimm.f32 $0.0e+00;
	v18 =	vimm.f32 $0.0e+00;
	s19 =	smov.u32 s18;
	v17 =	vmovc v15  }
.LBB2_25:
.Ltmp23:
0x12f: {  	(pc) =	sbr.rel .LBB2_28-.Ltmp23, $2  }
0x130: {  	_ =	sdelay $0x2  }
0x131: {  	v13 =	vimm.f32 $0.0e+00;
	s20 =	smov.u32 s17;
	v20 =	vimm.f32 $0.0e+00;
	v18 =	vimm.f32 $0.0e+00  }
.LBB2_31:
0x132: {  	_ =	sfence.sel $0x180000  }
0x133: {  	[bflag:$0x0] =	sbarrier.arrive $0xFFFF  }
0x134: {  	p0 =	sne.s32 s2, $0x0;
	_ =	strace $0x90000047  }
0x135: {  	s0 =	sadd.s32 @!p0 $0x100000, s0;
	[bflag:$0x2] =	sbarrier.arrive $0xFFFF  }
0x136: {  	[sflag:s0] =	ssyncadd.tile.s32 @!p0 $0x1;
	_ =	shalt  }
.Lfunc_end2:
_tile_overlayer_lowered:
.L_overlay_start_2:
0x137: {  	(tag) =	ssettag $0x2  }
0x138: {  	s0 =	rddreg [dreg:$0x0];
	s2 =	stileid.u32  }
0x139: {  	s1 =	rddreg [dreg:$0x1];
	p0 =	sne.s32 s2, $0x0  }
0x13a: {  	s3 =	rddreg [dreg:$0x2];
	[bflag:$0x3] =	sbarrier.arrive $0xFFFF;
	s2 =	simm.s32 @!p0 $0x1C01  }
0x13b: {  	[timem:s3], [sflag:s2] =	dma.local @!p0 [hbm:s0], s1  }
0x13c: {  	s0 =	simm.s32 @!p0 $0x1  }
0x13d: {  	_ =	swait.ge @!p0 [sflag:s0], s1  }
0x13e: {  	s1 =	ssub.s32 @!p0 $0x0, s1;
	[sflag:s0] =	ssyncset.done @!p0 $0x0  }
0x13f: {  	[sflag:s0] =	ssyncadd.s32 @!p0 s1  }
0x140: {  	[bflag:$0x3] =	sbarrier.arrive $0xFFFF  }
0x141: {  	_ =	shalt  }

</sc_bundles>
